<compile_context>
chip_gen: v7x
topology: tpu7x:2x2x1
jax: 0.10.2.dev20260603
libtpu: 0.0.44.dev20260713+nightly
codegen_flags: <defaults>
</compile_context>

<pallas_src>
import functools

import jax
import jax.numpy as jnp
from jax import lax
from jax.experimental import pallas as pl
from jax.experimental.pallas import tpu as pltpu
from jax.experimental.pallas import tpu_sc as plsc

N_NODES = 10000
N_EDGES = 320000
D = 128
NUM_REL = 1000

NC = 2
NS = 16
NW = NC * NS
EPW = N_EDGES // NW
C = 80
NCHUNK = EPW // C

RB = 8000


def _sc_body(z, eidx, etype, rel_emb, out,
             hidx, tidx, ridx,
             hrows0, trows0, rrows0, obuf0,
             hrows1, trows1, rrows1, obuf1,
             gsem0, gsem1, osem0, osem1):
    wid = lax.axis_index("s") * NC + lax.axis_index("c")
    base = wid * EPW

    bufs = ((hrows0, trows0, rrows0, obuf0, gsem0, osem0),
            (hrows1, trows1, rrows1, obuf1, gsem1, osem1))

    pltpu.sync_copy(eidx.at[0, pl.ds(base, EPW)], hidx)
    pltpu.sync_copy(eidx.at[1, pl.ds(base, EPW)], tidx)
    pltpu.sync_copy(etype.at[pl.ds(base, EPW)], ridx)

    def gather_descs(g, p):
        off = g * C
        hb, tb, rb, _, gs, _ = bufs[p]
        return (
            pltpu.make_async_copy(z.at[hidx.at[pl.ds(off, C)]], hb, gs),
            pltpu.make_async_copy(z.at[tidx.at[pl.ds(off, C)]], tb, gs),
            pltpu.make_async_copy(rel_emb.at[ridx.at[pl.ds(off, C)]], rb, gs),
        )

    def fire_gathers(g, p):
        for d in gather_descs(g, p):
            d.start()

    def wait_gathers(g, p):
        for d in gather_descs(g, p):
            d.wait()

    def out_desc(g, p):
        _, _, _, ob, _, osm = bufs[p]
        return pltpu.make_async_copy(ob, out.at[pl.ds(base + g * C, C), :], osm)

    def compute(g, p):
        hb, tb, rb, ob, _, _ = bufs[p]

        def group(g8, c2):
            e0 = g8 * 8
            for k in range(8):
                e = e0 + k
                acc = hb[e, pl.ds(0, 16)] * rb[e, pl.ds(0, 16)] * tb[e, pl.ds(0, 16)]
                for j in range(1, D // 16):
                    acc = acc + (hb[e, pl.ds(j * 16, 16)]
                                 * rb[e, pl.ds(j * 16, 16)]
                                 * tb[e, pl.ds(j * 16, 16)])
                ob[e, :] = acc
            return c2

        lax.fori_loop(0, C // 8, group, 0)

    def step(g, p, fire_next):
        wait_gathers(g, p)
        if fire_next:
            fire_gathers(g + 1, p ^ 1)
        out_desc(g, p).wait()
        compute(g, p)
        out_desc(g, p).start()

    fire_gathers(0, 0)
    out_desc(0, 0).start()
    out_desc(1, 1).start()

    def pair(i, carry):
        step(2 * i, 0, True)
        step(2 * i + 1, 1, True)
        return carry

    lax.fori_loop(0, (NCHUNK - 1) // 2, pair, 0)
    step(NCHUNK - 1, 0, False)
    out_desc(NCHUNK - 1, 0).wait()
    out_desc(NCHUNK - 2, 1).wait()


def _tc_body(x_ref, o_ref):
    seg = jnp.equal(
        lax.broadcasted_iota(jnp.int32, (128, 8), 0) // 16,
        lax.broadcasted_iota(jnp.int32, (128, 8), 1),
    ).astype(jnp.float32)
    o_ref[...] = jax.lax.dot_general(
        x_ref[...], seg, (((1,), (0,)), ((), ())),
        preferred_element_type=jnp.float32)


@jax.jit
def kernel(z, edge_index, edge_type, rel_emb):
    mesh = plsc.VectorSubcoreMesh(core_axis_name="c", subcore_axis_name="s")
    sc_k = functools.partial(
        pl.kernel,
        out_type=jax.ShapeDtypeStruct((N_EDGES, 16), jnp.float32),
        mesh=mesh,
        compiler_params=pltpu.CompilerParams(use_tc_tiling_on_sc=False),
        scratch_types=[
            pltpu.VMEM((EPW,), jnp.int32),
            pltpu.VMEM((EPW,), jnp.int32),
            pltpu.VMEM((EPW,), jnp.int32),
            pltpu.VMEM((C, D), jnp.float32),
            pltpu.VMEM((C, D), jnp.float32),
            pltpu.VMEM((C, D), jnp.float32),
            pltpu.VMEM((C, 16), jnp.float32),
            pltpu.VMEM((C, D), jnp.float32),
            pltpu.VMEM((C, D), jnp.float32),
            pltpu.VMEM((C, D), jnp.float32),
            pltpu.VMEM((C, 16), jnp.float32),
            pltpu.SemaphoreType.DMA,
            pltpu.SemaphoreType.DMA,
            pltpu.SemaphoreType.DMA,
            pltpu.SemaphoreType.DMA,
        ],
    )(_sc_body)
    partial_sums = sc_k(z, edge_index, edge_type, rel_emb)

    xr = partial_sums.reshape(N_EDGES // 8, 128)
    out2 = pl.pallas_call(
        _tc_body,
        out_shape=jax.ShapeDtypeStruct((N_EDGES // 8, 8), jnp.float32),
        grid=(N_EDGES // 8 // RB,),
        in_specs=[pl.BlockSpec((RB, 128), lambda i: (i, 0))],
        out_specs=pl.BlockSpec((RB, 8), lambda i: (i, 0)),
    )(xr)
    return out2.reshape(N_EDGES)

# --- scband reference (transcript-rebuilt; emitter-appended) ---
"""Pipeline reference for scband-dist-mult-decoder-14302241096076 (READ-ONLY COPY).

The authoritative reference and input builder live on the scoring server;
editing this copy changes nothing except your own understanding.
"""

import jax, jax.numpy as jnp
import numpy as np

N_NODES = 10000
N_EDGES = 320000
D = 128
NUM_REL = 1000


def setup_inputs(seed: int = 0) -> dict:
    key = jax.random.key(seed)
    k1, k2, k3, k4 = jax.random.split(key, 4)
    z = jax.random.normal(k1, (N_NODES, D), dtype=jnp.float32)
    edge_index = jax.random.randint(k2, (2, N_EDGES), 0, N_NODES, dtype=jnp.int32)
    edge_type = jax.random.randint(k3, (N_EDGES,), 0, NUM_REL, dtype=jnp.int32)
    # xavier_uniform init for rel_emb [NUM_REL, D]
    bound = float(np.sqrt(6.0 / (NUM_REL + D)))
    rel_emb = jax.random.uniform(k4, (NUM_REL, D), dtype=jnp.float32, minval=-bound, maxval=bound)
    return {"z": z, "edge_index": edge_index, "edge_type": edge_type, "rel_emb": rel_emb}


def reference(z, edge_index, edge_type, rel_emb):
    head = jnp.take(z, edge_index[0], axis=0)
    tail = jnp.take(z, edge_index[1], axis=0)
    rel = jnp.take(rel_emb, edge_type, axis=0)
    return jnp.sum(head * rel * tail, axis=1)

if __name__ == "__main__":
    import jax
    _d = setup_inputs()
    print(jax.jit(kernel)(*tuple(_d.values())))

</pallas_src>

<mosaic_0001>
#map = affine_map<(d0, d1) -> (0, 0)>
#map1 = affine_map<(d0, d1) -> (0)>
module attributes {stable_mosaic.version = 14 : i64} {
  func.func @_sc_body(%arg0: i32, %arg1: i32, %arg2: memref<10000x128xf32, #tpu.memory_space<hbm>>, %arg3: memref<2x320000xi32, #tpu.memory_space<hbm>>, %arg4: memref<320000xi32, #tpu.memory_space<hbm>>, %arg5: memref<1000x128xf32, #tpu.memory_space<hbm>>, %arg6: memref<320000x16xf32, #tpu.memory_space<hbm>>, %arg7: memref<10000xi32, #tpu.memory_space<vmem>>, %arg8: memref<10000xi32, #tpu.memory_space<vmem>>, %arg9: memref<10000xi32, #tpu.memory_space<vmem>>, %arg10: memref<80x128xf32, #tpu.memory_space<vmem>>, %arg11: memref<80x128xf32, #tpu.memory_space<vmem>>, %arg12: memref<80x128xf32, #tpu.memory_space<vmem>>, %arg13: memref<80x16xf32, #tpu.memory_space<vmem>>, %arg14: memref<80x128xf32, #tpu.memory_space<vmem>>, %arg15: memref<80x128xf32, #tpu.memory_space<vmem>>, %arg16: memref<80x128xf32, #tpu.memory_space<vmem>>, %arg17: memref<80x16xf32, #tpu.memory_space<vmem>>, %arg18: memref<!tpu.dma_semaphore, #tpu.memory_space<semaphore_mem>>, %arg19: memref<!tpu.dma_semaphore, #tpu.memory_space<semaphore_mem>>, %arg20: memref<!tpu.dma_semaphore, #tpu.memory_space<semaphore_mem>>, %arg21: memref<!tpu.dma_semaphore, #tpu.memory_space<semaphore_mem>>) attributes {dimension_semantics = [#tpu.dimension_semantics<core_parallel>, #tpu.dimension_semantics<subcore_parallel>], iteration_bounds = array<i64: 2, 16>, scalar_prefetch = 0 : i64, scratch_operands = 15 : i64, tpu.core_type = #tpu.core_type<sc_vector_subcore>, window_params = [{transform_indices = #map}, {transform_indices = #map}, {transform_indices = #map1}, {transform_indices = #map}, {transform_indices = #map}]} {
    %mul3A = arith.constant 2 : i32
    %mul3A_0 = arith.muli %arg1, %mul3A : i32
    %add3A = arith.addi %mul3A_0, %arg0 : i32
    %mul3A_1 = arith.constant 10000 : i32
    %mul3A_2 = arith.muli %add3A, %mul3A_1 : i32
    %run_scoped3A = arith.constant 0 : i32
    "tpu.region"() ({
      %run_scoped3A_79 = tpu.sem_alloc : memref<!tpu.dma_semaphore, #tpu.memory_space<semaphore_mem>>
      %dma_start3A_80 = tpu.memref_slice %arg3[%run_scoped3A, %mul3A_2] : memref<2x320000xi32, #tpu.memory_space<hbm>> -> memref<1x10000xi32, #tpu.memory_space<hbm>>
      %dma_start3A_81 = tpu.memref_squeeze %dma_start3A_80 : memref<1x10000xi32, #tpu.memory_space<hbm>> -> memref<10000xi32, #tpu.memory_space<hbm>>
      %dma_start3A_82 = tpu.memref_slice %arg3[%run_scoped3A, %mul3A_2] : memref<2x320000xi32, #tpu.memory_space<hbm>> -> memref<1x10000xi32, #tpu.memory_space<hbm>>
      %dma_start3A_83 = tpu.memref_squeeze %dma_start3A_82 : memref<1x10000xi32, #tpu.memory_space<hbm>> -> memref<10000xi32, #tpu.memory_space<hbm>>
      tpu.enqueue_dma source(%dma_start3A_83 : memref<10000xi32, #tpu.memory_space<hbm>>) target(%arg7 : memref<10000xi32, #tpu.memory_space<vmem>>) target_semaphore(%run_scoped3A_79 : memref<!tpu.dma_semaphore, #tpu.memory_space<semaphore_mem>>)
      %dma_wait3A_84 = tpu.memref_slice %arg3[%run_scoped3A, %mul3A_2] : memref<2x320000xi32, #tpu.memory_space<hbm>> -> memref<1x10000xi32, #tpu.memory_space<hbm>>
      %dma_wait3A_85 = tpu.memref_squeeze %dma_wait3A_84 : memref<1x10000xi32, #tpu.memory_space<hbm>> -> memref<10000xi32, #tpu.memory_space<hbm>>
      %dma_wait3A_86 = tpu.memref_slice %arg3[%run_scoped3A, %mul3A_2] : memref<2x320000xi32, #tpu.memory_space<hbm>> -> memref<1x10000xi32, #tpu.memory_space<hbm>>
      %dma_wait3A_87 = tpu.memref_squeeze %dma_wait3A_86 : memref<1x10000xi32, #tpu.memory_space<hbm>> -> memref<10000xi32, #tpu.memory_space<hbm>>
      tpu.wait_dma2 semaphore(%run_scoped3A_79 : memref<!tpu.dma_semaphore, #tpu.memory_space<semaphore_mem>>) src(%dma_wait3A_87 : memref<10000xi32, #tpu.memory_space<hbm>>) dst(%arg7 : memref<10000xi32, #tpu.memory_space<vmem>>)
      tpu.yield
    }) : () -> ()
    %run_scoped3A_3 = arith.constant 1 : i32
    "tpu.region"() ({
      %run_scoped3A_79 = tpu.sem_alloc : memref<!tpu.dma_semaphore, #tpu.memory_space<semaphore_mem>>
      %dma_start3A_80 = tpu.memref_slice %arg3[%run_scoped3A_3, %mul3A_2] : memref<2x320000xi32, #tpu.memory_space<hbm>> -> memref<1x10000xi32, #tpu.memory_space<hbm>>
      %dma_start3A_81 = tpu.memref_squeeze %dma_start3A_80 : memref<1x10000xi32, #tpu.memory_space<hbm>> -> memref<10000xi32, #tpu.memory_space<hbm>>
      %dma_start3A_82 = tpu.memref_slice %arg3[%run_scoped3A_3, %mul3A_2] : memref<2x320000xi32, #tpu.memory_space<hbm>> -> memref<1x10000xi32, #tpu.memory_space<hbm>>
      %dma_start3A_83 = tpu.memref_squeeze %dma_start3A_82 : memref<1x10000xi32, #tpu.memory_space<hbm>> -> memref<10000xi32, #tpu.memory_space<hbm>>
      tpu.enqueue_dma source(%dma_start3A_83 : memref<10000xi32, #tpu.memory_space<hbm>>) target(%arg8 : memref<10000xi32, #tpu.memory_space<vmem>>) target_semaphore(%run_scoped3A_79 : memref<!tpu.dma_semaphore, #tpu.memory_space<semaphore_mem>>)
      %dma_wait3A_84 = tpu.memref_slice %arg3[%run_scoped3A_3, %mul3A_2] : memref<2x320000xi32, #tpu.memory_space<hbm>> -> memref<1x10000xi32, #tpu.memory_space<hbm>>
      %dma_wait3A_85 = tpu.memref_squeeze %dma_wait3A_84 : memref<1x10000xi32, #tpu.memory_space<hbm>> -> memref<10000xi32, #tpu.memory_space<hbm>>
      %dma_wait3A_86 = tpu.memref_slice %arg3[%run_scoped3A_3, %mul3A_2] : memref<2x320000xi32, #tpu.memory_space<hbm>> -> memref<1x10000xi32, #tpu.memory_space<hbm>>
      %dma_wait3A_87 = tpu.memref_squeeze %dma_wait3A_86 : memref<1x10000xi32, #tpu.memory_space<hbm>> -> memref<10000xi32, #tpu.memory_space<hbm>>
      tpu.wait_dma2 semaphore(%run_scoped3A_79 : memref<!tpu.dma_semaphore, #tpu.memory_space<semaphore_mem>>) src(%dma_wait3A_87 : memref<10000xi32, #tpu.memory_space<hbm>>) dst(%arg8 : memref<10000xi32, #tpu.memory_space<vmem>>)
      tpu.yield
    }) : () -> ()
    "tpu.region"() ({
      %run_scoped3A_79 = tpu.sem_alloc : memref<!tpu.dma_semaphore, #tpu.memory_space<semaphore_mem>>
      %dma_start3A_80 = tpu.memref_slice %arg4[%mul3A_2] : memref<320000xi32, #tpu.memory_space<hbm>> -> memref<10000xi32, #tpu.memory_space<hbm>>
      %dma_start3A_81 = tpu.memref_slice %arg4[%mul3A_2] : memref<320000xi32, #tpu.memory_space<hbm>> -> memref<10000xi32, #tpu.memory_space<hbm>>
      tpu.enqueue_dma source(%dma_start3A_81 : memref<10000xi32, #tpu.memory_space<hbm>>) target(%arg9 : memref<10000xi32, #tpu.memory_space<vmem>>) target_semaphore(%run_scoped3A_79 : memref<!tpu.dma_semaphore, #tpu.memory_space<semaphore_mem>>)
      %dma_wait3A_82 = tpu.memref_slice %arg4[%mul3A_2] : memref<320000xi32, #tpu.memory_space<hbm>> -> memref<10000xi32, #tpu.memory_space<hbm>>
      %dma_wait3A_83 = tpu.memref_slice %arg4[%mul3A_2] : memref<320000xi32, #tpu.memory_space<hbm>> -> memref<10000xi32, #tpu.memory_space<hbm>>
      tpu.wait_dma2 semaphore(%run_scoped3A_79 : memref<!tpu.dma_semaphore, #tpu.memory_space<semaphore_mem>>) src(%dma_wait3A_83 : memref<10000xi32, #tpu.memory_space<hbm>>) dst(%arg9 : memref<10000xi32, #tpu.memory_space<vmem>>)
      tpu.yield
    }) : () -> ()
    %dma_start3A = arith.constant 0 : i32
    %dma_start3A_4 = tpu.memref_slice %arg7[%dma_start3A] : memref<10000xi32, #tpu.memory_space<vmem>> -> memref<80xi32, #tpu.memory_space<vmem>>
    %dma_start3A_5 = arith.constant 0 : i32
    %dma_start3A_6 = arith.constant 0 : i32
    %dma_start3A_7 = tpu.memref_slice %arg2[%dma_start3A_5, %dma_start3A_6] : memref<10000x128xf32, #tpu.memory_space<hbm>> -> memref<10000x128xf32, #tpu.memory_space<hbm>>
    tpu.enqueue_indirect_dma source(%dma_start3A_7 : memref<10000x128xf32, #tpu.memory_space<hbm>>) target(%arg10 : memref<80x128xf32, #tpu.memory_space<vmem>>) offsets(%dma_start3A_4 : memref<80xi32, #tpu.memory_space<vmem>>) semaphore(%arg18 : memref<!tpu.dma_semaphore, #tpu.memory_space<semaphore_mem>>)
    %dma_start3A_8 = arith.constant 0 : i32
    %dma_start3A_9 = tpu.memref_slice %arg8[%dma_start3A_8] : memref<10000xi32, #tpu.memory_space<vmem>> -> memref<80xi32, #tpu.memory_space<vmem>>
    %dma_start3A_10 = arith.constant 0 : i32
    %dma_start3A_11 = arith.constant 0 : i32
    %dma_start3A_12 = tpu.memref_slice %arg2[%dma_start3A_10, %dma_start3A_11] : memref<10000x128xf32, #tpu.memory_space<hbm>> -> memref<10000x128xf32, #tpu.memory_space<hbm>>
    tpu.enqueue_indirect_dma source(%dma_start3A_12 : memref<10000x128xf32, #tpu.memory_space<hbm>>) target(%arg11 : memref<80x128xf32, #tpu.memory_space<vmem>>) offsets(%dma_start3A_9 : memref<80xi32, #tpu.memory_space<vmem>>) semaphore(%arg18 : memref<!tpu.dma_semaphore, #tpu.memory_space<semaphore_mem>>)
    %dma_start3A_13 = arith.constant 0 : i32
    %dma_start3A_14 = tpu.memref_slice %arg9[%dma_start3A_13] : memref<10000xi32, #tpu.memory_space<vmem>> -> memref<80xi32, #tpu.memory_space<vmem>>
    %dma_start3A_15 = arith.constant 0 : i32
    %dma_start3A_16 = arith.constant 0 : i32
    %dma_start3A_17 = tpu.memref_slice %arg5[%dma_start3A_15, %dma_start3A_16] : memref<1000x128xf32, #tpu.memory_space<hbm>> -> memref<1000x128xf32, #tpu.memory_space<hbm>>
    tpu.enqueue_indirect_dma source(%dma_start3A_17 : memref<1000x128xf32, #tpu.memory_space<hbm>>) target(%arg12 : memref<80x128xf32, #tpu.memory_space<vmem>>) offsets(%dma_start3A_14 : memref<80xi32, #tpu.memory_space<vmem>>) semaphore(%arg18 : memref<!tpu.dma_semaphore, #tpu.memory_space<semaphore_mem>>)
    %add3A_18 = arith.constant 0 : i32
    %add3A_19 = arith.addi %mul3A_2, %add3A_18 : i32
    %dma_start3A_20 = arith.constant 0 : i32
    %dma_start3A_21 = tpu.memref_slice %arg6[%add3A_19, %dma_start3A_20] : memref<320000x16xf32, #tpu.memory_space<hbm>> -> memref<80x16xf32, #tpu.memory_space<hbm>>
    %dma_start3A_22 = arith.constant 0 : i32
    %dma_start3A_23 = tpu.memref_slice %arg6[%add3A_19, %dma_start3A_22] : memref<320000x16xf32, #tpu.memory_space<hbm>> -> memref<80x16xf32, #tpu.memory_space<hbm>>
    tpu.enqueue_dma source(%arg13 : memref<80x16xf32, #tpu.memory_space<vmem>>) target(%dma_start3A_23 : memref<80x16xf32, #tpu.memory_space<hbm>>) target_semaphore(%arg20 : memref<!tpu.dma_semaphore, #tpu.memory_space<semaphore_mem>>)
    %add3A_24 = arith.constant 80 : i32
    %add3A_25 = arith.addi %mul3A_2, %add3A_24 : i32
    %dma_start3A_26 = arith.constant 0 : i32
    %dma_start3A_27 = tpu.memref_slice %arg6[%add3A_25, %dma_start3A_26] : memref<320000x16xf32, #tpu.memory_space<hbm>> -> memref<80x16xf32, #tpu.memory_space<hbm>>
    %dma_start3A_28 = arith.constant 0 : i32
    %dma_start3A_29 = tpu.memref_slice %arg6[%add3A_25, %dma_start3A_28] : memref<320000x16xf32, #tpu.memory_space<hbm>> -> memref<80x16xf32, #tpu.memory_space<hbm>>
    tpu.enqueue_dma source(%arg17 : memref<80x16xf32, #tpu.memory_space<vmem>>) target(%dma_start3A_29 : memref<80x16xf32, #tpu.memory_space<hbm>>) target_semaphore(%arg21 : memref<!tpu.dma_semaphore, #tpu.memory_space<semaphore_mem>>)
    %scan3A = arith.constant 0 : i32
    %scan3A_30 = arith.constant 0 : i32
    %scan3A_31 = arith.constant 62 : i32
    %scan3A_32 = arith.addi %scan3A_30, %scan3A_31 : i32
    %scan3A_33 = arith.constant 1 : i32
    scf.for %scan3A_79 = %scan3A_30 to %scan3A_32 step %scan3A_33  : i32 {
      %mul3A_80 = arith.constant 2 : i32
      %mul3A_81 = arith.muli %mul3A_80, %scan3A_79 : i32
      %mul3A_82 = arith.constant 80 : i32
      %mul3A_83 = arith.muli %mul3A_81, %mul3A_82 : i32
      %dma_wait3A_84 = tpu.memref_slice %arg7[%mul3A_83] : memref<10000xi32, #tpu.memory_space<vmem>> -> memref<80xi32, #tpu.memory_space<vmem>>
      %dma_wait3A_85 = arith.constant 0 : i32
      %dma_wait3A_86 = arith.constant 0 : i32
      %dma_wait3A_87 = tpu.memref_slice %arg2[%dma_wait3A_85, %dma_wait3A_86] : memref<10000x128xf32, #tpu.memory_space<hbm>> -> memref<10000x128xf32, #tpu.memory_space<hbm>>
      tpu.wait_indirect_dma semaphore(%arg18 : memref<!tpu.dma_semaphore, #tpu.memory_space<semaphore_mem>>) src(%dma_wait3A_87 : memref<10000x128xf32, #tpu.memory_space<hbm>>) dst(%arg10 : memref<80x128xf32, #tpu.memory_space<vmem>>)
      %dma_wait3A_88 = tpu.memref_slice %arg8[%mul3A_83] : memref<10000xi32, #tpu.memory_space<vmem>> -> memref<80xi32, #tpu.memory_space<vmem>>
      %dma_wait3A_89 = arith.constant 0 : i32
      %dma_wait3A_90 = arith.constant 0 : i32
      %dma_wait3A_91 = tpu.memref_slice %arg2[%dma_wait3A_89, %dma_wait3A_90] : memref<10000x128xf32, #tpu.memory_space<hbm>> -> memref<10000x128xf32, #tpu.memory_space<hbm>>
      tpu.wait_indirect_dma semaphore(%arg18 : memref<!tpu.dma_semaphore, #tpu.memory_space<semaphore_mem>>) src(%dma_wait3A_91 : memref<10000x128xf32, #tpu.memory_space<hbm>>) dst(%arg11 : memref<80x128xf32, #tpu.memory_space<vmem>>)
      %dma_wait3A_92 = tpu.memref_slice %arg9[%mul3A_83] : memref<10000xi32, #tpu.memory_space<vmem>> -> memref<80xi32, #tpu.memory_space<vmem>>
      %dma_wait3A_93 = arith.constant 0 : i32
      %dma_wait3A_94 = arith.constant 0 : i32
      %dma_wait3A_95 = tpu.memref_slice %arg5[%dma_wait3A_93, %dma_wait3A_94] : memref<1000x128xf32, #tpu.memory_space<hbm>> -> memref<1000x128xf32, #tpu.memory_space<hbm>>
      tpu.wait_indirect_dma semaphore(%arg18 : memref<!tpu.dma_semaphore, #tpu.memory_space<semaphore_mem>>) src(%dma_wait3A_95 : memref<1000x128xf32, #tpu.memory_space<hbm>>) dst(%arg12 : memref<80x128xf32, #tpu.memory_space<vmem>>)
      %add3A_96 = arith.constant 1 : i32
      %add3A_97 = arith.addi %mul3A_81, %add3A_96 : i32
      %mul3A_98 = arith.constant 80 : i32
      %mul3A_99 = arith.muli %add3A_97, %mul3A_98 : i32
      %dma_start3A_100 = tpu.memref_slice %arg7[%mul3A_99] : memref<10000xi32, #tpu.memory_space<vmem>> -> memref<80xi32, #tpu.memory_space<vmem>>
      %dma_start3A_101 = arith.constant 0 : i32
      %dma_start3A_102 = arith.constant 0 : i32
      %dma_start3A_103 = tpu.memref_slice %arg2[%dma_start3A_101, %dma_start3A_102] : memref<10000x128xf32, #tpu.memory_space<hbm>> -> memref<10000x128xf32, #tpu.memory_space<hbm>>
      tpu.enqueue_indirect_dma source(%dma_start3A_103 : memref<10000x128xf32, #tpu.memory_space<hbm>>) target(%arg14 : memref<80x128xf32, #tpu.memory_space<vmem>>) offsets(%dma_start3A_100 : memref<80xi32, #tpu.memory_space<vmem>>) semaphore(%arg19 : memref<!tpu.dma_semaphore, #tpu.memory_space<semaphore_mem>>)
      %dma_start3A_104 = tpu.memref_slice %arg8[%mul3A_99] : memref<10000xi32, #tpu.memory_space<vmem>> -> memref<80xi32, #tpu.memory_space<vmem>>
      %dma_start3A_105 = arith.constant 0 : i32
      %dma_start3A_106 = arith.constant 0 : i32
      %dma_start3A_107 = tpu.memref_slice %arg2[%dma_start3A_105, %dma_start3A_106] : memref<10000x128xf32, #tpu.memory_space<hbm>> -> memref<10000x128xf32, #tpu.memory_space<hbm>>
      tpu.enqueue_indirect_dma source(%dma_start3A_107 : memref<10000x128xf32, #tpu.memory_space<hbm>>) target(%arg15 : memref<80x128xf32, #tpu.memory_space<vmem>>) offsets(%dma_start3A_104 : memref<80xi32, #tpu.memory_space<vmem>>) semaphore(%arg19 : memref<!tpu.dma_semaphore, #tpu.memory_space<semaphore_mem>>)
      %dma_start3A_108 = tpu.memref_slice %arg9[%mul3A_99] : memref<10000xi32, #tpu.memory_space<vmem>> -> memref<80xi32, #tpu.memory_space<vmem>>
      %dma_start3A_109 = arith.constant 0 : i32
      %dma_start3A_110 = arith.constant 0 : i32
      %dma_start3A_111 = tpu.memref_slice %arg5[%dma_start3A_109, %dma_start3A_110] : memref<1000x128xf32, #tpu.memory_space<hbm>> -> memref<1000x128xf32, #tpu.memory_space<hbm>>
      tpu.enqueue_indirect_dma source(%dma_start3A_111 : memref<1000x128xf32, #tpu.memory_space<hbm>>) target(%arg16 : memref<80x128xf32, #tpu.memory_space<vmem>>) offsets(%dma_start3A_108 : memref<80xi32, #tpu.memory_space<vmem>>) semaphore(%arg19 : memref<!tpu.dma_semaphore, #tpu.memory_space<semaphore_mem>>)
      %mul3A_112 = arith.constant 80 : i32
      %mul3A_113 = arith.muli %mul3A_81, %mul3A_112 : i32
      %add3A_114 = arith.addi %mul3A_2, %mul3A_113 : i32
      %dma_wait3A_115 = arith.constant 0 : i32
      %dma_wait3A_116 = tpu.memref_slice %arg6[%add3A_114, %dma_wait3A_115] : memref<320000x16xf32, #tpu.memory_space<hbm>> -> memref<80x16xf32, #tpu.memory_space<hbm>>
      %dma_wait3A_117 = arith.constant 0 : i32
      %dma_wait3A_118 = tpu.memref_slice %arg6[%add3A_114, %dma_wait3A_117] : memref<320000x16xf32, #tpu.memory_space<hbm>> -> memref<80x16xf32, #tpu.memory_space<hbm>>
      tpu.wait_dma2 semaphore(%arg20 : memref<!tpu.dma_semaphore, #tpu.memory_space<semaphore_mem>>) src(%arg13 : memref<80x16xf32, #tpu.memory_space<vmem>>) dst(%dma_wait3A_118 : memref<80x16xf32, #tpu.memory_space<hbm>>)
      %scan3A_119 = arith.constant 0 : i32
      %scan3A_120 = arith.constant 0 : i32
      %scan3A_121 = arith.constant 10 : i32
      %scan3A_122 = arith.addi %scan3A_120, %scan3A_121 : i32
      %scan3A_123 = arith.constant 1 : i32
      scf.for %scan3A_186 = %scan3A_120 to %scan3A_122 step %scan3A_123  : i32 {
        %mul3A_187 = arith.constant 8 : i32
        %mul3A_188 = arith.muli %scan3A_186, %mul3A_187 : i32
        %add3A_189 = arith.constant 0 : i32
        %add3A_190 = arith.addi %mul3A_188, %add3A_189 : i32
        %get3A = arith.index_cast %add3A_190 : i32 to index
        %get3A_191 = arith.constant 0 : index
        %get3A_192 = tpu.vector_load %arg10[%get3A, %get3A_191] {strides = array<i32>} : memref<80x128xf32, #tpu.memory_space<vmem>>, vector<1x16xf32>,
        %get3A_193 = vector.shape_cast %get3A_192 : vector<1x16xf32> to vector<16xf32>
        %get3A_194 = arith.index_cast %add3A_190 : i32 to index
        %get3A_195 = arith.constant 0 : index
        %get3A_196 = tpu.vector_load %arg12[%get3A_194, %get3A_195] {strides = array<i32>} : memref<80x128xf32, #tpu.memory_space<vmem>>, vector<1x16xf32>,
        %get3A_197 = vector.shape_cast %get3A_196 : vector<1x16xf32> to vector<16xf32>
        %mul3A_198 = arith.mulf %get3A_193, %get3A_197 : vector<16xf32>
        %get3A_199 = arith.index_cast %add3A_190 : i32 to index
        %get3A_200 = arith.constant 0 : index
        %get3A_201 = tpu.vector_load %arg11[%get3A_199, %get3A_200] {strides = array<i32>} : memref<80x128xf32, #tpu.memory_space<vmem>>, vector<1x16xf32>,
        %get3A_202 = vector.shape_cast %get3A_201 : vector<1x16xf32> to vector<16xf32>
        %mul3A_203 = arith.mulf %mul3A_198, %get3A_202 : vector<16xf32>
        %get3A_204 = arith.index_cast %add3A_190 : i32 to index
        %get3A_205 = arith.constant 16 : index
        %get3A_206 = tpu.vector_load %arg10[%get3A_204, %get3A_205] {strides = array<i32>} : memref<80x128xf32, #tpu.memory_space<vmem>>, vector<1x16xf32>,
        %get3A_207 = vector.shape_cast %get3A_206 : vector<1x16xf32> to vector<16xf32>
        %get3A_208 = arith.index_cast %add3A_190 : i32 to index
        %get3A_209 = arith.constant 16 : index
        %get3A_210 = tpu.vector_load %arg12[%get3A_208, %get3A_209] {strides = array<i32>} : memref<80x128xf32, #tpu.memory_space<vmem>>, vector<1x16xf32>,
        %get3A_211 = vector.shape_cast %get3A_210 : vector<1x16xf32> to vector<16xf32>
        %mul3A_212 = arith.mulf %get3A_207, %get3A_211 : vector<16xf32>
        %get3A_213 = arith.index_cast %add3A_190 : i32 to index
        %get3A_214 = arith.constant 16 : index
        %get3A_215 = tpu.vector_load %arg11[%get3A_213, %get3A_214] {strides = array<i32>} : memref<80x128xf32, #tpu.memory_space<vmem>>, vector<1x16xf32>,
        %get3A_216 = vector.shape_cast %get3A_215 : vector<1x16xf32> to vector<16xf32>
        %mul3A_217 = arith.mulf %mul3A_212, %get3A_216 : vector<16xf32>
        %add3A_218 = arith.addf %mul3A_203, %mul3A_217 : vector<16xf32>
        %get3A_219 = arith.index_cast %add3A_190 : i32 to index
        %get3A_220 = arith.constant 32 : index
        %get3A_221 = tpu.vector_load %arg10[%get3A_219, %get3A_220] {strides = array<i32>} : memref<80x128xf32, #tpu.memory_space<vmem>>, vector<1x16xf32>,
        %get3A_222 = vector.shape_cast %get3A_221 : vector<1x16xf32> to vector<16xf32>
        %get3A_223 = arith.index_cast %add3A_190 : i32 to index
        %get3A_224 = arith.constant 32 : index
        %get3A_225 = tpu.vector_load %arg12[%get3A_223, %get3A_224] {strides = array<i32>} : memref<80x128xf32, #tpu.memory_space<vmem>>, vector<1x16xf32>,
        %get3A_226 = vector.shape_cast %get3A_225 : vector<1x16xf32> to vector<16xf32>
        %mul3A_227 = arith.mulf %get3A_222, %get3A_226 : vector<16xf32>
        %get3A_228 = arith.index_cast %add3A_190 : i32 to index
        %get3A_229 = arith.constant 32 : index
        %get3A_230 = tpu.vector_load %arg11[%get3A_228, %get3A_229] {strides = array<i32>} : memref<80x128xf32, #tpu.memory_space<vmem>>, vector<1x16xf32>,
        %get3A_231 = vector.shape_cast %get3A_230 : vector<1x16xf32> to vector<16xf32>
        %mul3A_232 = arith.mulf %mul3A_227, %get3A_231 : vector<16xf32>
        %add3A_233 = arith.addf %add3A_218, %mul3A_232 : vector<16xf32>
        %get3A_234 = arith.index_cast %add3A_190 : i32 to index
        %get3A_235 = arith.constant 48 : index
        %get3A_236 = tpu.vector_load %arg10[%get3A_234, %get3A_235] {strides = array<i32>} : memref<80x128xf32, #tpu.memory_space<vmem>>, vector<1x16xf32>,
        %get3A_237 = vector.shape_cast %get3A_236 : vector<1x16xf32> to vector<16xf32>
        %get3A_238 = arith.index_cast %add3A_190 : i32 to index
        %get3A_239 = arith.constant 48 : index
        %get3A_240 = tpu.vector_load %arg12[%get3A_238, %get3A_239] {strides = array<i32>} : memref<80x128xf32, #tpu.memory_space<vmem>>, vector<1x16xf32>,
        %get3A_241 = vector.shape_cast %get3A_240 : vector<1x16xf32> to vector<16xf32>
        %mul3A_242 = arith.mulf %get3A_237, %get3A_241 : vector<16xf32>
        %get3A_243 = arith.index_cast %add3A_190 : i32 to index
        %get3A_244 = arith.constant 48 : index
        %get3A_245 = tpu.vector_load %arg11[%get3A_243, %get3A_244] {strides = array<i32>} : memref<80x128xf32, #tpu.memory_space<vmem>>, vector<1x16xf32>,
        %get3A_246 = vector.shape_cast %get3A_245 : vector<1x16xf32> to vector<16xf32>
        %mul3A_247 = arith.mulf %mul3A_242, %get3A_246 : vector<16xf32>
        %add3A_248 = arith.addf %add3A_233, %mul3A_247 : vector<16xf32>
        %get3A_249 = arith.index_cast %add3A_190 : i32 to index
        %get3A_250 = arith.constant 64 : index
        %get3A_251 = tpu.vector_load %arg10[%get3A_249, %get3A_250] {strides = array<i32>} : memref<80x128xf32, #tpu.memory_space<vmem>>, vector<1x16xf32>,
        %get3A_252 = vector.shape_cast %get3A_251 : vector<1x16xf32> to vector<16xf32>
        %get3A_253 = arith.index_cast %add3A_190 : i32 to index
        %get3A_254 = arith.constant 64 : index
        %get3A_255 = tpu.vector_load %arg12[%get3A_253, %get3A_254] {strides = array<i32>} : memref<80x128xf32, #tpu.memory_space<vmem>>, vector<1x16xf32>,
        %get3A_256 = vector.shape_cast %get3A_255 : vector<1x16xf32> to vector<16xf32>
        %mul3A_257 = arith.mulf %get3A_252, %get3A_256 : vector<16xf32>
        %get3A_258 = arith.index_cast %add3A_190 : i32 to index
        %get3A_259 = arith.constant 64 : index
        %get3A_260 = tpu.vector_load %arg11[%get3A_258, %get3A_259] {strides = array<i32>} : memref<80x128xf32, #tpu.memory_space<vmem>>, vector<1x16xf32>,
        %get3A_261 = vector.shape_cast %get3A_260 : vector<1x16xf32> to vector<16xf32>
        %mul3A_262 = arith.mulf %mul3A_257, %get3A_261 : vector<16xf32>
        %add3A_263 = arith.addf %add3A_248, %mul3A_262 : vector<16xf32>
        %get3A_264 = arith.index_cast %add3A_190 : i32 to index
        %get3A_265 = arith.constant 80 : index
        %get3A_266 = tpu.vector_load %arg10[%get3A_264, %get3A_265] {strides = array<i32>} : memref<80x128xf32, #tpu.memory_space<vmem>>, vector<1x16xf32>,
        %get3A_267 = vector.shape_cast %get3A_266 : vector<1x16xf32> to vector<16xf32>
        %get3A_268 = arith.index_cast %add3A_190 : i32 to index
        %get3A_269 = arith.constant 80 : index
        %get3A_270 = tpu.vector_load %arg12[%get3A_268, %get3A_269] {strides = array<i32>} : memref<80x128xf32, #tpu.memory_space<vmem>>, vector<1x16xf32>,
        %get3A_271 = vector.shape_cast %get3A_270 : vector<1x16xf32> to vector<16xf32>
        %mul3A_272 = arith.mulf %get3A_267, %get3A_271 : vector<16xf32>
        %get3A_273 = arith.index_cast %add3A_190 : i32 to index
        %get3A_274 = arith.constant 80 : index
        %get3A_275 = tpu.vector_load %arg11[%get3A_273, %get3A_274] {strides = array<i32>} : memref<80x128xf32, #tpu.memory_space<vmem>>, vector<1x16xf32>,
        %get3A_276 = vector.shape_cast %get3A_275 : vector<1x16xf32> to vector<16xf32>
        %mul3A_277 = arith.mulf %mul3A_272, %get3A_276 : vector<16xf32>
        %add3A_278 = arith.addf %add3A_263, %mul3A_277 : vector<16xf32>
        %get3A_279 = arith.index_cast %add3A_190 : i32 to index
        %get3A_280 = arith.constant 96 : index
        %get3A_281 = tpu.vector_load %arg10[%get3A_279, %get3A_280] {strides = array<i32>} : memref<80x128xf32, #tpu.memory_space<vmem>>, vector<1x16xf32>,
        %get3A_282 = vector.shape_cast %get3A_281 : vector<1x16xf32> to vector<16xf32>
        %get3A_283 = arith.index_cast %add3A_190 : i32 to index
        %get3A_284 = arith.constant 96 : index
        %get3A_285 = tpu.vector_load %arg12[%get3A_283, %get3A_284] {strides = array<i32>} : memref<80x128xf32, #tpu.memory_space<vmem>>, vector<1x16xf32>,
        %get3A_286 = vector.shape_cast %get3A_285 : vector<1x16xf32> to vector<16xf32>
        %mul3A_287 = arith.mulf %get3A_282, %get3A_286 : vector<16xf32>
        %get3A_288 = arith.index_cast %add3A_190 : i32 to index
        %get3A_289 = arith.constant 96 : index
        %get3A_290 = tpu.vector_load %arg11[%get3A_288, %get3A_289] {strides = array<i32>} : memref<80x128xf32, #tpu.memory_space<vmem>>, vector<1x16xf32>,
        %get3A_291 = vector.shape_cast %get3A_290 : vector<1x16xf32> to vector<16xf32>
        %mul3A_292 = arith.mulf %mul3A_287, %get3A_291 : vector<16xf32>
        %add3A_293 = arith.addf %add3A_278, %mul3A_292 : vector<16xf32>
        %get3A_294 = arith.index_cast %add3A_190 : i32 to index
        %get3A_295 = arith.constant 112 : index
        %get3A_296 = tpu.vector_load %arg10[%get3A_294, %get3A_295] {strides = array<i32>} : memref<80x128xf32, #tpu.memory_space<vmem>>, vector<1x16xf32>,
        %get3A_297 = vector.shape_cast %get3A_296 : vector<1x16xf32> to vector<16xf32>
        %get3A_298 = arith.index_cast %add3A_190 : i32 to index
        %get3A_299 = arith.constant 112 : index
        %get3A_300 = tpu.vector_load %arg12[%get3A_298, %get3A_299] {strides = array<i32>} : memref<80x128xf32, #tpu.memory_space<vmem>>, vector<1x16xf32>,
        %get3A_301 = vector.shape_cast %get3A_300 : vector<1x16xf32> to vector<16xf32>
        %mul3A_302 = arith.mulf %get3A_297, %get3A_301 : vector<16xf32>
        %get3A_303 = arith.index_cast %add3A_190 : i32 to index
        %get3A_304 = arith.constant 112 : index
        %get3A_305 = tpu.vector_load %arg11[%get3A_303, %get3A_304] {strides = array<i32>} : memref<80x128xf32, #tpu.memory_space<vmem>>, vector<1x16xf32>,
        %get3A_306 = vector.shape_cast %get3A_305 : vector<1x16xf32> to vector<16xf32>
        %mul3A_307 = arith.mulf %mul3A_302, %get3A_306 : vector<16xf32>
        %add3A_308 = arith.addf %add3A_293, %mul3A_307 : vector<16xf32>
        %swap3A = arith.index_cast %add3A_190 : i32 to index
        %swap3A_309 = arith.constant 0 : index
        %swap3A_310 = tpu.vector_load %arg13[%swap3A, %swap3A_309] {strides = array<i32>} : memref<80x16xf32, #tpu.memory_space<vmem>>, vector<1x16xf32>,
        %swap3A_311 = vector.shape_cast %swap3A_310 : vector<1x16xf32> to vector<16xf32>
        %swap3A_312 = vector.shape_cast %add3A_308 : vector<16xf32> to vector<1x16xf32>
        tpu.vector_store %arg13[%swap3A, %swap3A_309], %swap3A_312 {strides = array<i32>} : memref<80x16xf32, #tpu.memory_space<vmem>>, vector<1x16xf32>,
        %add3A_313 = arith.constant 1 : i32
        %add3A_314 = arith.addi %mul3A_188, %add3A_313 : i32
        %get3A_315 = arith.index_cast %add3A_314 : i32 to index
        %get3A_316 = arith.constant 0 : index
        %get3A_317 = tpu.vector_load %arg10[%get3A_315, %get3A_316] {strides = array<i32>} : memref<80x128xf32, #tpu.memory_space<vmem>>, vector<1x16xf32>,
        %get3A_318 = vector.shape_cast %get3A_317 : vector<1x16xf32> to vector<16xf32>
        %get3A_319 = arith.index_cast %add3A_314 : i32 to index
        %get3A_320 = arith.constant 0 : index
        %get3A_321 = tpu.vector_load %arg12[%get3A_319, %get3A_320] {strides = array<i32>} : memref<80x128xf32, #tpu.memory_space<vmem>>, vector<1x16xf32>,
        %get3A_322 = vector.shape_cast %get3A_321 : vector<1x16xf32> to vector<16xf32>
        %mul3A_323 = arith.mulf %get3A_318, %get3A_322 : vector<16xf32>
        %get3A_324 = arith.index_cast %add3A_314 : i32 to index
        %get3A_325 = arith.constant 0 : index
        %get3A_326 = tpu.vector_load %arg11[%get3A_324, %get3A_325] {strides = array<i32>} : memref<80x128xf32, #tpu.memory_space<vmem>>, vector<1x16xf32>,
        %get3A_327 = vector.shape_cast %get3A_326 : vector<1x16xf32> to vector<16xf32>
        %mul3A_328 = arith.mulf %mul3A_323, %get3A_327 : vector<16xf32>
        %get3A_329 = arith.index_cast %add3A_314 : i32 to index
        %get3A_330 = arith.constant 16 : index
        %get3A_331 = tpu.vector_load %arg10[%get3A_329, %get3A_330] {strides = array<i32>} : memref<80x128xf32, #tpu.memory_space<vmem>>, vector<1x16xf32>,
        %get3A_332 = vector.shape_cast %get3A_331 : vector<1x16xf32> to vector<16xf32>
        %get3A_333 = arith.index_cast %add3A_314 : i32 to index
        %get3A_334 = arith.constant 16 : index
        %get3A_335 = tpu.vector_load %arg12[%get3A_333, %get3A_334] {strides = array<i32>} : memref<80x128xf32, #tpu.memory_space<vmem>>, vector<1x16xf32>,
        %get3A_336 = vector.shape_cast %get3A_335 : vector<1x16xf32> to vector<16xf32>
        %mul3A_337 = arith.mulf %get3A_332, %get3A_336 : vector<16xf32>
        %get3A_338 = arith.index_cast %add3A_314 : i32 to index
        %get3A_339 = arith.constant 16 : index
        %get3A_340 = tpu.vector_load %arg11[%get3A_338, %get3A_339] {strides = array<i32>} : memref<80x128xf32, #tpu.memory_space<vmem>>, vector<1x16xf32>,
        %get3A_341 = vector.shape_cast %get3A_340 : vector<1x16xf32> to vector<16xf32>
        %mul3A_342 = arith.mulf %mul3A_337, %get3A_341 : vector<16xf32>
        %add3A_343 = arith.addf %mul3A_328, %mul3A_342 : vector<16xf32>
        %get3A_344 = arith.index_cast %add3A_314 : i32 to index
        %get3A_345 = arith.constant 32 : index
        %get3A_346 = tpu.vector_load %arg10[%get3A_344, %get3A_345] {strides = array<i32>} : memref<80x128xf32, #tpu.memory_space<vmem>>, vector<1x16xf32>,
        %get3A_347 = vector.shape_cast %get3A_346 : vector<1x16xf32> to vector<16xf32>
        %get3A_348 = arith.index_cast %add3A_314 : i32 to index
        %get3A_349 = arith.constant 32 : index
        %get3A_350 = tpu.vector_load %arg12[%get3A_348, %get3A_349] {strides = array<i32>} : memref<80x128xf32, #tpu.memory_space<vmem>>, vector<1x16xf32>,
        %get3A_351 = vector.shape_cast %get3A_350 : vector<1x16xf32> to vector<16xf32>
        %mul3A_352 = arith.mulf %get3A_347, %get3A_351 : vector<16xf32>
        %get3A_353 = arith.index_cast %add3A_314 : i32 to index
        %get3A_354 = arith.constant 32 : index
        %get3A_355 = tpu.vector_load %arg11[%get3A_353, %get3A_354] {strides = array<i32>} : memref<80x128xf32, #tpu.memory_space<vmem>>, vector<1x16xf32>,
        %get3A_356 = vector.shape_cast %get3A_355 : vector<1x16xf32> to vector<16xf32>
        %mul3A_357 = arith.mulf %mul3A_352, %get3A_356 : vector<16xf32>
        %add3A_358 = arith.addf %add3A_343, %mul3A_357 : vector<16xf32>
        %get3A_359 = arith.index_cast %add3A_314 : i32 to index
        %get3A_360 = arith.constant 48 : index
        %get3A_361 = tpu.vector_load %arg10[%get3A_359, %get3A_360] {strides = array<i32>} : memref<80x128xf32, #tpu.memory_space<vmem>>, vector<1x16xf32>,
        %get3A_362 = vector.shape_cast %get3A_361 : vector<1x16xf32> to vector<16xf32>
        %get3A_363 = arith.index_cast %add3A_314 : i32 to index
        %get3A_364 = arith.constant 48 : index
        %get3A_365 = tpu.vector_load %arg12[%get3A_363, %get3A_364] {strides = array<i32>} : memref<80x128xf32, #tpu.memory_space<vmem>>, vector<1x16xf32>,
        %get3A_366 = vector.shape_cast %get3A_365 : vector<1x16xf32> to vector<16xf32>
        %mul3A_367 = arith.mulf %get3A_362, %get3A_366 : vector<16xf32>
        %get3A_368 = arith.index_cast %add3A_314 : i32 to index
        %get3A_369 = arith.constant 48 : index
        %get3A_370 = tpu.vector_load %arg11[%get3A_368, %get3A_369] {strides = array<i32>} : memref<80x128xf32, #tpu.memory_space<vmem>>, vector<1x16xf32>,
        %get3A_371 = vector.shape_cast %get3A_370 : vector<1x16xf32> to vector<16xf32>
        %mul3A_372 = arith.mulf %mul3A_367, %get3A_371 : vector<16xf32>
        %add3A_373 = arith.addf %add3A_358, %mul3A_372 : vector<16xf32>
        %get3A_374 = arith.index_cast %add3A_314 : i32 to index
        %get3A_375 = arith.constant 64 : index
        %get3A_376 = tpu.vector_load %arg10[%get3A_374, %get3A_375] {strides = array<i32>} : memref<80x128xf32, #tpu.memory_space<vmem>>, vector<1x16xf32>,
        %get3A_377 = vector.shape_cast %get3A_376 : vector<1x16xf32> to vector<16xf32>
        %get3A_378 = arith.index_cast %add3A_314 : i32 to index
        %get3A_379 = arith.constant 64 : index
        %get3A_380 = tpu.vector_load %arg12[%get3A_378, %get3A_379] {strides = array<i32>} : memref<80x128xf32, #tpu.memory_space<vmem>>, vector<1x16xf32>,
        %get3A_381 = vector.shape_cast %get3A_380 : vector<1x16xf32> to vector<16xf32>
        %mul3A_382 = arith.mulf %get3A_377, %get3A_381 : vector<16xf32>
        %get3A_383 = arith.index_cast %add3A_314 : i32 to index
        %get3A_384 = arith.constant 64 : index
        %get3A_385 = tpu.vector_load %arg11[%get3A_383, %get3A_384] {strides = array<i32>} : memref<80x128xf32, #tpu.memory_space<vmem>>, vector<1x16xf32>,
        %get3A_386 = vector.shape_cast %get3A_385 : vector<1x16xf32> to vector<16xf32>
        %mul3A_387 = arith.mulf %mul3A_382, %get3A_386 : vector<16xf32>
        %add3A_388 = arith.addf %add3A_373, %mul3A_387 : vector<16xf32>
        %get3A_389 = arith.index_cast %add3A_314 : i32 to index
        %get3A_390 = arith.constant 80 : index
        %get3A_391 = tpu.vector_load %arg10[%get3A_389, %get3A_390] {strides = array<i32>} : memref<80x128xf32, #tpu.memory_space<vmem>>, vector<1x16xf32>,
        %get3A_392 = vector.shape_cast %get3A_391 : vector<1x16xf32> to vector<16xf32>
        %get3A_393 = arith.index_cast %add3A_314 : i32 to index
        %get3A_394 = arith.constant 80 : index
        %get3A_395 = tpu.vector_load %arg12[%get3A_393, %get3A_394] {strides = array<i32>} : memref<80x128xf32, #tpu.memory_space<vmem>>, vector<1x16xf32>,
        %get3A_396 = vector.shape_cast %get3A_395 : vector<1x16xf32> to vector<16xf32>
        %mul3A_397 = arith.mulf %get3A_392, %get3A_396 : vector<16xf32>
        %get3A_398 = arith.index_cast %add3A_314 : i32 to index
        %get3A_399 = arith.constant 80 : index
        %get3A_400 = tpu.vector_load %arg11[%get3A_398, %get3A_399] {strides = array<i32>} : memref<80x128xf32, #tpu.memory_space<vmem>>, vector<1x16xf32>,
        %get3A_401 = vector.shape_cast %get3A_400 : vector<1x16xf32> to vector<16xf32>
        %mul3A_402 = arith.mulf %mul3A_397, %get3A_401 : vector<16xf32>
        %add3A_403 = arith.addf %add3A_388, %mul3A_402 : vector<16xf32>
        %get3A_404 = arith.index_cast %add3A_314 : i32 to index
        %get3A_405 = arith.constant 96 : index
        %get3A_406 = tpu.vector_load %arg10[%get3A_404, %get3A_405] {strides = array<i32>} : memref<80x128xf32, #tpu.memory_space<vmem>>, vector<1x16xf32>,
        %get3A_407 = vector.shape_cast %get3A_406 : vector<1x16xf32> to vector<16xf32>
        %get3A_408 = arith.index_cast %add3A_314 : i32 to index
        %get3A_409 = arith.constant 96 : index
        %get3A_410 = tpu.vector_load %arg12[%get3A_408, %get3A_409] {strides = array<i32>} : memref<80x128xf32, #tpu.memory_space<vmem>>, vector<1x16xf32>,
        %get3A_411 = vector.shape_cast %get3A_410 : vector<1x16xf32> to vector<16xf32>
        %mul3A_412 = arith.mulf %get3A_407, %get3A_411 : vector<16xf32>
        %get3A_413 = arith.index_cast %add3A_314 : i32 to index
        %get3A_414 = arith.constant 96 : index
        %get3A_415 = tpu.vector_load %arg11[%get3A_413, %get3A_414] {strides = array<i32>} : memref<80x128xf32, #tpu.memory_space<vmem>>, vector<1x16xf32>,
        %get3A_416 = vector.shape_cast %get3A_415 : vector<1x16xf32> to vector<16xf32>
        %mul3A_417 = arith.mulf %mul3A_412, %get3A_416 : vector<16xf32>
        %add3A_418 = arith.addf %add3A_403, %mul3A_417 : vector<16xf32>
        %get3A_419 = arith.index_cast %add3A_314 : i32 to index
        %get3A_420 = arith.constant 112 : index
        %get3A_421 = tpu.vector_load %arg10[%get3A_419, %get3A_420] {strides = array<i32>} : memref<80x128xf32, #tpu.memory_space<vmem>>, vector<1x16xf32>,
        %get3A_422 = vector.shape_cast %get3A_421 : vector<1x16xf32> to vector<16xf32>
        %get3A_423 = arith.index_cast %add3A_314 : i32 to index
        %get3A_424 = arith.constant 112 : index
        %get3A_425 = tpu.vector_load %arg12[%get3A_423, %get3A_424] {strides = array<i32>} : memref<80x128xf32, #tpu.memory_space<vmem>>, vector<1x16xf32>,
        %get3A_426 = vector.shape_cast %get3A_425 : vector<1x16xf32> to vector<16xf32>
        %mul3A_427 = arith.mulf %get3A_422, %get3A_426 : vector<16xf32>
        %get3A_428 = arith.index_cast %add3A_314 : i32 to index
        %get3A_429 = arith.constant 112 : index
        %get3A_430 = tpu.vector_load %arg11[%get3A_428, %get3A_429] {strides = array<i32>} : memref<80x128xf32, #tpu.memory_space<vmem>>, vector<1x16xf32>,
        %get3A_431 = vector.shape_cast %get3A_430 : vector<1x16xf32> to vector<16xf32>
        %mul3A_432 = arith.mulf %mul3A_427, %get3A_431 : vector<16xf32>
        %add3A_433 = arith.addf %add3A_418, %mul3A_432 : vector<16xf32>
        %swap3A_434 = arith.index_cast %add3A_314 : i32 to index
        %swap3A_435 = arith.constant 0 : index
        %swap3A_436 = tpu.vector_load %arg13[%swap3A_434, %swap3A_435] {strides = array<i32>} : memref<80x16xf32, #tpu.memory_space<vmem>>, vector<1x16xf32>,
        %swap3A_437 = vector.shape_cast %swap3A_436 : vector<1x16xf32> to vector<16xf32>
        %swap3A_438 = vector.shape_cast %add3A_433 : vector<16xf32> to vector<1x16xf32>
        tpu.vector_store %arg13[%swap3A_434, %swap3A_435], %swap3A_438 {strides = array<i32>} : memref<80x16xf32, #tpu.memory_space<vmem>>, vector<1x16xf32>,
        %add3A_439 = arith.constant 2 : i32
        %add3A_440 = arith.addi %mul3A_188, %add3A_439 : i32
        %get3A_441 = arith.index_cast %add3A_440 : i32 to index
        %get3A_442 = arith.constant 0 : index
        %get3A_443 = tpu.vector_load %arg10[%get3A_441, %get3A_442] {strides = array<i32>} : memref<80x128xf32, #tpu.memory_space<vmem>>, vector<1x16xf32>,
        %get3A_444 = vector.shape_cast %get3A_443 : vector<1x16xf32> to vector<16xf32>
        %get3A_445 = arith.index_cast %add3A_440 : i32 to index
        %get3A_446 = arith.constant 0 : index
        %get3A_447 = tpu.vector_load %arg12[%get3A_445, %get3A_446] {strides = array<i32>} : memref<80x128xf32, #tpu.memory_space<vmem>>, vector<1x16xf32>,
        %get3A_448 = vector.shape_cast %get3A_447 : vector<1x16xf32> to vector<16xf32>
        %mul3A_449 = arith.mulf %get3A_444, %get3A_448 : vector<16xf32>
        %get3A_450 = arith.index_cast %add3A_440 : i32 to index
        %get3A_451 = arith.constant 0 : index
        %get3A_452 = tpu.vector_load %arg11[%get3A_450, %get3A_451] {strides = array<i32>} : memref<80x128xf32, #tpu.memory_space<vmem>>, vector<1x16xf32>,
        %get3A_453 = vector.shape_cast %get3A_452 : vector<1x16xf32> to vector<16xf32>
        %mul3A_454 = arith.mulf %mul3A_449, %get3A_453 : vector<16xf32>
        %get3A_455 = arith.index_cast %add3A_440 : i32 to index
        %get3A_456 = arith.constant 16 : index
        %get3A_457 = tpu.vector_load %arg10[%get3A_455, %get3A_456] {strides = array<i32>} : memref<80x128xf32, #tpu.memory_space<vmem>>, vector<1x16xf32>,
        %get3A_458 = vector.shape_cast %get3A_457 : vector<1x16xf32> to vector<16xf32>
        %get3A_459 = arith.index_cast %add3A_440 : i32 to index
        %get3A_460 = arith.constant 16 : index
        %get3A_461 = tpu.vector_load %arg12[%get3A_459, %get3A_460] {strides = array<i32>} : memref<80x128xf32, #tpu.memory_space<vmem>>, vector<1x16xf32>,
        %get3A_462 = vector.shape_cast %get3A_461 : vector<1x16xf32> to vector<16xf32>
        %mul3A_463 = arith.mulf %get3A_458, %get3A_462 : vector<16xf32>
        %get3A_464 = arith.index_cast %add3A_440 : i32 to index
        %get3A_465 = arith.constant 16 : index
        %get3A_466 = tpu.vector_load %arg11[%get3A_464, %get3A_465] {strides = array<i32>} : memref<80x128xf32, #tpu.memory_space<vmem>>, vector<1x16xf32>,
        %get3A_467 = vector.shape_cast %get3A_466 : vector<1x16xf32> to vector<16xf32>
        %mul3A_468 = arith.mulf %mul3A_463, %get3A_467 : vector<16xf32>
        %add3A_469 = arith.addf %mul3A_454, %mul3A_468 : vector<16xf32>
        %get3A_470 = arith.index_cast %add3A_440 : i32 to index
        %get3A_471 = arith.constant 32 : index
        %get3A_472 = tpu.vector_load %arg10[%get3A_470, %get3A_471] {strides = array<i32>} : memref<80x128xf32, #tpu.memory_space<vmem>>, vector<1x16xf32>,
        %get3A_473 = vector.shape_cast %get3A_472 : vector<1x16xf32> to vector<16xf32>
        %get3A_474 = arith.index_cast %add3A_440 : i32 to index
        %get3A_475 = arith.constant 32 : index
        %get3A_476 = tpu.vector_load %arg12[%get3A_474, %get3A_475] {strides = array<i32>} : memref<80x128xf32, #tpu.memory_space<vmem>>, vector<1x16xf32>,
        %get3A_477 = vector.shape_cast %get3A_476 : vector<1x16xf32> to vector<16xf32>
        %mul3A_478 = arith.mulf %get3A_473, %get3A_477 : vector<16xf32>
        %get3A_479 = arith.index_cast %add3A_440 : i32 to index
        %get3A_480 = arith.constant 32 : index
        %get3A_481 = tpu.vector_load %arg11[%get3A_479, %get3A_480] {strides = array<i32>} : memref<80x128xf32, #tpu.memory_space<vmem>>, vector<1x16xf32>,
        %get3A_482 = vector.shape_cast %get3A_481 : vector<1x16xf32> to vector<16xf32>
        %mul3A_483 = arith.mulf %mul3A_478, %get3A_482 : vector<16xf32>
        %add3A_484 = arith.addf %add3A_469, %mul3A_483 : vector<16xf32>
        %get3A_485 = arith.index_cast %add3A_440 : i32 to index
        %get3A_486 = arith.constant 48 : index
        %get3A_487 = tpu.vector_load %arg10[%get3A_485, %get3A_486] {strides = array<i32>} : memref<80x128xf32, #tpu.memory_space<vmem>>, vector<1x16xf32>,
        %get3A_488 = vector.shape_cast %get3A_487 : vector<1x16xf32> to vector<16xf32>
        %get3A_489 = arith.index_cast %add3A_440 : i32 to index
        %get3A_490 = arith.constant 48 : index
        %get3A_491 = tpu.vector_load %arg12[%get3A_489, %get3A_490] {strides = array<i32>} : memref<80x128xf32, #tpu.memory_space<vmem>>, vector<1x16xf32>,
        %get3A_492 = vector.shape_cast %get3A_491 : vector<1x16xf32> to vector<16xf32>
        %mul3A_493 = arith.mulf %get3A_488, %get3A_492 : vector<16xf32>
        %get3A_494 = arith.index_cast %add3A_440 : i32 to index
        %get3A_495 = arith.constant 48 : index
        %get3A_496 = tpu.vector_load %arg11[%get3A_494, %get3A_495] {strides = array<i32>} : memref<80x128xf32, #tpu.memory_space<vmem>>, vector<1x16xf32>,
        %get3A_497 = vector.shape_cast %get3A_496 : vector<1x16xf32> to vector<16xf32>
        %mul3A_498 = arith.mulf %mul3A_493, %get3A_497 : vector<16xf32>
        %add3A_499 = arith.addf %add3A_484, %mul3A_498 : vector<16xf32>
        %get3A_500 = arith.index_cast %add3A_440 : i32 to index
        %get3A_501 = arith.constant 64 : index
        %get3A_502 = tpu.vector_load %arg10[%get3A_500, %get3A_501] {strides = array<i32>} : memref<80x128xf32, #tpu.memory_space<vmem>>, vector<1x16xf32>,
        %get3A_503 = vector.shape_cast %get3A_502 : vector<1x16xf32> to vector<16xf32>
        %get3A_504 = arith.index_cast %add3A_440 : i32 to index
        %get3A_505 = arith.constant 64 : index
        %get3A_506 = tpu.vector_load %arg12[%get3A_504, %get3A_505] {strides = array<i32>} : memref<80x128xf32, #tpu.memory_space<vmem>>, vector<1x16xf32>,
        %get3A_507 = vector.shape_cast %get3A_506 : vector<1x16xf32> to vector<16xf32>
        %mul3A_508 = arith.mulf %get3A_503, %get3A_507 : vector<16xf32>
        %get3A_509 = arith.index_cast %add3A_440 : i32 to index
        %get3A_510 = arith.constant 64 : index
        %get3A_511 = tpu.vector_load %arg11[%get3A_509, %get3A_510] {strides = array<i32>} : memref<80x128xf32, #tpu.memory_space<vmem>>, vector<1x16xf32>,
        %get3A_512 = vector.shape_cast %get3A_511 : vector<1x16xf32> to vector<16xf32>
        %mul3A_513 = arith.mulf %mul3A_508, %get3A_512 : vector<16xf32>
        %add3A_514 = arith.addf %add3A_499, %mul3A_513 : vector<16xf32>
        %get3A_515 = arith.index_cast %add3A_440 : i32 to index
        %get3A_516 = arith.constant 80 : index
        %get3A_517 = tpu.vector_load %arg10[%get3A_515, %get3A_516] {strides = array<i32>} : memref<80x128xf32, #tpu.memory_space<vmem>>, vector<1x16xf32>,
        %get3A_518 = vector.shape_cast %get3A_517 : vector<1x16xf32> to vector<16xf32>
        %get3A_519 = arith.index_cast %add3A_440 : i32 to index
        %get3A_520 = arith.constant 80 : index
        %get3A_521 = tpu.vector_load %arg12[%get3A_519, %get3A_520] {strides = array<i32>} : memref<80x128xf32, #tpu.memory_space<vmem>>, vector<1x16xf32>,
        %get3A_522 = vector.shape_cast %get3A_521 : vector<1x16xf32> to vector<16xf32>
        %mul3A_523 = arith.mulf %get3A_518, %get3A_522 : vector<16xf32>
        %get3A_524 = arith.index_cast %add3A_440 : i32 to index
        %get3A_525 = arith.constant 80 : index
        %get3A_526 = tpu.vector_load %arg11[%get3A_524, %get3A_525] {strides = array<i32>} : memref<80x128xf32, #tpu.memory_space<vmem>>, vector<1x16xf32>,
        %get3A_527 = vector.shape_cast %get3A_526 : vector<1x16xf32> to vector<16xf32>
        %mul3A_528 = arith.mulf %mul3A_523, %get3A_527 : vector<16xf32>
        %add3A_529 = arith.addf %add3A_514, %mul3A_528 : vector<16xf32>
        %get3A_530 = arith.index_cast %add3A_440 : i32 to index
        %get3A_531 = arith.constant 96 : index
        %get3A_532 = tpu.vector_load %arg10[%get3A_530, %get3A_531] {strides = array<i32>} : memref<80x128xf32, #tpu.memory_space<vmem>>, vector<1x16xf32>,
        %get3A_533 = vector.shape_cast %get3A_532 : vector<1x16xf32> to vector<16xf32>
        %get3A_534 = arith.index_cast %add3A_440 : i32 to index
        %get3A_535 = arith.constant 96 : index
        %get3A_536 = tpu.vector_load %arg12[%get3A_534, %get3A_535] {strides = array<i32>} : memref<80x128xf32, #tpu.memory_space<vmem>>, vector<1x16xf32>,
        %get3A_537 = vector.shape_cast %get3A_536 : vector<1x16xf32> to vector<16xf32>
        %mul3A_538 = arith.mulf %get3A_533, %get3A_537 : vector<16xf32>
        %get3A_539 = arith.index_cast %add3A_440 : i32 to index
        %get3A_540 = arith.constant 96 : index
        %get3A_541 = tpu.vector_load %arg11[%get3A_539, %get3A_540] {strides = array<i32>} : memref<80x128xf32, #tpu.memory_space<vmem>>, vector<1x16xf32>,
        %get3A_542 = vector.shape_cast %get3A_541 : vector<1x16xf32> to vector<16xf32>
        %mul3A_543 = arith.mulf %mul3A_538, %get3A_542 : vector<16xf32>
        %add3A_544 = arith.addf %add3A_529, %mul3A_543 : vector<16xf32>
        %get3A_545 = arith.index_cast %add3A_440 : i32 to index
        %get3A_546 = arith.constant 112 : index
        %get3A_547 = tpu.vector_load %arg10[%get3A_545, %get3A_546] {strides = array<i32>} : memref<80x128xf32, #tpu.memory_space<vmem>>, vector<1x16xf32>,
        %get3A_548 = vector.shape_cast %get3A_547 : vector<1x16xf32> to vector<16xf32>
        %get3A_549 = arith.index_cast %add3A_440 : i32 to index
        %get3A_550 = arith.constant 112 : index
        %get3A_551 = tpu.vector_load %arg12[%get3A_549, %get3A_550] {strides = array<i32>} : memref<80x128xf32, #tpu.memory_space<vmem>>, vector<1x16xf32>,
        %get3A_552 = vector.shape_cast %get3A_551 : vector<1x16xf32> to vector<16xf32>
        %mul3A_553 = arith.mulf %get3A_548, %get3A_552 : vector<16xf32>
        %get3A_554 = arith.index_cast %add3A_440 : i32 to index
        %get3A_555 = arith.constant 112 : index
        %get3A_556 = tpu.vector_load %arg11[%get3A_554, %get3A_555] {strides = array<i32>} : memref<80x128xf32, #tpu.memory_space<vmem>>, vector<1x16xf32>,
        %get3A_557 = vector.shape_cast %get3A_556 : vector<1x16xf32> to vector<16xf32>
        %mul3A_558 = arith.mulf %mul3A_553, %get3A_557 : vector<16xf32>
        %add3A_559 = arith.addf %add3A_544, %mul3A_558 : vector<16xf32>
        %swap3A_560 = arith.index_cast %add3A_440 : i32 to index
        %swap3A_561 = arith.constant 0 : index
        %swap3A_562 = tpu.vector_load %arg13[%swap3A_560, %swap3A_561] {strides = array<i32>} : memref<80x16xf32, #tpu.memory_space<vmem>>, vector<1x16xf32>,
        %swap3A_563 = vector.shape_cast %swap3A_562 : vector<1x16xf32> to vector<16xf32>
        %swap3A_564 = vector.shape_cast %add3A_559 : vector<16xf32> to vector<1x16xf32>
        tpu.vector_store %arg13[%swap3A_560, %swap3A_561], %swap3A_564 {strides = array<i32>} : memref<80x16xf32, #tpu.memory_space<vmem>>, vector<1x16xf32>,
        %add3A_565 = arith.constant 3 : i32
        %add3A_566 = arith.addi %mul3A_188, %add3A_565 : i32
        %get3A_567 = arith.index_cast %add3A_566 : i32 to index
        %get3A_568 = arith.constant 0 : index
        %get3A_569 = tpu.vector_load %arg10[%get3A_567, %get3A_568] {strides = array<i32>} : memref<80x128xf32, #tpu.memory_space<vmem>>, vector<1x16xf32>,
        %get3A_570 = vector.shape_cast %get3A_569 : vector<1x16xf32> to vector<16xf32>
        %get3A_571 = arith.index_cast %add3A_566 : i32 to index
        %get3A_572 = arith.constant 0 : index
        %get3A_573 = tpu.vector_load %arg12[%get3A_571, %get3A_572] {strides = array<i32>} : memref<80x128xf32, #tpu.memory_space<vmem>>, vector<1x16xf32>,
        %get3A_574 = vector.shape_cast %get3A_573 : vector<1x16xf32> to vector<16xf32>
        %mul3A_575 = arith.mulf %get3A_570, %get3A_574 : vector<16xf32>
        %get3A_576 = arith.index_cast %add3A_566 : i32 to index
        %get3A_577 = arith.constant 0 : index
        %get3A_578 = tpu.vector_load %arg11[%get3A_576, %get3A_577] {strides = array<i32>} : memref<80x128xf32, #tpu.memory_space<vmem>>, vector<1x16xf32>,
        %get3A_579 = vector.shape_cast %get3A_578 : vector<1x16xf32> to vector<16xf32>
        %mul3A_580 = arith.mulf %mul3A_575, %get3A_579 : vector<16xf32>
        %get3A_581 = arith.index_cast %add3A_566 : i32 to index
        %get3A_582 = arith.constant 16 : index
        %get3A_583 = tpu.vector_load %arg10[%get3A_581, %get3A_582] {strides = array<i32>} : memref<80x128xf32, #tpu.memory_space<vmem>>, vector<1x16xf32>,
        %get3A_584 = vector.shape_cast %get3A_583 : vector<1x16xf32> to vector<16xf32>
        %get3A_585 = arith.index_cast %add3A_566 : i32 to index
        %get3A_586 = arith.constant 16 : index
        %get3A_587 = tpu.vector_load %arg12[%get3A_585, %get3A_586] {strides = array<i32>} : memref<80x128xf32, #tpu.memory_space<vmem>>, vector<1x16xf32>,
        %get3A_588 = vector.shape_cast %get3A_587 : vector<1x16xf32> to vector<16xf32>
        %mul3A_589 = arith.mulf %get3A_584, %get3A_588 : vector<16xf32>
        %get3A_590 = arith.index_cast %add3A_566 : i32 to index
        %get3A_591 = arith.constant 16 : index
        %get3A_592 = tpu.vector_load %arg11[%get3A_590, %get3A_591] {strides = array<i32>} : memref<80x128xf32, #tpu.memory_space<vmem>>, vector<1x16xf32>,
        %get3A_593 = vector.shape_cast %get3A_592 : vector<1x16xf32> to vector<16xf32>
        %mul3A_594 = arith.mulf %mul3A_589, %get3A_593 : vector<16xf32>
        %add3A_595 = arith.addf %mul3A_580, %mul3A_594 : vector<16xf32>
        %get3A_596 = arith.index_cast %add3A_566 : i32 to index
        %get3A_597 = arith.constant 32 : index
        %get3A_598 = tpu.vector_load %arg10[%get3A_596, %get3A_597] {strides = array<i32>} : memref<80x128xf32, #tpu.memory_space<vmem>>, vector<1x16xf32>,
        %get3A_599 = vector.shape_cast %get3A_598 : vector<1x16xf32> to vector<16xf32>
        %get3A_600 = arith.index_cast %add3A_566 : i32 to index
        %get3A_601 = arith.constant 32 : index
        %get3A_602 = tpu.vector_load %arg12[%get3A_600, %get3A_601] {strides = array<i32>} : memref<80x128xf32, #tpu.memory_space<vmem>>, vector<1x16xf32>,
        %get3A_603 = vector.shape_cast %get3A_602 : vector<1x16xf32> to vector<16xf32>
        %mul3A_604 = arith.mulf %get3A_599, %get3A_603 : vector<16xf32>
        %get3A_605 = arith.index_cast %add3A_566 : i32 to index
        %get3A_606 = arith.constant 32 : index
        %get3A_607 = tpu.vector_load %arg11[%get3A_605, %get3A_606] {strides = array<i32>} : memref<80x128xf32, #tpu.memory_space<vmem>>, vector<1x16xf32>,
        %get3A_608 = vector.shape_cast %get3A_607 : vector<1x16xf32> to vector<16xf32>
        %mul3A_609 = arith.mulf %mul3A_604, %get3A_608 : vector<16xf32>
        %add3A_610 = arith.addf %add3A_595, %mul3A_609 : vector<16xf32>
        %get3A_611 = arith.index_cast %add3A_566 : i32 to index
        %get3A_612 = arith.constant 48 : index
        %get3A_613 = tpu.vector_load %arg10[%get3A_611, %get3A_612] {strides = array<i32>} : memref<80x128xf32, #tpu.memory_space<vmem>>, vector<1x16xf32>,
        %get3A_614 = vector.shape_cast %get3A_613 : vector<1x16xf32> to vector<16xf32>
        %get3A_615 = arith.index_cast %add3A_566 : i32 to index
        %get3A_616 = arith.constant 48 : index
        %get3A_617 = tpu.vector_load %arg12[%get3A_615, %get3A_616] {strides = array<i32>} : memref<80x128xf32, #tpu.memory_space<vmem>>, vector<1x16xf32>,
        %get3A_618 = vector.shape_cast %get3A_617 : vector<1x16xf32> to vector<16xf32>
        %mul3A_619 = arith.mulf %get3A_614, %get3A_618 : vector<16xf32>
        %get3A_620 = arith.index_cast %add3A_566 : i32 to index
        %get3A_621 = arith.constant 48 : index
        %get3A_622 = tpu.vector_load %arg11[%get3A_620, %get3A_621] {strides = array<i32>} : memref<80x128xf32, #tpu.memory_space<vmem>>, vector<1x16xf32>,
        %get3A_623 = vector.shape_cast %get3A_622 : vector<1x16xf32> to vector<16xf32>
        %mul3A_624 = arith.mulf %mul3A_619, %get3A_623 : vector<16xf32>
        %add3A_625 = arith.addf %add3A_610, %mul3A_624 : vector<16xf32>
        %get3A_626 = arith.index_cast %add3A_566 : i32 to index
        %get3A_627 = arith.constant 64 : index
        %get3A_628 = tpu.vector_load %arg10[%get3A_626, %get3A_627] {strides = array<i32>} : memref<80x128xf32, #tpu.memory_space<vmem>>, vector<1x16xf32>,
        %get3A_629 = vector.shape_cast %get3A_628 : vector<1x16xf32> to vector<16xf32>
        %get3A_630 = arith.index_cast %add3A_566 : i32 to index
        %get3A_631 = arith.constant 64 : index
        %get3A_632 = tpu.vector_load %arg12[%get3A_630, %get3A_631] {strides = array<i32>} : memref<80x128xf32, #tpu.memory_space<vmem>>, vector<1x16xf32>,
        %get3A_633 = vector.shape_cast %get3A_632 : vector<1x16xf32> to vector<16xf32>
        %mul3A_634 = arith.mulf %get3A_629, %get3A_633 : vector<16xf32>
        %get3A_635 = arith.index_cast %add3A_566 : i32 to index
        %get3A_636 = arith.constant 64 : index
        %get3A_637 = tpu.vector_load %arg11[%get3A_635, %get3A_636] {strides = array<i32>} : memref<80x128xf32, #tpu.memory_space<vmem>>, vector<1x16xf32>,
        %get3A_638 = vector.shape_cast %get3A_637 : vector<1x16xf32> to vector<16xf32>
        %mul3A_639 = arith.mulf %mul3A_634, %get3A_638 : vector<16xf32>
        %add3A_640 = arith.addf %add3A_625, %mul3A_639 : vector<16xf32>
        %get3A_641 = arith.index_cast %add3A_566 : i32 to index
        %get3A_642 = arith.constant 80 : index
        %get3A_643 = tpu.vector_load %arg10[%get3A_641, %get3A_642] {strides = array<i32>} : memref<80x128xf32, #tpu.memory_space<vmem>>, vector<1x16xf32>,
        %get3A_644 = vector.shape_cast %get3A_643 : vector<1x16xf32> to vector<16xf32>
        %get3A_645 = arith.index_cast %add3A_566 : i32 to index
        %get3A_646 = arith.constant 80 : index
        %get3A_647 = tpu.vector_load %arg12[%get3A_645, %get3A_646] {strides = array<i32>} : memref<80x128xf32, #tpu.memory_space<vmem>>, vector<1x16xf32>,
        %get3A_648 = vector.shape_cast %get3A_647 : vector<1x16xf32> to vector<16xf32>
        %mul3A_649 = arith.mulf %get3A_644, %get3A_648 : vector<16xf32>
        %get3A_650 = arith.index_cast %add3A_566 : i32 to index
        %get3A_651 = arith.constant 80 : index
        %get3A_652 = tpu.vector_load %arg11[%get3A_650, %get3A_651] {strides = array<i32>} : memref<80x128xf32, #tpu.memory_space<vmem>>, vector<1x16xf32>,
        %get3A_653 = vector.shape_cast %get3A_652 : vector<1x16xf32> to vector<16xf32>
        %mul3A_654 = arith.mulf %mul3A_649, %get3A_653 : vector<16xf32>
        %add3A_655 = arith.addf %add3A_640, %mul3A_654 : vector<16xf32>
        %get3A_656 = arith.index_cast %add3A_566 : i32 to index
        %get3A_657 = arith.constant 96 : index
        %get3A_658 = tpu.vector_load %arg10[%get3A_656, %get3A_657] {strides = array<i32>} : memref<80x128xf32, #tpu.memory_space<vmem>>, vector<1x16xf32>,
        %get3A_659 = vector.shape_cast %get3A_658 : vector<1x16xf32> to vector<16xf32>
        %get3A_660 = arith.index_cast %add3A_566 : i32 to index
        %get3A_661 = arith.constant 96 : index
        %get3A_662 = tpu.vector_load %arg12[%get3A_660, %get3A_661] {strides = array<i32>} : memref<80x128xf32, #tpu.memory_space<vmem>>, vector<1x16xf32>,
        %get3A_663 = vector.shape_cast %get3A_662 : vector<1x16xf32> to vector<16xf32>
        %mul3A_664 = arith.mulf %get3A_659, %get3A_663 : vector<16xf32>
        %get3A_665 = arith.index_cast %add3A_566 : i32 to index
        %get3A_666 = arith.constant 96 : index
        %get3A_667 = tpu.vector_load %arg11[%get3A_665, %get3A_666] {strides = array<i32>} : memref<80x128xf32, #tpu.memory_space<vmem>>, vector<1x16xf32>,
        %get3A_668 = vector.shape_cast %get3A_667 : vector<1x16xf32> to vector<16xf32>
        %mul3A_669 = arith.mulf %mul3A_664, %get3A_668 : vector<16xf32>
        %add3A_670 = arith.addf %add3A_655, %mul3A_669 : vector<16xf32>
        %get3A_671 = arith.index_cast %add3A_566 : i32 to index
        %get3A_672 = arith.constant 112 : index
        %get3A_673 = tpu.vector_load %arg10[%get3A_671, %get3A_672] {strides = array<i32>} : memref<80x128xf32, #tpu.memory_space<vmem>>, vector<1x16xf32>,
        %get3A_674 = vector.shape_cast %get3A_673 : vector<1x16xf32> to vector<16xf32>
        %get3A_675 = arith.index_cast %add3A_566 : i32 to index
        %get3A_676 = arith.constant 112 : index
        %get3A_677 = tpu.vector_load %arg12[%get3A_675, %get3A_676] {strides = array<i32>} : memref<80x128xf32, #tpu.memory_space<vmem>>, vector<1x16xf32>,
        %get3A_678 = vector.shape_cast %get3A_677 : vector<1x16xf32> to vector<16xf32>
        %mul3A_679 = arith.mulf %get3A_674, %get3A_678 : vector<16xf32>
        %get3A_680 = arith.index_cast %add3A_566 : i32 to index
        %get3A_681 = arith.constant 112 : index
        %get3A_682 = tpu.vector_load %arg11[%get3A_680, %get3A_681] {strides = array<i32>} : memref<80x128xf32, #tpu.memory_space<vmem>>, vector<1x16xf32>,
        %get3A_683 = vector.shape_cast %get3A_682 : vector<1x16xf32> to vector<16xf32>
        %mul3A_684 = arith.mulf %mul3A_679, %get3A_683 : vector<16xf32>
        %add3A_685 = arith.addf %add3A_670, %mul3A_684 : vector<16xf32>
        %swap3A_686 = arith.index_cast %add3A_566 : i32 to index
        %swap3A_687 = arith.constant 0 : index
        %swap3A_688 = tpu.vector_load %arg13[%swap3A_686, %swap3A_687] {strides = array<i32>} : memref<80x16xf32, #tpu.memory_space<vmem>>, vector<1x16xf32>,
        %swap3A_689 = vector.shape_cast %swap3A_688 : vector<1x16xf32> to vector<16xf32>
        %swap3A_690 = vector.shape_cast %add3A_685 : vector<16xf32> to vector<1x16xf32>
        tpu.vector_store %arg13[%swap3A_686, %swap3A_687], %swap3A_690 {strides = array<i32>} : memref<80x16xf32, #tpu.memory_space<vmem>>, vector<1x16xf32>,
        %add3A_691 = arith.constant 4 : i32
        %add3A_692 = arith.addi %mul3A_188, %add3A_691 : i32
        %get3A_693 = arith.index_cast %add3A_692 : i32 to index
        %get3A_694 = arith.constant 0 : index
        %get3A_695 = tpu.vector_load %arg10[%get3A_693, %get3A_694] {strides = array<i32>} : memref<80x128xf32, #tpu.memory_space<vmem>>, vector<1x16xf32>,
        %get3A_696 = vector.shape_cast %get3A_695 : vector<1x16xf32> to vector<16xf32>
        %get3A_697 = arith.index_cast %add3A_692 : i32 to index
        %get3A_698 = arith.constant 0 : index
        %get3A_699 = tpu.vector_load %arg12[%get3A_697, %get3A_698] {strides = array<i32>} : memref<80x128xf32, #tpu.memory_space<vmem>>, vector<1x16xf32>,
        %get3A_700 = vector.shape_cast %get3A_699 : vector<1x16xf32> to vector<16xf32>
        %mul3A_701 = arith.mulf %get3A_696, %get3A_700 : vector<16xf32>
        %get3A_702 = arith.index_cast %add3A_692 : i32 to index
        %get3A_703 = arith.constant 0 : index
        %get3A_704 = tpu.vector_load %arg11[%get3A_702, %get3A_703] {strides = array<i32>} : memref<80x128xf32, #tpu.memory_space<vmem>>, vector<1x16xf32>,
        %get3A_705 = vector.shape_cast %get3A_704 : vector<1x16xf32> to vector<16xf32>
        %mul3A_706 = arith.mulf %mul3A_701, %get3A_705 : vector<16xf32>
        %get3A_707 = arith.index_cast %add3A_692 : i32 to index
        %get3A_708 = arith.constant 16 : index
        %get3A_709 = tpu.vector_load %arg10[%get3A_707, %get3A_708] {strides = array<i32>} : memref<80x128xf32, #tpu.memory_space<vmem>>, vector<1x16xf32>,
        %get3A_710 = vector.shape_cast %get3A_709 : vector<1x16xf32> to vector<16xf32>
        %get3A_711 = arith.index_cast %add3A_692 : i32 to index
        %get3A_712 = arith.constant 16 : index
        %get3A_713 = tpu.vector_load %arg12[%get3A_711, %get3A_712] {strides = array<i32>} : memref<80x128xf32, #tpu.memory_space<vmem>>, vector<1x16xf32>,
        %get3A_714 = vector.shape_cast %get3A_713 : vector<1x16xf32> to vector<16xf32>
        %mul3A_715 = arith.mulf %get3A_710, %get3A_714 : vector<16xf32>
        %get3A_716 = arith.index_cast %add3A_692 : i32 to index
        %get3A_717 = arith.constant 16 : index
        %get3A_718 = tpu.vector_load %arg11[%get3A_716, %get3A_717] {strides = array<i32>} : memref<80x128xf32, #tpu.memory_space<vmem>>, vector<1x16xf32>,
        %get3A_719 = vector.shape_cast %get3A_718 : vector<1x16xf32> to vector<16xf32>
        %mul3A_720 = arith.mulf %mul3A_715, %get3A_719 : vector<16xf32>
        %add3A_721 = arith.addf %mul3A_706, %mul3A_720 : vector<16xf32>
        %get3A_722 = arith.index_cast %add3A_692 : i32 to index
        %get3A_723 = arith.constant 32 : index
        %get3A_724 = tpu.vector_load %arg10[%get3A_722, %get3A_723] {strides = array<i32>} : memref<80x128xf32, #tpu.memory_space<vmem>>, vector<1x16xf32>,
        %get3A_725 = vector.shape_cast %get3A_724 : vector<1x16xf32> to vector<16xf32>
        %get3A_726 = arith.index_cast %add3A_692 : i32 to index
        %get3A_727 = arith.constant 32 : index
        %get3A_728 = tpu.vector_load %arg12[%get3A_726, %get3A_727] {strides = array<i32>} : memref<80x128xf32, #tpu.memory_space<vmem>>, vector<1x16xf32>,
        %get3A_729 = vector.shape_cast %get3A_728 : vector<1x16xf32> to vector<16xf32>
        %mul3A_730 = arith.mulf %get3A_725, %get3A_729 : vector<16xf32>
        %get3A_731 = arith.index_cast %add3A_692 : i32 to index
        %get3A_732 = arith.constant 32 : index
        %get3A_733 = tpu.vector_load %arg11[%get3A_731, %get3A_732] {strides = array<i32>} : memref<80x128xf32, #tpu.memory_space<vmem>>, vector<1x16xf32>,
        %get3A_734 = vector.shape_cast %get3A_733 : vector<1x16xf32> to vector<16xf32>
        %mul3A_735 = arith.mulf %mul3A_730, %get3A_734 : vector<16xf32>
        %add3A_736 = arith.addf %add3A_721, %mul3A_735 : vector<16xf32>
        %get3A_737 = arith.index_cast %add3A_692 : i32 to index
        %get3A_738 = arith.constant 48 : index
        %get3A_739 = tpu.vector_load %arg10[%get3A_737, %get3A_738] {strides = array<i32>} : memref<80x128xf32, #tpu.memory_space<vmem>>, vector<1x16xf32>,
        %get3A_740 = vector.shape_cast %get3A_739 : vector<1x16xf32> to vector<16xf32>
        %get3A_741 = arith.index_cast %add3A_692 : i32 to index
        %get3A_742 = arith.constant 48 : index
        %get3A_743 = tpu.vector_load %arg12[%get3A_741, %get3A_742] {strides = array<i32>} : memref<80x128xf32, #tpu.memory_space<vmem>>, vector<1x16xf32>,
        %get3A_744 = vector.shape_cast %get3A_743 : vector<1x16xf32> to vector<16xf32>
        %mul3A_745 = arith.mulf %get3A_740, %get3A_744 : vector<16xf32>
        %get3A_746 = arith.index_cast %add3A_692 : i32 to index
        %get3A_747 = arith.constant 48 : index
        %get3A_748 = tpu.vector_load %arg11[%get3A_746, %get3A_747] {strides = array<i32>} : memref<80x128xf32, #tpu.memory_space<vmem>>, vector<1x16xf32>,
        %get3A_749 = vector.shape_cast %get3A_748 : vector<1x16xf32> to vector<16xf32>
        %mul3A_750 = arith.mulf %mul3A_745, %get3A_749 : vector<16xf32>
        %add3A_751 = arith.addf %add3A_736, %mul3A_750 : vector<16xf32>
        %get3A_752 = arith.index_cast %add3A_692 : i32 to index
        %get3A_753 = arith.constant 64 : index
        %get3A_754 = tpu.vector_load %arg10[%get3A_752, %get3A_753] {strides = array<i32>} : memref<80x128xf32, #tpu.memory_space<vmem>>, vector<1x16xf32>,
        %get3A_755 = vector.shape_cast %get3A_754 : vector<1x16xf32> to vector<16xf32>
        %get3A_756 = arith.index_cast %add3A_692 : i32 to index
        %get3A_757 = arith.constant 64 : index
        %get3A_758 = tpu.vector_load %arg12[%get3A_756, %get3A_757] {strides = array<i32>} : memref<80x128xf32, #tpu.memory_space<vmem>>, vector<1x16xf32>,
        %get3A_759 = vector.shape_cast %get3A_758 : vector<1x16xf32> to vector<16xf32>
        %mul3A_760 = arith.mulf %get3A_755, %get3A_759 : vector<16xf32>
        %get3A_761 = arith.index_cast %add3A_692 : i32 to index
        %get3A_762 = arith.constant 64 : index
        %get3A_763 = tpu.vector_load %arg11[%get3A_761, %get3A_762] {strides = array<i32>} : memref<80x128xf32, #tpu.memory_space<vmem>>, vector<1x16xf32>,
        %get3A_764 = vector.shape_cast %get3A_763 : vector<1x16xf32> to vector<16xf32>
        %mul3A_765 = arith.mulf %mul3A_760, %get3A_764 : vector<16xf32>
        %add3A_766 = arith.addf %add3A_751, %mul3A_765 : vector<16xf32>
        %get3A_767 = arith.index_cast %add3A_692 : i32 to index
        %get3A_768 = arith.constant 80 : index
        %get3A_769 = tpu.vector_load %arg10[%get3A_767, %get3A_768] {strides = array<i32>} : memref<80x128xf32, #tpu.memory_space<vmem>>, vector<1x16xf32>,
        %get3A_770 = vector.shape_cast %get3A_769 : vector<1x16xf32> to vector<16xf32>
        %get3A_771 = arith.index_cast %add3A_692 : i32 to index
        %get3A_772 = arith.constant 80 : index
        %get3A_773 = tpu.vector_load %arg12[%get3A_771, %get3A_772] {strides = array<i32>} : memref<80x128xf32, #tpu.memory_space<vmem>>, vector<1x16xf32>,
        %get3A_774 = vector.shape_cast %get3A_773 : vector<1x16xf32> to vector<16xf32>
        %mul3A_775 = arith.mulf %get3A_770, %get3A_774 : vector<16xf32>
        %get3A_776 = arith.index_cast %add3A_692 : i32 to index
        %get3A_777 = arith.constant 80 : index
        %get3A_778 = tpu.vector_load %arg11[%get3A_776, %get3A_777] {strides = array<i32>} : memref<80x128xf32, #tpu.memory_space<vmem>>, vector<1x16xf32>,
        %get3A_779 = vector.shape_cast %get3A_778 : vector<1x16xf32> to vector<16xf32>
        %mul3A_780 = arith.mulf %mul3A_775, %get3A_779 : vector<16xf32>
        %add3A_781 = arith.addf %add3A_766, %mul3A_780 : vector<16xf32>
        %get3A_782 = arith.index_cast %add3A_692 : i32 to index
        %get3A_783 = arith.constant 96 : index
        %get3A_784 = tpu.vector_load %arg10[%get3A_782, %get3A_783] {strides = array<i32>} : memref<80x128xf32, #tpu.memory_space<vmem>>, vector<1x16xf32>,
        %get3A_785 = vector.shape_cast %get3A_784 : vector<1x16xf32> to vector<16xf32>
        %get3A_786 = arith.index_cast %add3A_692 : i32 to index
        %get3A_787 = arith.constant 96 : index
        %get3A_788 = tpu.vector_load %arg12[%get3A_786, %get3A_787] {strides = array<i32>} : memref<80x128xf32, #tpu.memory_space<vmem>>, vector<1x16xf32>,
        %get3A_789 = vector.shape_cast %get3A_788 : vector<1x16xf32> to vector<16xf32>
        %mul3A_790 = arith.mulf %get3A_785, %get3A_789 : vector<16xf32>
        %get3A_791 = arith.index_cast %add3A_692 : i32 to index
        %get3A_792 = arith.constant 96 : index
        %get3A_793 = tpu.vector_load %arg11[%get3A_791, %get3A_792] {strides = array<i32>} : memref<80x128xf32, #tpu.memory_space<vmem>>, vector<1x16xf32>,
        %get3A_794 = vector.shape_cast %get3A_793 : vector<1x16xf32> to vector<16xf32>
        %mul3A_795 = arith.mulf %mul3A_790, %get3A_794 : vector<16xf32>
        %add3A_796 = arith.addf %add3A_781, %mul3A_795 : vector<16xf32>
        %get3A_797 = arith.index_cast %add3A_692 : i32 to index
        %get3A_798 = arith.constant 112 : index
        %get3A_799 = tpu.vector_load %arg10[%get3A_797, %get3A_798] {strides = array<i32>} : memref<80x128xf32, #tpu.memory_space<vmem>>, vector<1x16xf32>,
        %get3A_800 = vector.shape_cast %get3A_799 : vector<1x16xf32> to vector<16xf32>
        %get3A_801 = arith.index_cast %add3A_692 : i32 to index
        %get3A_802 = arith.constant 112 : index
        %get3A_803 = tpu.vector_load %arg12[%get3A_801, %get3A_802] {strides = array<i32>} : memref<80x128xf32, #tpu.memory_space<vmem>>, vector<1x16xf32>,
        %get3A_804 = vector.shape_cast %get3A_803 : vector<1x16xf32> to vector<16xf32>
        %mul3A_805 = arith.mulf %get3A_800, %get3A_804 : vector<16xf32>
        %get3A_806 = arith.index_cast %add3A_692 : i32 to index
        %get3A_807 = arith.constant 112 : index
        %get3A_808 = tpu.vector_load %arg11[%get3A_806, %get3A_807] {strides = array<i32>} : memref<80x128xf32, #tpu.memory_space<vmem>>, vector<1x16xf32>,
        %get3A_809 = vector.shape_cast %get3A_808 : vector<1x16xf32> to vector<16xf32>
        %mul3A_810 = arith.mulf %mul3A_805, %get3A_809 : vector<16xf32>
        %add3A_811 = arith.addf %add3A_796, %mul3A_810 : vector<16xf32>
        %swap3A_812 = arith.index_cast %add3A_692 : i32 to index
        %swap3A_813 = arith.constant 0 : index
        %swap3A_814 = tpu.vector_load %arg13[%swap3A_812, %swap3A_813] {strides = array<i32>} : memref<80x16xf32, #tpu.memory_space<vmem>>, vector<1x16xf32>,
        %swap3A_815 = vector.shape_cast %swap3A_814 : vector<1x16xf32> to vector<16xf32>
        %swap3A_816 = vector.shape_cast %add3A_811 : vector<16xf32> to vector<1x16xf32>
        tpu.vector_store %arg13[%swap3A_812, %swap3A_813], %swap3A_816 {strides = array<i32>} : memref<80x16xf32, #tpu.memory_space<vmem>>, vector<1x16xf32>,
        %add3A_817 = arith.constant 5 : i32
        %add3A_818 = arith.addi %mul3A_188, %add3A_817 : i32
        %get3A_819 = arith.index_cast %add3A_818 : i32 to index
        %get3A_820 = arith.constant 0 : index
        %get3A_821 = tpu.vector_load %arg10[%get3A_819, %get3A_820] {strides = array<i32>} : memref<80x128xf32, #tpu.memory_space<vmem>>, vector<1x16xf32>,
        %get3A_822 = vector.shape_cast %get3A_821 : vector<1x16xf32> to vector<16xf32>
        %get3A_823 = arith.index_cast %add3A_818 : i32 to index
        %get3A_824 = arith.constant 0 : index
        %get3A_825 = tpu.vector_load %arg12[%get3A_823, %get3A_824] {strides = array<i32>} : memref<80x128xf32, #tpu.memory_space<vmem>>, vector<1x16xf32>,
        %get3A_826 = vector.shape_cast %get3A_825 : vector<1x16xf32> to vector<16xf32>
        %mul3A_827 = arith.mulf %get3A_822, %get3A_826 : vector<16xf32>
        %get3A_828 = arith.index_cast %add3A_818 : i32 to index
        %get3A_829 = arith.constant 0 : index
        %get3A_830 = tpu.vector_load %arg11[%get3A_828, %get3A_829] {strides = array<i32>} : memref<80x128xf32, #tpu.memory_space<vmem>>, vector<1x16xf32>,
        %get3A_831 = vector.shape_cast %get3A_830 : vector<1x16xf32> to vector<16xf32>
        %mul3A_832 = arith.mulf %mul3A_827, %get3A_831 : vector<16xf32>
        %get3A_833 = arith.index_cast %add3A_818 : i32 to index
        %get3A_834 = arith.constant 16 : index
        %get3A_835 = tpu.vector_load %arg10[%get3A_833, %get3A_834] {strides = array<i32>} : memref<80x128xf32, #tpu.memory_space<vmem>>, vector<1x16xf32>,
        %get3A_836 = vector.shape_cast %get3A_835 : vector<1x16xf32> to vector<16xf32>
        %get3A_837 = arith.index_cast %add3A_818 : i32 to index
        %get3A_838 = arith.constant 16 : index
        %get3A_839 = tpu.vector_load %arg12[%get3A_837, %get3A_838] {strides = array<i32>} : memref<80x128xf32, #tpu.memory_space<vmem>>, vector<1x16xf32>,
        %get3A_840 = vector.shape_cast %get3A_839 : vector<1x16xf32> to vector<16xf32>
        %mul3A_841 = arith.mulf %get3A_836, %get3A_840 : vector<16xf32>
        %get3A_842 = arith.index_cast %add3A_818 : i32 to index
        %get3A_843 = arith.constant 16 : index
        %get3A_844 = tpu.vector_load %arg11[%get3A_842, %get3A_843] {strides = array<i32>} : memref<80x128xf32, #tpu.memory_space<vmem>>, vector<1x16xf32>,
        %get3A_845 = vector.shape_cast %get3A_844 : vector<1x16xf32> to vector<16xf32>
        %mul3A_846 = arith.mulf %mul3A_841, %get3A_845 : vector<16xf32>
        %add3A_847 = arith.addf %mul3A_832, %mul3A_846 : vector<16xf32>
        %get3A_848 = arith.index_cast %add3A_818 : i32 to index
        %get3A_849 = arith.constant 32 : index
        %get3A_850 = tpu.vector_load %arg10[%get3A_848, %get3A_849] {strides = array<i32>} : memref<80x128xf32, #tpu.memory_space<vmem>>, vector<1x16xf32>,
        %get3A_851 = vector.shape_cast %get3A_850 : vector<1x16xf32> to vector<16xf32>
        %get3A_852 = arith.index_cast %add3A_818 : i32 to index
        %get3A_853 = arith.constant 32 : index
        %get3A_854 = tpu.vector_load %arg12[%get3A_852, %get3A_853] {strides = array<i32>} : memref<80x128xf32, #tpu.memory_space<vmem>>, vector<1x16xf32>,
        %get3A_855 = vector.shape_cast %get3A_854 : vector<1x16xf32> to vector<16xf32>
        %mul3A_856 = arith.mulf %get3A_851, %get3A_855 : vector<16xf32>
        %get3A_857 = arith.index_cast %add3A_818 : i32 to index
        %get3A_858 = arith.constant 32 : index
        %get3A_859 = tpu.vector_load %arg11[%get3A_857, %get3A_858] {strides = array<i32>} : memref<80x128xf32, #tpu.memory_space<vmem>>, vector<1x16xf32>,
        %get3A_860 = vector.shape_cast %get3A_859 : vector<1x16xf32> to vector<16xf32>
        %mul3A_861 = arith.mulf %mul3A_856, %get3A_860 : vector<16xf32>
        %add3A_862 = arith.addf %add3A_847, %mul3A_861 : vector<16xf32>
        %get3A_863 = arith.index_cast %add3A_818 : i32 to index
        %get3A_864 = arith.constant 48 : index
        %get3A_865 = tpu.vector_load %arg10[%get3A_863, %get3A_864] {strides = array<i32>} : memref<80x128xf32, #tpu.memory_space<vmem>>, vector<1x16xf32>,
        %get3A_866 = vector.shape_cast %get3A_865 : vector<1x16xf32> to vector<16xf32>
        %get3A_867 = arith.index_cast %add3A_818 : i32 to index
        %get3A_868 = arith.constant 48 : index
        %get3A_869 = tpu.vector_load %arg12[%get3A_867, %get3A_868] {strides = array<i32>} : memref<80x128xf32, #tpu.memory_space<vmem>>, vector<1x16xf32>,
        %get3A_870 = vector.shape_cast %get3A_869 : vector<1x16xf32> to vector<16xf32>
        %mul3A_871 = arith.mulf %get3A_866, %get3A_870 : vector<16xf32>
        %get3A_872 = arith.index_cast %add3A_818 : i32 to index
        %get3A_873 = arith.constant 48 : index
        %get3A_874 = tpu.vector_load %arg11[%get3A_872, %get3A_873] {strides = array<i32>} : memref<80x128xf32, #tpu.memory_space<vmem>>, vector<1x16xf32>,
        %get3A_875 = vector.shape_cast %get3A_874 : vector<1x16xf32> to vector<16xf32>
        %mul3A_876 = arith.mulf %mul3A_871, %get3A_875 : vector<16xf32>
        %add3A_877 = arith.addf %add3A_862, %mul3A_876 : vector<16xf32>
        %get3A_878 = arith.index_cast %add3A_818 : i32 to index
        %get3A_879 = arith.constant 64 : index
        %get3A_880 = tpu.vector_load %arg10[%get3A_878, %get3A_879] {strides = array<i32>} : memref<80x128xf32, #tpu.memory_space<vmem>>, vector<1x16xf32>,
        %get3A_881 = vector.shape_cast %get3A_880 : vector<1x16xf32> to vector<16xf32>
        %get3A_882 = arith.index_cast %add3A_818 : i32 to index
        %get3A_883 = arith.constant 64 : index
        %get3A_884 = tpu.vector_load %arg12[%get3A_882, %get3A_883] {strides = array<i32>} : memref<80x128xf32, #tpu.memory_space<vmem>>, vector<1x16xf32>,
        %get3A_885 = vector.shape_cast %get3A_884 : vector<1x16xf32> to vector<16xf32>
        %mul3A_886 = arith.mulf %get3A_881, %get3A_885 : vector<16xf32>
        %get3A_887 = arith.index_cast %add3A_818 : i32 to index
        %get3A_888 = arith.constant 64 : index
        %get3A_889 = tpu.vector_load %arg11[%get3A_887, %get3A_888] {strides = array<i32>} : memref<80x128xf32, #tpu.memory_space<vmem>>, vector<1x16xf32>,
        %get3A_890 = vector.shape_cast %get3A_889 : vector<1x16xf32> to vector<16xf32>
        %mul3A_891 = arith.mulf %mul3A_886, %get3A_890 : vector<16xf32>
        %add3A_892 = arith.addf %add3A_877, %mul3A_891 : vector<16xf32>
        %get3A_893 = arith.index_cast %add3A_818 : i32 to index
        %get3A_894 = arith.constant 80 : index
        %get3A_895 = tpu.vector_load %arg10[%get3A_893, %get3A_894] {strides = array<i32>} : memref<80x128xf32, #tpu.memory_space<vmem>>, vector<1x16xf32>,
        %get3A_896 = vector.shape_cast %get3A_895 : vector<1x16xf32> to vector<16xf32>
        %get3A_897 = arith.index_cast %add3A_818 : i32 to index
        %get3A_898 = arith.constant 80 : index
        %get3A_899 = tpu.vector_load %arg12[%get3A_897, %get3A_898] {strides = array<i32>} : memref<80x128xf32, #tpu.memory_space<vmem>>, vector<1x16xf32>,
        %get3A_900 = vector.shape_cast %get3A_899 : vector<1x16xf32> to vector<16xf32>
        %mul3A_901 = arith.mulf %get3A_896, %get3A_900 : vector<16xf32>
        %get3A_902 = arith.index_cast %add3A_818 : i32 to index
        %get3A_903 = arith.constant 80 : index
        %get3A_904 = tpu.vector_load %arg11[%get3A_902, %get3A_903] {strides = array<i32>} : memref<80x128xf32, #tpu.memory_space<vmem>>, vector<1x16xf32>,
        %get3A_905 = vector.shape_cast %get3A_904 : vector<1x16xf32> to vector<16xf32>
        %mul3A_906 = arith.mulf %mul3A_901, %get3A_905 : vector<16xf32>
        %add3A_907 = arith.addf %add3A_892, %mul3A_906 : vector<16xf32>
        %get3A_908 = arith.index_cast %add3A_818 : i32 to index
        %get3A_909 = arith.constant 96 : index
        %get3A_910 = tpu.vector_load %arg10[%get3A_908, %get3A_909] {strides = array<i32>} : memref<80x128xf32, #tpu.memory_space<vmem>>, vector<1x16xf32>,
        %get3A_911 = vector.shape_cast %get3A_910 : vector<1x16xf32> to vector<16xf32>
        %get3A_912 = arith.index_cast %add3A_818 : i32 to index
        %get3A_913 = arith.constant 96 : index
        %get3A_914 = tpu.vector_load %arg12[%get3A_912, %get3A_913] {strides = array<i32>} : memref<80x128xf32, #tpu.memory_space<vmem>>, vector<1x16xf32>,
        %get3A_915 = vector.shape_cast %get3A_914 : vector<1x16xf32> to vector<16xf32>
        %mul3A_916 = arith.mulf %get3A_911, %get3A_915 : vector<16xf32>
        %get3A_917 = arith.index_cast %add3A_818 : i32 to index
        %get3A_918 = arith.constant 96 : index
        %get3A_919 = tpu.vector_load %arg11[%get3A_917, %get3A_918] {strides = array<i32>} : memref<80x128xf32, #tpu.memory_space<vmem>>, vector<1x16xf32>,
        %get3A_920 = vector.shape_cast %get3A_919 : vector<1x16xf32> to vector<16xf32>
        %mul3A_921 = arith.mulf %mul3A_916, %get3A_920 : vector<16xf32>
        %add3A_922 = arith.addf %add3A_907, %mul3A_921 : vector<16xf32>
        %get3A_923 = arith.index_cast %add3A_818 : i32 to index
        %get3A_924 = arith.constant 112 : index
        %get3A_925 = tpu.vector_load %arg10[%get3A_923, %get3A_924] {strides = array<i32>} : memref<80x128xf32, #tpu.memory_space<vmem>>, vector<1x16xf32>,
        %get3A_926 = vector.shape_cast %get3A_925 : vector<1x16xf32> to vector<16xf32>
        %get3A_927 = arith.index_cast %add3A_818 : i32 to index
        %get3A_928 = arith.constant 112 : index
        %get3A_929 = tpu.vector_load %arg12[%get3A_927, %get3A_928] {strides = array<i32>} : memref<80x128xf32, #tpu.memory_space<vmem>>, vector<1x16xf32>,
        %get3A_930 = vector.shape_cast %get3A_929 : vector<1x16xf32> to vector<16xf32>
        %mul3A_931 = arith.mulf %get3A_926, %get3A_930 : vector<16xf32>
        %get3A_932 = arith.index_cast %add3A_818 : i32 to index
        %get3A_933 = arith.constant 112 : index
        %get3A_934 = tpu.vector_load %arg11[%get3A_932, %get3A_933] {strides = array<i32>} : memref<80x128xf32, #tpu.memory_space<vmem>>, vector<1x16xf32>,
        %get3A_935 = vector.shape_cast %get3A_934 : vector<1x16xf32> to vector<16xf32>
        %mul3A_936 = arith.mulf %mul3A_931, %get3A_935 : vector<16xf32>
        %add3A_937 = arith.addf %add3A_922, %mul3A_936 : vector<16xf32>
        %swap3A_938 = arith.index_cast %add3A_818 : i32 to index
        %swap3A_939 = arith.constant 0 : index
        %swap3A_940 = tpu.vector_load %arg13[%swap3A_938, %swap3A_939] {strides = array<i32>} : memref<80x16xf32, #tpu.memory_space<vmem>>, vector<1x16xf32>,
        %swap3A_941 = vector.shape_cast %swap3A_940 : vector<1x16xf32> to vector<16xf32>
        %swap3A_942 = vector.shape_cast %add3A_937 : vector<16xf32> to vector<1x16xf32>
        tpu.vector_store %arg13[%swap3A_938, %swap3A_939], %swap3A_942 {strides = array<i32>} : memref<80x16xf32, #tpu.memory_space<vmem>>, vector<1x16xf32>,
        %add3A_943 = arith.constant 6 : i32
        %add3A_944 = arith.addi %mul3A_188, %add3A_943 : i32
        %get3A_945 = arith.index_cast %add3A_944 : i32 to index
        %get3A_946 = arith.constant 0 : index
        %get3A_947 = tpu.vector_load %arg10[%get3A_945, %get3A_946] {strides = array<i32>} : memref<80x128xf32, #tpu.memory_space<vmem>>, vector<1x16xf32>,
        %get3A_948 = vector.shape_cast %get3A_947 : vector<1x16xf32> to vector<16xf32>
        %get3A_949 = arith.index_cast %add3A_944 : i32 to index
        %get3A_950 = arith.constant 0 : index
        %get3A_951 = tpu.vector_load %arg12[%get3A_949, %get3A_950] {strides = array<i32>} : memref<80x128xf32, #tpu.memory_space<vmem>>, vector<1x16xf32>,
        %get3A_952 = vector.shape_cast %get3A_951 : vector<1x16xf32> to vector<16xf32>
        %mul3A_953 = arith.mulf %get3A_948, %get3A_952 : vector<16xf32>
        %get3A_954 = arith.index_cast %add3A_944 : i32 to index
        %get3A_955 = arith.constant 0 : index
        %get3A_956 = tpu.vector_load %arg11[%get3A_954, %get3A_955] {strides = array<i32>} : memref<80x128xf32, #tpu.memory_space<vmem>>, vector<1x16xf32>,
        %get3A_957 = vector.shape_cast %get3A_956 : vector<1x16xf32> to vector<16xf32>
        %mul3A_958 = arith.mulf %mul3A_953, %get3A_957 : vector<16xf32>
        %get3A_959 = arith.index_cast %add3A_944 : i32 to index
        %get3A_960 = arith.constant 16 : index
        %get3A_961 = tpu.vector_load %arg10[%get3A_959, %get3A_960] {strides = array<i32>} : memref<80x128xf32, #tpu.memory_space<vmem>>, vector<1x16xf32>,
        %get3A_962 = vector.shape_cast %get3A_961 : vector<1x16xf32> to vector<16xf32>
        %get3A_963 = arith.index_cast %add3A_944 : i32 to index
        %get3A_964 = arith.constant 16 : index
        %get3A_965 = tpu.vector_load %arg12[%get3A_963, %get3A_964] {strides = array<i32>} : memref<80x128xf32, #tpu.memory_space<vmem>>, vector<1x16xf32>,
        %get3A_966 = vector.shape_cast %get3A_965 : vector<1x16xf32> to vector<16xf32>
        %mul3A_967 = arith.mulf %get3A_962, %get3A_966 : vector<16xf32>
        %get3A_968 = arith.index_cast %add3A_944 : i32 to index
        %get3A_969 = arith.constant 16 : index
        %get3A_970 = tpu.vector_load %arg11[%get3A_968, %get3A_969] {strides = array<i32>} : memref<80x128xf32, #tpu.memory_space<vmem>>, vector<1x16xf32>,
        %get3A_971 = vector.shape_cast %get3A_970 : vector<1x16xf32> to vector<16xf32>
        %mul3A_972 = arith.mulf %mul3A_967, %get3A_971 : vector<16xf32>
        %add3A_973 = arith.addf %mul3A_958, %mul3A_972 : vector<16xf32>
        %get3A_974 = arith.index_cast %add3A_944 : i32 to index
        %get3A_975 = arith.constant 32 : index
        %get3A_976 = tpu.vector_load %arg10[%get3A_974, %get3A_975] {strides = array<i32>} : memref<80x128xf32, #tpu.memory_space<vmem>>, vector<1x16xf32>,
        %get3A_977 = vector.shape_cast %get3A_976 : vector<1x16xf32> to vector<16xf32>
        %get3A_978 = arith.index_cast %add3A_944 : i32 to index
        %get3A_979 = arith.constant 32 : index
        %get3A_980 = tpu.vector_load %arg12[%get3A_978, %get3A_979] {strides = array<i32>} : memref<80x128xf32, #tpu.memory_space<vmem>>, vector<1x16xf32>,
        %get3A_981 = vector.shape_cast %get3A_980 : vector<1x16xf32> to vector<16xf32>
        %mul3A_982 = arith.mulf %get3A_977, %get3A_981 : vector<16xf32>
        %get3A_983 = arith.index_cast %add3A_944 : i32 to index
        %get3A_984 = arith.constant 32 : index
        %get3A_985 = tpu.vector_load %arg11[%get3A_983, %get3A_984] {strides = array<i32>} : memref<80x128xf32, #tpu.memory_space<vmem>>, vector<1x16xf32>,
        %get3A_986 = vector.shape_cast %get3A_985 : vector<1x16xf32> to vector<16xf32>
        %mul3A_987 = arith.mulf %mul3A_982, %get3A_986 : vector<16xf32>
        %add3A_988 = arith.addf %add3A_973, %mul3A_987 : vector<16xf32>
        %get3A_989 = arith.index_cast %add3A_944 : i32 to index
        %get3A_990 = arith.constant 48 : index
        %get3A_991 = tpu.vector_load %arg10[%get3A_989, %get3A_990] {strides = array<i32>} : memref<80x128xf32, #tpu.memory_space<vmem>>, vector<1x16xf32>,
        %get3A_992 = vector.shape_cast %get3A_991 : vector<1x16xf32> to vector<16xf32>
        %get3A_993 = arith.index_cast %add3A_944 : i32 to index
        %get3A_994 = arith.constant 48 : index
        %get3A_995 = tpu.vector_load %arg12[%get3A_993, %get3A_994] {strides = array<i32>} : memref<80x128xf32, #tpu.memory_space<vmem>>, vector<1x16xf32>,
        %get3A_996 = vector.shape_cast %get3A_995 : vector<1x16xf32> to vector<16xf32>
        %mul3A_997 = arith.mulf %get3A_992, %get3A_996 : vector<16xf32>
        %get3A_998 = arith.index_cast %add3A_944 : i32 to index
        %get3A_999 = arith.constant 48 : index
        %get3A_1000 = tpu.vector_load %arg11[%get3A_998, %get3A_999] {strides = array<i32>} : memref<80x128xf32, #tpu.memory_space<vmem>>, vector<1x16xf32>,
        %get3A_1001 = vector.shape_cast %get3A_1000 : vector<1x16xf32> to vector<16xf32>
        %mul3A_1002 = arith.mulf %mul3A_997, %get3A_1001 : vector<16xf32>
        %add3A_1003 = arith.addf %add3A_988, %mul3A_1002 : vector<16xf32>
        %get3A_1004 = arith.index_cast %add3A_944 : i32 to index
        %get3A_1005 = arith.constant 64 : index
        %get3A_1006 = tpu.vector_load %arg10[%get3A_1004, %get3A_1005] {strides = array<i32>} : memref<80x128xf32, #tpu.memory_space<vmem>>, vector<1x16xf32>,
        %get3A_1007 = vector.shape_cast %get3A_1006 : vector<1x16xf32> to vector<16xf32>
        %get3A_1008 = arith.index_cast %add3A_944 : i32 to index
        %get3A_1009 = arith.constant 64 : index
        %get3A_1010 = tpu.vector_load %arg12[%get3A_1008, %get3A_1009] {strides = array<i32>} : memref<80x128xf32, #tpu.memory_space<vmem>>, vector<1x16xf32>,
        %get3A_1011 = vector.shape_cast %get3A_1010 : vector<1x16xf32> to vector<16xf32>
        %mul3A_1012 = arith.mulf %get3A_1007, %get3A_1011 : vector<16xf32>
        %get3A_1013 = arith.index_cast %add3A_944 : i32 to index
        %get3A_1014 = arith.constant 64 : index
        %get3A_1015 = tpu.vector_load %arg11[%get3A_1013, %get3A_1014] {strides = array<i32>} : memref<80x128xf32, #tpu.memory_space<vmem>>, vector<1x16xf32>,
        %get3A_1016 = vector.shape_cast %get3A_1015 : vector<1x16xf32> to vector<16xf32>
        %mul3A_1017 = arith.mulf %mul3A_1012, %get3A_1016 : vector<16xf32>
        %add3A_1018 = arith.addf %add3A_1003, %mul3A_1017 : vector<16xf32>
        %get3A_1019 = arith.index_cast %add3A_944 : i32 to index
        %get3A_1020 = arith.constant 80 : index
        %get3A_1021 = tpu.vector_load %arg10[%get3A_1019, %get3A_1020] {strides = array<i32>} : memref<80x128xf32, #tpu.memory_space<vmem>>, vector<1x16xf32>,
        %get3A_1022 = vector.shape_cast %get3A_1021 : vector<1x16xf32> to vector<16xf32>
        %get3A_1023 = arith.index_cast %add3A_944 : i32 to index
        %get3A_1024 = arith.constant 80 : index
        %get3A_1025 = tpu.vector_load %arg12[%get3A_1023, %get3A_1024] {strides = array<i32>} : memref<80x128xf32, #tpu.memory_space<vmem>>, vector<1x16xf32>,
        %get3A_1026 = vector.shape_cast %get3A_1025 : vector<1x16xf32> to vector<16xf32>
        %mul3A_1027 = arith.mulf %get3A_1022, %get3A_1026 : vector<16xf32>
        %get3A_1028 = arith.index_cast %add3A_944 : i32 to index
        %get3A_1029 = arith.constant 80 : index
        %get3A_1030 = tpu.vector_load %arg11[%get3A_1028, %get3A_1029] {strides = array<i32>} : memref<80x128xf32, #tpu.memory_space<vmem>>, vector<1x16xf32>,
        %get3A_1031 = vector.shape_cast %get3A_1030 : vector<1x16xf32> to vector<16xf32>
        %mul3A_1032 = arith.mulf %mul3A_1027, %get3A_1031 : vector<16xf32>
        %add3A_1033 = arith.addf %add3A_1018, %mul3A_1032 : vector<16xf32>
        %get3A_1034 = arith.index_cast %add3A_944 : i32 to index
        %get3A_1035 = arith.constant 96 : index
        %get3A_1036 = tpu.vector_load %arg10[%get3A_1034, %get3A_1035] {strides = array<i32>} : memref<80x128xf32, #tpu.memory_space<vmem>>, vector<1x16xf32>,
        %get3A_1037 = vector.shape_cast %get3A_1036 : vector<1x16xf32> to vector<16xf32>
        %get3A_1038 = arith.index_cast %add3A_944 : i32 to index
        %get3A_1039 = arith.constant 96 : index
        %get3A_1040 = tpu.vector_load %arg12[%get3A_1038, %get3A_1039] {strides = array<i32>} : memref<80x128xf32, #tpu.memory_space<vmem>>, vector<1x16xf32>,
        %get3A_1041 = vector.shape_cast %get3A_1040 : vector<1x16xf32> to vector<16xf32>
        %mul3A_1042 = arith.mulf %get3A_1037, %get3A_1041 : vector<16xf32>
        %get3A_1043 = arith.index_cast %add3A_944 : i32 to index
        %get3A_1044 = arith.constant 96 : index
        %get3A_1045 = tpu.vector_load %arg11[%get3A_1043, %get3A_1044] {strides = array<i32>} : memref<80x128xf32, #tpu.memory_space<vmem>>, vector<1x16xf32>,
        %get3A_1046 = vector.shape_cast %get3A_1045 : vector<1x16xf32> to vector<16xf32>
        %mul3A_1047 = arith.mulf %mul3A_1042, %get3A_1046 : vector<16xf32>
        %add3A_1048 = arith.addf %add3A_1033, %mul3A_1047 : vector<16xf32>
        %get3A_1049 = arith.index_cast %add3A_944 : i32 to index
        %get3A_1050 = arith.constant 112 : index
        %get3A_1051 = tpu.vector_load %arg10[%get3A_1049, %get3A_1050] {strides = array<i32>} : memref<80x128xf32, #tpu.memory_space<vmem>>, vector<1x16xf32>,
        %get3A_1052 = vector.shape_cast %get3A_1051 : vector<1x16xf32> to vector<16xf32>
        %get3A_1053 = arith.index_cast %add3A_944 : i32 to index
        %get3A_1054 = arith.constant 112 : index
        %get3A_1055 = tpu.vector_load %arg12[%get3A_1053, %get3A_1054] {strides = array<i32>} : memref<80x128xf32, #tpu.memory_space<vmem>>, vector<1x16xf32>,
        %get3A_1056 = vector.shape_cast %get3A_1055 : vector<1x16xf32> to vector<16xf32>
        %mul3A_1057 = arith.mulf %get3A_1052, %get3A_1056 : vector<16xf32>
        %get3A_1058 = arith.index_cast %add3A_944 : i32 to index
        %get3A_1059 = arith.constant 112 : index
        %get3A_1060 = tpu.vector_load %arg11[%get3A_1058, %get3A_1059] {strides = array<i32>} : memref<80x128xf32, #tpu.memory_space<vmem>>, vector<1x16xf32>,
        %get3A_1061 = vector.shape_cast %get3A_1060 : vector<1x16xf32> to vector<16xf32>
        %mul3A_1062 = arith.mulf %mul3A_1057, %get3A_1061 : vector<16xf32>
        %add3A_1063 = arith.addf %add3A_1048, %mul3A_1062 : vector<16xf32>
        %swap3A_1064 = arith.index_cast %add3A_944 : i32 to index
        %swap3A_1065 = arith.constant 0 : index
        %swap3A_1066 = tpu.vector_load %arg13[%swap3A_1064, %swap3A_1065] {strides = array<i32>} : memref<80x16xf32, #tpu.memory_space<vmem>>, vector<1x16xf32>,
        %swap3A_1067 = vector.shape_cast %swap3A_1066 : vector<1x16xf32> to vector<16xf32>
        %swap3A_1068 = vector.shape_cast %add3A_1063 : vector<16xf32> to vector<1x16xf32>
        tpu.vector_store %arg13[%swap3A_1064, %swap3A_1065], %swap3A_1068 {strides = array<i32>} : memref<80x16xf32, #tpu.memory_space<vmem>>, vector<1x16xf32>,
        %add3A_1069 = arith.constant 7 : i32
        %add3A_1070 = arith.addi %mul3A_188, %add3A_1069 : i32
        %get3A_1071 = arith.index_cast %add3A_1070 : i32 to index
        %get3A_1072 = arith.constant 0 : index
        %get3A_1073 = tpu.vector_load %arg10[%get3A_1071, %get3A_1072] {strides = array<i32>} : memref<80x128xf32, #tpu.memory_space<vmem>>, vector<1x16xf32>,
        %get3A_1074 = vector.shape_cast %get3A_1073 : vector<1x16xf32> to vector<16xf32>
        %get3A_1075 = arith.index_cast %add3A_1070 : i32 to index
        %get3A_1076 = arith.constant 0 : index
        %get3A_1077 = tpu.vector_load %arg12[%get3A_1075, %get3A_1076] {strides = array<i32>} : memref<80x128xf32, #tpu.memory_space<vmem>>, vector<1x16xf32>,
        %get3A_1078 = vector.shape_cast %get3A_1077 : vector<1x16xf32> to vector<16xf32>
        %mul3A_1079 = arith.mulf %get3A_1074, %get3A_1078 : vector<16xf32>
        %get3A_1080 = arith.index_cast %add3A_1070 : i32 to index
        %get3A_1081 = arith.constant 0 : index
        %get3A_1082 = tpu.vector_load %arg11[%get3A_1080, %get3A_1081] {strides = array<i32>} : memref<80x128xf32, #tpu.memory_space<vmem>>, vector<1x16xf32>,
        %get3A_1083 = vector.shape_cast %get3A_1082 : vector<1x16xf32> to vector<16xf32>
        %mul3A_1084 = arith.mulf %mul3A_1079, %get3A_1083 : vector<16xf32>
        %get3A_1085 = arith.index_cast %add3A_1070 : i32 to index
        %get3A_1086 = arith.constant 16 : index
        %get3A_1087 = tpu.vector_load %arg10[%get3A_1085, %get3A_1086] {strides = array<i32>} : memref<80x128xf32, #tpu.memory_space<vmem>>, vector<1x16xf32>,
        %get3A_1088 = vector.shape_cast %get3A_1087 : vector<1x16xf32> to vector<16xf32>
        %get3A_1089 = arith.index_cast %add3A_1070 : i32 to index
        %get3A_1090 = arith.constant 16 : index
        %get3A_1091 = tpu.vector_load %arg12[%get3A_1089, %get3A_1090] {strides = array<i32>} : memref<80x128xf32, #tpu.memory_space<vmem>>, vector<1x16xf32>,
        %get3A_1092 = vector.shape_cast %get3A_1091 : vector<1x16xf32> to vector<16xf32>
        %mul3A_1093 = arith.mulf %get3A_1088, %get3A_1092 : vector<16xf32>
        %get3A_1094 = arith.index_cast %add3A_1070 : i32 to index
        %get3A_1095 = arith.constant 16 : index
        %get3A_1096 = tpu.vector_load %arg11[%get3A_1094, %get3A_1095] {strides = array<i32>} : memref<80x128xf32, #tpu.memory_space<vmem>>, vector<1x16xf32>,
        %get3A_1097 = vector.shape_cast %get3A_1096 : vector<1x16xf32> to vector<16xf32>
        %mul3A_1098 = arith.mulf %mul3A_1093, %get3A_1097 : vector<16xf32>
        %add3A_1099 = arith.addf %mul3A_1084, %mul3A_1098 : vector<16xf32>
        %get3A_1100 = arith.index_cast %add3A_1070 : i32 to index
        %get3A_1101 = arith.constant 32 : index
        %get3A_1102 = tpu.vector_load %arg10[%get3A_1100, %get3A_1101] {strides = array<i32>} : memref<80x128xf32, #tpu.memory_space<vmem>>, vector<1x16xf32>,
        %get3A_1103 = vector.shape_cast %get3A_1102 : vector<1x16xf32> to vector<16xf32>
        %get3A_1104 = arith.index_cast %add3A_1070 : i32 to index
        %get3A_1105 = arith.constant 32 : index
        %get3A_1106 = tpu.vector_load %arg12[%get3A_1104, %get3A_1105] {strides = array<i32>} : memref<80x128xf32, #tpu.memory_space<vmem>>, vector<1x16xf32>,
        %get3A_1107 = vector.shape_cast %get3A_1106 : vector<1x16xf32> to vector<16xf32>
        %mul3A_1108 = arith.mulf %get3A_1103, %get3A_1107 : vector<16xf32>
        %get3A_1109 = arith.index_cast %add3A_1070 : i32 to index
        %get3A_1110 = arith.constant 32 : index
        %get3A_1111 = tpu.vector_load %arg11[%get3A_1109, %get3A_1110] {strides = array<i32>} : memref<80x128xf32, #tpu.memory_space<vmem>>, vector<1x16xf32>,
        %get3A_1112 = vector.shape_cast %get3A_1111 : vector<1x16xf32> to vector<16xf32>
        %mul3A_1113 = arith.mulf %mul3A_1108, %get3A_1112 : vector<16xf32>
        %add3A_1114 = arith.addf %add3A_1099, %mul3A_1113 : vector<16xf32>
        %get3A_1115 = arith.index_cast %add3A_1070 : i32 to index
        %get3A_1116 = arith.constant 48 : index
        %get3A_1117 = tpu.vector_load %arg10[%get3A_1115, %get3A_1116] {strides = array<i32>} : memref<80x128xf32, #tpu.memory_space<vmem>>, vector<1x16xf32>,
        %get3A_1118 = vector.shape_cast %get3A_1117 : vector<1x16xf32> to vector<16xf32>
        %get3A_1119 = arith.index_cast %add3A_1070 : i32 to index
        %get3A_1120 = arith.constant 48 : index
        %get3A_1121 = tpu.vector_load %arg12[%get3A_1119, %get3A_1120] {strides = array<i32>} : memref<80x128xf32, #tpu.memory_space<vmem>>, vector<1x16xf32>,
        %get3A_1122 = vector.shape_cast %get3A_1121 : vector<1x16xf32> to vector<16xf32>
        %mul3A_1123 = arith.mulf %get3A_1118, %get3A_1122 : vector<16xf32>
        %get3A_1124 = arith.index_cast %add3A_1070 : i32 to index
        %get3A_1125 = arith.constant 48 : index
        %get3A_1126 = tpu.vector_load %arg11[%get3A_1124, %get3A_1125] {strides = array<i32>} : memref<80x128xf32, #tpu.memory_space<vmem>>, vector<1x16xf32>,
        %get3A_1127 = vector.shape_cast %get3A_1126 : vector<1x16xf32> to vector<16xf32>
        %mul3A_1128 = arith.mulf %mul3A_1123, %get3A_1127 : vector<16xf32>
        %add3A_1129 = arith.addf %add3A_1114, %mul3A_1128 : vector<16xf32>
        %get3A_1130 = arith.index_cast %add3A_1070 : i32 to index
        %get3A_1131 = arith.constant 64 : index
        %get3A_1132 = tpu.vector_load %arg10[%get3A_1130, %get3A_1131] {strides = array<i32>} : memref<80x128xf32, #tpu.memory_space<vmem>>, vector<1x16xf32>,
        %get3A_1133 = vector.shape_cast %get3A_1132 : vector<1x16xf32> to vector<16xf32>
        %get3A_1134 = arith.index_cast %add3A_1070 : i32 to index
        %get3A_1135 = arith.constant 64 : index
        %get3A_1136 = tpu.vector_load %arg12[%get3A_1134, %get3A_1135] {strides = array<i32>} : memref<80x128xf32, #tpu.memory_space<vmem>>, vector<1x16xf32>,
        %get3A_1137 = vector.shape_cast %get3A_1136 : vector<1x16xf32> to vector<16xf32>
        %mul3A_1138 = arith.mulf %get3A_1133, %get3A_1137 : vector<16xf32>
        %get3A_1139 = arith.index_cast %add3A_1070 : i32 to index
        %get3A_1140 = arith.constant 64 : index
        %get3A_1141 = tpu.vector_load %arg11[%get3A_1139, %get3A_1140] {strides = array<i32>} : memref<80x128xf32, #tpu.memory_space<vmem>>, vector<1x16xf32>,
        %get3A_1142 = vector.shape_cast %get3A_1141 : vector<1x16xf32> to vector<16xf32>
        %mul3A_1143 = arith.mulf %mul3A_1138, %get3A_1142 : vector<16xf32>
        %add3A_1144 = arith.addf %add3A_1129, %mul3A_1143 : vector<16xf32>
        %get3A_1145 = arith.index_cast %add3A_1070 : i32 to index
        %get3A_1146 = arith.constant 80 : index
        %get3A_1147 = tpu.vector_load %arg10[%get3A_1145, %get3A_1146] {strides = array<i32>} : memref<80x128xf32, #tpu.memory_space<vmem>>, vector<1x16xf32>,
        %get3A_1148 = vector.shape_cast %get3A_1147 : vector<1x16xf32> to vector<16xf32>
        %get3A_1149 = arith.index_cast %add3A_1070 : i32 to index
        %get3A_1150 = arith.constant 80 : index
        %get3A_1151 = tpu.vector_load %arg12[%get3A_1149, %get3A_1150] {strides = array<i32>} : memref<80x128xf32, #tpu.memory_space<vmem>>, vector<1x16xf32>,
        %get3A_1152 = vector.shape_cast %get3A_1151 : vector<1x16xf32> to vector<16xf32>
        %mul3A_1153 = arith.mulf %get3A_1148, %get3A_1152 : vector<16xf32>
        %get3A_1154 = arith.index_cast %add3A_1070 : i32 to index
        %get3A_1155 = arith.constant 80 : index
        %get3A_1156 = tpu.vector_load %arg11[%get3A_1154, %get3A_1155] {strides = array<i32>} : memref<80x128xf32, #tpu.memory_space<vmem>>, vector<1x16xf32>,
        %get3A_1157 = vector.shape_cast %get3A_1156 : vector<1x16xf32> to vector<16xf32>
        %mul3A_1158 = arith.mulf %mul3A_1153, %get3A_1157 : vector<16xf32>
        %add3A_1159 = arith.addf %add3A_1144, %mul3A_1158 : vector<16xf32>
        %get3A_1160 = arith.index_cast %add3A_1070 : i32 to index
        %get3A_1161 = arith.constant 96 : index
        %get3A_1162 = tpu.vector_load %arg10[%get3A_1160, %get3A_1161] {strides = array<i32>} : memref<80x128xf32, #tpu.memory_space<vmem>>, vector<1x16xf32>,
        %get3A_1163 = vector.shape_cast %get3A_1162 : vector<1x16xf32> to vector<16xf32>
        %get3A_1164 = arith.index_cast %add3A_1070 : i32 to index
        %get3A_1165 = arith.constant 96 : index
        %get3A_1166 = tpu.vector_load %arg12[%get3A_1164, %get3A_1165] {strides = array<i32>} : memref<80x128xf32, #tpu.memory_space<vmem>>, vector<1x16xf32>,
        %get3A_1167 = vector.shape_cast %get3A_1166 : vector<1x16xf32> to vector<16xf32>
        %mul3A_1168 = arith.mulf %get3A_1163, %get3A_1167 : vector<16xf32>
        %get3A_1169 = arith.index_cast %add3A_1070 : i32 to index
        %get3A_1170 = arith.constant 96 : index
        %get3A_1171 = tpu.vector_load %arg11[%get3A_1169, %get3A_1170] {strides = array<i32>} : memref<80x128xf32, #tpu.memory_space<vmem>>, vector<1x16xf32>,
        %get3A_1172 = vector.shape_cast %get3A_1171 : vector<1x16xf32> to vector<16xf32>
        %mul3A_1173 = arith.mulf %mul3A_1168, %get3A_1172 : vector<16xf32>
        %add3A_1174 = arith.addf %add3A_1159, %mul3A_1173 : vector<16xf32>
        %get3A_1175 = arith.index_cast %add3A_1070 : i32 to index
        %get3A_1176 = arith.constant 112 : index
        %get3A_1177 = tpu.vector_load %arg10[%get3A_1175, %get3A_1176] {strides = array<i32>} : memref<80x128xf32, #tpu.memory_space<vmem>>, vector<1x16xf32>,
        %get3A_1178 = vector.shape_cast %get3A_1177 : vector<1x16xf32> to vector<16xf32>
        %get3A_1179 = arith.index_cast %add3A_1070 : i32 to index
        %get3A_1180 = arith.constant 112 : index
        %get3A_1181 = tpu.vector_load %arg12[%get3A_1179, %get3A_1180] {strides = array<i32>} : memref<80x128xf32, #tpu.memory_space<vmem>>, vector<1x16xf32>,
        %get3A_1182 = vector.shape_cast %get3A_1181 : vector<1x16xf32> to vector<16xf32>
        %mul3A_1183 = arith.mulf %get3A_1178, %get3A_1182 : vector<16xf32>
        %get3A_1184 = arith.index_cast %add3A_1070 : i32 to index
        %get3A_1185 = arith.constant 112 : index
        %get3A_1186 = tpu.vector_load %arg11[%get3A_1184, %get3A_1185] {strides = array<i32>} : memref<80x128xf32, #tpu.memory_space<vmem>>, vector<1x16xf32>,
        %get3A_1187 = vector.shape_cast %get3A_1186 : vector<1x16xf32> to vector<16xf32>
        %mul3A_1188 = arith.mulf %mul3A_1183, %get3A_1187 : vector<16xf32>
        %add3A_1189 = arith.addf %add3A_1174, %mul3A_1188 : vector<16xf32>
        %swap3A_1190 = arith.index_cast %add3A_1070 : i32 to index
        %swap3A_1191 = arith.constant 0 : index
        %swap3A_1192 = tpu.vector_load %arg13[%swap3A_1190, %swap3A_1191] {strides = array<i32>} : memref<80x16xf32, #tpu.memory_space<vmem>>, vector<1x16xf32>,
        %swap3A_1193 = vector.shape_cast %swap3A_1192 : vector<1x16xf32> to vector<16xf32>
        %swap3A_1194 = vector.shape_cast %add3A_1189 : vector<16xf32> to vector<1x16xf32>
        tpu.vector_store %arg13[%swap3A_1190, %swap3A_1191], %swap3A_1194 {strides = array<i32>} : memref<80x16xf32, #tpu.memory_space<vmem>>, vector<1x16xf32>,
      }
      %scan3A_124 = arith.constant 10 : i32
      %mul3A_125 = arith.constant 80 : i32
      %mul3A_126 = arith.muli %mul3A_81, %mul3A_125 : i32
      %add3A_127 = arith.addi %mul3A_2, %mul3A_126 : i32
      %dma_start3A_128 = arith.constant 0 : i32
      %dma_start3A_129 = tpu.memref_slice %arg6[%add3A_127, %dma_start3A_128] : memref<320000x16xf32, #tpu.memory_space<hbm>> -> memref<80x16xf32, #tpu.memory_space<hbm>>
      %dma_start3A_130 = arith.constant 0 : i32
      %dma_start3A_131 = tpu.memref_slice %arg6[%add3A_127, %dma_start3A_130] : memref<320000x16xf32, #tpu.memory_space<hbm>> -> memref<80x16xf32, #tpu.memory_space<hbm>>
      tpu.enqueue_dma source(%arg13 : memref<80x16xf32, #tpu.memory_space<vmem>>) target(%dma_start3A_131 : memref<80x16xf32, #tpu.memory_space<hbm>>) target_semaphore(%arg20 : memref<!tpu.dma_semaphore, #tpu.memory_space<semaphore_mem>>)
      %mul3A_132 = arith.constant 2 : i32
      %mul3A_133 = arith.muli %mul3A_132, %scan3A_79 : i32
      %add3A_134 = arith.constant 1 : i32
      %add3A_135 = arith.addi %mul3A_133, %add3A_134 : i32
      %mul3A_136 = arith.constant 80 : i32
      %mul3A_137 = arith.muli %add3A_135, %mul3A_136 : i32
      %dma_wait3A_138 = tpu.memref_slice %arg7[%mul3A_137] : memref<10000xi32, #tpu.memory_space<vmem>> -> memref<80xi32, #tpu.memory_space<vmem>>
      %dma_wait3A_139 = arith.constant 0 : i32
      %dma_wait3A_140 = arith.constant 0 : i32
      %dma_wait3A_141 = tpu.memref_slice %arg2[%dma_wait3A_139, %dma_wait3A_140] : memref<10000x128xf32, #tpu.memory_space<hbm>> -> memref<10000x128xf32, #tpu.memory_space<hbm>>
      tpu.wait_indirect_dma semaphore(%arg19 : memref<!tpu.dma_semaphore, #tpu.memory_space<semaphore_mem>>) src(%dma_wait3A_141 : memref<10000x128xf32, #tpu.memory_space<hbm>>) dst(%arg14 : memref<80x128xf32, #tpu.memory_space<vmem>>)
      %dma_wait3A_142 = tpu.memref_slice %arg8[%mul3A_137] : memref<10000xi32, #tpu.memory_space<vmem>> -> memref<80xi32, #tpu.memory_space<vmem>>
      %dma_wait3A_143 = arith.constant 0 : i32
      %dma_wait3A_144 = arith.constant 0 : i32
      %dma_wait3A_145 = tpu.memref_slice %arg2[%dma_wait3A_143, %dma_wait3A_144] : memref<10000x128xf32, #tpu.memory_space<hbm>> -> memref<10000x128xf32, #tpu.memory_space<hbm>>
      tpu.wait_indirect_dma semaphore(%arg19 : memref<!tpu.dma_semaphore, #tpu.memory_space<semaphore_mem>>) src(%dma_wait3A_145 : memref<10000x128xf32, #tpu.memory_space<hbm>>) dst(%arg15 : memref<80x128xf32, #tpu.memory_space<vmem>>)
      %dma_wait3A_146 = tpu.memref_slice %arg9[%mul3A_137] : memref<10000xi32, #tpu.memory_space<vmem>> -> memref<80xi32, #tpu.memory_space<vmem>>
      %dma_wait3A_147 = arith.constant 0 : i32
      %dma_wait3A_148 = arith.constant 0 : i32
      %dma_wait3A_149 = tpu.memref_slice %arg5[%dma_wait3A_147, %dma_wait3A_148] : memref<1000x128xf32, #tpu.memory_space<hbm>> -> memref<1000x128xf32, #tpu.memory_space<hbm>>
      tpu.wait_indirect_dma semaphore(%arg19 : memref<!tpu.dma_semaphore, #tpu.memory_space<semaphore_mem>>) src(%dma_wait3A_149 : memref<1000x128xf32, #tpu.memory_space<hbm>>) dst(%arg16 : memref<80x128xf32, #tpu.memory_space<vmem>>)
      %add3A_150 = arith.constant 1 : i32
      %add3A_151 = arith.addi %add3A_135, %add3A_150 : i32
      %mul3A_152 = arith.constant 80 : i32
      %mul3A_153 = arith.muli %add3A_151, %mul3A_152 : i32
      %dma_start3A_154 = tpu.memref_slice %arg7[%mul3A_153] : memref<10000xi32, #tpu.memory_space<vmem>> -> memref<80xi32, #tpu.memory_space<vmem>>
      %dma_start3A_155 = arith.constant 0 : i32
      %dma_start3A_156 = arith.constant 0 : i32
      %dma_start3A_157 = tpu.memref_slice %arg2[%dma_start3A_155, %dma_start3A_156] : memref<10000x128xf32, #tpu.memory_space<hbm>> -> memref<10000x128xf32, #tpu.memory_space<hbm>>
      tpu.enqueue_indirect_dma source(%dma_start3A_157 : memref<10000x128xf32, #tpu.memory_space<hbm>>) target(%arg10 : memref<80x128xf32, #tpu.memory_space<vmem>>) offsets(%dma_start3A_154 : memref<80xi32, #tpu.memory_space<vmem>>) semaphore(%arg18 : memref<!tpu.dma_semaphore, #tpu.memory_space<semaphore_mem>>)
      %dma_start3A_158 = tpu.memref_slice %arg8[%mul3A_153] : memref<10000xi32, #tpu.memory_space<vmem>> -> memref<80xi32, #tpu.memory_space<vmem>>
      %dma_start3A_159 = arith.constant 0 : i32
      %dma_start3A_160 = arith.constant 0 : i32
      %dma_start3A_161 = tpu.memref_slice %arg2[%dma_start3A_159, %dma_start3A_160] : memref<10000x128xf32, #tpu.memory_space<hbm>> -> memref<10000x128xf32, #tpu.memory_space<hbm>>
      tpu.enqueue_indirect_dma source(%dma_start3A_161 : memref<10000x128xf32, #tpu.memory_space<hbm>>) target(%arg11 : memref<80x128xf32, #tpu.memory_space<vmem>>) offsets(%dma_start3A_158 : memref<80xi32, #tpu.memory_space<vmem>>) semaphore(%arg18 : memref<!tpu.dma_semaphore, #tpu.memory_space<semaphore_mem>>)
      %dma_start3A_162 = tpu.memref_slice %arg9[%mul3A_153] : memref<10000xi32, #tpu.memory_space<vmem>> -> memref<80xi32, #tpu.memory_space<vmem>>
      %dma_start3A_163 = arith.constant 0 : i32
      %dma_start3A_164 = arith.constant 0 : i32
      %dma_start3A_165 = tpu.memref_slice %arg5[%dma_start3A_163, %dma_start3A_164] : memref<1000x128xf32, #tpu.memory_space<hbm>> -> memref<1000x128xf32, #tpu.memory_space<hbm>>
      tpu.enqueue_indirect_dma source(%dma_start3A_165 : memref<1000x128xf32, #tpu.memory_space<hbm>>) target(%arg12 : memref<80x128xf32, #tpu.memory_space<vmem>>) offsets(%dma_start3A_162 : memref<80xi32, #tpu.memory_space<vmem>>) semaphore(%arg18 : memref<!tpu.dma_semaphore, #tpu.memory_space<semaphore_mem>>)
      %mul3A_166 = arith.constant 80 : i32
      %mul3A_167 = arith.muli %add3A_135, %mul3A_166 : i32
      %add3A_168 = arith.addi %mul3A_2, %mul3A_167 : i32
      %dma_wait3A_169 = arith.constant 0 : i32
      %dma_wait3A_170 = tpu.memref_slice %arg6[%add3A_168, %dma_wait3A_169] : memref<320000x16xf32, #tpu.memory_space<hbm>> -> memref<80x16xf32, #tpu.memory_space<hbm>>
      %dma_wait3A_171 = arith.constant 0 : i32
      %dma_wait3A_172 = tpu.memref_slice %arg6[%add3A_168, %dma_wait3A_171] : memref<320000x16xf32, #tpu.memory_space<hbm>> -> memref<80x16xf32, #tpu.memory_space<hbm>>
      tpu.wait_dma2 semaphore(%arg21 : memref<!tpu.dma_semaphore, #tpu.memory_space<semaphore_mem>>) src(%arg17 : memref<80x16xf32, #tpu.memory_space<vmem>>) dst(%dma_wait3A_172 : memref<80x16xf32, #tpu.memory_space<hbm>>)
      %scan3A_173 = arith.constant 0 : i32
      %scan3A_174 = arith.constant 0 : i32
      %scan3A_175 = arith.constant 10 : i32
      %scan3A_176 = arith.addi %scan3A_174, %scan3A_175 : i32
      %scan3A_177 = arith.constant 1 : i32
      scf.for %scan3A_186 = %scan3A_174 to %scan3A_176 step %scan3A_177  : i32 {
        %mul3A_187 = arith.constant 8 : i32
        %mul3A_188 = arith.muli %scan3A_186, %mul3A_187 : i32
        %add3A_189 = arith.constant 0 : i32
        %add3A_190 = arith.addi %mul3A_188, %add3A_189 : i32
        %get3A = arith.index_cast %add3A_190 : i32 to index
        %get3A_191 = arith.constant 0 : index
        %get3A_192 = tpu.vector_load %arg14[%get3A, %get3A_191] {strides = array<i32>} : memref<80x128xf32, #tpu.memory_space<vmem>>, vector<1x16xf32>,
        %get3A_193 = vector.shape_cast %get3A_192 : vector<1x16xf32> to vector<16xf32>
        %get3A_194 = arith.index_cast %add3A_190 : i32 to index
        %get3A_195 = arith.constant 0 : index
        %get3A_196 = tpu.vector_load %arg16[%get3A_194, %get3A_195] {strides = array<i32>} : memref<80x128xf32, #tpu.memory_space<vmem>>, vector<1x16xf32>,
        %get3A_197 = vector.shape_cast %get3A_196 : vector<1x16xf32> to vector<16xf32>
        %mul3A_198 = arith.mulf %get3A_193, %get3A_197 : vector<16xf32>
        %get3A_199 = arith.index_cast %add3A_190 : i32 to index
        %get3A_200 = arith.constant 0 : index
        %get3A_201 = tpu.vector_load %arg15[%get3A_199, %get3A_200] {strides = array<i32>} : memref<80x128xf32, #tpu.memory_space<vmem>>, vector<1x16xf32>,
        %get3A_202 = vector.shape_cast %get3A_201 : vector<1x16xf32> to vector<16xf32>
        %mul3A_203 = arith.mulf %mul3A_198, %get3A_202 : vector<16xf32>
        %get3A_204 = arith.index_cast %add3A_190 : i32 to index
        %get3A_205 = arith.constant 16 : index
        %get3A_206 = tpu.vector_load %arg14[%get3A_204, %get3A_205] {strides = array<i32>} : memref<80x128xf32, #tpu.memory_space<vmem>>, vector<1x16xf32>,
        %get3A_207 = vector.shape_cast %get3A_206 : vector<1x16xf32> to vector<16xf32>
        %get3A_208 = arith.index_cast %add3A_190 : i32 to index
        %get3A_209 = arith.constant 16 : index
        %get3A_210 = tpu.vector_load %arg16[%get3A_208, %get3A_209] {strides = array<i32>} : memref<80x128xf32, #tpu.memory_space<vmem>>, vector<1x16xf32>,
        %get3A_211 = vector.shape_cast %get3A_210 : vector<1x16xf32> to vector<16xf32>
        %mul3A_212 = arith.mulf %get3A_207, %get3A_211 : vector<16xf32>
        %get3A_213 = arith.index_cast %add3A_190 : i32 to index
        %get3A_214 = arith.constant 16 : index
        %get3A_215 = tpu.vector_load %arg15[%get3A_213, %get3A_214] {strides = array<i32>} : memref<80x128xf32, #tpu.memory_space<vmem>>, vector<1x16xf32>,
        %get3A_216 = vector.shape_cast %get3A_215 : vector<1x16xf32> to vector<16xf32>
        %mul3A_217 = arith.mulf %mul3A_212, %get3A_216 : vector<16xf32>
        %add3A_218 = arith.addf %mul3A_203, %mul3A_217 : vector<16xf32>
        %get3A_219 = arith.index_cast %add3A_190 : i32 to index
        %get3A_220 = arith.constant 32 : index
        %get3A_221 = tpu.vector_load %arg14[%get3A_219, %get3A_220] {strides = array<i32>} : memref<80x128xf32, #tpu.memory_space<vmem>>, vector<1x16xf32>,
        %get3A_222 = vector.shape_cast %get3A_221 : vector<1x16xf32> to vector<16xf32>
        %get3A_223 = arith.index_cast %add3A_190 : i32 to index
        %get3A_224 = arith.constant 32 : index
        %get3A_225 = tpu.vector_load %arg16[%get3A_223, %get3A_224] {strides = array<i32>} : memref<80x128xf32, #tpu.memory_space<vmem>>, vector<1x16xf32>,
        %get3A_226 = vector.shape_cast %get3A_225 : vector<1x16xf32> to vector<16xf32>
        %mul3A_227 = arith.mulf %get3A_222, %get3A_226 : vector<16xf32>
        %get3A_228 = arith.index_cast %add3A_190 : i32 to index
        %get3A_229 = arith.constant 32 : index
        %get3A_230 = tpu.vector_load %arg15[%get3A_228, %get3A_229] {strides = array<i32>} : memref<80x128xf32, #tpu.memory_space<vmem>>, vector<1x16xf32>,
        %get3A_231 = vector.shape_cast %get3A_230 : vector<1x16xf32> to vector<16xf32>
        %mul3A_232 = arith.mulf %mul3A_227, %get3A_231 : vector<16xf32>
        %add3A_233 = arith.addf %add3A_218, %mul3A_232 : vector<16xf32>
        %get3A_234 = arith.index_cast %add3A_190 : i32 to index
        %get3A_235 = arith.constant 48 : index
        %get3A_236 = tpu.vector_load %arg14[%get3A_234, %get3A_235] {strides = array<i32>} : memref<80x128xf32, #tpu.memory_space<vmem>>, vector<1x16xf32>,
        %get3A_237 = vector.shape_cast %get3A_236 : vector<1x16xf32> to vector<16xf32>
        %get3A_238 = arith.index_cast %add3A_190 : i32 to index
        %get3A_239 = arith.constant 48 : index
        %get3A_240 = tpu.vector_load %arg16[%get3A_238, %get3A_239] {strides = array<i32>} : memref<80x128xf32, #tpu.memory_space<vmem>>, vector<1x16xf32>,
        %get3A_241 = vector.shape_cast %get3A_240 : vector<1x16xf32> to vector<16xf32>
        %mul3A_242 = arith.mulf %get3A_237, %get3A_241 : vector<16xf32>
        %get3A_243 = arith.index_cast %add3A_190 : i32 to index
        %get3A_244 = arith.constant 48 : index
        %get3A_245 = tpu.vector_load %arg15[%get3A_243, %get3A_244] {strides = array<i32>} : memref<80x128xf32, #tpu.memory_space<vmem>>, vector<1x16xf32>,
        %get3A_246 = vector.shape_cast %get3A_245 : vector<1x16xf32> to vector<16xf32>
        %mul3A_247 = arith.mulf %mul3A_242, %get3A_246 : vector<16xf32>
        %add3A_248 = arith.addf %add3A_233, %mul3A_247 : vector<16xf32>
        %get3A_249 = arith.index_cast %add3A_190 : i32 to index
        %get3A_250 = arith.constant 64 : index
        %get3A_251 = tpu.vector_load %arg14[%get3A_249, %get3A_250] {strides = array<i32>} : memref<80x128xf32, #tpu.memory_space<vmem>>, vector<1x16xf32>,
        %get3A_252 = vector.shape_cast %get3A_251 : vector<1x16xf32> to vector<16xf32>
        %get3A_253 = arith.index_cast %add3A_190 : i32 to index
        %get3A_254 = arith.constant 64 : index
        %get3A_255 = tpu.vector_load %arg16[%get3A_253, %get3A_254] {strides = array<i32>} : memref<80x128xf32, #tpu.memory_space<vmem>>, vector<1x16xf32>,
        %get3A_256 = vector.shape_cast %get3A_255 : vector<1x16xf32> to vector<16xf32>
        %mul3A_257 = arith.mulf %get3A_252, %get3A_256 : vector<16xf32>
        %get3A_258 = arith.index_cast %add3A_190 : i32 to index
        %get3A_259 = arith.constant 64 : index
        %get3A_260 = tpu.vector_load %arg15[%get3A_258, %get3A_259] {strides = array<i32>} : memref<80x128xf32, #tpu.memory_space<vmem>>, vector<1x16xf32>,
        %get3A_261 = vector.shape_cast %get3A_260 : vector<1x16xf32> to vector<16xf32>
        %mul3A_262 = arith.mulf %mul3A_257, %get3A_261 : vector<16xf32>
        %add3A_263 = arith.addf %add3A_248, %mul3A_262 : vector<16xf32>
        %get3A_264 = arith.index_cast %add3A_190 : i32 to index
        %get3A_265 = arith.constant 80 : index
        %get3A_266 = tpu.vector_load %arg14[%get3A_264, %get3A_265] {strides = array<i32>} : memref<80x128xf32, #tpu.memory_space<vmem>>, vector<1x16xf32>,
        %get3A_267 = vector.shape_cast %get3A_266 : vector<1x16xf32> to vector<16xf32>
        %get3A_268 = arith.index_cast %add3A_190 : i32 to index
        %get3A_269 = arith.constant 80 : index
        %get3A_270 = tpu.vector_load %arg16[%get3A_268, %get3A_269] {strides = array<i32>} : memref<80x128xf32, #tpu.memory_space<vmem>>, vector<1x16xf32>,
        %get3A_271 = vector.shape_cast %get3A_270 : vector<1x16xf32> to vector<16xf32>
        %mul3A_272 = arith.mulf %get3A_267, %get3A_271 : vector<16xf32>
        %get3A_273 = arith.index_cast %add3A_190 : i32 to index
        %get3A_274 = arith.constant 80 : index
        %get3A_275 = tpu.vector_load %arg15[%get3A_273, %get3A_274] {strides = array<i32>} : memref<80x128xf32, #tpu.memory_space<vmem>>, vector<1x16xf32>,
        %get3A_276 = vector.shape_cast %get3A_275 : vector<1x16xf32> to vector<16xf32>
        %mul3A_277 = arith.mulf %mul3A_272, %get3A_276 : vector<16xf32>
        %add3A_278 = arith.addf %add3A_263, %mul3A_277 : vector<16xf32>
        %get3A_279 = arith.index_cast %add3A_190 : i32 to index
        %get3A_280 = arith.constant 96 : index
        %get3A_281 = tpu.vector_load %arg14[%get3A_279, %get3A_280] {strides = array<i32>} : memref<80x128xf32, #tpu.memory_space<vmem>>, vector<1x16xf32>,
        %get3A_282 = vector.shape_cast %get3A_281 : vector<1x16xf32> to vector<16xf32>
        %get3A_283 = arith.index_cast %add3A_190 : i32 to index
        %get3A_284 = arith.constant 96 : index
        %get3A_285 = tpu.vector_load %arg16[%get3A_283, %get3A_284] {strides = array<i32>} : memref<80x128xf32, #tpu.memory_space<vmem>>, vector<1x16xf32>,
        %get3A_286 = vector.shape_cast %get3A_285 : vector<1x16xf32> to vector<16xf32>
        %mul3A_287 = arith.mulf %get3A_282, %get3A_286 : vector<16xf32>
        %get3A_288 = arith.index_cast %add3A_190 : i32 to index
        %get3A_289 = arith.constant 96 : index
        %get3A_290 = tpu.vector_load %arg15[%get3A_288, %get3A_289] {strides = array<i32>} : memref<80x128xf32, #tpu.memory_space<vmem>>, vector<1x16xf32>,
        %get3A_291 = vector.shape_cast %get3A_290 : vector<1x16xf32> to vector<16xf32>
        %mul3A_292 = arith.mulf %mul3A_287, %get3A_291 : vector<16xf32>
        %add3A_293 = arith.addf %add3A_278, %mul3A_292 : vector<16xf32>
        %get3A_294 = arith.index_cast %add3A_190 : i32 to index
        %get3A_295 = arith.constant 112 : index
        %get3A_296 = tpu.vector_load %arg14[%get3A_294, %get3A_295] {strides = array<i32>} : memref<80x128xf32, #tpu.memory_space<vmem>>, vector<1x16xf32>,
        %get3A_297 = vector.shape_cast %get3A_296 : vector<1x16xf32> to vector<16xf32>
        %get3A_298 = arith.index_cast %add3A_190 : i32 to index
        %get3A_299 = arith.constant 112 : index
        %get3A_300 = tpu.vector_load %arg16[%get3A_298, %get3A_299] {strides = array<i32>} : memref<80x128xf32, #tpu.memory_space<vmem>>, vector<1x16xf32>,
        %get3A_301 = vector.shape_cast %get3A_300 : vector<1x16xf32> to vector<16xf32>
        %mul3A_302 = arith.mulf %get3A_297, %get3A_301 : vector<16xf32>
        %get3A_303 = arith.index_cast %add3A_190 : i32 to index
        %get3A_304 = arith.constant 112 : index
        %get3A_305 = tpu.vector_load %arg15[%get3A_303, %get3A_304] {strides = array<i32>} : memref<80x128xf32, #tpu.memory_space<vmem>>, vector<1x16xf32>,
        %get3A_306 = vector.shape_cast %get3A_305 : vector<1x16xf32> to vector<16xf32>
        %mul3A_307 = arith.mulf %mul3A_302, %get3A_306 : vector<16xf32>
        %add3A_308 = arith.addf %add3A_293, %mul3A_307 : vector<16xf32>
        %swap3A = arith.index_cast %add3A_190 : i32 to index
        %swap3A_309 = arith.constant 0 : index
        %swap3A_310 = tpu.vector_load %arg17[%swap3A, %swap3A_309] {strides = array<i32>} : memref<80x16xf32, #tpu.memory_space<vmem>>, vector<1x16xf32>,
        %swap3A_311 = vector.shape_cast %swap3A_310 : vector<1x16xf32> to vector<16xf32>
        %swap3A_312 = vector.shape_cast %add3A_308 : vector<16xf32> to vector<1x16xf32>
        tpu.vector_store %arg17[%swap3A, %swap3A_309], %swap3A_312 {strides = array<i32>} : memref<80x16xf32, #tpu.memory_space<vmem>>, vector<1x16xf32>,
        %add3A_313 = arith.constant 1 : i32
        %add3A_314 = arith.addi %mul3A_188, %add3A_313 : i32
        %get3A_315 = arith.index_cast %add3A_314 : i32 to index
        %get3A_316 = arith.constant 0 : index
        %get3A_317 = tpu.vector_load %arg14[%get3A_315, %get3A_316] {strides = array<i32>} : memref<80x128xf32, #tpu.memory_space<vmem>>, vector<1x16xf32>,
        %get3A_318 = vector.shape_cast %get3A_317 : vector<1x16xf32> to vector<16xf32>
        %get3A_319 = arith.index_cast %add3A_314 : i32 to index
        %get3A_320 = arith.constant 0 : index
        %get3A_321 = tpu.vector_load %arg16[%get3A_319, %get3A_320] {strides = array<i32>} : memref<80x128xf32, #tpu.memory_space<vmem>>, vector<1x16xf32>,
        %get3A_322 = vector.shape_cast %get3A_321 : vector<1x16xf32> to vector<16xf32>
        %mul3A_323 = arith.mulf %get3A_318, %get3A_322 : vector<16xf32>
        %get3A_324 = arith.index_cast %add3A_314 : i32 to index
        %get3A_325 = arith.constant 0 : index
        %get3A_326 = tpu.vector_load %arg15[%get3A_324, %get3A_325] {strides = array<i32>} : memref<80x128xf32, #tpu.memory_space<vmem>>, vector<1x16xf32>,
        %get3A_327 = vector.shape_cast %get3A_326 : vector<1x16xf32> to vector<16xf32>
        %mul3A_328 = arith.mulf %mul3A_323, %get3A_327 : vector<16xf32>
        %get3A_329 = arith.index_cast %add3A_314 : i32 to index
        %get3A_330 = arith.constant 16 : index
        %get3A_331 = tpu.vector_load %arg14[%get3A_329, %get3A_330] {strides = array<i32>} : memref<80x128xf32, #tpu.memory_space<vmem>>, vector<1x16xf32>,
        %get3A_332 = vector.shape_cast %get3A_331 : vector<1x16xf32> to vector<16xf32>
        %get3A_333 = arith.index_cast %add3A_314 : i32 to index
        %get3A_334 = arith.constant 16 : index
        %get3A_335 = tpu.vector_load %arg16[%get3A_333, %get3A_334] {strides = array<i32>} : memref<80x128xf32, #tpu.memory_space<vmem>>, vector<1x16xf32>,
        %get3A_336 = vector.shape_cast %get3A_335 : vector<1x16xf32> to vector<16xf32>
        %mul3A_337 = arith.mulf %get3A_332, %get3A_336 : vector<16xf32>
        %get3A_338 = arith.index_cast %add3A_314 : i32 to index
        %get3A_339 = arith.constant 16 : index
        %get3A_340 = tpu.vector_load %arg15[%get3A_338, %get3A_339] {strides = array<i32>} : memref<80x128xf32, #tpu.memory_space<vmem>>, vector<1x16xf32>,
        %get3A_341 = vector.shape_cast %get3A_340 : vector<1x16xf32> to vector<16xf32>
        %mul3A_342 = arith.mulf %mul3A_337, %get3A_341 : vector<16xf32>
        %add3A_343 = arith.addf %mul3A_328, %mul3A_342 : vector<16xf32>
        %get3A_344 = arith.index_cast %add3A_314 : i32 to index
        %get3A_345 = arith.constant 32 : index
        %get3A_346 = tpu.vector_load %arg14[%get3A_344, %get3A_345] {strides = array<i32>} : memref<80x128xf32, #tpu.memory_space<vmem>>, vector<1x16xf32>,
        %get3A_347 = vector.shape_cast %get3A_346 : vector<1x16xf32> to vector<16xf32>
        %get3A_348 = arith.index_cast %add3A_314 : i32 to index
        %get3A_349 = arith.constant 32 : index
        %get3A_350 = tpu.vector_load %arg16[%get3A_348, %get3A_349] {strides = array<i32>} : memref<80x128xf32, #tpu.memory_space<vmem>>, vector<1x16xf32>,
        %get3A_351 = vector.shape_cast %get3A_350 : vector<1x16xf32> to vector<16xf32>
        %mul3A_352 = arith.mulf %get3A_347, %get3A_351 : vector<16xf32>
        %get3A_353 = arith.index_cast %add3A_314 : i32 to index
        %get3A_354 = arith.constant 32 : index
        %get3A_355 = tpu.vector_load %arg15[%get3A_353, %get3A_354] {strides = array<i32>} : memref<80x128xf32, #tpu.memory_space<vmem>>, vector<1x16xf32>,
        %get3A_356 = vector.shape_cast %get3A_355 : vector<1x16xf32> to vector<16xf32>
        %mul3A_357 = arith.mulf %mul3A_352, %get3A_356 : vector<16xf32>
        %add3A_358 = arith.addf %add3A_343, %mul3A_357 : vector<16xf32>
        %get3A_359 = arith.index_cast %add3A_314 : i32 to index
        %get3A_360 = arith.constant 48 : index
        %get3A_361 = tpu.vector_load %arg14[%get3A_359, %get3A_360] {strides = array<i32>} : memref<80x128xf32, #tpu.memory_space<vmem>>, vector<1x16xf32>,
        %get3A_362 = vector.shape_cast %get3A_361 : vector<1x16xf32> to vector<16xf32>
        %get3A_363 = arith.index_cast %add3A_314 : i32 to index
        %get3A_364 = arith.constant 48 : index
        %get3A_365 = tpu.vector_load %arg16[%get3A_363, %get3A_364] {strides = array<i32>} : memref<80x128xf32, #tpu.memory_space<vmem>>, vector<1x16xf32>,
        %get3A_366 = vector.shape_cast %get3A_365 : vector<1x16xf32> to vector<16xf32>
        %mul3A_367 = arith.mulf %get3A_362, %get3A_366 : vector<16xf32>
        %get3A_368 = arith.index_cast %add3A_314 : i32 to index
        %get3A_369 = arith.constant 48 : index
        %get3A_370 = tpu.vector_load %arg15[%get3A_368, %get3A_369] {strides = array<i32>} : memref<80x128xf32, #tpu.memory_space<vmem>>, vector<1x16xf32>,
        %get3A_371 = vector.shape_cast %get3A_370 : vector<1x16xf32> to vector<16xf32>
        %mul3A_372 = arith.mulf %mul3A_367, %get3A_371 : vector<16xf32>
        %add3A_373 = arith.addf %add3A_358, %mul3A_372 : vector<16xf32>
        %get3A_374 = arith.index_cast %add3A_314 : i32 to index
        %get3A_375 = arith.constant 64 : index
        %get3A_376 = tpu.vector_load %arg14[%get3A_374, %get3A_375] {strides = array<i32>} : memref<80x128xf32, #tpu.memory_space<vmem>>, vector<1x16xf32>,
        %get3A_377 = vector.shape_cast %get3A_376 : vector<1x16xf32> to vector<16xf32>
        %get3A_378 = arith.index_cast %add3A_314 : i32 to index
        %get3A_379 = arith.constant 64 : index
        %get3A_380 = tpu.vector_load %arg16[%get3A_378, %get3A_379] {strides = array<i32>} : memref<80x128xf32, #tpu.memory_space<vmem>>, vector<1x16xf32>,
        %get3A_381 = vector.shape_cast %get3A_380 : vector<1x16xf32> to vector<16xf32>
        %mul3A_382 = arith.mulf %get3A_377, %get3A_381 : vector<16xf32>
        %get3A_383 = arith.index_cast %add3A_314 : i32 to index
        %get3A_384 = arith.constant 64 : index
        %get3A_385 = tpu.vector_load %arg15[%get3A_383, %get3A_384] {strides = array<i32>} : memref<80x128xf32, #tpu.memory_space<vmem>>, vector<1x16xf32>,
        %get3A_386 = vector.shape_cast %get3A_385 : vector<1x16xf32> to vector<16xf32>
        %mul3A_387 = arith.mulf %mul3A_382, %get3A_386 : vector<16xf32>
        %add3A_388 = arith.addf %add3A_373, %mul3A_387 : vector<16xf32>
        %get3A_389 = arith.index_cast %add3A_314 : i32 to index
        %get3A_390 = arith.constant 80 : index
        %get3A_391 = tpu.vector_load %arg14[%get3A_389, %get3A_390] {strides = array<i32>} : memref<80x128xf32, #tpu.memory_space<vmem>>, vector<1x16xf32>,
        %get3A_392 = vector.shape_cast %get3A_391 : vector<1x16xf32> to vector<16xf32>
        %get3A_393 = arith.index_cast %add3A_314 : i32 to index
        %get3A_394 = arith.constant 80 : index
        %get3A_395 = tpu.vector_load %arg16[%get3A_393, %get3A_394] {strides = array<i32>} : memref<80x128xf32, #tpu.memory_space<vmem>>, vector<1x16xf32>,
        %get3A_396 = vector.shape_cast %get3A_395 : vector<1x16xf32> to vector<16xf32>
        %mul3A_397 = arith.mulf %get3A_392, %get3A_396 : vector<16xf32>
        %get3A_398 = arith.index_cast %add3A_314 : i32 to index
        %get3A_399 = arith.constant 80 : index
        %get3A_400 = tpu.vector_load %arg15[%get3A_398, %get3A_399] {strides = array<i32>} : memref<80x128xf32, #tpu.memory_space<vmem>>, vector<1x16xf32>,
        %get3A_401 = vector.shape_cast %get3A_400 : vector<1x16xf32> to vector<16xf32>
        %mul3A_402 = arith.mulf %mul3A_397, %get3A_401 : vector<16xf32>
        %add3A_403 = arith.addf %add3A_388, %mul3A_402 : vector<16xf32>
        %get3A_404 = arith.index_cast %add3A_314 : i32 to index
        %get3A_405 = arith.constant 96 : index
        %get3A_406 = tpu.vector_load %arg14[%get3A_404, %get3A_405] {strides = array<i32>} : memref<80x128xf32, #tpu.memory_space<vmem>>, vector<1x16xf32>,
        %get3A_407 = vector.shape_cast %get3A_406 : vector<1x16xf32> to vector<16xf32>
        %get3A_408 = arith.index_cast %add3A_314 : i32 to index
        %get3A_409 = arith.constant 96 : index
        %get3A_410 = tpu.vector_load %arg16[%get3A_408, %get3A_409] {strides = array<i32>} : memref<80x128xf32, #tpu.memory_space<vmem>>, vector<1x16xf32>,
        %get3A_411 = vector.shape_cast %get3A_410 : vector<1x16xf32> to vector<16xf32>
        %mul3A_412 = arith.mulf %get3A_407, %get3A_411 : vector<16xf32>
        %get3A_413 = arith.index_cast %add3A_314 : i32 to index
        %get3A_414 = arith.constant 96 : index
        %get3A_415 = tpu.vector_load %arg15[%get3A_413, %get3A_414] {strides = array<i32>} : memref<80x128xf32, #tpu.memory_space<vmem>>, vector<1x16xf32>,
        %get3A_416 = vector.shape_cast %get3A_415 : vector<1x16xf32> to vector<16xf32>
        %mul3A_417 = arith.mulf %mul3A_412, %get3A_416 : vector<16xf32>
        %add3A_418 = arith.addf %add3A_403, %mul3A_417 : vector<16xf32>
        %get3A_419 = arith.index_cast %add3A_314 : i32 to index
        %get3A_420 = arith.constant 112 : index
        %get3A_421 = tpu.vector_load %arg14[%get3A_419, %get3A_420] {strides = array<i32>} : memref<80x128xf32, #tpu.memory_space<vmem>>, vector<1x16xf32>,
        %get3A_422 = vector.shape_cast %get3A_421 : vector<1x16xf32> to vector<16xf32>
        %get3A_423 = arith.index_cast %add3A_314 : i32 to index
        %get3A_424 = arith.constant 112 : index
        %get3A_425 = tpu.vector_load %arg16[%get3A_423, %get3A_424] {strides = array<i32>} : memref<80x128xf32, #tpu.memory_space<vmem>>, vector<1x16xf32>,
        %get3A_426 = vector.shape_cast %get3A_425 : vector<1x16xf32> to vector<16xf32>
        %mul3A_427 = arith.mulf %get3A_422, %get3A_426 : vector<16xf32>
        %get3A_428 = arith.index_cast %add3A_314 : i32 to index
        %get3A_429 = arith.constant 112 : index
        %get3A_430 = tpu.vector_load %arg15[%get3A_428, %get3A_429] {strides = array<i32>} : memref<80x128xf32, #tpu.memory_space<vmem>>, vector<1x16xf32>,
        %get3A_431 = vector.shape_cast %get3A_430 : vector<1x16xf32> to vector<16xf32>
        %mul3A_432 = arith.mulf %mul3A_427, %get3A_431 : vector<16xf32>
        %add3A_433 = arith.addf %add3A_418, %mul3A_432 : vector<16xf32>
        %swap3A_434 = arith.index_cast %add3A_314 : i32 to index
        %swap3A_435 = arith.constant 0 : index
        %swap3A_436 = tpu.vector_load %arg17[%swap3A_434, %swap3A_435] {strides = array<i32>} : memref<80x16xf32, #tpu.memory_space<vmem>>, vector<1x16xf32>,
        %swap3A_437 = vector.shape_cast %swap3A_436 : vector<1x16xf32> to vector<16xf32>
        %swap3A_438 = vector.shape_cast %add3A_433 : vector<16xf32> to vector<1x16xf32>
        tpu.vector_store %arg17[%swap3A_434, %swap3A_435], %swap3A_438 {strides = array<i32>} : memref<80x16xf32, #tpu.memory_space<vmem>>, vector<1x16xf32>,
        %add3A_439 = arith.constant 2 : i32
        %add3A_440 = arith.addi %mul3A_188, %add3A_439 : i32
        %get3A_441 = arith.index_cast %add3A_440 : i32 to index
        %get3A_442 = arith.constant 0 : index
        %get3A_443 = tpu.vector_load %arg14[%get3A_441, %get3A_442] {strides = array<i32>} : memref<80x128xf32, #tpu.memory_space<vmem>>, vector<1x16xf32>,
        %get3A_444 = vector.shape_cast %get3A_443 : vector<1x16xf32> to vector<16xf32>
        %get3A_445 = arith.index_cast %add3A_440 : i32 to index
        %get3A_446 = arith.constant 0 : index
        %get3A_447 = tpu.vector_load %arg16[%get3A_445, %get3A_446] {strides = array<i32>} : memref<80x128xf32, #tpu.memory_space<vmem>>, vector<1x16xf32>,
        %get3A_448 = vector.shape_cast %get3A_447 : vector<1x16xf32> to vector<16xf32>
        %mul3A_449 = arith.mulf %get3A_444, %get3A_448 : vector<16xf32>
        %get3A_450 = arith.index_cast %add3A_440 : i32 to index
        %get3A_451 = arith.constant 0 : index
        %get3A_452 = tpu.vector_load %arg15[%get3A_450, %get3A_451] {strides = array<i32>} : memref<80x128xf32, #tpu.memory_space<vmem>>, vector<1x16xf32>,
        %get3A_453 = vector.shape_cast %get3A_452 : vector<1x16xf32> to vector<16xf32>
        %mul3A_454 = arith.mulf %mul3A_449, %get3A_453 : vector<16xf32>
        %get3A_455 = arith.index_cast %add3A_440 : i32 to index
        %get3A_456 = arith.constant 16 : index
        %get3A_457 = tpu.vector_load %arg14[%get3A_455, %get3A_456] {strides = array<i32>} : memref<80x128xf32, #tpu.memory_space<vmem>>, vector<1x16xf32>,
        %get3A_458 = vector.shape_cast %get3A_457 : vector<1x16xf32> to vector<16xf32>
        %get3A_459 = arith.index_cast %add3A_440 : i32 to index
        %get3A_460 = arith.constant 16 : index
        %get3A_461 = tpu.vector_load %arg16[%get3A_459, %get3A_460] {strides = array<i32>} : memref<80x128xf32, #tpu.memory_space<vmem>>, vector<1x16xf32>,
        %get3A_462 = vector.shape_cast %get3A_461 : vector<1x16xf32> to vector<16xf32>
        %mul3A_463 = arith.mulf %get3A_458, %get3A_462 : vector<16xf32>
        %get3A_464 = arith.index_cast %add3A_440 : i32 to index
        %get3A_465 = arith.constant 16 : index
        %get3A_466 = tpu.vector_load %arg15[%get3A_464, %get3A_465] {strides = array<i32>} : memref<80x128xf32, #tpu.memory_space<vmem>>, vector<1x16xf32>,
        %get3A_467 = vector.shape_cast %get3A_466 : vector<1x16xf32> to vector<16xf32>
        %mul3A_468 = arith.mulf %mul3A_463, %get3A_467 : vector<16xf32>
        %add3A_469 = arith.addf %mul3A_454, %mul3A_468 : vector<16xf32>
        %get3A_470 = arith.index_cast %add3A_440 : i32 to index
        %get3A_471 = arith.constant 32 : index
        %get3A_472 = tpu.vector_load %arg14[%get3A_470, %get3A_471] {strides = array<i32>} : memref<80x128xf32, #tpu.memory_space<vmem>>, vector<1x16xf32>,
        %get3A_473 = vector.shape_cast %get3A_472 : vector<1x16xf32> to vector<16xf32>
        %get3A_474 = arith.index_cast %add3A_440 : i32 to index
        %get3A_475 = arith.constant 32 : index
        %get3A_476 = tpu.vector_load %arg16[%get3A_474, %get3A_475] {strides = array<i32>} : memref<80x128xf32, #tpu.memory_space<vmem>>, vector<1x16xf32>,
        %get3A_477 = vector.shape_cast %get3A_476 : vector<1x16xf32> to vector<16xf32>
        %mul3A_478 = arith.mulf %get3A_473, %get3A_477 : vector<16xf32>
        %get3A_479 = arith.index_cast %add3A_440 : i32 to index
        %get3A_480 = arith.constant 32 : index
        %get3A_481 = tpu.vector_load %arg15[%get3A_479, %get3A_480] {strides = array<i32>} : memref<80x128xf32, #tpu.memory_space<vmem>>, vector<1x16xf32>,
        %get3A_482 = vector.shape_cast %get3A_481 : vector<1x16xf32> to vector<16xf32>
        %mul3A_483 = arith.mulf %mul3A_478, %get3A_482 : vector<16xf32>
        %add3A_484 = arith.addf %add3A_469, %mul3A_483 : vector<16xf32>
        %get3A_485 = arith.index_cast %add3A_440 : i32 to index
        %get3A_486 = arith.constant 48 : index
        %get3A_487 = tpu.vector_load %arg14[%get3A_485, %get3A_486] {strides = array<i32>} : memref<80x128xf32, #tpu.memory_space<vmem>>, vector<1x16xf32>,
        %get3A_488 = vector.shape_cast %get3A_487 : vector<1x16xf32> to vector<16xf32>
        %get3A_489 = arith.index_cast %add3A_440 : i32 to index
        %get3A_490 = arith.constant 48 : index
        %get3A_491 = tpu.vector_load %arg16[%get3A_489, %get3A_490] {strides = array<i32>} : memref<80x128xf32, #tpu.memory_space<vmem>>, vector<1x16xf32>,
        %get3A_492 = vector.shape_cast %get3A_491 : vector<1x16xf32> to vector<16xf32>
        %mul3A_493 = arith.mulf %get3A_488, %get3A_492 : vector<16xf32>
        %get3A_494 = arith.index_cast %add3A_440 : i32 to index
        %get3A_495 = arith.constant 48 : index
        %get3A_496 = tpu.vector_load %arg15[%get3A_494, %get3A_495] {strides = array<i32>} : memref<80x128xf32, #tpu.memory_space<vmem>>, vector<1x16xf32>,
        %get3A_497 = vector.shape_cast %get3A_496 : vector<1x16xf32> to vector<16xf32>
        %mul3A_498 = arith.mulf %mul3A_493, %get3A_497 : vector<16xf32>
        %add3A_499 = arith.addf %add3A_484, %mul3A_498 : vector<16xf32>
        %get3A_500 = arith.index_cast %add3A_440 : i32 to index
        %get3A_501 = arith.constant 64 : index
        %get3A_502 = tpu.vector_load %arg14[%get3A_500, %get3A_501] {strides = array<i32>} : memref<80x128xf32, #tpu.memory_space<vmem>>, vector<1x16xf32>,
        %get3A_503 = vector.shape_cast %get3A_502 : vector<1x16xf32> to vector<16xf32>
        %get3A_504 = arith.index_cast %add3A_440 : i32 to index
        %get3A_505 = arith.constant 64 : index
        %get3A_506 = tpu.vector_load %arg16[%get3A_504, %get3A_505] {strides = array<i32>} : memref<80x128xf32, #tpu.memory_space<vmem>>, vector<1x16xf32>,
        %get3A_507 = vector.shape_cast %get3A_506 : vector<1x16xf32> to vector<16xf32>
        %mul3A_508 = arith.mulf %get3A_503, %get3A_507 : vector<16xf32>
        %get3A_509 = arith.index_cast %add3A_440 : i32 to index
        %get3A_510 = arith.constant 64 : index
        %get3A_511 = tpu.vector_load %arg15[%get3A_509, %get3A_510] {strides = array<i32>} : memref<80x128xf32, #tpu.memory_space<vmem>>, vector<1x16xf32>,
        %get3A_512 = vector.shape_cast %get3A_511 : vector<1x16xf32> to vector<16xf32>
        %mul3A_513 = arith.mulf %mul3A_508, %get3A_512 : vector<16xf32>
        %add3A_514 = arith.addf %add3A_499, %mul3A_513 : vector<16xf32>
        %get3A_515 = arith.index_cast %add3A_440 : i32 to index
        %get3A_516 = arith.constant 80 : index
        %get3A_517 = tpu.vector_load %arg14[%get3A_515, %get3A_516] {strides = array<i32>} : memref<80x128xf32, #tpu.memory_space<vmem>>, vector<1x16xf32>,
        %get3A_518 = vector.shape_cast %get3A_517 : vector<1x16xf32> to vector<16xf32>
        %get3A_519 = arith.index_cast %add3A_440 : i32 to index
        %get3A_520 = arith.constant 80 : index
        %get3A_521 = tpu.vector_load %arg16[%get3A_519, %get3A_520] {strides = array<i32>} : memref<80x128xf32, #tpu.memory_space<vmem>>, vector<1x16xf32>,
        %get3A_522 = vector.shape_cast %get3A_521 : vector<1x16xf32> to vector<16xf32>
        %mul3A_523 = arith.mulf %get3A_518, %get3A_522 : vector<16xf32>
        %get3A_524 = arith.index_cast %add3A_440 : i32 to index
        %get3A_525 = arith.constant 80 : index
        %get3A_526 = tpu.vector_load %arg15[%get3A_524, %get3A_525] {strides = array<i32>} : memref<80x128xf32, #tpu.memory_space<vmem>>, vector<1x16xf32>,
        %get3A_527 = vector.shape_cast %get3A_526 : vector<1x16xf32> to vector<16xf32>
        %mul3A_528 = arith.mulf %mul3A_523, %get3A_527 : vector<16xf32>
        %add3A_529 = arith.addf %add3A_514, %mul3A_528 : vector<16xf32>
        %get3A_530 = arith.index_cast %add3A_440 : i32 to index
        %get3A_531 = arith.constant 96 : index
        %get3A_532 = tpu.vector_load %arg14[%get3A_530, %get3A_531] {strides = array<i32>} : memref<80x128xf32, #tpu.memory_space<vmem>>, vector<1x16xf32>,
        %get3A_533 = vector.shape_cast %get3A_532 : vector<1x16xf32> to vector<16xf32>
        %get3A_534 = arith.index_cast %add3A_440 : i32 to index
        %get3A_535 = arith.constant 96 : index
        %get3A_536 = tpu.vector_load %arg16[%get3A_534, %get3A_535] {strides = array<i32>} : memref<80x128xf32, #tpu.memory_space<vmem>>, vector<1x16xf32>,
        %get3A_537 = vector.shape_cast %get3A_536 : vector<1x16xf32> to vector<16xf32>
        %mul3A_538 = arith.mulf %get3A_533, %get3A_537 : vector<16xf32>
        %get3A_539 = arith.index_cast %add3A_440 : i32 to index
        %get3A_540 = arith.constant 96 : index
        %get3A_541 = tpu.vector_load %arg15[%get3A_539, %get3A_540] {strides = array<i32>} : memref<80x128xf32, #tpu.memory_space<vmem>>, vector<1x16xf32>,
        %get3A_542 = vector.shape_cast %get3A_541 : vector<1x16xf32> to vector<16xf32>
        %mul3A_543 = arith.mulf %mul3A_538, %get3A_542 : vector<16xf32>
        %add3A_544 = arith.addf %add3A_529, %mul3A_543 : vector<16xf32>
        %get3A_545 = arith.index_cast %add3A_440 : i32 to index
        %get3A_546 = arith.constant 112 : index
        %get3A_547 = tpu.vector_load %arg14[%get3A_545, %get3A_546] {strides = array<i32>} : memref<80x128xf32, #tpu.memory_space<vmem>>, vector<1x16xf32>,
        %get3A_548 = vector.shape_cast %get3A_547 : vector<1x16xf32> to vector<16xf32>
        %get3A_549 = arith.index_cast %add3A_440 : i32 to index
        %get3A_550 = arith.constant 112 : index
        %get3A_551 = tpu.vector_load %arg16[%get3A_549, %get3A_550] {strides = array<i32>} : memref<80x128xf32, #tpu.memory_space<vmem>>, vector<1x16xf32>,
        %get3A_552 = vector.shape_cast %get3A_551 : vector<1x16xf32> to vector<16xf32>
        %mul3A_553 = arith.mulf %get3A_548, %get3A_552 : vector<16xf32>
        %get3A_554 = arith.index_cast %add3A_440 : i32 to index
        %get3A_555 = arith.constant 112 : index
        %get3A_556 = tpu.vector_load %arg15[%get3A_554, %get3A_555] {strides = array<i32>} : memref<80x128xf32, #tpu.memory_space<vmem>>, vector<1x16xf32>,
        %get3A_557 = vector.shape_cast %get3A_556 : vector<1x16xf32> to vector<16xf32>
        %mul3A_558 = arith.mulf %mul3A_553, %get3A_557 : vector<16xf32>
        %add3A_559 = arith.addf %add3A_544, %mul3A_558 : vector<16xf32>
        %swap3A_560 = arith.index_cast %add3A_440 : i32 to index
        %swap3A_561 = arith.constant 0 : index
        %swap3A_562 = tpu.vector_load %arg17[%swap3A_560, %swap3A_561] {strides = array<i32>} : memref<80x16xf32, #tpu.memory_space<vmem>>, vector<1x16xf32>,
        %swap3A_563 = vector.shape_cast %swap3A_562 : vector<1x16xf32> to vector<16xf32>
        %swap3A_564 = vector.shape_cast %add3A_559 : vector<16xf32> to vector<1x16xf32>
        tpu.vector_store %arg17[%swap3A_560, %swap3A_561], %swap3A_564 {strides = array<i32>} : memref<80x16xf32, #tpu.memory_space<vmem>>, vector<1x16xf32>,
        %add3A_565 = arith.constant 3 : i32
        %add3A_566 = arith.addi %mul3A_188, %add3A_565 : i32
        %get3A_567 = arith.index_cast %add3A_566 : i32 to index
        %get3A_568 = arith.constant 0 : index
        %get3A_569 = tpu.vector_load %arg14[%get3A_567, %get3A_568] {strides = array<i32>} : memref<80x128xf32, #tpu.memory_space<vmem>>, vector<1x16xf32>,
        %get3A_570 = vector.shape_cast %get3A_569 : vector<1x16xf32> to vector<16xf32>
        %get3A_571 = arith.index_cast %add3A_566 : i32 to index
        %get3A_572 = arith.constant 0 : index
        %get3A_573 = tpu.vector_load %arg16[%get3A_571, %get3A_572] {strides = array<i32>} : memref<80x128xf32, #tpu.memory_space<vmem>>, vector<1x16xf32>,
        %get3A_574 = vector.shape_cast %get3A_573 : vector<1x16xf32> to vector<16xf32>
        %mul3A_575 = arith.mulf %get3A_570, %get3A_574 : vector<16xf32>
        %get3A_576 = arith.index_cast %add3A_566 : i32 to index
        %get3A_577 = arith.constant 0 : index
        %get3A_578 = tpu.vector_load %arg15[%get3A_576, %get3A_577] {strides = array<i32>} : memref<80x128xf32, #tpu.memory_space<vmem>>, vector<1x16xf32>,
        %get3A_579 = vector.shape_cast %get3A_578 : vector<1x16xf32> to vector<16xf32>
        %mul3A_580 = arith.mulf %mul3A_575, %get3A_579 : vector<16xf32>
        %get3A_581 = arith.index_cast %add3A_566 : i32 to index
        %get3A_582 = arith.constant 16 : index
        %get3A_583 = tpu.vector_load %arg14[%get3A_581, %get3A_582] {strides = array<i32>} : memref<80x128xf32, #tpu.memory_space<vmem>>, vector<1x16xf32>,
        %get3A_584 = vector.shape_cast %get3A_583 : vector<1x16xf32> to vector<16xf32>
        %get3A_585 = arith.index_cast %add3A_566 : i32 to index
        %get3A_586 = arith.constant 16 : index
        %get3A_587 = tpu.vector_load %arg16[%get3A_585, %get3A_586] {strides = array<i32>} : memref<80x128xf32, #tpu.memory_space<vmem>>, vector<1x16xf32>,
        %get3A_588 = vector.shape_cast %get3A_587 : vector<1x16xf32> to vector<16xf32>
        %mul3A_589 = arith.mulf %get3A_584, %get3A_588 : vector<16xf32>
        %get3A_590 = arith.index_cast %add3A_566 : i32 to index
        %get3A_591 = arith.constant 16 : index
        %get3A_592 = tpu.vector_load %arg15[%get3A_590, %get3A_591] {strides = array<i32>} : memref<80x128xf32, #tpu.memory_space<vmem>>, vector<1x16xf32>,
        %get3A_593 = vector.shape_cast %get3A_592 : vector<1x16xf32> to vector<16xf32>
        %mul3A_594 = arith.mulf %mul3A_589, %get3A_593 : vector<16xf32>
        %add3A_595 = arith.addf %mul3A_580, %mul3A_594 : vector<16xf32>
        %get3A_596 = arith.index_cast %add3A_566 : i32 to index
        %get3A_597 = arith.constant 32 : index
        %get3A_598 = tpu.vector_load %arg14[%get3A_596, %get3A_597] {strides = array<i32>} : memref<80x128xf32, #tpu.memory_space<vmem>>, vector<1x16xf32>,
        %get3A_599 = vector.shape_cast %get3A_598 : vector<1x16xf32> to vector<16xf32>
        %get3A_600 = arith.index_cast %add3A_566 : i32 to index
        %get3A_601 = arith.constant 32 : index
        %get3A_602 = tpu.vector_load %arg16[%get3A_600, %get3A_601] {strides = array<i32>} : memref<80x128xf32, #tpu.memory_space<vmem>>, vector<1x16xf32>,
        %get3A_603 = vector.shape_cast %get3A_602 : vector<1x16xf32> to vector<16xf32>
        %mul3A_604 = arith.mulf %get3A_599, %get3A_603 : vector<16xf32>
        %get3A_605 = arith.index_cast %add3A_566 : i32 to index
        %get3A_606 = arith.constant 32 : index
        %get3A_607 = tpu.vector_load %arg15[%get3A_605, %get3A_606] {strides = array<i32>} : memref<80x128xf32, #tpu.memory_space<vmem>>, vector<1x16xf32>,
        %get3A_608 = vector.shape_cast %get3A_607 : vector<1x16xf32> to vector<16xf32>
        %mul3A_609 = arith.mulf %mul3A_604, %get3A_608 : vector<16xf32>
        %add3A_610 = arith.addf %add3A_595, %mul3A_609 : vector<16xf32>
        %get3A_611 = arith.index_cast %add3A_566 : i32 to index
        %get3A_612 = arith.constant 48 : index
        %get3A_613 = tpu.vector_load %arg14[%get3A_611, %get3A_612] {strides = array<i32>} : memref<80x128xf32, #tpu.memory_space<vmem>>, vector<1x16xf32>,
        %get3A_614 = vector.shape_cast %get3A_613 : vector<1x16xf32> to vector<16xf32>
        %get3A_615 = arith.index_cast %add3A_566 : i32 to index
        %get3A_616 = arith.constant 48 : index
        %get3A_617 = tpu.vector_load %arg16[%get3A_615, %get3A_616] {strides = array<i32>} : memref<80x128xf32, #tpu.memory_space<vmem>>, vector<1x16xf32>,
        %get3A_618 = vector.shape_cast %get3A_617 : vector<1x16xf32> to vector<16xf32>
        %mul3A_619 = arith.mulf %get3A_614, %get3A_618 : vector<16xf32>
        %get3A_620 = arith.index_cast %add3A_566 : i32 to index
        %get3A_621 = arith.constant 48 : index
        %get3A_622 = tpu.vector_load %arg15[%get3A_620, %get3A_621] {strides = array<i32>} : memref<80x128xf32, #tpu.memory_space<vmem>>, vector<1x16xf32>,
        %get3A_623 = vector.shape_cast %get3A_622 : vector<1x16xf32> to vector<16xf32>
        %mul3A_624 = arith.mulf %mul3A_619, %get3A_623 : vector<16xf32>
        %add3A_625 = arith.addf %add3A_610, %mul3A_624 : vector<16xf32>
        %get3A_626 = arith.index_cast %add3A_566 : i32 to index
        %get3A_627 = arith.constant 64 : index
        %get3A_628 = tpu.vector_load %arg14[%get3A_626, %get3A_627] {strides = array<i32>} : memref<80x128xf32, #tpu.memory_space<vmem>>, vector<1x16xf32>,
        %get3A_629 = vector.shape_cast %get3A_628 : vector<1x16xf32> to vector<16xf32>
        %get3A_630 = arith.index_cast %add3A_566 : i32 to index
        %get3A_631 = arith.constant 64 : index
        %get3A_632 = tpu.vector_load %arg16[%get3A_630, %get3A_631] {strides = array<i32>} : memref<80x128xf32, #tpu.memory_space<vmem>>, vector<1x16xf32>,
        %get3A_633 = vector.shape_cast %get3A_632 : vector<1x16xf32> to vector<16xf32>
        %mul3A_634 = arith.mulf %get3A_629, %get3A_633 : vector<16xf32>
        %get3A_635 = arith.index_cast %add3A_566 : i32 to index
        %get3A_636 = arith.constant 64 : index
        %get3A_637 = tpu.vector_load %arg15[%get3A_635, %get3A_636] {strides = array<i32>} : memref<80x128xf32, #tpu.memory_space<vmem>>, vector<1x16xf32>,
        %get3A_638 = vector.shape_cast %get3A_637 : vector<1x16xf32> to vector<16xf32>
        %mul3A_639 = arith.mulf %mul3A_634, %get3A_638 : vector<16xf32>
        %add3A_640 = arith.addf %add3A_625, %mul3A_639 : vector<16xf32>
        %get3A_641 = arith.index_cast %add3A_566 : i32 to index
        %get3A_642 = arith.constant 80 : index
        %get3A_643 = tpu.vector_load %arg14[%get3A_641, %get3A_642] {strides = array<i32>} : memref<80x128xf32, #tpu.memory_space<vmem>>, vector<1x16xf32>,
        %get3A_644 = vector.shape_cast %get3A_643 : vector<1x16xf32> to vector<16xf32>
        %get3A_645 = arith.index_cast %add3A_566 : i32 to index
        %get3A_646 = arith.constant 80 : index
        %get3A_647 = tpu.vector_load %arg16[%get3A_645, %get3A_646] {strides = array<i32>} : memref<80x128xf32, #tpu.memory_space<vmem>>, vector<1x16xf32>,
        %get3A_648 = vector.shape_cast %get3A_647 : vector<1x16xf32> to vector<16xf32>
        %mul3A_649 = arith.mulf %get3A_644, %get3A_648 : vector<16xf32>
        %get3A_650 = arith.index_cast %add3A_566 : i32 to index
        %get3A_651 = arith.constant 80 : index
        %get3A_652 = tpu.vector_load %arg15[%get3A_650, %get3A_651] {strides = array<i32>} : memref<80x128xf32, #tpu.memory_space<vmem>>, vector<1x16xf32>,
        %get3A_653 = vector.shape_cast %get3A_652 : vector<1x16xf32> to vector<16xf32>
        %mul3A_654 = arith.mulf %mul3A_649, %get3A_653 : vector<16xf32>
        %add3A_655 = arith.addf %add3A_640, %mul3A_654 : vector<16xf32>
        %get3A_656 = arith.index_cast %add3A_566 : i32 to index
        %get3A_657 = arith.constant 96 : index
        %get3A_658 = tpu.vector_load %arg14[%get3A_656, %get3A_657] {strides = array<i32>} : memref<80x128xf32, #tpu.memory_space<vmem>>, vector<1x16xf32>,
        %get3A_659 = vector.shape_cast %get3A_658 : vector<1x16xf32> to vector<16xf32>
        %get3A_660 = arith.index_cast %add3A_566 : i32 to index
        %get3A_661 = arith.constant 96 : index
        %get3A_662 = tpu.vector_load %arg16[%get3A_660, %get3A_661] {strides = array<i32>} : memref<80x128xf32, #tpu.memory_space<vmem>>, vector<1x16xf32>,
        %get3A_663 = vector.shape_cast %get3A_662 : vector<1x16xf32> to vector<16xf32>
        %mul3A_664 = arith.mulf %get3A_659, %get3A_663 : vector<16xf32>
        %get3A_665 = arith.index_cast %add3A_566 : i32 to index
        %get3A_666 = arith.constant 96 : index
        %get3A_667 = tpu.vector_load %arg15[%get3A_665, %get3A_666] {strides = array<i32>} : memref<80x128xf32, #tpu.memory_space<vmem>>, vector<1x16xf32>,
        %get3A_668 = vector.shape_cast %get3A_667 : vector<1x16xf32> to vector<16xf32>
        %mul3A_669 = arith.mulf %mul3A_664, %get3A_668 : vector<16xf32>
        %add3A_670 = arith.addf %add3A_655, %mul3A_669 : vector<16xf32>
        %get3A_671 = arith.index_cast %add3A_566 : i32 to index
        %get3A_672 = arith.constant 112 : index
        %get3A_673 = tpu.vector_load %arg14[%get3A_671, %get3A_672] {strides = array<i32>} : memref<80x128xf32, #tpu.memory_space<vmem>>, vector<1x16xf32>,
        %get3A_674 = vector.shape_cast %get3A_673 : vector<1x16xf32> to vector<16xf32>
        %get3A_675 = arith.index_cast %add3A_566 : i32 to index
        %get3A_676 = arith.constant 112 : index
        %get3A_677 = tpu.vector_load %arg16[%get3A_675, %get3A_676] {strides = array<i32>} : memref<80x128xf32, #tpu.memory_space<vmem>>, vector<1x16xf32>,
        %get3A_678 = vector.shape_cast %get3A_677 : vector<1x16xf32> to vector<16xf32>
        %mul3A_679 = arith.mulf %get3A_674, %get3A_678 : vector<16xf32>
        %get3A_680 = arith.index_cast %add3A_566 : i32 to index
        %get3A_681 = arith.constant 112 : index
        %get3A_682 = tpu.vector_load %arg15[%get3A_680, %get3A_681] {strides = array<i32>} : memref<80x128xf32, #tpu.memory_space<vmem>>, vector<1x16xf32>,
        %get3A_683 = vector.shape_cast %get3A_682 : vector<1x16xf32> to vector<16xf32>
        %mul3A_684 = arith.mulf %mul3A_679, %get3A_683 : vector<16xf32>
        %add3A_685 = arith.addf %add3A_670, %mul3A_684 : vector<16xf32>
        %swap3A_686 = arith.index_cast %add3A_566 : i32 to index
        %swap3A_687 = arith.constant 0 : index
        %swap3A_688 = tpu.vector_load %arg17[%swap3A_686, %swap3A_687] {strides = array<i32>} : memref<80x16xf32, #tpu.memory_space<vmem>>, vector<1x16xf32>,
        %swap3A_689 = vector.shape_cast %swap3A_688 : vector<1x16xf32> to vector<16xf32>
        %swap3A_690 = vector.shape_cast %add3A_685 : vector<16xf32> to vector<1x16xf32>
        tpu.vector_store %arg17[%swap3A_686, %swap3A_687], %swap3A_690 {strides = array<i32>} : memref<80x16xf32, #tpu.memory_space<vmem>>, vector<1x16xf32>,
        %add3A_691 = arith.constant 4 : i32
        %add3A_692 = arith.addi %mul3A_188, %add3A_691 : i32
        %get3A_693 = arith.index_cast %add3A_692 : i32 to index
        %get3A_694 = arith.constant 0 : index
        %get3A_695 = tpu.vector_load %arg14[%get3A_693, %get3A_694] {strides = array<i32>} : memref<80x128xf32, #tpu.memory_space<vmem>>, vector<1x16xf32>,
        %get3A_696 = vector.shape_cast %get3A_695 : vector<1x16xf32> to vector<16xf32>
        %get3A_697 = arith.index_cast %add3A_692 : i32 to index
        %get3A_698 = arith.constant 0 : index
        %get3A_699 = tpu.vector_load %arg16[%get3A_697, %get3A_698] {strides = array<i32>} : memref<80x128xf32, #tpu.memory_space<vmem>>, vector<1x16xf32>,
        %get3A_700 = vector.shape_cast %get3A_699 : vector<1x16xf32> to vector<16xf32>
        %mul3A_701 = arith.mulf %get3A_696, %get3A_700 : vector<16xf32>
        %get3A_702 = arith.index_cast %add3A_692 : i32 to index
        %get3A_703 = arith.constant 0 : index
        %get3A_704 = tpu.vector_load %arg15[%get3A_702, %get3A_703] {strides = array<i32>} : memref<80x128xf32, #tpu.memory_space<vmem>>, vector<1x16xf32>,
        %get3A_705 = vector.shape_cast %get3A_704 : vector<1x16xf32> to vector<16xf32>
        %mul3A_706 = arith.mulf %mul3A_701, %get3A_705 : vector<16xf32>
        %get3A_707 = arith.index_cast %add3A_692 : i32 to index
        %get3A_708 = arith.constant 16 : index
        %get3A_709 = tpu.vector_load %arg14[%get3A_707, %get3A_708] {strides = array<i32>} : memref<80x128xf32, #tpu.memory_space<vmem>>, vector<1x16xf32>,
        %get3A_710 = vector.shape_cast %get3A_709 : vector<1x16xf32> to vector<16xf32>
        %get3A_711 = arith.index_cast %add3A_692 : i32 to index
        %get3A_712 = arith.constant 16 : index
        %get3A_713 = tpu.vector_load %arg16[%get3A_711, %get3A_712] {strides = array<i32>} : memref<80x128xf32, #tpu.memory_space<vmem>>, vector<1x16xf32>,
        %get3A_714 = vector.shape_cast %get3A_713 : vector<1x16xf32> to vector<16xf32>
        %mul3A_715 = arith.mulf %get3A_710, %get3A_714 : vector<16xf32>
        %get3A_716 = arith.index_cast %add3A_692 : i32 to index
        %get3A_717 = arith.constant 16 : index
        %get3A_718 = tpu.vector_load %arg15[%get3A_716, %get3A_717] {strides = array<i32>} : memref<80x128xf32, #tpu.memory_space<vmem>>, vector<1x16xf32>,
        %get3A_719 = vector.shape_cast %get3A_718 : vector<1x16xf32> to vector<16xf32>
        %mul3A_720 = arith.mulf %mul3A_715, %get3A_719 : vector<16xf32>
        %add3A_721 = arith.addf %mul3A_706, %mul3A_720 : vector<16xf32>
        %get3A_722 = arith.index_cast %add3A_692 : i32 to index
        %get3A_723 = arith.constant 32 : index
        %get3A_724 = tpu.vector_load %arg14[%get3A_722, %get3A_723] {strides = array<i32>} : memref<80x128xf32, #tpu.memory_space<vmem>>, vector<1x16xf32>,
        %get3A_725 = vector.shape_cast %get3A_724 : vector<1x16xf32> to vector<16xf32>
        %get3A_726 = arith.index_cast %add3A_692 : i32 to index
        %get3A_727 = arith.constant 32 : index
        %get3A_728 = tpu.vector_load %arg16[%get3A_726, %get3A_727] {strides = array<i32>} : memref<80x128xf32, #tpu.memory_space<vmem>>, vector<1x16xf32>,
        %get3A_729 = vector.shape_cast %get3A_728 : vector<1x16xf32> to vector<16xf32>
        %mul3A_730 = arith.mulf %get3A_725, %get3A_729 : vector<16xf32>
        %get3A_731 = arith.index_cast %add3A_692 : i32 to index
        %get3A_732 = arith.constant 32 : index
        %get3A_733 = tpu.vector_load %arg15[%get3A_731, %get3A_732] {strides = array<i32>} : memref<80x128xf32, #tpu.memory_space<vmem>>, vector<1x16xf32>,
        %get3A_734 = vector.shape_cast %get3A_733 : vector<1x16xf32> to vector<16xf32>
        %mul3A_735 = arith.mulf %mul3A_730, %get3A_734 : vector<16xf32>
        %add3A_736 = arith.addf %add3A_721, %mul3A_735 : vector<16xf32>
        %get3A_737 = arith.index_cast %add3A_692 : i32 to index
        %get3A_738 = arith.constant 48 : index
        %get3A_739 = tpu.vector_load %arg14[%get3A_737, %get3A_738] {strides = array<i32>} : memref<80x128xf32, #tpu.memory_space<vmem>>, vector<1x16xf32>,
        %get3A_740 = vector.shape_cast %get3A_739 : vector<1x16xf32> to vector<16xf32>
        %get3A_741 = arith.index_cast %add3A_692 : i32 to index
        %get3A_742 = arith.constant 48 : index
        %get3A_743 = tpu.vector_load %arg16[%get3A_741, %get3A_742] {strides = array<i32>} : memref<80x128xf32, #tpu.memory_space<vmem>>, vector<1x16xf32>,
        %get3A_744 = vector.shape_cast %get3A_743 : vector<1x16xf32> to vector<16xf32>
        %mul3A_745 = arith.mulf %get3A_740, %get3A_744 : vector<16xf32>
        %get3A_746 = arith.index_cast %add3A_692 : i32 to index
        %get3A_747 = arith.constant 48 : index
        %get3A_748 = tpu.vector_load %arg15[%get3A_746, %get3A_747] {strides = array<i32>} : memref<80x128xf32, #tpu.memory_space<vmem>>, vector<1x16xf32>,
        %get3A_749 = vector.shape_cast %get3A_748 : vector<1x16xf32> to vector<16xf32>
        %mul3A_750 = arith.mulf %mul3A_745, %get3A_749 : vector<16xf32>
        %add3A_751 = arith.addf %add3A_736, %mul3A_750 : vector<16xf32>
        %get3A_752 = arith.index_cast %add3A_692 : i32 to index
        %get3A_753 = arith.constant 64 : index
        %get3A_754 = tpu.vector_load %arg14[%get3A_752, %get3A_753] {strides = array<i32>} : memref<80x128xf32, #tpu.memory_space<vmem>>, vector<1x16xf32>,
        %get3A_755 = vector.shape_cast %get3A_754 : vector<1x16xf32> to vector<16xf32>
        %get3A_756 = arith.index_cast %add3A_692 : i32 to index
        %get3A_757 = arith.constant 64 : index
        %get3A_758 = tpu.vector_load %arg16[%get3A_756, %get3A_757] {strides = array<i32>} : memref<80x128xf32, #tpu.memory_space<vmem>>, vector<1x16xf32>,
        %get3A_759 = vector.shape_cast %get3A_758 : vector<1x16xf32> to vector<16xf32>
        %mul3A_760 = arith.mulf %get3A_755, %get3A_759 : vector<16xf32>
        %get3A_761 = arith.index_cast %add3A_692 : i32 to index
        %get3A_762 = arith.constant 64 : index
        %get3A_763 = tpu.vector_load %arg15[%get3A_761, %get3A_762] {strides = array<i32>} : memref<80x128xf32, #tpu.memory_space<vmem>>, vector<1x16xf32>,
        %get3A_764 = vector.shape_cast %get3A_763 : vector<1x16xf32> to vector<16xf32>
        %mul3A_765 = arith.mulf %mul3A_760, %get3A_764 : vector<16xf32>
        %add3A_766 = arith.addf %add3A_751, %mul3A_765 : vector<16xf32>
        %get3A_767 = arith.index_cast %add3A_692 : i32 to index
        %get3A_768 = arith.constant 80 : index
        %get3A_769 = tpu.vector_load %arg14[%get3A_767, %get3A_768] {strides = array<i32>} : memref<80x128xf32, #tpu.memory_space<vmem>>, vector<1x16xf32>,
        %get3A_770 = vector.shape_cast %get3A_769 : vector<1x16xf32> to vector<16xf32>
        %get3A_771 = arith.index_cast %add3A_692 : i32 to index
        %get3A_772 = arith.constant 80 : index
        %get3A_773 = tpu.vector_load %arg16[%get3A_771, %get3A_772] {strides = array<i32>} : memref<80x128xf32, #tpu.memory_space<vmem>>, vector<1x16xf32>,
        %get3A_774 = vector.shape_cast %get3A_773 : vector<1x16xf32> to vector<16xf32>
        %mul3A_775 = arith.mulf %get3A_770, %get3A_774 : vector<16xf32>
        %get3A_776 = arith.index_cast %add3A_692 : i32 to index
        %get3A_777 = arith.constant 80 : index
        %get3A_778 = tpu.vector_load %arg15[%get3A_776, %get3A_777] {strides = array<i32>} : memref<80x128xf32, #tpu.memory_space<vmem>>, vector<1x16xf32>,
        %get3A_779 = vector.shape_cast %get3A_778 : vector<1x16xf32> to vector<16xf32>
        %mul3A_780 = arith.mulf %mul3A_775, %get3A_779 : vector<16xf32>
        %add3A_781 = arith.addf %add3A_766, %mul3A_780 : vector<16xf32>
        %get3A_782 = arith.index_cast %add3A_692 : i32 to index
        %get3A_783 = arith.constant 96 : index
        %get3A_784 = tpu.vector_load %arg14[%get3A_782, %get3A_783] {strides = array<i32>} : memref<80x128xf32, #tpu.memory_space<vmem>>, vector<1x16xf32>,
        %get3A_785 = vector.shape_cast %get3A_784 : vector<1x16xf32> to vector<16xf32>
        %get3A_786 = arith.index_cast %add3A_692 : i32 to index
        %get3A_787 = arith.constant 96 : index
        %get3A_788 = tpu.vector_load %arg16[%get3A_786, %get3A_787] {strides = array<i32>} : memref<80x128xf32, #tpu.memory_space<vmem>>, vector<1x16xf32>,
        %get3A_789 = vector.shape_cast %get3A_788 : vector<1x16xf32> to vector<16xf32>
        %mul3A_790 = arith.mulf %get3A_785, %get3A_789 : vector<16xf32>
        %get3A_791 = arith.index_cast %add3A_692 : i32 to index
        %get3A_792 = arith.constant 96 : index
        %get3A_793 = tpu.vector_load %arg15[%get3A_791, %get3A_792] {strides = array<i32>} : memref<80x128xf32, #tpu.memory_space<vmem>>, vector<1x16xf32>,
        %get3A_794 = vector.shape_cast %get3A_793 : vector<1x16xf32> to vector<16xf32>
        %mul3A_795 = arith.mulf %mul3A_790, %get3A_794 : vector<16xf32>
        %add3A_796 = arith.addf %add3A_781, %mul3A_795 : vector<16xf32>
        %get3A_797 = arith.index_cast %add3A_692 : i32 to index
        %get3A_798 = arith.constant 112 : index
        %get3A_799 = tpu.vector_load %arg14[%get3A_797, %get3A_798] {strides = array<i32>} : memref<80x128xf32, #tpu.memory_space<vmem>>, vector<1x16xf32>,
        %get3A_800 = vector.shape_cast %get3A_799 : vector<1x16xf32> to vector<16xf32>
        %get3A_801 = arith.index_cast %add3A_692 : i32 to index
        %get3A_802 = arith.constant 112 : index
        %get3A_803 = tpu.vector_load %arg16[%get3A_801, %get3A_802] {strides = array<i32>} : memref<80x128xf32, #tpu.memory_space<vmem>>, vector<1x16xf32>,
        %get3A_804 = vector.shape_cast %get3A_803 : vector<1x16xf32> to vector<16xf32>
        %mul3A_805 = arith.mulf %get3A_800, %get3A_804 : vector<16xf32>
        %get3A_806 = arith.index_cast %add3A_692 : i32 to index
        %get3A_807 = arith.constant 112 : index
        %get3A_808 = tpu.vector_load %arg15[%get3A_806, %get3A_807] {strides = array<i32>} : memref<80x128xf32, #tpu.memory_space<vmem>>, vector<1x16xf32>,
        %get3A_809 = vector.shape_cast %get3A_808 : vector<1x16xf32> to vector<16xf32>
        %mul3A_810 = arith.mulf %mul3A_805, %get3A_809 : vector<16xf32>
        %add3A_811 = arith.addf %add3A_796, %mul3A_810 : vector<16xf32>
        %swap3A_812 = arith.index_cast %add3A_692 : i32 to index
        %swap3A_813 = arith.constant 0 : index
        %swap3A_814 = tpu.vector_load %arg17[%swap3A_812, %swap3A_813] {strides = array<i32>} : memref<80x16xf32, #tpu.memory_space<vmem>>, vector<1x16xf32>,
        %swap3A_815 = vector.shape_cast %swap3A_814 : vector<1x16xf32> to vector<16xf32>
        %swap3A_816 = vector.shape_cast %add3A_811 : vector<16xf32> to vector<1x16xf32>
        tpu.vector_store %arg17[%swap3A_812, %swap3A_813], %swap3A_816 {strides = array<i32>} : memref<80x16xf32, #tpu.memory_space<vmem>>, vector<1x16xf32>,
        %add3A_817 = arith.constant 5 : i32
        %add3A_818 = arith.addi %mul3A_188, %add3A_817 : i32
        %get3A_819 = arith.index_cast %add3A_818 : i32 to index
        %get3A_820 = arith.constant 0 : index
        %get3A_821 = tpu.vector_load %arg14[%get3A_819, %get3A_820] {strides = array<i32>} : memref<80x128xf32, #tpu.memory_space<vmem>>, vector<1x16xf32>,
        %get3A_822 = vector.shape_cast %get3A_821 : vector<1x16xf32> to vector<16xf32>
        %get3A_823 = arith.index_cast %add3A_818 : i32 to index
        %get3A_824 = arith.constant 0 : index
        %get3A_825 = tpu.vector_load %arg16[%get3A_823, %get3A_824] {strides = array<i32>} : memref<80x128xf32, #tpu.memory_space<vmem>>, vector<1x16xf32>,
        %get3A_826 = vector.shape_cast %get3A_825 : vector<1x16xf32> to vector<16xf32>
        %mul3A_827 = arith.mulf %get3A_822, %get3A_826 : vector<16xf32>
        %get3A_828 = arith.index_cast %add3A_818 : i32 to index
        %get3A_829 = arith.constant 0 : index
        %get3A_830 = tpu.vector_load %arg15[%get3A_828, %get3A_829] {strides = array<i32>} : memref<80x128xf32, #tpu.memory_space<vmem>>, vector<1x16xf32>,
        %get3A_831 = vector.shape_cast %get3A_830 : vector<1x16xf32> to vector<16xf32>
        %mul3A_832 = arith.mulf %mul3A_827, %get3A_831 : vector<16xf32>
        %get3A_833 = arith.index_cast %add3A_818 : i32 to index
        %get3A_834 = arith.constant 16 : index
        %get3A_835 = tpu.vector_load %arg14[%get3A_833, %get3A_834] {strides = array<i32>} : memref<80x128xf32, #tpu.memory_space<vmem>>, vector<1x16xf32>,
        %get3A_836 = vector.shape_cast %get3A_835 : vector<1x16xf32> to vector<16xf32>
        %get3A_837 = arith.index_cast %add3A_818 : i32 to index
        %get3A_838 = arith.constant 16 : index
        %get3A_839 = tpu.vector_load %arg16[%get3A_837, %get3A_838] {strides = array<i32>} : memref<80x128xf32, #tpu.memory_space<vmem>>, vector<1x16xf32>,
        %get3A_840 = vector.shape_cast %get3A_839 : vector<1x16xf32> to vector<16xf32>
        %mul3A_841 = arith.mulf %get3A_836, %get3A_840 : vector<16xf32>
        %get3A_842 = arith.index_cast %add3A_818 : i32 to index
        %get3A_843 = arith.constant 16 : index
        %get3A_844 = tpu.vector_load %arg15[%get3A_842, %get3A_843] {strides = array<i32>} : memref<80x128xf32, #tpu.memory_space<vmem>>, vector<1x16xf32>,
        %get3A_845 = vector.shape_cast %get3A_844 : vector<1x16xf32> to vector<16xf32>
        %mul3A_846 = arith.mulf %mul3A_841, %get3A_845 : vector<16xf32>
        %add3A_847 = arith.addf %mul3A_832, %mul3A_846 : vector<16xf32>
        %get3A_848 = arith.index_cast %add3A_818 : i32 to index
        %get3A_849 = arith.constant 32 : index
        %get3A_850 = tpu.vector_load %arg14[%get3A_848, %get3A_849] {strides = array<i32>} : memref<80x128xf32, #tpu.memory_space<vmem>>, vector<1x16xf32>,
        %get3A_851 = vector.shape_cast %get3A_850 : vector<1x16xf32> to vector<16xf32>
        %get3A_852 = arith.index_cast %add3A_818 : i32 to index
        %get3A_853 = arith.constant 32 : index
        %get3A_854 = tpu.vector_load %arg16[%get3A_852, %get3A_853] {strides = array<i32>} : memref<80x128xf32, #tpu.memory_space<vmem>>, vector<1x16xf32>,
        %get3A_855 = vector.shape_cast %get3A_854 : vector<1x16xf32> to vector<16xf32>
        %mul3A_856 = arith.mulf %get3A_851, %get3A_855 : vector<16xf32>
        %get3A_857 = arith.index_cast %add3A_818 : i32 to index
        %get3A_858 = arith.constant 32 : index
        %get3A_859 = tpu.vector_load %arg15[%get3A_857, %get3A_858] {strides = array<i32>} : memref<80x128xf32, #tpu.memory_space<vmem>>, vector<1x16xf32>,
        %get3A_860 = vector.shape_cast %get3A_859 : vector<1x16xf32> to vector<16xf32>
        %mul3A_861 = arith.mulf %mul3A_856, %get3A_860 : vector<16xf32>
        %add3A_862 = arith.addf %add3A_847, %mul3A_861 : vector<16xf32>
        %get3A_863 = arith.index_cast %add3A_818 : i32 to index
        %get3A_864 = arith.constant 48 : index
        %get3A_865 = tpu.vector_load %arg14[%get3A_863, %get3A_864] {strides = array<i32>} : memref<80x128xf32, #tpu.memory_space<vmem>>, vector<1x16xf32>,
        %get3A_866 = vector.shape_cast %get3A_865 : vector<1x16xf32> to vector<16xf32>
        %get3A_867 = arith.index_cast %add3A_818 : i32 to index
        %get3A_868 = arith.constant 48 : index
        %get3A_869 = tpu.vector_load %arg16[%get3A_867, %get3A_868] {strides = array<i32>} : memref<80x128xf32, #tpu.memory_space<vmem>>, vector<1x16xf32>,
        %get3A_870 = vector.shape_cast %get3A_869 : vector<1x16xf32> to vector<16xf32>
        %mul3A_871 = arith.mulf %get3A_866, %get3A_870 : vector<16xf32>
        %get3A_872 = arith.index_cast %add3A_818 : i32 to index
        %get3A_873 = arith.constant 48 : index
        %get3A_874 = tpu.vector_load %arg15[%get3A_872, %get3A_873] {strides = array<i32>} : memref<80x128xf32, #tpu.memory_space<vmem>>, vector<1x16xf32>,
        %get3A_875 = vector.shape_cast %get3A_874 : vector<1x16xf32> to vector<16xf32>
        %mul3A_876 = arith.mulf %mul3A_871, %get3A_875 : vector<16xf32>
        %add3A_877 = arith.addf %add3A_862, %mul3A_876 : vector<16xf32>
        %get3A_878 = arith.index_cast %add3A_818 : i32 to index
        %get3A_879 = arith.constant 64 : index
        %get3A_880 = tpu.vector_load %arg14[%get3A_878, %get3A_879] {strides = array<i32>} : memref<80x128xf32, #tpu.memory_space<vmem>>, vector<1x16xf32>,
        %get3A_881 = vector.shape_cast %get3A_880 : vector<1x16xf32> to vector<16xf32>
        %get3A_882 = arith.index_cast %add3A_818 : i32 to index
        %get3A_883 = arith.constant 64 : index
        %get3A_884 = tpu.vector_load %arg16[%get3A_882, %get3A_883] {strides = array<i32>} : memref<80x128xf32, #tpu.memory_space<vmem>>, vector<1x16xf32>,
        %get3A_885 = vector.shape_cast %get3A_884 : vector<1x16xf32> to vector<16xf32>
        %mul3A_886 = arith.mulf %get3A_881, %get3A_885 : vector<16xf32>
        %get3A_887 = arith.index_cast %add3A_818 : i32 to index
        %get3A_888 = arith.constant 64 : index
        %get3A_889 = tpu.vector_load %arg15[%get3A_887, %get3A_888] {strides = array<i32>} : memref<80x128xf32, #tpu.memory_space<vmem>>, vector<1x16xf32>,
        %get3A_890 = vector.shape_cast %get3A_889 : vector<1x16xf32> to vector<16xf32>
        %mul3A_891 = arith.mulf %mul3A_886, %get3A_890 : vector<16xf32>
        %add3A_892 = arith.addf %add3A_877, %mul3A_891 : vector<16xf32>
        %get3A_893 = arith.index_cast %add3A_818 : i32 to index
        %get3A_894 = arith.constant 80 : index
        %get3A_895 = tpu.vector_load %arg14[%get3A_893, %get3A_894] {strides = array<i32>} : memref<80x128xf32, #tpu.memory_space<vmem>>, vector<1x16xf32>,
        %get3A_896 = vector.shape_cast %get3A_895 : vector<1x16xf32> to vector<16xf32>
        %get3A_897 = arith.index_cast %add3A_818 : i32 to index
        %get3A_898 = arith.constant 80 : index
        %get3A_899 = tpu.vector_load %arg16[%get3A_897, %get3A_898] {strides = array<i32>} : memref<80x128xf32, #tpu.memory_space<vmem>>, vector<1x16xf32>,
        %get3A_900 = vector.shape_cast %get3A_899 : vector<1x16xf32> to vector<16xf32>
        %mul3A_901 = arith.mulf %get3A_896, %get3A_900 : vector<16xf32>
        %get3A_902 = arith.index_cast %add3A_818 : i32 to index
        %get3A_903 = arith.constant 80 : index
        %get3A_904 = tpu.vector_load %arg15[%get3A_902, %get3A_903] {strides = array<i32>} : memref<80x128xf32, #tpu.memory_space<vmem>>, vector<1x16xf32>,
        %get3A_905 = vector.shape_cast %get3A_904 : vector<1x16xf32> to vector<16xf32>
        %mul3A_906 = arith.mulf %mul3A_901, %get3A_905 : vector<16xf32>
        %add3A_907 = arith.addf %add3A_892, %mul3A_906 : vector<16xf32>
        %get3A_908 = arith.index_cast %add3A_818 : i32 to index
        %get3A_909 = arith.constant 96 : index
        %get3A_910 = tpu.vector_load %arg14[%get3A_908, %get3A_909] {strides = array<i32>} : memref<80x128xf32, #tpu.memory_space<vmem>>, vector<1x16xf32>,
        %get3A_911 = vector.shape_cast %get3A_910 : vector<1x16xf32> to vector<16xf32>
        %get3A_912 = arith.index_cast %add3A_818 : i32 to index
        %get3A_913 = arith.constant 96 : index
        %get3A_914 = tpu.vector_load %arg16[%get3A_912, %get3A_913] {strides = array<i32>} : memref<80x128xf32, #tpu.memory_space<vmem>>, vector<1x16xf32>,
        %get3A_915 = vector.shape_cast %get3A_914 : vector<1x16xf32> to vector<16xf32>
        %mul3A_916 = arith.mulf %get3A_911, %get3A_915 : vector<16xf32>
        %get3A_917 = arith.index_cast %add3A_818 : i32 to index
        %get3A_918 = arith.constant 96 : index
        %get3A_919 = tpu.vector_load %arg15[%get3A_917, %get3A_918] {strides = array<i32>} : memref<80x128xf32, #tpu.memory_space<vmem>>, vector<1x16xf32>,
        %get3A_920 = vector.shape_cast %get3A_919 : vector<1x16xf32> to vector<16xf32>
        %mul3A_921 = arith.mulf %mul3A_916, %get3A_920 : vector<16xf32>
        %add3A_922 = arith.addf %add3A_907, %mul3A_921 : vector<16xf32>
        %get3A_923 = arith.index_cast %add3A_818 : i32 to index
        %get3A_924 = arith.constant 112 : index
        %get3A_925 = tpu.vector_load %arg14[%get3A_923, %get3A_924] {strides = array<i32>} : memref<80x128xf32, #tpu.memory_space<vmem>>, vector<1x16xf32>,
        %get3A_926 = vector.shape_cast %get3A_925 : vector<1x16xf32> to vector<16xf32>
        %get3A_927 = arith.index_cast %add3A_818 : i32 to index
        %get3A_928 = arith.constant 112 : index
        %get3A_929 = tpu.vector_load %arg16[%get3A_927, %get3A_928] {strides = array<i32>} : memref<80x128xf32, #tpu.memory_space<vmem>>, vector<1x16xf32>,
        %get3A_930 = vector.shape_cast %get3A_929 : vector<1x16xf32> to vector<16xf32>
        %mul3A_931 = arith.mulf %get3A_926, %get3A_930 : vector<16xf32>
        %get3A_932 = arith.index_cast %add3A_818 : i32 to index
        %get3A_933 = arith.constant 112 : index
        %get3A_934 = tpu.vector_load %arg15[%get3A_932, %get3A_933] {strides = array<i32>} : memref<80x128xf32, #tpu.memory_space<vmem>>, vector<1x16xf32>,
        %get3A_935 = vector.shape_cast %get3A_934 : vector<1x16xf32> to vector<16xf32>
        %mul3A_936 = arith.mulf %mul3A_931, %get3A_935 : vector<16xf32>
        %add3A_937 = arith.addf %add3A_922, %mul3A_936 : vector<16xf32>
        %swap3A_938 = arith.index_cast %add3A_818 : i32 to index
        %swap3A_939 = arith.constant 0 : index
        %swap3A_940 = tpu.vector_load %arg17[%swap3A_938, %swap3A_939] {strides = array<i32>} : memref<80x16xf32, #tpu.memory_space<vmem>>, vector<1x16xf32>,
        %swap3A_941 = vector.shape_cast %swap3A_940 : vector<1x16xf32> to vector<16xf32>
        %swap3A_942 = vector.shape_cast %add3A_937 : vector<16xf32> to vector<1x16xf32>
        tpu.vector_store %arg17[%swap3A_938, %swap3A_939], %swap3A_942 {strides = array<i32>} : memref<80x16xf32, #tpu.memory_space<vmem>>, vector<1x16xf32>,
        %add3A_943 = arith.constant 6 : i32
        %add3A_944 = arith.addi %mul3A_188, %add3A_943 : i32
        %get3A_945 = arith.index_cast %add3A_944 : i32 to index
        %get3A_946 = arith.constant 0 : index
        %get3A_947 = tpu.vector_load %arg14[%get3A_945, %get3A_946] {strides = array<i32>} : memref<80x128xf32, #tpu.memory_space<vmem>>, vector<1x16xf32>,
        %get3A_948 = vector.shape_cast %get3A_947 : vector<1x16xf32> to vector<16xf32>
        %get3A_949 = arith.index_cast %add3A_944 : i32 to index
        %get3A_950 = arith.constant 0 : index
        %get3A_951 = tpu.vector_load %arg16[%get3A_949, %get3A_950] {strides = array<i32>} : memref<80x128xf32, #tpu.memory_space<vmem>>, vector<1x16xf32>,
        %get3A_952 = vector.shape_cast %get3A_951 : vector<1x16xf32> to vector<16xf32>
        %mul3A_953 = arith.mulf %get3A_948, %get3A_952 : vector<16xf32>
        %get3A_954 = arith.index_cast %add3A_944 : i32 to index
        %get3A_955 = arith.constant 0 : index
        %get3A_956 = tpu.vector_load %arg15[%get3A_954, %get3A_955] {strides = array<i32>} : memref<80x128xf32, #tpu.memory_space<vmem>>, vector<1x16xf32>,
        %get3A_957 = vector.shape_cast %get3A_956 : vector<1x16xf32> to vector<16xf32>
        %mul3A_958 = arith.mulf %mul3A_953, %get3A_957 : vector<16xf32>
        %get3A_959 = arith.index_cast %add3A_944 : i32 to index
        %get3A_960 = arith.constant 16 : index
        %get3A_961 = tpu.vector_load %arg14[%get3A_959, %get3A_960] {strides = array<i32>} : memref<80x128xf32, #tpu.memory_space<vmem>>, vector<1x16xf32>,
        %get3A_962 = vector.shape_cast %get3A_961 : vector<1x16xf32> to vector<16xf32>
        %get3A_963 = arith.index_cast %add3A_944 : i32 to index
        %get3A_964 = arith.constant 16 : index
        %get3A_965 = tpu.vector_load %arg16[%get3A_963, %get3A_964] {strides = array<i32>} : memref<80x128xf32, #tpu.memory_space<vmem>>, vector<1x16xf32>,
        %get3A_966 = vector.shape_cast %get3A_965 : vector<1x16xf32> to vector<16xf32>
        %mul3A_967 = arith.mulf %get3A_962, %get3A_966 : vector<16xf32>
        %get3A_968 = arith.index_cast %add3A_944 : i32 to index
        %get3A_969 = arith.constant 16 : index
        %get3A_970 = tpu.vector_load %arg15[%get3A_968, %get3A_969] {strides = array<i32>} : memref<80x128xf32, #tpu.memory_space<vmem>>, vector<1x16xf32>,
        %get3A_971 = vector.shape_cast %get3A_970 : vector<1x16xf32> to vector<16xf32>
        %mul3A_972 = arith.mulf %mul3A_967, %get3A_971 : vector<16xf32>
        %add3A_973 = arith.addf %mul3A_958, %mul3A_972 : vector<16xf32>
        %get3A_974 = arith.index_cast %add3A_944 : i32 to index
        %get3A_975 = arith.constant 32 : index
        %get3A_976 = tpu.vector_load %arg14[%get3A_974, %get3A_975] {strides = array<i32>} : memref<80x128xf32, #tpu.memory_space<vmem>>, vector<1x16xf32>,
        %get3A_977 = vector.shape_cast %get3A_976 : vector<1x16xf32> to vector<16xf32>
        %get3A_978 = arith.index_cast %add3A_944 : i32 to index
        %get3A_979 = arith.constant 32 : index
        %get3A_980 = tpu.vector_load %arg16[%get3A_978, %get3A_979] {strides = array<i32>} : memref<80x128xf32, #tpu.memory_space<vmem>>, vector<1x16xf32>,
        %get3A_981 = vector.shape_cast %get3A_980 : vector<1x16xf32> to vector<16xf32>
        %mul3A_982 = arith.mulf %get3A_977, %get3A_981 : vector<16xf32>
        %get3A_983 = arith.index_cast %add3A_944 : i32 to index
        %get3A_984 = arith.constant 32 : index
        %get3A_985 = tpu.vector_load %arg15[%get3A_983, %get3A_984] {strides = array<i32>} : memref<80x128xf32, #tpu.memory_space<vmem>>, vector<1x16xf32>,
        %get3A_986 = vector.shape_cast %get3A_985 : vector<1x16xf32> to vector<16xf32>
        %mul3A_987 = arith.mulf %mul3A_982, %get3A_986 : vector<16xf32>
        %add3A_988 = arith.addf %add3A_973, %mul3A_987 : vector<16xf32>
        %get3A_989 = arith.index_cast %add3A_944 : i32 to index
        %get3A_990 = arith.constant 48 : index
        %get3A_991 = tpu.vector_load %arg14[%get3A_989, %get3A_990] {strides = array<i32>} : memref<80x128xf32, #tpu.memory_space<vmem>>, vector<1x16xf32>,
        %get3A_992 = vector.shape_cast %get3A_991 : vector<1x16xf32> to vector<16xf32>
        %get3A_993 = arith.index_cast %add3A_944 : i32 to index
        %get3A_994 = arith.constant 48 : index
        %get3A_995 = tpu.vector_load %arg16[%get3A_993, %get3A_994] {strides = array<i32>} : memref<80x128xf32, #tpu.memory_space<vmem>>, vector<1x16xf32>,
        %get3A_996 = vector.shape_cast %get3A_995 : vector<1x16xf32> to vector<16xf32>
        %mul3A_997 = arith.mulf %get3A_992, %get3A_996 : vector<16xf32>
        %get3A_998 = arith.index_cast %add3A_944 : i32 to index
        %get3A_999 = arith.constant 48 : index
        %get3A_1000 = tpu.vector_load %arg15[%get3A_998, %get3A_999] {strides = array<i32>} : memref<80x128xf32, #tpu.memory_space<vmem>>, vector<1x16xf32>,
        %get3A_1001 = vector.shape_cast %get3A_1000 : vector<1x16xf32> to vector<16xf32>
        %mul3A_1002 = arith.mulf %mul3A_997, %get3A_1001 : vector<16xf32>
        %add3A_1003 = arith.addf %add3A_988, %mul3A_1002 : vector<16xf32>
        %get3A_1004 = arith.index_cast %add3A_944 : i32 to index
        %get3A_1005 = arith.constant 64 : index
        %get3A_1006 = tpu.vector_load %arg14[%get3A_1004, %get3A_1005] {strides = array<i32>} : memref<80x128xf32, #tpu.memory_space<vmem>>, vector<1x16xf32>,
        %get3A_1007 = vector.shape_cast %get3A_1006 : vector<1x16xf32> to vector<16xf32>
        %get3A_1008 = arith.index_cast %add3A_944 : i32 to index
        %get3A_1009 = arith.constant 64 : index
        %get3A_1010 = tpu.vector_load %arg16[%get3A_1008, %get3A_1009] {strides = array<i32>} : memref<80x128xf32, #tpu.memory_space<vmem>>, vector<1x16xf32>,
        %get3A_1011 = vector.shape_cast %get3A_1010 : vector<1x16xf32> to vector<16xf32>
        %mul3A_1012 = arith.mulf %get3A_1007, %get3A_1011 : vector<16xf32>
        %get3A_1013 = arith.index_cast %add3A_944 : i32 to index
        %get3A_1014 = arith.constant 64 : index
        %get3A_1015 = tpu.vector_load %arg15[%get3A_1013, %get3A_1014] {strides = array<i32>} : memref<80x128xf32, #tpu.memory_space<vmem>>, vector<1x16xf32>,
        %get3A_1016 = vector.shape_cast %get3A_1015 : vector<1x16xf32> to vector<16xf32>
        %mul3A_1017 = arith.mulf %mul3A_1012, %get3A_1016 : vector<16xf32>
        %add3A_1018 = arith.addf %add3A_1003, %mul3A_1017 : vector<16xf32>
        %get3A_1019 = arith.index_cast %add3A_944 : i32 to index
        %get3A_1020 = arith.constant 80 : index
        %get3A_1021 = tpu.vector_load %arg14[%get3A_1019, %get3A_1020] {strides = array<i32>} : memref<80x128xf32, #tpu.memory_space<vmem>>, vector<1x16xf32>,
        %get3A_1022 = vector.shape_cast %get3A_1021 : vector<1x16xf32> to vector<16xf32>
        %get3A_1023 = arith.index_cast %add3A_944 : i32 to index
        %get3A_1024 = arith.constant 80 : index
        %get3A_1025 = tpu.vector_load %arg16[%get3A_1023, %get3A_1024] {strides = array<i32>} : memref<80x128xf32, #tpu.memory_space<vmem>>, vector<1x16xf32>,
        %get3A_1026 = vector.shape_cast %get3A_1025 : vector<1x16xf32> to vector<16xf32>
        %mul3A_1027 = arith.mulf %get3A_1022, %get3A_1026 : vector<16xf32>
        %get3A_1028 = arith.index_cast %add3A_944 : i32 to index
        %get3A_1029 = arith.constant 80 : index
        %get3A_1030 = tpu.vector_load %arg15[%get3A_1028, %get3A_1029] {strides = array<i32>} : memref<80x128xf32, #tpu.memory_space<vmem>>, vector<1x16xf32>,
        %get3A_1031 = vector.shape_cast %get3A_1030 : vector<1x16xf32> to vector<16xf32>
        %mul3A_1032 = arith.mulf %mul3A_1027, %get3A_1031 : vector<16xf32>
        %add3A_1033 = arith.addf %add3A_1018, %mul3A_1032 : vector<16xf32>
        %get3A_1034 = arith.index_cast %add3A_944 : i32 to index
        %get3A_1035 = arith.constant 96 : index
        %get3A_1036 = tpu.vector_load %arg14[%get3A_1034, %get3A_1035] {strides = array<i32>} : memref<80x128xf32, #tpu.memory_space<vmem>>, vector<1x16xf32>,
        %get3A_1037 = vector.shape_cast %get3A_1036 : vector<1x16xf32> to vector<16xf32>
        %get3A_1038 = arith.index_cast %add3A_944 : i32 to index
        %get3A_1039 = arith.constant 96 : index
        %get3A_1040 = tpu.vector_load %arg16[%get3A_1038, %get3A_1039] {strides = array<i32>} : memref<80x128xf32, #tpu.memory_space<vmem>>, vector<1x16xf32>,
        %get3A_1041 = vector.shape_cast %get3A_1040 : vector<1x16xf32> to vector<16xf32>
        %mul3A_1042 = arith.mulf %get3A_1037, %get3A_1041 : vector<16xf32>
        %get3A_1043 = arith.index_cast %add3A_944 : i32 to index
        %get3A_1044 = arith.constant 96 : index
        %get3A_1045 = tpu.vector_load %arg15[%get3A_1043, %get3A_1044] {strides = array<i32>} : memref<80x128xf32, #tpu.memory_space<vmem>>, vector<1x16xf32>,
        %get3A_1046 = vector.shape_cast %get3A_1045 : vector<1x16xf32> to vector<16xf32>
        %mul3A_1047 = arith.mulf %mul3A_1042, %get3A_1046 : vector<16xf32>
        %add3A_1048 = arith.addf %add3A_1033, %mul3A_1047 : vector<16xf32>
        %get3A_1049 = arith.index_cast %add3A_944 : i32 to index
        %get3A_1050 = arith.constant 112 : index
        %get3A_1051 = tpu.vector_load %arg14[%get3A_1049, %get3A_1050] {strides = array<i32>} : memref<80x128xf32, #tpu.memory_space<vmem>>, vector<1x16xf32>,
        %get3A_1052 = vector.shape_cast %get3A_1051 : vector<1x16xf32> to vector<16xf32>
        %get3A_1053 = arith.index_cast %add3A_944 : i32 to index
        %get3A_1054 = arith.constant 112 : index
        %get3A_1055 = tpu.vector_load %arg16[%get3A_1053, %get3A_1054] {strides = array<i32>} : memref<80x128xf32, #tpu.memory_space<vmem>>, vector<1x16xf32>,
        %get3A_1056 = vector.shape_cast %get3A_1055 : vector<1x16xf32> to vector<16xf32>
        %mul3A_1057 = arith.mulf %get3A_1052, %get3A_1056 : vector<16xf32>
        %get3A_1058 = arith.index_cast %add3A_944 : i32 to index
        %get3A_1059 = arith.constant 112 : index
        %get3A_1060 = tpu.vector_load %arg15[%get3A_1058, %get3A_1059] {strides = array<i32>} : memref<80x128xf32, #tpu.memory_space<vmem>>, vector<1x16xf32>,
        %get3A_1061 = vector.shape_cast %get3A_1060 : vector<1x16xf32> to vector<16xf32>
        %mul3A_1062 = arith.mulf %mul3A_1057, %get3A_1061 : vector<16xf32>
        %add3A_1063 = arith.addf %add3A_1048, %mul3A_1062 : vector<16xf32>
        %swap3A_1064 = arith.index_cast %add3A_944 : i32 to index
        %swap3A_1065 = arith.constant 0 : index
        %swap3A_1066 = tpu.vector_load %arg17[%swap3A_1064, %swap3A_1065] {strides = array<i32>} : memref<80x16xf32, #tpu.memory_space<vmem>>, vector<1x16xf32>,
        %swap3A_1067 = vector.shape_cast %swap3A_1066 : vector<1x16xf32> to vector<16xf32>
        %swap3A_1068 = vector.shape_cast %add3A_1063 : vector<16xf32> to vector<1x16xf32>
        tpu.vector_store %arg17[%swap3A_1064, %swap3A_1065], %swap3A_1068 {strides = array<i32>} : memref<80x16xf32, #tpu.memory_space<vmem>>, vector<1x16xf32>,
        %add3A_1069 = arith.constant 7 : i32
        %add3A_1070 = arith.addi %mul3A_188, %add3A_1069 : i32
        %get3A_1071 = arith.index_cast %add3A_1070 : i32 to index
        %get3A_1072 = arith.constant 0 : index
        %get3A_1073 = tpu.vector_load %arg14[%get3A_1071, %get3A_1072] {strides = array<i32>} : memref<80x128xf32, #tpu.memory_space<vmem>>, vector<1x16xf32>,
        %get3A_1074 = vector.shape_cast %get3A_1073 : vector<1x16xf32> to vector<16xf32>
        %get3A_1075 = arith.index_cast %add3A_1070 : i32 to index
        %get3A_1076 = arith.constant 0 : index
        %get3A_1077 = tpu.vector_load %arg16[%get3A_1075, %get3A_1076] {strides = array<i32>} : memref<80x128xf32, #tpu.memory_space<vmem>>, vector<1x16xf32>,
        %get3A_1078 = vector.shape_cast %get3A_1077 : vector<1x16xf32> to vector<16xf32>
        %mul3A_1079 = arith.mulf %get3A_1074, %get3A_1078 : vector<16xf32>
        %get3A_1080 = arith.index_cast %add3A_1070 : i32 to index
        %get3A_1081 = arith.constant 0 : index
        %get3A_1082 = tpu.vector_load %arg15[%get3A_1080, %get3A_1081] {strides = array<i32>} : memref<80x128xf32, #tpu.memory_space<vmem>>, vector<1x16xf32>,
        %get3A_1083 = vector.shape_cast %get3A_1082 : vector<1x16xf32> to vector<16xf32>
        %mul3A_1084 = arith.mulf %mul3A_1079, %get3A_1083 : vector<16xf32>
        %get3A_1085 = arith.index_cast %add3A_1070 : i32 to index
        %get3A_1086 = arith.constant 16 : index
        %get3A_1087 = tpu.vector_load %arg14[%get3A_1085, %get3A_1086] {strides = array<i32>} : memref<80x128xf32, #tpu.memory_space<vmem>>, vector<1x16xf32>,
        %get3A_1088 = vector.shape_cast %get3A_1087 : vector<1x16xf32> to vector<16xf32>
        %get3A_1089 = arith.index_cast %add3A_1070 : i32 to index
        %get3A_1090 = arith.constant 16 : index
        %get3A_1091 = tpu.vector_load %arg16[%get3A_1089, %get3A_1090] {strides = array<i32>} : memref<80x128xf32, #tpu.memory_space<vmem>>, vector<1x16xf32>,
        %get3A_1092 = vector.shape_cast %get3A_1091 : vector<1x16xf32> to vector<16xf32>
        %mul3A_1093 = arith.mulf %get3A_1088, %get3A_1092 : vector<16xf32>
        %get3A_1094 = arith.index_cast %add3A_1070 : i32 to index
        %get3A_1095 = arith.constant 16 : index
        %get3A_1096 = tpu.vector_load %arg15[%get3A_1094, %get3A_1095] {strides = array<i32>} : memref<80x128xf32, #tpu.memory_space<vmem>>, vector<1x16xf32>,
        %get3A_1097 = vector.shape_cast %get3A_1096 : vector<1x16xf32> to vector<16xf32>
        %mul3A_1098 = arith.mulf %mul3A_1093, %get3A_1097 : vector<16xf32>
        %add3A_1099 = arith.addf %mul3A_1084, %mul3A_1098 : vector<16xf32>
        %get3A_1100 = arith.index_cast %add3A_1070 : i32 to index
        %get3A_1101 = arith.constant 32 : index
        %get3A_1102 = tpu.vector_load %arg14[%get3A_1100, %get3A_1101] {strides = array<i32>} : memref<80x128xf32, #tpu.memory_space<vmem>>, vector<1x16xf32>,
        %get3A_1103 = vector.shape_cast %get3A_1102 : vector<1x16xf32> to vector<16xf32>
        %get3A_1104 = arith.index_cast %add3A_1070 : i32 to index
        %get3A_1105 = arith.constant 32 : index
        %get3A_1106 = tpu.vector_load %arg16[%get3A_1104, %get3A_1105] {strides = array<i32>} : memref<80x128xf32, #tpu.memory_space<vmem>>, vector<1x16xf32>,
        %get3A_1107 = vector.shape_cast %get3A_1106 : vector<1x16xf32> to vector<16xf32>
        %mul3A_1108 = arith.mulf %get3A_1103, %get3A_1107 : vector<16xf32>
        %get3A_1109 = arith.index_cast %add3A_1070 : i32 to index
        %get3A_1110 = arith.constant 32 : index
        %get3A_1111 = tpu.vector_load %arg15[%get3A_1109, %get3A_1110] {strides = array<i32>} : memref<80x128xf32, #tpu.memory_space<vmem>>, vector<1x16xf32>,
        %get3A_1112 = vector.shape_cast %get3A_1111 : vector<1x16xf32> to vector<16xf32>
        %mul3A_1113 = arith.mulf %mul3A_1108, %get3A_1112 : vector<16xf32>
        %add3A_1114 = arith.addf %add3A_1099, %mul3A_1113 : vector<16xf32>
        %get3A_1115 = arith.index_cast %add3A_1070 : i32 to index
        %get3A_1116 = arith.constant 48 : index
        %get3A_1117 = tpu.vector_load %arg14[%get3A_1115, %get3A_1116] {strides = array<i32>} : memref<80x128xf32, #tpu.memory_space<vmem>>, vector<1x16xf32>,
        %get3A_1118 = vector.shape_cast %get3A_1117 : vector<1x16xf32> to vector<16xf32>
        %get3A_1119 = arith.index_cast %add3A_1070 : i32 to index
        %get3A_1120 = arith.constant 48 : index
        %get3A_1121 = tpu.vector_load %arg16[%get3A_1119, %get3A_1120] {strides = array<i32>} : memref<80x128xf32, #tpu.memory_space<vmem>>, vector<1x16xf32>,
        %get3A_1122 = vector.shape_cast %get3A_1121 : vector<1x16xf32> to vector<16xf32>
        %mul3A_1123 = arith.mulf %get3A_1118, %get3A_1122 : vector<16xf32>
        %get3A_1124 = arith.index_cast %add3A_1070 : i32 to index
        %get3A_1125 = arith.constant 48 : index
        %get3A_1126 = tpu.vector_load %arg15[%get3A_1124, %get3A_1125] {strides = array<i32>} : memref<80x128xf32, #tpu.memory_space<vmem>>, vector<1x16xf32>,
        %get3A_1127 = vector.shape_cast %get3A_1126 : vector<1x16xf32> to vector<16xf32>
        %mul3A_1128 = arith.mulf %mul3A_1123, %get3A_1127 : vector<16xf32>
        %add3A_1129 = arith.addf %add3A_1114, %mul3A_1128 : vector<16xf32>
        %get3A_1130 = arith.index_cast %add3A_1070 : i32 to index
        %get3A_1131 = arith.constant 64 : index
        %get3A_1132 = tpu.vector_load %arg14[%get3A_1130, %get3A_1131] {strides = array<i32>} : memref<80x128xf32, #tpu.memory_space<vmem>>, vector<1x16xf32>,
        %get3A_1133 = vector.shape_cast %get3A_1132 : vector<1x16xf32> to vector<16xf32>
        %get3A_1134 = arith.index_cast %add3A_1070 : i32 to index
        %get3A_1135 = arith.constant 64 : index
        %get3A_1136 = tpu.vector_load %arg16[%get3A_1134, %get3A_1135] {strides = array<i32>} : memref<80x128xf32, #tpu.memory_space<vmem>>, vector<1x16xf32>,
        %get3A_1137 = vector.shape_cast %get3A_1136 : vector<1x16xf32> to vector<16xf32>
        %mul3A_1138 = arith.mulf %get3A_1133, %get3A_1137 : vector<16xf32>
        %get3A_1139 = arith.index_cast %add3A_1070 : i32 to index
        %get3A_1140 = arith.constant 64 : index
        %get3A_1141 = tpu.vector_load %arg15[%get3A_1139, %get3A_1140] {strides = array<i32>} : memref<80x128xf32, #tpu.memory_space<vmem>>, vector<1x16xf32>,
        %get3A_1142 = vector.shape_cast %get3A_1141 : vector<1x16xf32> to vector<16xf32>
        %mul3A_1143 = arith.mulf %mul3A_1138, %get3A_1142 : vector<16xf32>
        %add3A_1144 = arith.addf %add3A_1129, %mul3A_1143 : vector<16xf32>
        %get3A_1145 = arith.index_cast %add3A_1070 : i32 to index
        %get3A_1146 = arith.constant 80 : index
        %get3A_1147 = tpu.vector_load %arg14[%get3A_1145, %get3A_1146] {strides = array<i32>} : memref<80x128xf32, #tpu.memory_space<vmem>>, vector<1x16xf32>,
        %get3A_1148 = vector.shape_cast %get3A_1147 : vector<1x16xf32> to vector<16xf32>
        %get3A_1149 = arith.index_cast %add3A_1070 : i32 to index
        %get3A_1150 = arith.constant 80 : index
        %get3A_1151 = tpu.vector_load %arg16[%get3A_1149, %get3A_1150] {strides = array<i32>} : memref<80x128xf32, #tpu.memory_space<vmem>>, vector<1x16xf32>,
        %get3A_1152 = vector.shape_cast %get3A_1151 : vector<1x16xf32> to vector<16xf32>
        %mul3A_1153 = arith.mulf %get3A_1148, %get3A_1152 : vector<16xf32>
        %get3A_1154 = arith.index_cast %add3A_1070 : i32 to index
        %get3A_1155 = arith.constant 80 : index
        %get3A_1156 = tpu.vector_load %arg15[%get3A_1154, %get3A_1155] {strides = array<i32>} : memref<80x128xf32, #tpu.memory_space<vmem>>, vector<1x16xf32>,
        %get3A_1157 = vector.shape_cast %get3A_1156 : vector<1x16xf32> to vector<16xf32>
        %mul3A_1158 = arith.mulf %mul3A_1153, %get3A_1157 : vector<16xf32>
        %add3A_1159 = arith.addf %add3A_1144, %mul3A_1158 : vector<16xf32>
        %get3A_1160 = arith.index_cast %add3A_1070 : i32 to index
        %get3A_1161 = arith.constant 96 : index
        %get3A_1162 = tpu.vector_load %arg14[%get3A_1160, %get3A_1161] {strides = array<i32>} : memref<80x128xf32, #tpu.memory_space<vmem>>, vector<1x16xf32>,
        %get3A_1163 = vector.shape_cast %get3A_1162 : vector<1x16xf32> to vector<16xf32>
        %get3A_1164 = arith.index_cast %add3A_1070 : i32 to index
        %get3A_1165 = arith.constant 96 : index
        %get3A_1166 = tpu.vector_load %arg16[%get3A_1164, %get3A_1165] {strides = array<i32>} : memref<80x128xf32, #tpu.memory_space<vmem>>, vector<1x16xf32>,
        %get3A_1167 = vector.shape_cast %get3A_1166 : vector<1x16xf32> to vector<16xf32>
        %mul3A_1168 = arith.mulf %get3A_1163, %get3A_1167 : vector<16xf32>
        %get3A_1169 = arith.index_cast %add3A_1070 : i32 to index
        %get3A_1170 = arith.constant 96 : index
        %get3A_1171 = tpu.vector_load %arg15[%get3A_1169, %get3A_1170] {strides = array<i32>} : memref<80x128xf32, #tpu.memory_space<vmem>>, vector<1x16xf32>,
        %get3A_1172 = vector.shape_cast %get3A_1171 : vector<1x16xf32> to vector<16xf32>
        %mul3A_1173 = arith.mulf %mul3A_1168, %get3A_1172 : vector<16xf32>
        %add3A_1174 = arith.addf %add3A_1159, %mul3A_1173 : vector<16xf32>
        %get3A_1175 = arith.index_cast %add3A_1070 : i32 to index
        %get3A_1176 = arith.constant 112 : index
        %get3A_1177 = tpu.vector_load %arg14[%get3A_1175, %get3A_1176] {strides = array<i32>} : memref<80x128xf32, #tpu.memory_space<vmem>>, vector<1x16xf32>,
        %get3A_1178 = vector.shape_cast %get3A_1177 : vector<1x16xf32> to vector<16xf32>
        %get3A_1179 = arith.index_cast %add3A_1070 : i32 to index
        %get3A_1180 = arith.constant 112 : index
        %get3A_1181 = tpu.vector_load %arg16[%get3A_1179, %get3A_1180] {strides = array<i32>} : memref<80x128xf32, #tpu.memory_space<vmem>>, vector<1x16xf32>,
        %get3A_1182 = vector.shape_cast %get3A_1181 : vector<1x16xf32> to vector<16xf32>
        %mul3A_1183 = arith.mulf %get3A_1178, %get3A_1182 : vector<16xf32>
        %get3A_1184 = arith.index_cast %add3A_1070 : i32 to index
        %get3A_1185 = arith.constant 112 : index
        %get3A_1186 = tpu.vector_load %arg15[%get3A_1184, %get3A_1185] {strides = array<i32>} : memref<80x128xf32, #tpu.memory_space<vmem>>, vector<1x16xf32>,
        %get3A_1187 = vector.shape_cast %get3A_1186 : vector<1x16xf32> to vector<16xf32>
        %mul3A_1188 = arith.mulf %mul3A_1183, %get3A_1187 : vector<16xf32>
        %add3A_1189 = arith.addf %add3A_1174, %mul3A_1188 : vector<16xf32>
        %swap3A_1190 = arith.index_cast %add3A_1070 : i32 to index
        %swap3A_1191 = arith.constant 0 : index
        %swap3A_1192 = tpu.vector_load %arg17[%swap3A_1190, %swap3A_1191] {strides = array<i32>} : memref<80x16xf32, #tpu.memory_space<vmem>>, vector<1x16xf32>,
        %swap3A_1193 = vector.shape_cast %swap3A_1192 : vector<1x16xf32> to vector<16xf32>
        %swap3A_1194 = vector.shape_cast %add3A_1189 : vector<16xf32> to vector<1x16xf32>
        tpu.vector_store %arg17[%swap3A_1190, %swap3A_1191], %swap3A_1194 {strides = array<i32>} : memref<80x16xf32, #tpu.memory_space<vmem>>, vector<1x16xf32>,
      }
      %scan3A_178 = arith.constant 10 : i32
      %mul3A_179 = arith.constant 80 : i32
      %mul3A_180 = arith.muli %add3A_135, %mul3A_179 : i32
      %add3A_181 = arith.addi %mul3A_2, %mul3A_180 : i32
      %dma_start3A_182 = arith.constant 0 : i32
      %dma_start3A_183 = tpu.memref_slice %arg6[%add3A_181, %dma_start3A_182] : memref<320000x16xf32, #tpu.memory_space<hbm>> -> memref<80x16xf32, #tpu.memory_space<hbm>>
      %dma_start3A_184 = arith.constant 0 : i32
      %dma_start3A_185 = tpu.memref_slice %arg6[%add3A_181, %dma_start3A_184] : memref<320000x16xf32, #tpu.memory_space<hbm>> -> memref<80x16xf32, #tpu.memory_space<hbm>>
      tpu.enqueue_dma source(%arg17 : memref<80x16xf32, #tpu.memory_space<vmem>>) target(%dma_start3A_185 : memref<80x16xf32, #tpu.memory_space<hbm>>) target_semaphore(%arg21 : memref<!tpu.dma_semaphore, #tpu.memory_space<semaphore_mem>>)
    }
    %scan3A_34 = arith.constant 62 : i32
    %dma_wait3A = arith.constant 9920 : i32
    %dma_wait3A_35 = tpu.memref_slice %arg7[%dma_wait3A] : memref<10000xi32, #tpu.memory_space<vmem>> -> memref<80xi32, #tpu.memory_space<vmem>>
    %dma_wait3A_36 = arith.constant 0 : i32
    %dma_wait3A_37 = arith.constant 0 : i32
    %dma_wait3A_38 = tpu.memref_slice %arg2[%dma_wait3A_36, %dma_wait3A_37] : memref<10000x128xf32, #tpu.memory_space<hbm>> -> memref<10000x128xf32, #tpu.memory_space<hbm>>
    tpu.wait_indirect_dma semaphore(%arg18 : memref<!tpu.dma_semaphore, #tpu.memory_space<semaphore_mem>>) src(%dma_wait3A_38 : memref<10000x128xf32, #tpu.memory_space<hbm>>) dst(%arg10 : memref<80x128xf32, #tpu.memory_space<vmem>>)
    %dma_wait3A_39 = arith.constant 9920 : i32
    %dma_wait3A_40 = tpu.memref_slice %arg8[%dma_wait3A_39] : memref<10000xi32, #tpu.memory_space<vmem>> -> memref<80xi32, #tpu.memory_space<vmem>>
    %dma_wait3A_41 = arith.constant 0 : i32
    %dma_wait3A_42 = arith.constant 0 : i32
    %dma_wait3A_43 = tpu.memref_slice %arg2[%dma_wait3A_41, %dma_wait3A_42] : memref<10000x128xf32, #tpu.memory_space<hbm>> -> memref<10000x128xf32, #tpu.memory_space<hbm>>
    tpu.wait_indirect_dma semaphore(%arg18 : memref<!tpu.dma_semaphore, #tpu.memory_space<semaphore_mem>>) src(%dma_wait3A_43 : memref<10000x128xf32, #tpu.memory_space<hbm>>) dst(%arg11 : memref<80x128xf32, #tpu.memory_space<vmem>>)
    %dma_wait3A_44 = arith.constant 9920 : i32
    %dma_wait3A_45 = tpu.memref_slice %arg9[%dma_wait3A_44] : memref<10000xi32, #tpu.memory_space<vmem>> -> memref<80xi32, #tpu.memory_space<vmem>>
    %dma_wait3A_46 = arith.constant 0 : i32
    %dma_wait3A_47 = arith.constant 0 : i32
    %dma_wait3A_48 = tpu.memref_slice %arg5[%dma_wait3A_46, %dma_wait3A_47] : memref<1000x128xf32, #tpu.memory_space<hbm>> -> memref<1000x128xf32, #tpu.memory_space<hbm>>
    tpu.wait_indirect_dma semaphore(%arg18 : memref<!tpu.dma_semaphore, #tpu.memory_space<semaphore_mem>>) src(%dma_wait3A_48 : memref<1000x128xf32, #tpu.memory_space<hbm>>) dst(%arg12 : memref<80x128xf32, #tpu.memory_space<vmem>>)
    %add3A_49 = arith.constant 9920 : i32
    %add3A_50 = arith.addi %mul3A_2, %add3A_49 : i32
    %dma_wait3A_51 = arith.constant 0 : i32
    %dma_wait3A_52 = tpu.memref_slice %arg6[%add3A_50, %dma_wait3A_51] : memref<320000x16xf32, #tpu.memory_space<hbm>> -> memref<80x16xf32, #tpu.memory_space<hbm>>
    %dma_wait3A_53 = arith.constant 0 : i32
    %dma_wait3A_54 = tpu.memref_slice %arg6[%add3A_50, %dma_wait3A_53] : memref<320000x16xf32, #tpu.memory_space<hbm>> -> memref<80x16xf32, #tpu.memory_space<hbm>>
    tpu.wait_dma2 semaphore(%arg20 : memref<!tpu.dma_semaphore, #tpu.memory_space<semaphore_mem>>) src(%arg13 : memref<80x16xf32, #tpu.memory_space<vmem>>) dst(%dma_wait3A_54 : memref<80x16xf32, #tpu.memory_space<hbm>>)
    %scan3A_55 = arith.constant 0 : i32
    %scan3A_56 = arith.constant 0 : i32
    %scan3A_57 = arith.constant 10 : i32
    %scan3A_58 = arith.addi %scan3A_56, %scan3A_57 : i32
    %scan3A_59 = arith.constant 1 : i32
    scf.for %scan3A_79 = %scan3A_56 to %scan3A_58 step %scan3A_59  : i32 {
      %mul3A_80 = arith.constant 8 : i32
      %mul3A_81 = arith.muli %scan3A_79, %mul3A_80 : i32
      %add3A_82 = arith.constant 0 : i32
      %add3A_83 = arith.addi %mul3A_81, %add3A_82 : i32
      %get3A = arith.index_cast %add3A_83 : i32 to index
      %get3A_84 = arith.constant 0 : index
      %get3A_85 = tpu.vector_load %arg10[%get3A, %get3A_84] {strides = array<i32>} : memref<80x128xf32, #tpu.memory_space<vmem>>, vector<1x16xf32>,
      %get3A_86 = vector.shape_cast %get3A_85 : vector<1x16xf32> to vector<16xf32>
      %get3A_87 = arith.index_cast %add3A_83 : i32 to index
      %get3A_88 = arith.constant 0 : index
      %get3A_89 = tpu.vector_load %arg12[%get3A_87, %get3A_88] {strides = array<i32>} : memref<80x128xf32, #tpu.memory_space<vmem>>, vector<1x16xf32>,
      %get3A_90 = vector.shape_cast %get3A_89 : vector<1x16xf32> to vector<16xf32>
      %mul3A_91 = arith.mulf %get3A_86, %get3A_90 : vector<16xf32>
      %get3A_92 = arith.index_cast %add3A_83 : i32 to index
      %get3A_93 = arith.constant 0 : index
      %get3A_94 = tpu.vector_load %arg11[%get3A_92, %get3A_93] {strides = array<i32>} : memref<80x128xf32, #tpu.memory_space<vmem>>, vector<1x16xf32>,
      %get3A_95 = vector.shape_cast %get3A_94 : vector<1x16xf32> to vector<16xf32>
      %mul3A_96 = arith.mulf %mul3A_91, %get3A_95 : vector<16xf32>
      %get3A_97 = arith.index_cast %add3A_83 : i32 to index
      %get3A_98 = arith.constant 16 : index
      %get3A_99 = tpu.vector_load %arg10[%get3A_97, %get3A_98] {strides = array<i32>} : memref<80x128xf32, #tpu.memory_space<vmem>>, vector<1x16xf32>,
      %get3A_100 = vector.shape_cast %get3A_99 : vector<1x16xf32> to vector<16xf32>
      %get3A_101 = arith.index_cast %add3A_83 : i32 to index
      %get3A_102 = arith.constant 16 : index
      %get3A_103 = tpu.vector_load %arg12[%get3A_101, %get3A_102] {strides = array<i32>} : memref<80x128xf32, #tpu.memory_space<vmem>>, vector<1x16xf32>,
      %get3A_104 = vector.shape_cast %get3A_103 : vector<1x16xf32> to vector<16xf32>
      %mul3A_105 = arith.mulf %get3A_100, %get3A_104 : vector<16xf32>
      %get3A_106 = arith.index_cast %add3A_83 : i32 to index
      %get3A_107 = arith.constant 16 : index
      %get3A_108 = tpu.vector_load %arg11[%get3A_106, %get3A_107] {strides = array<i32>} : memref<80x128xf32, #tpu.memory_space<vmem>>, vector<1x16xf32>,
      %get3A_109 = vector.shape_cast %get3A_108 : vector<1x16xf32> to vector<16xf32>
      %mul3A_110 = arith.mulf %mul3A_105, %get3A_109 : vector<16xf32>
      %add3A_111 = arith.addf %mul3A_96, %mul3A_110 : vector<16xf32>
      %get3A_112 = arith.index_cast %add3A_83 : i32 to index
      %get3A_113 = arith.constant 32 : index
      %get3A_114 = tpu.vector_load %arg10[%get3A_112, %get3A_113] {strides = array<i32>} : memref<80x128xf32, #tpu.memory_space<vmem>>, vector<1x16xf32>,
      %get3A_115 = vector.shape_cast %get3A_114 : vector<1x16xf32> to vector<16xf32>
      %get3A_116 = arith.index_cast %add3A_83 : i32 to index
      %get3A_117 = arith.constant 32 : index
      %get3A_118 = tpu.vector_load %arg12[%get3A_116, %get3A_117] {strides = array<i32>} : memref<80x128xf32, #tpu.memory_space<vmem>>, vector<1x16xf32>,
      %get3A_119 = vector.shape_cast %get3A_118 : vector<1x16xf32> to vector<16xf32>
      %mul3A_120 = arith.mulf %get3A_115, %get3A_119 : vector<16xf32>
      %get3A_121 = arith.index_cast %add3A_83 : i32 to index
      %get3A_122 = arith.constant 32 : index
      %get3A_123 = tpu.vector_load %arg11[%get3A_121, %get3A_122] {strides = array<i32>} : memref<80x128xf32, #tpu.memory_space<vmem>>, vector<1x16xf32>,
      %get3A_124 = vector.shape_cast %get3A_123 : vector<1x16xf32> to vector<16xf32>
      %mul3A_125 = arith.mulf %mul3A_120, %get3A_124 : vector<16xf32>
      %add3A_126 = arith.addf %add3A_111, %mul3A_125 : vector<16xf32>
      %get3A_127 = arith.index_cast %add3A_83 : i32 to index
      %get3A_128 = arith.constant 48 : index
      %get3A_129 = tpu.vector_load %arg10[%get3A_127, %get3A_128] {strides = array<i32>} : memref<80x128xf32, #tpu.memory_space<vmem>>, vector<1x16xf32>,
      %get3A_130 = vector.shape_cast %get3A_129 : vector<1x16xf32> to vector<16xf32>
      %get3A_131 = arith.index_cast %add3A_83 : i32 to index
      %get3A_132 = arith.constant 48 : index
      %get3A_133 = tpu.vector_load %arg12[%get3A_131, %get3A_132] {strides = array<i32>} : memref<80x128xf32, #tpu.memory_space<vmem>>, vector<1x16xf32>,
      %get3A_134 = vector.shape_cast %get3A_133 : vector<1x16xf32> to vector<16xf32>
      %mul3A_135 = arith.mulf %get3A_130, %get3A_134 : vector<16xf32>
      %get3A_136 = arith.index_cast %add3A_83 : i32 to index
      %get3A_137 = arith.constant 48 : index
      %get3A_138 = tpu.vector_load %arg11[%get3A_136, %get3A_137] {strides = array<i32>} : memref<80x128xf32, #tpu.memory_space<vmem>>, vector<1x16xf32>,
      %get3A_139 = vector.shape_cast %get3A_138 : vector<1x16xf32> to vector<16xf32>
      %mul3A_140 = arith.mulf %mul3A_135, %get3A_139 : vector<16xf32>
      %add3A_141 = arith.addf %add3A_126, %mul3A_140 : vector<16xf32>
      %get3A_142 = arith.index_cast %add3A_83 : i32 to index
      %get3A_143 = arith.constant 64 : index
      %get3A_144 = tpu.vector_load %arg10[%get3A_142, %get3A_143] {strides = array<i32>} : memref<80x128xf32, #tpu.memory_space<vmem>>, vector<1x16xf32>,
      %get3A_145 = vector.shape_cast %get3A_144 : vector<1x16xf32> to vector<16xf32>
      %get3A_146 = arith.index_cast %add3A_83 : i32 to index
      %get3A_147 = arith.constant 64 : index
      %get3A_148 = tpu.vector_load %arg12[%get3A_146, %get3A_147] {strides = array<i32>} : memref<80x128xf32, #tpu.memory_space<vmem>>, vector<1x16xf32>,
      %get3A_149 = vector.shape_cast %get3A_148 : vector<1x16xf32> to vector<16xf32>
      %mul3A_150 = arith.mulf %get3A_145, %get3A_149 : vector<16xf32>
      %get3A_151 = arith.index_cast %add3A_83 : i32 to index
      %get3A_152 = arith.constant 64 : index
      %get3A_153 = tpu.vector_load %arg11[%get3A_151, %get3A_152] {strides = array<i32>} : memref<80x128xf32, #tpu.memory_space<vmem>>, vector<1x16xf32>,
      %get3A_154 = vector.shape_cast %get3A_153 : vector<1x16xf32> to vector<16xf32>
      %mul3A_155 = arith.mulf %mul3A_150, %get3A_154 : vector<16xf32>
      %add3A_156 = arith.addf %add3A_141, %mul3A_155 : vector<16xf32>
      %get3A_157 = arith.index_cast %add3A_83 : i32 to index
      %get3A_158 = arith.constant 80 : index
      %get3A_159 = tpu.vector_load %arg10[%get3A_157, %get3A_158] {strides = array<i32>} : memref<80x128xf32, #tpu.memory_space<vmem>>, vector<1x16xf32>,
      %get3A_160 = vector.shape_cast %get3A_159 : vector<1x16xf32> to vector<16xf32>
      %get3A_161 = arith.index_cast %add3A_83 : i32 to index
      %get3A_162 = arith.constant 80 : index
      %get3A_163 = tpu.vector_load %arg12[%get3A_161, %get3A_162] {strides = array<i32>} : memref<80x128xf32, #tpu.memory_space<vmem>>, vector<1x16xf32>,
      %get3A_164 = vector.shape_cast %get3A_163 : vector<1x16xf32> to vector<16xf32>
      %mul3A_165 = arith.mulf %get3A_160, %get3A_164 : vector<16xf32>
      %get3A_166 = arith.index_cast %add3A_83 : i32 to index
      %get3A_167 = arith.constant 80 : index
      %get3A_168 = tpu.vector_load %arg11[%get3A_166, %get3A_167] {strides = array<i32>} : memref<80x128xf32, #tpu.memory_space<vmem>>, vector<1x16xf32>,
      %get3A_169 = vector.shape_cast %get3A_168 : vector<1x16xf32> to vector<16xf32>
      %mul3A_170 = arith.mulf %mul3A_165, %get3A_169 : vector<16xf32>
      %add3A_171 = arith.addf %add3A_156, %mul3A_170 : vector<16xf32>
      %get3A_172 = arith.index_cast %add3A_83 : i32 to index
      %get3A_173 = arith.constant 96 : index
      %get3A_174 = tpu.vector_load %arg10[%get3A_172, %get3A_173] {strides = array<i32>} : memref<80x128xf32, #tpu.memory_space<vmem>>, vector<1x16xf32>,
      %get3A_175 = vector.shape_cast %get3A_174 : vector<1x16xf32> to vector<16xf32>
      %get3A_176 = arith.index_cast %add3A_83 : i32 to index
      %get3A_177 = arith.constant 96 : index
      %get3A_178 = tpu.vector_load %arg12[%get3A_176, %get3A_177] {strides = array<i32>} : memref<80x128xf32, #tpu.memory_space<vmem>>, vector<1x16xf32>,
      %get3A_179 = vector.shape_cast %get3A_178 : vector<1x16xf32> to vector<16xf32>
      %mul3A_180 = arith.mulf %get3A_175, %get3A_179 : vector<16xf32>
      %get3A_181 = arith.index_cast %add3A_83 : i32 to index
      %get3A_182 = arith.constant 96 : index
      %get3A_183 = tpu.vector_load %arg11[%get3A_181, %get3A_182] {strides = array<i32>} : memref<80x128xf32, #tpu.memory_space<vmem>>, vector<1x16xf32>,
      %get3A_184 = vector.shape_cast %get3A_183 : vector<1x16xf32> to vector<16xf32>
      %mul3A_185 = arith.mulf %mul3A_180, %get3A_184 : vector<16xf32>
      %add3A_186 = arith.addf %add3A_171, %mul3A_185 : vector<16xf32>
      %get3A_187 = arith.index_cast %add3A_83 : i32 to index
      %get3A_188 = arith.constant 112 : index
      %get3A_189 = tpu.vector_load %arg10[%get3A_187, %get3A_188] {strides = array<i32>} : memref<80x128xf32, #tpu.memory_space<vmem>>, vector<1x16xf32>,
      %get3A_190 = vector.shape_cast %get3A_189 : vector<1x16xf32> to vector<16xf32>
      %get3A_191 = arith.index_cast %add3A_83 : i32 to index
      %get3A_192 = arith.constant 112 : index
      %get3A_193 = tpu.vector_load %arg12[%get3A_191, %get3A_192] {strides = array<i32>} : memref<80x128xf32, #tpu.memory_space<vmem>>, vector<1x16xf32>,
      %get3A_194 = vector.shape_cast %get3A_193 : vector<1x16xf32> to vector<16xf32>
      %mul3A_195 = arith.mulf %get3A_190, %get3A_194 : vector<16xf32>
      %get3A_196 = arith.index_cast %add3A_83 : i32 to index
      %get3A_197 = arith.constant 112 : index
      %get3A_198 = tpu.vector_load %arg11[%get3A_196, %get3A_197] {strides = array<i32>} : memref<80x128xf32, #tpu.memory_space<vmem>>, vector<1x16xf32>,
      %get3A_199 = vector.shape_cast %get3A_198 : vector<1x16xf32> to vector<16xf32>
      %mul3A_200 = arith.mulf %mul3A_195, %get3A_199 : vector<16xf32>
      %add3A_201 = arith.addf %add3A_186, %mul3A_200 : vector<16xf32>
      %swap3A = arith.index_cast %add3A_83 : i32 to index
      %swap3A_202 = arith.constant 0 : index
      %swap3A_203 = tpu.vector_load %arg13[%swap3A, %swap3A_202] {strides = array<i32>} : memref<80x16xf32, #tpu.memory_space<vmem>>, vector<1x16xf32>,
      %swap3A_204 = vector.shape_cast %swap3A_203 : vector<1x16xf32> to vector<16xf32>
      %swap3A_205 = vector.shape_cast %add3A_201 : vector<16xf32> to vector<1x16xf32>
      tpu.vector_store %arg13[%swap3A, %swap3A_202], %swap3A_205 {strides = array<i32>} : memref<80x16xf32, #tpu.memory_space<vmem>>, vector<1x16xf32>,
      %add3A_206 = arith.constant 1 : i32
      %add3A_207 = arith.addi %mul3A_81, %add3A_206 : i32
      %get3A_208 = arith.index_cast %add3A_207 : i32 to index
      %get3A_209 = arith.constant 0 : index
      %get3A_210 = tpu.vector_load %arg10[%get3A_208, %get3A_209] {strides = array<i32>} : memref<80x128xf32, #tpu.memory_space<vmem>>, vector<1x16xf32>,
      %get3A_211 = vector.shape_cast %get3A_210 : vector<1x16xf32> to vector<16xf32>
      %get3A_212 = arith.index_cast %add3A_207 : i32 to index
      %get3A_213 = arith.constant 0 : index
      %get3A_214 = tpu.vector_load %arg12[%get3A_212, %get3A_213] {strides = array<i32>} : memref<80x128xf32, #tpu.memory_space<vmem>>, vector<1x16xf32>,
      %get3A_215 = vector.shape_cast %get3A_214 : vector<1x16xf32> to vector<16xf32>
      %mul3A_216 = arith.mulf %get3A_211, %get3A_215 : vector<16xf32>
      %get3A_217 = arith.index_cast %add3A_207 : i32 to index
      %get3A_218 = arith.constant 0 : index
      %get3A_219 = tpu.vector_load %arg11[%get3A_217, %get3A_218] {strides = array<i32>} : memref<80x128xf32, #tpu.memory_space<vmem>>, vector<1x16xf32>,
      %get3A_220 = vector.shape_cast %get3A_219 : vector<1x16xf32> to vector<16xf32>
      %mul3A_221 = arith.mulf %mul3A_216, %get3A_220 : vector<16xf32>
      %get3A_222 = arith.index_cast %add3A_207 : i32 to index
      %get3A_223 = arith.constant 16 : index
      %get3A_224 = tpu.vector_load %arg10[%get3A_222, %get3A_223] {strides = array<i32>} : memref<80x128xf32, #tpu.memory_space<vmem>>, vector<1x16xf32>,
      %get3A_225 = vector.shape_cast %get3A_224 : vector<1x16xf32> to vector<16xf32>
      %get3A_226 = arith.index_cast %add3A_207 : i32 to index
      %get3A_227 = arith.constant 16 : index
      %get3A_228 = tpu.vector_load %arg12[%get3A_226, %get3A_227] {strides = array<i32>} : memref<80x128xf32, #tpu.memory_space<vmem>>, vector<1x16xf32>,
      %get3A_229 = vector.shape_cast %get3A_228 : vector<1x16xf32> to vector<16xf32>
      %mul3A_230 = arith.mulf %get3A_225, %get3A_229 : vector<16xf32>
      %get3A_231 = arith.index_cast %add3A_207 : i32 to index
      %get3A_232 = arith.constant 16 : index
      %get3A_233 = tpu.vector_load %arg11[%get3A_231, %get3A_232] {strides = array<i32>} : memref<80x128xf32, #tpu.memory_space<vmem>>, vector<1x16xf32>,
      %get3A_234 = vector.shape_cast %get3A_233 : vector<1x16xf32> to vector<16xf32>
      %mul3A_235 = arith.mulf %mul3A_230, %get3A_234 : vector<16xf32>
      %add3A_236 = arith.addf %mul3A_221, %mul3A_235 : vector<16xf32>
      %get3A_237 = arith.index_cast %add3A_207 : i32 to index
      %get3A_238 = arith.constant 32 : index
      %get3A_239 = tpu.vector_load %arg10[%get3A_237, %get3A_238] {strides = array<i32>} : memref<80x128xf32, #tpu.memory_space<vmem>>, vector<1x16xf32>,
      %get3A_240 = vector.shape_cast %get3A_239 : vector<1x16xf32> to vector<16xf32>
      %get3A_241 = arith.index_cast %add3A_207 : i32 to index
      %get3A_242 = arith.constant 32 : index
      %get3A_243 = tpu.vector_load %arg12[%get3A_241, %get3A_242] {strides = array<i32>} : memref<80x128xf32, #tpu.memory_space<vmem>>, vector<1x16xf32>,
      %get3A_244 = vector.shape_cast %get3A_243 : vector<1x16xf32> to vector<16xf32>
      %mul3A_245 = arith.mulf %get3A_240, %get3A_244 : vector<16xf32>
      %get3A_246 = arith.index_cast %add3A_207 : i32 to index
      %get3A_247 = arith.constant 32 : index
      %get3A_248 = tpu.vector_load %arg11[%get3A_246, %get3A_247] {strides = array<i32>} : memref<80x128xf32, #tpu.memory_space<vmem>>, vector<1x16xf32>,
      %get3A_249 = vector.shape_cast %get3A_248 : vector<1x16xf32> to vector<16xf32>
      %mul3A_250 = arith.mulf %mul3A_245, %get3A_249 : vector<16xf32>
      %add3A_251 = arith.addf %add3A_236, %mul3A_250 : vector<16xf32>
      %get3A_252 = arith.index_cast %add3A_207 : i32 to index
      %get3A_253 = arith.constant 48 : index
      %get3A_254 = tpu.vector_load %arg10[%get3A_252, %get3A_253] {strides = array<i32>} : memref<80x128xf32, #tpu.memory_space<vmem>>, vector<1x16xf32>,
      %get3A_255 = vector.shape_cast %get3A_254 : vector<1x16xf32> to vector<16xf32>
      %get3A_256 = arith.index_cast %add3A_207 : i32 to index
      %get3A_257 = arith.constant 48 : index
      %get3A_258 = tpu.vector_load %arg12[%get3A_256, %get3A_257] {strides = array<i32>} : memref<80x128xf32, #tpu.memory_space<vmem>>, vector<1x16xf32>,
      %get3A_259 = vector.shape_cast %get3A_258 : vector<1x16xf32> to vector<16xf32>
      %mul3A_260 = arith.mulf %get3A_255, %get3A_259 : vector<16xf32>
      %get3A_261 = arith.index_cast %add3A_207 : i32 to index
      %get3A_262 = arith.constant 48 : index
      %get3A_263 = tpu.vector_load %arg11[%get3A_261, %get3A_262] {strides = array<i32>} : memref<80x128xf32, #tpu.memory_space<vmem>>, vector<1x16xf32>,
      %get3A_264 = vector.shape_cast %get3A_263 : vector<1x16xf32> to vector<16xf32>
      %mul3A_265 = arith.mulf %mul3A_260, %get3A_264 : vector<16xf32>
      %add3A_266 = arith.addf %add3A_251, %mul3A_265 : vector<16xf32>
      %get3A_267 = arith.index_cast %add3A_207 : i32 to index
      %get3A_268 = arith.constant 64 : index
      %get3A_269 = tpu.vector_load %arg10[%get3A_267, %get3A_268] {strides = array<i32>} : memref<80x128xf32, #tpu.memory_space<vmem>>, vector<1x16xf32>,
      %get3A_270 = vector.shape_cast %get3A_269 : vector<1x16xf32> to vector<16xf32>
      %get3A_271 = arith.index_cast %add3A_207 : i32 to index
      %get3A_272 = arith.constant 64 : index
      %get3A_273 = tpu.vector_load %arg12[%get3A_271, %get3A_272] {strides = array<i32>} : memref<80x128xf32, #tpu.memory_space<vmem>>, vector<1x16xf32>,
      %get3A_274 = vector.shape_cast %get3A_273 : vector<1x16xf32> to vector<16xf32>
      %mul3A_275 = arith.mulf %get3A_270, %get3A_274 : vector<16xf32>
      %get3A_276 = arith.index_cast %add3A_207 : i32 to index
      %get3A_277 = arith.constant 64 : index
      %get3A_278 = tpu.vector_load %arg11[%get3A_276, %get3A_277] {strides = array<i32>} : memref<80x128xf32, #tpu.memory_space<vmem>>, vector<1x16xf32>,
      %get3A_279 = vector.shape_cast %get3A_278 : vector<1x16xf32> to vector<16xf32>
      %mul3A_280 = arith.mulf %mul3A_275, %get3A_279 : vector<16xf32>
      %add3A_281 = arith.addf %add3A_266, %mul3A_280 : vector<16xf32>
      %get3A_282 = arith.index_cast %add3A_207 : i32 to index
      %get3A_283 = arith.constant 80 : index
      %get3A_284 = tpu.vector_load %arg10[%get3A_282, %get3A_283] {strides = array<i32>} : memref<80x128xf32, #tpu.memory_space<vmem>>, vector<1x16xf32>,
      %get3A_285 = vector.shape_cast %get3A_284 : vector<1x16xf32> to vector<16xf32>
      %get3A_286 = arith.index_cast %add3A_207 : i32 to index
      %get3A_287 = arith.constant 80 : index
      %get3A_288 = tpu.vector_load %arg12[%get3A_286, %get3A_287] {strides = array<i32>} : memref<80x128xf32, #tpu.memory_space<vmem>>, vector<1x16xf32>,
      %get3A_289 = vector.shape_cast %get3A_288 : vector<1x16xf32> to vector<16xf32>
      %mul3A_290 = arith.mulf %get3A_285, %get3A_289 : vector<16xf32>
      %get3A_291 = arith.index_cast %add3A_207 : i32 to index
      %get3A_292 = arith.constant 80 : index
      %get3A_293 = tpu.vector_load %arg11[%get3A_291, %get3A_292] {strides = array<i32>} : memref<80x128xf32, #tpu.memory_space<vmem>>, vector<1x16xf32>,
      %get3A_294 = vector.shape_cast %get3A_293 : vector<1x16xf32> to vector<16xf32>
      %mul3A_295 = arith.mulf %mul3A_290, %get3A_294 : vector<16xf32>
      %add3A_296 = arith.addf %add3A_281, %mul3A_295 : vector<16xf32>
      %get3A_297 = arith.index_cast %add3A_207 : i32 to index
      %get3A_298 = arith.constant 96 : index
      %get3A_299 = tpu.vector_load %arg10[%get3A_297, %get3A_298] {strides = array<i32>} : memref<80x128xf32, #tpu.memory_space<vmem>>, vector<1x16xf32>,
      %get3A_300 = vector.shape_cast %get3A_299 : vector<1x16xf32> to vector<16xf32>
      %get3A_301 = arith.index_cast %add3A_207 : i32 to index
      %get3A_302 = arith.constant 96 : index
      %get3A_303 = tpu.vector_load %arg12[%get3A_301, %get3A_302] {strides = array<i32>} : memref<80x128xf32, #tpu.memory_space<vmem>>, vector<1x16xf32>,
      %get3A_304 = vector.shape_cast %get3A_303 : vector<1x16xf32> to vector<16xf32>
      %mul3A_305 = arith.mulf %get3A_300, %get3A_304 : vector<16xf32>
      %get3A_306 = arith.index_cast %add3A_207 : i32 to index
      %get3A_307 = arith.constant 96 : index
      %get3A_308 = tpu.vector_load %arg11[%get3A_306, %get3A_307] {strides = array<i32>} : memref<80x128xf32, #tpu.memory_space<vmem>>, vector<1x16xf32>,
      %get3A_309 = vector.shape_cast %get3A_308 : vector<1x16xf32> to vector<16xf32>
      %mul3A_310 = arith.mulf %mul3A_305, %get3A_309 : vector<16xf32>
      %add3A_311 = arith.addf %add3A_296, %mul3A_310 : vector<16xf32>
      %get3A_312 = arith.index_cast %add3A_207 : i32 to index
      %get3A_313 = arith.constant 112 : index
      %get3A_314 = tpu.vector_load %arg10[%get3A_312, %get3A_313] {strides = array<i32>} : memref<80x128xf32, #tpu.memory_space<vmem>>, vector<1x16xf32>,
      %get3A_315 = vector.shape_cast %get3A_314 : vector<1x16xf32> to vector<16xf32>
      %get3A_316 = arith.index_cast %add3A_207 : i32 to index
      %get3A_317 = arith.constant 112 : index
      %get3A_318 = tpu.vector_load %arg12[%get3A_316, %get3A_317] {strides = array<i32>} : memref<80x128xf32, #tpu.memory_space<vmem>>, vector<1x16xf32>,
      %get3A_319 = vector.shape_cast %get3A_318 : vector<1x16xf32> to vector<16xf32>
      %mul3A_320 = arith.mulf %get3A_315, %get3A_319 : vector<16xf32>
      %get3A_321 = arith.index_cast %add3A_207 : i32 to index
      %get3A_322 = arith.constant 112 : index
      %get3A_323 = tpu.vector_load %arg11[%get3A_321, %get3A_322] {strides = array<i32>} : memref<80x128xf32, #tpu.memory_space<vmem>>, vector<1x16xf32>,
      %get3A_324 = vector.shape_cast %get3A_323 : vector<1x16xf32> to vector<16xf32>
      %mul3A_325 = arith.mulf %mul3A_320, %get3A_324 : vector<16xf32>
      %add3A_326 = arith.addf %add3A_311, %mul3A_325 : vector<16xf32>
      %swap3A_327 = arith.index_cast %add3A_207 : i32 to index
      %swap3A_328 = arith.constant 0 : index
      %swap3A_329 = tpu.vector_load %arg13[%swap3A_327, %swap3A_328] {strides = array<i32>} : memref<80x16xf32, #tpu.memory_space<vmem>>, vector<1x16xf32>,
      %swap3A_330 = vector.shape_cast %swap3A_329 : vector<1x16xf32> to vector<16xf32>
      %swap3A_331 = vector.shape_cast %add3A_326 : vector<16xf32> to vector<1x16xf32>
      tpu.vector_store %arg13[%swap3A_327, %swap3A_328], %swap3A_331 {strides = array<i32>} : memref<80x16xf32, #tpu.memory_space<vmem>>, vector<1x16xf32>,
      %add3A_332 = arith.constant 2 : i32
      %add3A_333 = arith.addi %mul3A_81, %add3A_332 : i32
      %get3A_334 = arith.index_cast %add3A_333 : i32 to index
      %get3A_335 = arith.constant 0 : index
      %get3A_336 = tpu.vector_load %arg10[%get3A_334, %get3A_335] {strides = array<i32>} : memref<80x128xf32, #tpu.memory_space<vmem>>, vector<1x16xf32>,
      %get3A_337 = vector.shape_cast %get3A_336 : vector<1x16xf32> to vector<16xf32>
      %get3A_338 = arith.index_cast %add3A_333 : i32 to index
      %get3A_339 = arith.constant 0 : index
      %get3A_340 = tpu.vector_load %arg12[%get3A_338, %get3A_339] {strides = array<i32>} : memref<80x128xf32, #tpu.memory_space<vmem>>, vector<1x16xf32>,
      %get3A_341 = vector.shape_cast %get3A_340 : vector<1x16xf32> to vector<16xf32>
      %mul3A_342 = arith.mulf %get3A_337, %get3A_341 : vector<16xf32>
      %get3A_343 = arith.index_cast %add3A_333 : i32 to index
      %get3A_344 = arith.constant 0 : index
      %get3A_345 = tpu.vector_load %arg11[%get3A_343, %get3A_344] {strides = array<i32>} : memref<80x128xf32, #tpu.memory_space<vmem>>, vector<1x16xf32>,
      %get3A_346 = vector.shape_cast %get3A_345 : vector<1x16xf32> to vector<16xf32>
      %mul3A_347 = arith.mulf %mul3A_342, %get3A_346 : vector<16xf32>
      %get3A_348 = arith.index_cast %add3A_333 : i32 to index
      %get3A_349 = arith.constant 16 : index
      %get3A_350 = tpu.vector_load %arg10[%get3A_348, %get3A_349] {strides = array<i32>} : memref<80x128xf32, #tpu.memory_space<vmem>>, vector<1x16xf32>,
      %get3A_351 = vector.shape_cast %get3A_350 : vector<1x16xf32> to vector<16xf32>
      %get3A_352 = arith.index_cast %add3A_333 : i32 to index
      %get3A_353 = arith.constant 16 : index
      %get3A_354 = tpu.vector_load %arg12[%get3A_352, %get3A_353] {strides = array<i32>} : memref<80x128xf32, #tpu.memory_space<vmem>>, vector<1x16xf32>,
      %get3A_355 = vector.shape_cast %get3A_354 : vector<1x16xf32> to vector<16xf32>
      %mul3A_356 = arith.mulf %get3A_351, %get3A_355 : vector<16xf32>
      %get3A_357 = arith.index_cast %add3A_333 : i32 to index
      %get3A_358 = arith.constant 16 : index
      %get3A_359 = tpu.vector_load %arg11[%get3A_357, %get3A_358] {strides = array<i32>} : memref<80x128xf32, #tpu.memory_space<vmem>>, vector<1x16xf32>,
      %get3A_360 = vector.shape_cast %get3A_359 : vector<1x16xf32> to vector<16xf32>
      %mul3A_361 = arith.mulf %mul3A_356, %get3A_360 : vector<16xf32>
      %add3A_362 = arith.addf %mul3A_347, %mul3A_361 : vector<16xf32>
      %get3A_363 = arith.index_cast %add3A_333 : i32 to index
      %get3A_364 = arith.constant 32 : index
      %get3A_365 = tpu.vector_load %arg10[%get3A_363, %get3A_364] {strides = array<i32>} : memref<80x128xf32, #tpu.memory_space<vmem>>, vector<1x16xf32>,
      %get3A_366 = vector.shape_cast %get3A_365 : vector<1x16xf32> to vector<16xf32>
      %get3A_367 = arith.index_cast %add3A_333 : i32 to index
      %get3A_368 = arith.constant 32 : index
      %get3A_369 = tpu.vector_load %arg12[%get3A_367, %get3A_368] {strides = array<i32>} : memref<80x128xf32, #tpu.memory_space<vmem>>, vector<1x16xf32>,
      %get3A_370 = vector.shape_cast %get3A_369 : vector<1x16xf32> to vector<16xf32>
      %mul3A_371 = arith.mulf %get3A_366, %get3A_370 : vector<16xf32>
      %get3A_372 = arith.index_cast %add3A_333 : i32 to index
      %get3A_373 = arith.constant 32 : index
      %get3A_374 = tpu.vector_load %arg11[%get3A_372, %get3A_373] {strides = array<i32>} : memref<80x128xf32, #tpu.memory_space<vmem>>, vector<1x16xf32>,
      %get3A_375 = vector.shape_cast %get3A_374 : vector<1x16xf32> to vector<16xf32>
      %mul3A_376 = arith.mulf %mul3A_371, %get3A_375 : vector<16xf32>
      %add3A_377 = arith.addf %add3A_362, %mul3A_376 : vector<16xf32>
      %get3A_378 = arith.index_cast %add3A_333 : i32 to index
      %get3A_379 = arith.constant 48 : index
      %get3A_380 = tpu.vector_load %arg10[%get3A_378, %get3A_379] {strides = array<i32>} : memref<80x128xf32, #tpu.memory_space<vmem>>, vector<1x16xf32>,
      %get3A_381 = vector.shape_cast %get3A_380 : vector<1x16xf32> to vector<16xf32>
      %get3A_382 = arith.index_cast %add3A_333 : i32 to index
      %get3A_383 = arith.constant 48 : index
      %get3A_384 = tpu.vector_load %arg12[%get3A_382, %get3A_383] {strides = array<i32>} : memref<80x128xf32, #tpu.memory_space<vmem>>, vector<1x16xf32>,
      %get3A_385 = vector.shape_cast %get3A_384 : vector<1x16xf32> to vector<16xf32>
      %mul3A_386 = arith.mulf %get3A_381, %get3A_385 : vector<16xf32>
      %get3A_387 = arith.index_cast %add3A_333 : i32 to index
      %get3A_388 = arith.constant 48 : index
      %get3A_389 = tpu.vector_load %arg11[%get3A_387, %get3A_388] {strides = array<i32>} : memref<80x128xf32, #tpu.memory_space<vmem>>, vector<1x16xf32>,
      %get3A_390 = vector.shape_cast %get3A_389 : vector<1x16xf32> to vector<16xf32>
      %mul3A_391 = arith.mulf %mul3A_386, %get3A_390 : vector<16xf32>
      %add3A_392 = arith.addf %add3A_377, %mul3A_391 : vector<16xf32>
      %get3A_393 = arith.index_cast %add3A_333 : i32 to index
      %get3A_394 = arith.constant 64 : index
      %get3A_395 = tpu.vector_load %arg10[%get3A_393, %get3A_394] {strides = array<i32>} : memref<80x128xf32, #tpu.memory_space<vmem>>, vector<1x16xf32>,
      %get3A_396 = vector.shape_cast %get3A_395 : vector<1x16xf32> to vector<16xf32>
      %get3A_397 = arith.index_cast %add3A_333 : i32 to index
      %get3A_398 = arith.constant 64 : index
      %get3A_399 = tpu.vector_load %arg12[%get3A_397, %get3A_398] {strides = array<i32>} : memref<80x128xf32, #tpu.memory_space<vmem>>, vector<1x16xf32>,
      %get3A_400 = vector.shape_cast %get3A_399 : vector<1x16xf32> to vector<16xf32>
      %mul3A_401 = arith.mulf %get3A_396, %get3A_400 : vector<16xf32>
      %get3A_402 = arith.index_cast %add3A_333 : i32 to index
      %get3A_403 = arith.constant 64 : index
      %get3A_404 = tpu.vector_load %arg11[%get3A_402, %get3A_403] {strides = array<i32>} : memref<80x128xf32, #tpu.memory_space<vmem>>, vector<1x16xf32>,
      %get3A_405 = vector.shape_cast %get3A_404 : vector<1x16xf32> to vector<16xf32>
      %mul3A_406 = arith.mulf %mul3A_401, %get3A_405 : vector<16xf32>
      %add3A_407 = arith.addf %add3A_392, %mul3A_406 : vector<16xf32>
      %get3A_408 = arith.index_cast %add3A_333 : i32 to index
      %get3A_409 = arith.constant 80 : index
      %get3A_410 = tpu.vector_load %arg10[%get3A_408, %get3A_409] {strides = array<i32>} : memref<80x128xf32, #tpu.memory_space<vmem>>, vector<1x16xf32>,
      %get3A_411 = vector.shape_cast %get3A_410 : vector<1x16xf32> to vector<16xf32>
      %get3A_412 = arith.index_cast %add3A_333 : i32 to index
      %get3A_413 = arith.constant 80 : index
      %get3A_414 = tpu.vector_load %arg12[%get3A_412, %get3A_413] {strides = array<i32>} : memref<80x128xf32, #tpu.memory_space<vmem>>, vector<1x16xf32>,
      %get3A_415 = vector.shape_cast %get3A_414 : vector<1x16xf32> to vector<16xf32>
      %mul3A_416 = arith.mulf %get3A_411, %get3A_415 : vector<16xf32>
      %get3A_417 = arith.index_cast %add3A_333 : i32 to index
      %get3A_418 = arith.constant 80 : index
      %get3A_419 = tpu.vector_load %arg11[%get3A_417, %get3A_418] {strides = array<i32>} : memref<80x128xf32, #tpu.memory_space<vmem>>, vector<1x16xf32>,
      %get3A_420 = vector.shape_cast %get3A_419 : vector<1x16xf32> to vector<16xf32>
      %mul3A_421 = arith.mulf %mul3A_416, %get3A_420 : vector<16xf32>
      %add3A_422 = arith.addf %add3A_407, %mul3A_421 : vector<16xf32>
      %get3A_423 = arith.index_cast %add3A_333 : i32 to index
      %get3A_424 = arith.constant 96 : index
      %get3A_425 = tpu.vector_load %arg10[%get3A_423, %get3A_424] {strides = array<i32>} : memref<80x128xf32, #tpu.memory_space<vmem>>, vector<1x16xf32>,
      %get3A_426 = vector.shape_cast %get3A_425 : vector<1x16xf32> to vector<16xf32>
      %get3A_427 = arith.index_cast %add3A_333 : i32 to index
      %get3A_428 = arith.constant 96 : index
      %get3A_429 = tpu.vector_load %arg12[%get3A_427, %get3A_428] {strides = array<i32>} : memref<80x128xf32, #tpu.memory_space<vmem>>, vector<1x16xf32>,
      %get3A_430 = vector.shape_cast %get3A_429 : vector<1x16xf32> to vector<16xf32>
      %mul3A_431 = arith.mulf %get3A_426, %get3A_430 : vector<16xf32>
      %get3A_432 = arith.index_cast %add3A_333 : i32 to index
      %get3A_433 = arith.constant 96 : index
      %get3A_434 = tpu.vector_load %arg11[%get3A_432, %get3A_433] {strides = array<i32>} : memref<80x128xf32, #tpu.memory_space<vmem>>, vector<1x16xf32>,
      %get3A_435 = vector.shape_cast %get3A_434 : vector<1x16xf32> to vector<16xf32>
      %mul3A_436 = arith.mulf %mul3A_431, %get3A_435 : vector<16xf32>
      %add3A_437 = arith.addf %add3A_422, %mul3A_436 : vector<16xf32>
      %get3A_438 = arith.index_cast %add3A_333 : i32 to index
      %get3A_439 = arith.constant 112 : index
      %get3A_440 = tpu.vector_load %arg10[%get3A_438, %get3A_439] {strides = array<i32>} : memref<80x128xf32, #tpu.memory_space<vmem>>, vector<1x16xf32>,
      %get3A_441 = vector.shape_cast %get3A_440 : vector<1x16xf32> to vector<16xf32>
      %get3A_442 = arith.index_cast %add3A_333 : i32 to index
      %get3A_443 = arith.constant 112 : index
      %get3A_444 = tpu.vector_load %arg12[%get3A_442, %get3A_443] {strides = array<i32>} : memref<80x128xf32, #tpu.memory_space<vmem>>, vector<1x16xf32>,
      %get3A_445 = vector.shape_cast %get3A_444 : vector<1x16xf32> to vector<16xf32>
      %mul3A_446 = arith.mulf %get3A_441, %get3A_445 : vector<16xf32>
      %get3A_447 = arith.index_cast %add3A_333 : i32 to index
      %get3A_448 = arith.constant 112 : index
      %get3A_449 = tpu.vector_load %arg11[%get3A_447, %get3A_448] {strides = array<i32>} : memref<80x128xf32, #tpu.memory_space<vmem>>, vector<1x16xf32>,
      %get3A_450 = vector.shape_cast %get3A_449 : vector<1x16xf32> to vector<16xf32>
      %mul3A_451 = arith.mulf %mul3A_446, %get3A_450 : vector<16xf32>
      %add3A_452 = arith.addf %add3A_437, %mul3A_451 : vector<16xf32>
      %swap3A_453 = arith.index_cast %add3A_333 : i32 to index
      %swap3A_454 = arith.constant 0 : index
      %swap3A_455 = tpu.vector_load %arg13[%swap3A_453, %swap3A_454] {strides = array<i32>} : memref<80x16xf32, #tpu.memory_space<vmem>>, vector<1x16xf32>,
      %swap3A_456 = vector.shape_cast %swap3A_455 : vector<1x16xf32> to vector<16xf32>
      %swap3A_457 = vector.shape_cast %add3A_452 : vector<16xf32> to vector<1x16xf32>
      tpu.vector_store %arg13[%swap3A_453, %swap3A_454], %swap3A_457 {strides = array<i32>} : memref<80x16xf32, #tpu.memory_space<vmem>>, vector<1x16xf32>,
      %add3A_458 = arith.constant 3 : i32
      %add3A_459 = arith.addi %mul3A_81, %add3A_458 : i32
      %get3A_460 = arith.index_cast %add3A_459 : i32 to index
      %get3A_461 = arith.constant 0 : index
      %get3A_462 = tpu.vector_load %arg10[%get3A_460, %get3A_461] {strides = array<i32>} : memref<80x128xf32, #tpu.memory_space<vmem>>, vector<1x16xf32>,
      %get3A_463 = vector.shape_cast %get3A_462 : vector<1x16xf32> to vector<16xf32>
      %get3A_464 = arith.index_cast %add3A_459 : i32 to index
      %get3A_465 = arith.constant 0 : index
      %get3A_466 = tpu.vector_load %arg12[%get3A_464, %get3A_465] {strides = array<i32>} : memref<80x128xf32, #tpu.memory_space<vmem>>, vector<1x16xf32>,
      %get3A_467 = vector.shape_cast %get3A_466 : vector<1x16xf32> to vector<16xf32>
      %mul3A_468 = arith.mulf %get3A_463, %get3A_467 : vector<16xf32>
      %get3A_469 = arith.index_cast %add3A_459 : i32 to index
      %get3A_470 = arith.constant 0 : index
      %get3A_471 = tpu.vector_load %arg11[%get3A_469, %get3A_470] {strides = array<i32>} : memref<80x128xf32, #tpu.memory_space<vmem>>, vector<1x16xf32>,
      %get3A_472 = vector.shape_cast %get3A_471 : vector<1x16xf32> to vector<16xf32>
      %mul3A_473 = arith.mulf %mul3A_468, %get3A_472 : vector<16xf32>
      %get3A_474 = arith.index_cast %add3A_459 : i32 to index
      %get3A_475 = arith.constant 16 : index
      %get3A_476 = tpu.vector_load %arg10[%get3A_474, %get3A_475] {strides = array<i32>} : memref<80x128xf32, #tpu.memory_space<vmem>>, vector<1x16xf32>,
      %get3A_477 = vector.shape_cast %get3A_476 : vector<1x16xf32> to vector<16xf32>
      %get3A_478 = arith.index_cast %add3A_459 : i32 to index
      %get3A_479 = arith.constant 16 : index
      %get3A_480 = tpu.vector_load %arg12[%get3A_478, %get3A_479] {strides = array<i32>} : memref<80x128xf32, #tpu.memory_space<vmem>>, vector<1x16xf32>,
      %get3A_481 = vector.shape_cast %get3A_480 : vector<1x16xf32> to vector<16xf32>
      %mul3A_482 = arith.mulf %get3A_477, %get3A_481 : vector<16xf32>
      %get3A_483 = arith.index_cast %add3A_459 : i32 to index
      %get3A_484 = arith.constant 16 : index
      %get3A_485 = tpu.vector_load %arg11[%get3A_483, %get3A_484] {strides = array<i32>} : memref<80x128xf32, #tpu.memory_space<vmem>>, vector<1x16xf32>,
      %get3A_486 = vector.shape_cast %get3A_485 : vector<1x16xf32> to vector<16xf32>
      %mul3A_487 = arith.mulf %mul3A_482, %get3A_486 : vector<16xf32>
      %add3A_488 = arith.addf %mul3A_473, %mul3A_487 : vector<16xf32>
      %get3A_489 = arith.index_cast %add3A_459 : i32 to index
      %get3A_490 = arith.constant 32 : index
      %get3A_491 = tpu.vector_load %arg10[%get3A_489, %get3A_490] {strides = array<i32>} : memref<80x128xf32, #tpu.memory_space<vmem>>, vector<1x16xf32>,
      %get3A_492 = vector.shape_cast %get3A_491 : vector<1x16xf32> to vector<16xf32>
      %get3A_493 = arith.index_cast %add3A_459 : i32 to index
      %get3A_494 = arith.constant 32 : index
      %get3A_495 = tpu.vector_load %arg12[%get3A_493, %get3A_494] {strides = array<i32>} : memref<80x128xf32, #tpu.memory_space<vmem>>, vector<1x16xf32>,
      %get3A_496 = vector.shape_cast %get3A_495 : vector<1x16xf32> to vector<16xf32>
      %mul3A_497 = arith.mulf %get3A_492, %get3A_496 : vector<16xf32>
      %get3A_498 = arith.index_cast %add3A_459 : i32 to index
      %get3A_499 = arith.constant 32 : index
      %get3A_500 = tpu.vector_load %arg11[%get3A_498, %get3A_499] {strides = array<i32>} : memref<80x128xf32, #tpu.memory_space<vmem>>, vector<1x16xf32>,
      %get3A_501 = vector.shape_cast %get3A_500 : vector<1x16xf32> to vector<16xf32>
      %mul3A_502 = arith.mulf %mul3A_497, %get3A_501 : vector<16xf32>
      %add3A_503 = arith.addf %add3A_488, %mul3A_502 : vector<16xf32>
      %get3A_504 = arith.index_cast %add3A_459 : i32 to index
      %get3A_505 = arith.constant 48 : index
      %get3A_506 = tpu.vector_load %arg10[%get3A_504, %get3A_505] {strides = array<i32>} : memref<80x128xf32, #tpu.memory_space<vmem>>, vector<1x16xf32>,
      %get3A_507 = vector.shape_cast %get3A_506 : vector<1x16xf32> to vector<16xf32>
      %get3A_508 = arith.index_cast %add3A_459 : i32 to index
      %get3A_509 = arith.constant 48 : index
      %get3A_510 = tpu.vector_load %arg12[%get3A_508, %get3A_509] {strides = array<i32>} : memref<80x128xf32, #tpu.memory_space<vmem>>, vector<1x16xf32>,
      %get3A_511 = vector.shape_cast %get3A_510 : vector<1x16xf32> to vector<16xf32>
      %mul3A_512 = arith.mulf %get3A_507, %get3A_511 : vector<16xf32>
      %get3A_513 = arith.index_cast %add3A_459 : i32 to index
      %get3A_514 = arith.constant 48 : index
      %get3A_515 = tpu.vector_load %arg11[%get3A_513, %get3A_514] {strides = array<i32>} : memref<80x128xf32, #tpu.memory_space<vmem>>, vector<1x16xf32>,
      %get3A_516 = vector.shape_cast %get3A_515 : vector<1x16xf32> to vector<16xf32>
      %mul3A_517 = arith.mulf %mul3A_512, %get3A_516 : vector<16xf32>
      %add3A_518 = arith.addf %add3A_503, %mul3A_517 : vector<16xf32>
      %get3A_519 = arith.index_cast %add3A_459 : i32 to index
      %get3A_520 = arith.constant 64 : index
      %get3A_521 = tpu.vector_load %arg10[%get3A_519, %get3A_520] {strides = array<i32>} : memref<80x128xf32, #tpu.memory_space<vmem>>, vector<1x16xf32>,
      %get3A_522 = vector.shape_cast %get3A_521 : vector<1x16xf32> to vector<16xf32>
      %get3A_523 = arith.index_cast %add3A_459 : i32 to index
      %get3A_524 = arith.constant 64 : index
      %get3A_525 = tpu.vector_load %arg12[%get3A_523, %get3A_524] {strides = array<i32>} : memref<80x128xf32, #tpu.memory_space<vmem>>, vector<1x16xf32>,
      %get3A_526 = vector.shape_cast %get3A_525 : vector<1x16xf32> to vector<16xf32>
      %mul3A_527 = arith.mulf %get3A_522, %get3A_526 : vector<16xf32>
      %get3A_528 = arith.index_cast %add3A_459 : i32 to index
      %get3A_529 = arith.constant 64 : index
      %get3A_530 = tpu.vector_load %arg11[%get3A_528, %get3A_529] {strides = array<i32>} : memref<80x128xf32, #tpu.memory_space<vmem>>, vector<1x16xf32>,
      %get3A_531 = vector.shape_cast %get3A_530 : vector<1x16xf32> to vector<16xf32>
      %mul3A_532 = arith.mulf %mul3A_527, %get3A_531 : vector<16xf32>
      %add3A_533 = arith.addf %add3A_518, %mul3A_532 : vector<16xf32>
      %get3A_534 = arith.index_cast %add3A_459 : i32 to index
      %get3A_535 = arith.constant 80 : index
      %get3A_536 = tpu.vector_load %arg10[%get3A_534, %get3A_535] {strides = array<i32>} : memref<80x128xf32, #tpu.memory_space<vmem>>, vector<1x16xf32>,
      %get3A_537 = vector.shape_cast %get3A_536 : vector<1x16xf32> to vector<16xf32>
      %get3A_538 = arith.index_cast %add3A_459 : i32 to index
      %get3A_539 = arith.constant 80 : index
      %get3A_540 = tpu.vector_load %arg12[%get3A_538, %get3A_539] {strides = array<i32>} : memref<80x128xf32, #tpu.memory_space<vmem>>, vector<1x16xf32>,
      %get3A_541 = vector.shape_cast %get3A_540 : vector<1x16xf32> to vector<16xf32>
      %mul3A_542 = arith.mulf %get3A_537, %get3A_541 : vector<16xf32>
      %get3A_543 = arith.index_cast %add3A_459 : i32 to index
      %get3A_544 = arith.constant 80 : index
      %get3A_545 = tpu.vector_load %arg11[%get3A_543, %get3A_544] {strides = array<i32>} : memref<80x128xf32, #tpu.memory_space<vmem>>, vector<1x16xf32>,
      %get3A_546 = vector.shape_cast %get3A_545 : vector<1x16xf32> to vector<16xf32>
      %mul3A_547 = arith.mulf %mul3A_542, %get3A_546 : vector<16xf32>
      %add3A_548 = arith.addf %add3A_533, %mul3A_547 : vector<16xf32>
      %get3A_549 = arith.index_cast %add3A_459 : i32 to index
      %get3A_550 = arith.constant 96 : index
      %get3A_551 = tpu.vector_load %arg10[%get3A_549, %get3A_550] {strides = array<i32>} : memref<80x128xf32, #tpu.memory_space<vmem>>, vector<1x16xf32>,
      %get3A_552 = vector.shape_cast %get3A_551 : vector<1x16xf32> to vector<16xf32>
      %get3A_553 = arith.index_cast %add3A_459 : i32 to index
      %get3A_554 = arith.constant 96 : index
      %get3A_555 = tpu.vector_load %arg12[%get3A_553, %get3A_554] {strides = array<i32>} : memref<80x128xf32, #tpu.memory_space<vmem>>, vector<1x16xf32>,
      %get3A_556 = vector.shape_cast %get3A_555 : vector<1x16xf32> to vector<16xf32>
      %mul3A_557 = arith.mulf %get3A_552, %get3A_556 : vector<16xf32>
      %get3A_558 = arith.index_cast %add3A_459 : i32 to index
      %get3A_559 = arith.constant 96 : index
      %get3A_560 = tpu.vector_load %arg11[%get3A_558, %get3A_559] {strides = array<i32>} : memref<80x128xf32, #tpu.memory_space<vmem>>, vector<1x16xf32>,
      %get3A_561 = vector.shape_cast %get3A_560 : vector<1x16xf32> to vector<16xf32>
      %mul3A_562 = arith.mulf %mul3A_557, %get3A_561 : vector<16xf32>
      %add3A_563 = arith.addf %add3A_548, %mul3A_562 : vector<16xf32>
      %get3A_564 = arith.index_cast %add3A_459 : i32 to index
      %get3A_565 = arith.constant 112 : index
      %get3A_566 = tpu.vector_load %arg10[%get3A_564, %get3A_565] {strides = array<i32>} : memref<80x128xf32, #tpu.memory_space<vmem>>, vector<1x16xf32>,
      %get3A_567 = vector.shape_cast %get3A_566 : vector<1x16xf32> to vector<16xf32>
      %get3A_568 = arith.index_cast %add3A_459 : i32 to index
      %get3A_569 = arith.constant 112 : index
      %get3A_570 = tpu.vector_load %arg12[%get3A_568, %get3A_569] {strides = array<i32>} : memref<80x128xf32, #tpu.memory_space<vmem>>, vector<1x16xf32>,
      %get3A_571 = vector.shape_cast %get3A_570 : vector<1x16xf32> to vector<16xf32>
      %mul3A_572 = arith.mulf %get3A_567, %get3A_571 : vector<16xf32>
      %get3A_573 = arith.index_cast %add3A_459 : i32 to index
      %get3A_574 = arith.constant 112 : index
      %get3A_575 = tpu.vector_load %arg11[%get3A_573, %get3A_574] {strides = array<i32>} : memref<80x128xf32, #tpu.memory_space<vmem>>, vector<1x16xf32>,
      %get3A_576 = vector.shape_cast %get3A_575 : vector<1x16xf32> to vector<16xf32>
      %mul3A_577 = arith.mulf %mul3A_572, %get3A_576 : vector<16xf32>
      %add3A_578 = arith.addf %add3A_563, %mul3A_577 : vector<16xf32>
      %swap3A_579 = arith.index_cast %add3A_459 : i32 to index
      %swap3A_580 = arith.constant 0 : index
      %swap3A_581 = tpu.vector_load %arg13[%swap3A_579, %swap3A_580] {strides = array<i32>} : memref<80x16xf32, #tpu.memory_space<vmem>>, vector<1x16xf32>,
      %swap3A_582 = vector.shape_cast %swap3A_581 : vector<1x16xf32> to vector<16xf32>
      %swap3A_583 = vector.shape_cast %add3A_578 : vector<16xf32> to vector<1x16xf32>
      tpu.vector_store %arg13[%swap3A_579, %swap3A_580], %swap3A_583 {strides = array<i32>} : memref<80x16xf32, #tpu.memory_space<vmem>>, vector<1x16xf32>,
      %add3A_584 = arith.constant 4 : i32
      %add3A_585 = arith.addi %mul3A_81, %add3A_584 : i32
      %get3A_586 = arith.index_cast %add3A_585 : i32 to index
      %get3A_587 = arith.constant 0 : index
      %get3A_588 = tpu.vector_load %arg10[%get3A_586, %get3A_587] {strides = array<i32>} : memref<80x128xf32, #tpu.memory_space<vmem>>, vector<1x16xf32>,
      %get3A_589 = vector.shape_cast %get3A_588 : vector<1x16xf32> to vector<16xf32>
      %get3A_590 = arith.index_cast %add3A_585 : i32 to index
      %get3A_591 = arith.constant 0 : index
      %get3A_592 = tpu.vector_load %arg12[%get3A_590, %get3A_591] {strides = array<i32>} : memref<80x128xf32, #tpu.memory_space<vmem>>, vector<1x16xf32>,
      %get3A_593 = vector.shape_cast %get3A_592 : vector<1x16xf32> to vector<16xf32>
      %mul3A_594 = arith.mulf %get3A_589, %get3A_593 : vector<16xf32>
      %get3A_595 = arith.index_cast %add3A_585 : i32 to index
      %get3A_596 = arith.constant 0 : index
      %get3A_597 = tpu.vector_load %arg11[%get3A_595, %get3A_596] {strides = array<i32>} : memref<80x128xf32, #tpu.memory_space<vmem>>, vector<1x16xf32>,
      %get3A_598 = vector.shape_cast %get3A_597 : vector<1x16xf32> to vector<16xf32>
      %mul3A_599 = arith.mulf %mul3A_594, %get3A_598 : vector<16xf32>
      %get3A_600 = arith.index_cast %add3A_585 : i32 to index
      %get3A_601 = arith.constant 16 : index
      %get3A_602 = tpu.vector_load %arg10[%get3A_600, %get3A_601] {strides = array<i32>} : memref<80x128xf32, #tpu.memory_space<vmem>>, vector<1x16xf32>,
      %get3A_603 = vector.shape_cast %get3A_602 : vector<1x16xf32> to vector<16xf32>
      %get3A_604 = arith.index_cast %add3A_585 : i32 to index
      %get3A_605 = arith.constant 16 : index
      %get3A_606 = tpu.vector_load %arg12[%get3A_604, %get3A_605] {strides = array<i32>} : memref<80x128xf32, #tpu.memory_space<vmem>>, vector<1x16xf32>,
      %get3A_607 = vector.shape_cast %get3A_606 : vector<1x16xf32> to vector<16xf32>
      %mul3A_608 = arith.mulf %get3A_603, %get3A_607 : vector<16xf32>
      %get3A_609 = arith.index_cast %add3A_585 : i32 to index
      %get3A_610 = arith.constant 16 : index
      %get3A_611 = tpu.vector_load %arg11[%get3A_609, %get3A_610] {strides = array<i32>} : memref<80x128xf32, #tpu.memory_space<vmem>>, vector<1x16xf32>,
      %get3A_612 = vector.shape_cast %get3A_611 : vector<1x16xf32> to vector<16xf32>
      %mul3A_613 = arith.mulf %mul3A_608, %get3A_612 : vector<16xf32>
      %add3A_614 = arith.addf %mul3A_599, %mul3A_613 : vector<16xf32>
      %get3A_615 = arith.index_cast %add3A_585 : i32 to index
      %get3A_616 = arith.constant 32 : index
      %get3A_617 = tpu.vector_load %arg10[%get3A_615, %get3A_616] {strides = array<i32>} : memref<80x128xf32, #tpu.memory_space<vmem>>, vector<1x16xf32>,
      %get3A_618 = vector.shape_cast %get3A_617 : vector<1x16xf32> to vector<16xf32>
      %get3A_619 = arith.index_cast %add3A_585 : i32 to index
      %get3A_620 = arith.constant 32 : index
      %get3A_621 = tpu.vector_load %arg12[%get3A_619, %get3A_620] {strides = array<i32>} : memref<80x128xf32, #tpu.memory_space<vmem>>, vector<1x16xf32>,
      %get3A_622 = vector.shape_cast %get3A_621 : vector<1x16xf32> to vector<16xf32>
      %mul3A_623 = arith.mulf %get3A_618, %get3A_622 : vector<16xf32>
      %get3A_624 = arith.index_cast %add3A_585 : i32 to index
      %get3A_625 = arith.constant 32 : index
      %get3A_626 = tpu.vector_load %arg11[%get3A_624, %get3A_625] {strides = array<i32>} : memref<80x128xf32, #tpu.memory_space<vmem>>, vector<1x16xf32>,
      %get3A_627 = vector.shape_cast %get3A_626 : vector<1x16xf32> to vector<16xf32>
      %mul3A_628 = arith.mulf %mul3A_623, %get3A_627 : vector<16xf32>
      %add3A_629 = arith.addf %add3A_614, %mul3A_628 : vector<16xf32>
      %get3A_630 = arith.index_cast %add3A_585 : i32 to index
      %get3A_631 = arith.constant 48 : index
      %get3A_632 = tpu.vector_load %arg10[%get3A_630, %get3A_631] {strides = array<i32>} : memref<80x128xf32, #tpu.memory_space<vmem>>, vector<1x16xf32>,
      %get3A_633 = vector.shape_cast %get3A_632 : vector<1x16xf32> to vector<16xf32>
      %get3A_634 = arith.index_cast %add3A_585 : i32 to index
      %get3A_635 = arith.constant 48 : index
      %get3A_636 = tpu.vector_load %arg12[%get3A_634, %get3A_635] {strides = array<i32>} : memref<80x128xf32, #tpu.memory_space<vmem>>, vector<1x16xf32>,
      %get3A_637 = vector.shape_cast %get3A_636 : vector<1x16xf32> to vector<16xf32>
      %mul3A_638 = arith.mulf %get3A_633, %get3A_637 : vector<16xf32>
      %get3A_639 = arith.index_cast %add3A_585 : i32 to index
      %get3A_640 = arith.constant 48 : index
      %get3A_641 = tpu.vector_load %arg11[%get3A_639, %get3A_640] {strides = array<i32>} : memref<80x128xf32, #tpu.memory_space<vmem>>, vector<1x16xf32>,
      %get3A_642 = vector.shape_cast %get3A_641 : vector<1x16xf32> to vector<16xf32>
      %mul3A_643 = arith.mulf %mul3A_638, %get3A_642 : vector<16xf32>
      %add3A_644 = arith.addf %add3A_629, %mul3A_643 : vector<16xf32>
      %get3A_645 = arith.index_cast %add3A_585 : i32 to index
      %get3A_646 = arith.constant 64 : index
      %get3A_647 = tpu.vector_load %arg10[%get3A_645, %get3A_646] {strides = array<i32>} : memref<80x128xf32, #tpu.memory_space<vmem>>, vector<1x16xf32>,
      %get3A_648 = vector.shape_cast %get3A_647 : vector<1x16xf32> to vector<16xf32>
      %get3A_649 = arith.index_cast %add3A_585 : i32 to index
      %get3A_650 = arith.constant 64 : index
      %get3A_651 = tpu.vector_load %arg12[%get3A_649, %get3A_650] {strides = array<i32>} : memref<80x128xf32, #tpu.memory_space<vmem>>, vector<1x16xf32>,
      %get3A_652 = vector.shape_cast %get3A_651 : vector<1x16xf32> to vector<16xf32>
      %mul3A_653 = arith.mulf %get3A_648, %get3A_652 : vector<16xf32>
      %get3A_654 = arith.index_cast %add3A_585 : i32 to index
      %get3A_655 = arith.constant 64 : index
      %get3A_656 = tpu.vector_load %arg11[%get3A_654, %get3A_655] {strides = array<i32>} : memref<80x128xf32, #tpu.memory_space<vmem>>, vector<1x16xf32>,
      %get3A_657 = vector.shape_cast %get3A_656 : vector<1x16xf32> to vector<16xf32>
      %mul3A_658 = arith.mulf %mul3A_653, %get3A_657 : vector<16xf32>
      %add3A_659 = arith.addf %add3A_644, %mul3A_658 : vector<16xf32>
      %get3A_660 = arith.index_cast %add3A_585 : i32 to index
      %get3A_661 = arith.constant 80 : index
      %get3A_662 = tpu.vector_load %arg10[%get3A_660, %get3A_661] {strides = array<i32>} : memref<80x128xf32, #tpu.memory_space<vmem>>, vector<1x16xf32>,
      %get3A_663 = vector.shape_cast %get3A_662 : vector<1x16xf32> to vector<16xf32>
      %get3A_664 = arith.index_cast %add3A_585 : i32 to index
      %get3A_665 = arith.constant 80 : index
      %get3A_666 = tpu.vector_load %arg12[%get3A_664, %get3A_665] {strides = array<i32>} : memref<80x128xf32, #tpu.memory_space<vmem>>, vector<1x16xf32>,
      %get3A_667 = vector.shape_cast %get3A_666 : vector<1x16xf32> to vector<16xf32>
      %mul3A_668 = arith.mulf %get3A_663, %get3A_667 : vector<16xf32>
      %get3A_669 = arith.index_cast %add3A_585 : i32 to index
      %get3A_670 = arith.constant 80 : index
      %get3A_671 = tpu.vector_load %arg11[%get3A_669, %get3A_670] {strides = array<i32>} : memref<80x128xf32, #tpu.memory_space<vmem>>, vector<1x16xf32>,
      %get3A_672 = vector.shape_cast %get3A_671 : vector<1x16xf32> to vector<16xf32>
      %mul3A_673 = arith.mulf %mul3A_668, %get3A_672 : vector<16xf32>
      %add3A_674 = arith.addf %add3A_659, %mul3A_673 : vector<16xf32>
      %get3A_675 = arith.index_cast %add3A_585 : i32 to index
      %get3A_676 = arith.constant 96 : index
      %get3A_677 = tpu.vector_load %arg10[%get3A_675, %get3A_676] {strides = array<i32>} : memref<80x128xf32, #tpu.memory_space<vmem>>, vector<1x16xf32>,
      %get3A_678 = vector.shape_cast %get3A_677 : vector<1x16xf32> to vector<16xf32>
      %get3A_679 = arith.index_cast %add3A_585 : i32 to index
      %get3A_680 = arith.constant 96 : index
      %get3A_681 = tpu.vector_load %arg12[%get3A_679, %get3A_680] {strides = array<i32>} : memref<80x128xf32, #tpu.memory_space<vmem>>, vector<1x16xf32>,
      %get3A_682 = vector.shape_cast %get3A_681 : vector<1x16xf32> to vector<16xf32>
      %mul3A_683 = arith.mulf %get3A_678, %get3A_682 : vector<16xf32>
      %get3A_684 = arith.index_cast %add3A_585 : i32 to index
      %get3A_685 = arith.constant 96 : index
      %get3A_686 = tpu.vector_load %arg11[%get3A_684, %get3A_685] {strides = array<i32>} : memref<80x128xf32, #tpu.memory_space<vmem>>, vector<1x16xf32>,
      %get3A_687 = vector.shape_cast %get3A_686 : vector<1x16xf32> to vector<16xf32>
      %mul3A_688 = arith.mulf %mul3A_683, %get3A_687 : vector<16xf32>
      %add3A_689 = arith.addf %add3A_674, %mul3A_688 : vector<16xf32>
      %get3A_690 = arith.index_cast %add3A_585 : i32 to index
      %get3A_691 = arith.constant 112 : index
      %get3A_692 = tpu.vector_load %arg10[%get3A_690, %get3A_691] {strides = array<i32>} : memref<80x128xf32, #tpu.memory_space<vmem>>, vector<1x16xf32>,
      %get3A_693 = vector.shape_cast %get3A_692 : vector<1x16xf32> to vector<16xf32>
      %get3A_694 = arith.index_cast %add3A_585 : i32 to index
      %get3A_695 = arith.constant 112 : index
      %get3A_696 = tpu.vector_load %arg12[%get3A_694, %get3A_695] {strides = array<i32>} : memref<80x128xf32, #tpu.memory_space<vmem>>, vector<1x16xf32>,
      %get3A_697 = vector.shape_cast %get3A_696 : vector<1x16xf32> to vector<16xf32>
      %mul3A_698 = arith.mulf %get3A_693, %get3A_697 : vector<16xf32>
      %get3A_699 = arith.index_cast %add3A_585 : i32 to index
      %get3A_700 = arith.constant 112 : index
      %get3A_701 = tpu.vector_load %arg11[%get3A_699, %get3A_700] {strides = array<i32>} : memref<80x128xf32, #tpu.memory_space<vmem>>, vector<1x16xf32>,
      %get3A_702 = vector.shape_cast %get3A_701 : vector<1x16xf32> to vector<16xf32>
      %mul3A_703 = arith.mulf %mul3A_698, %get3A_702 : vector<16xf32>
      %add3A_704 = arith.addf %add3A_689, %mul3A_703 : vector<16xf32>
      %swap3A_705 = arith.index_cast %add3A_585 : i32 to index
      %swap3A_706 = arith.constant 0 : index
      %swap3A_707 = tpu.vector_load %arg13[%swap3A_705, %swap3A_706] {strides = array<i32>} : memref<80x16xf32, #tpu.memory_space<vmem>>, vector<1x16xf32>,
      %swap3A_708 = vector.shape_cast %swap3A_707 : vector<1x16xf32> to vector<16xf32>
      %swap3A_709 = vector.shape_cast %add3A_704 : vector<16xf32> to vector<1x16xf32>
      tpu.vector_store %arg13[%swap3A_705, %swap3A_706], %swap3A_709 {strides = array<i32>} : memref<80x16xf32, #tpu.memory_space<vmem>>, vector<1x16xf32>,
      %add3A_710 = arith.constant 5 : i32
      %add3A_711 = arith.addi %mul3A_81, %add3A_710 : i32
      %get3A_712 = arith.index_cast %add3A_711 : i32 to index
      %get3A_713 = arith.constant 0 : index
      %get3A_714 = tpu.vector_load %arg10[%get3A_712, %get3A_713] {strides = array<i32>} : memref<80x128xf32, #tpu.memory_space<vmem>>, vector<1x16xf32>,
      %get3A_715 = vector.shape_cast %get3A_714 : vector<1x16xf32> to vector<16xf32>
      %get3A_716 = arith.index_cast %add3A_711 : i32 to index
      %get3A_717 = arith.constant 0 : index
      %get3A_718 = tpu.vector_load %arg12[%get3A_716, %get3A_717] {strides = array<i32>} : memref<80x128xf32, #tpu.memory_space<vmem>>, vector<1x16xf32>,
      %get3A_719 = vector.shape_cast %get3A_718 : vector<1x16xf32> to vector<16xf32>
      %mul3A_720 = arith.mulf %get3A_715, %get3A_719 : vector<16xf32>
      %get3A_721 = arith.index_cast %add3A_711 : i32 to index
      %get3A_722 = arith.constant 0 : index
      %get3A_723 = tpu.vector_load %arg11[%get3A_721, %get3A_722] {strides = array<i32>} : memref<80x128xf32, #tpu.memory_space<vmem>>, vector<1x16xf32>,
      %get3A_724 = vector.shape_cast %get3A_723 : vector<1x16xf32> to vector<16xf32>
      %mul3A_725 = arith.mulf %mul3A_720, %get3A_724 : vector<16xf32>
      %get3A_726 = arith.index_cast %add3A_711 : i32 to index
      %get3A_727 = arith.constant 16 : index
      %get3A_728 = tpu.vector_load %arg10[%get3A_726, %get3A_727] {strides = array<i32>} : memref<80x128xf32, #tpu.memory_space<vmem>>, vector<1x16xf32>,
      %get3A_729 = vector.shape_cast %get3A_728 : vector<1x16xf32> to vector<16xf32>
      %get3A_730 = arith.index_cast %add3A_711 : i32 to index
      %get3A_731 = arith.constant 16 : index
      %get3A_732 = tpu.vector_load %arg12[%get3A_730, %get3A_731] {strides = array<i32>} : memref<80x128xf32, #tpu.memory_space<vmem>>, vector<1x16xf32>,
      %get3A_733 = vector.shape_cast %get3A_732 : vector<1x16xf32> to vector<16xf32>
      %mul3A_734 = arith.mulf %get3A_729, %get3A_733 : vector<16xf32>
      %get3A_735 = arith.index_cast %add3A_711 : i32 to index
      %get3A_736 = arith.constant 16 : index
      %get3A_737 = tpu.vector_load %arg11[%get3A_735, %get3A_736] {strides = array<i32>} : memref<80x128xf32, #tpu.memory_space<vmem>>, vector<1x16xf32>,
      %get3A_738 = vector.shape_cast %get3A_737 : vector<1x16xf32> to vector<16xf32>
      %mul3A_739 = arith.mulf %mul3A_734, %get3A_738 : vector<16xf32>
      %add3A_740 = arith.addf %mul3A_725, %mul3A_739 : vector<16xf32>
      %get3A_741 = arith.index_cast %add3A_711 : i32 to index
      %get3A_742 = arith.constant 32 : index
      %get3A_743 = tpu.vector_load %arg10[%get3A_741, %get3A_742] {strides = array<i32>} : memref<80x128xf32, #tpu.memory_space<vmem>>, vector<1x16xf32>,
      %get3A_744 = vector.shape_cast %get3A_743 : vector<1x16xf32> to vector<16xf32>
      %get3A_745 = arith.index_cast %add3A_711 : i32 to index
      %get3A_746 = arith.constant 32 : index
      %get3A_747 = tpu.vector_load %arg12[%get3A_745, %get3A_746] {strides = array<i32>} : memref<80x128xf32, #tpu.memory_space<vmem>>, vector<1x16xf32>,
      %get3A_748 = vector.shape_cast %get3A_747 : vector<1x16xf32> to vector<16xf32>
      %mul3A_749 = arith.mulf %get3A_744, %get3A_748 : vector<16xf32>
      %get3A_750 = arith.index_cast %add3A_711 : i32 to index
      %get3A_751 = arith.constant 32 : index
      %get3A_752 = tpu.vector_load %arg11[%get3A_750, %get3A_751] {strides = array<i32>} : memref<80x128xf32, #tpu.memory_space<vmem>>, vector<1x16xf32>,
      %get3A_753 = vector.shape_cast %get3A_752 : vector<1x16xf32> to vector<16xf32>
      %mul3A_754 = arith.mulf %mul3A_749, %get3A_753 : vector<16xf32>
      %add3A_755 = arith.addf %add3A_740, %mul3A_754 : vector<16xf32>
      %get3A_756 = arith.index_cast %add3A_711 : i32 to index
      %get3A_757 = arith.constant 48 : index
      %get3A_758 = tpu.vector_load %arg10[%get3A_756, %get3A_757] {strides = array<i32>} : memref<80x128xf32, #tpu.memory_space<vmem>>, vector<1x16xf32>,
      %get3A_759 = vector.shape_cast %get3A_758 : vector<1x16xf32> to vector<16xf32>
      %get3A_760 = arith.index_cast %add3A_711 : i32 to index
      %get3A_761 = arith.constant 48 : index
      %get3A_762 = tpu.vector_load %arg12[%get3A_760, %get3A_761] {strides = array<i32>} : memref<80x128xf32, #tpu.memory_space<vmem>>, vector<1x16xf32>,
      %get3A_763 = vector.shape_cast %get3A_762 : vector<1x16xf32> to vector<16xf32>
      %mul3A_764 = arith.mulf %get3A_759, %get3A_763 : vector<16xf32>
      %get3A_765 = arith.index_cast %add3A_711 : i32 to index
      %get3A_766 = arith.constant 48 : index
      %get3A_767 = tpu.vector_load %arg11[%get3A_765, %get3A_766] {strides = array<i32>} : memref<80x128xf32, #tpu.memory_space<vmem>>, vector<1x16xf32>,
      %get3A_768 = vector.shape_cast %get3A_767 : vector<1x16xf32> to vector<16xf32>
      %mul3A_769 = arith.mulf %mul3A_764, %get3A_768 : vector<16xf32>
      %add3A_770 = arith.addf %add3A_755, %mul3A_769 : vector<16xf32>
      %get3A_771 = arith.index_cast %add3A_711 : i32 to index
      %get3A_772 = arith.constant 64 : index
      %get3A_773 = tpu.vector_load %arg10[%get3A_771, %get3A_772] {strides = array<i32>} : memref<80x128xf32, #tpu.memory_space<vmem>>, vector<1x16xf32>,
      %get3A_774 = vector.shape_cast %get3A_773 : vector<1x16xf32> to vector<16xf32>
      %get3A_775 = arith.index_cast %add3A_711 : i32 to index
      %get3A_776 = arith.constant 64 : index
      %get3A_777 = tpu.vector_load %arg12[%get3A_775, %get3A_776] {strides = array<i32>} : memref<80x128xf32, #tpu.memory_space<vmem>>, vector<1x16xf32>,
      %get3A_778 = vector.shape_cast %get3A_777 : vector<1x16xf32> to vector<16xf32>
      %mul3A_779 = arith.mulf %get3A_774, %get3A_778 : vector<16xf32>
      %get3A_780 = arith.index_cast %add3A_711 : i32 to index
      %get3A_781 = arith.constant 64 : index
      %get3A_782 = tpu.vector_load %arg11[%get3A_780, %get3A_781] {strides = array<i32>} : memref<80x128xf32, #tpu.memory_space<vmem>>, vector<1x16xf32>,
      %get3A_783 = vector.shape_cast %get3A_782 : vector<1x16xf32> to vector<16xf32>
      %mul3A_784 = arith.mulf %mul3A_779, %get3A_783 : vector<16xf32>
      %add3A_785 = arith.addf %add3A_770, %mul3A_784 : vector<16xf32>
      %get3A_786 = arith.index_cast %add3A_711 : i32 to index
      %get3A_787 = arith.constant 80 : index
      %get3A_788 = tpu.vector_load %arg10[%get3A_786, %get3A_787] {strides = array<i32>} : memref<80x128xf32, #tpu.memory_space<vmem>>, vector<1x16xf32>,
      %get3A_789 = vector.shape_cast %get3A_788 : vector<1x16xf32> to vector<16xf32>
      %get3A_790 = arith.index_cast %add3A_711 : i32 to index
      %get3A_791 = arith.constant 80 : index
      %get3A_792 = tpu.vector_load %arg12[%get3A_790, %get3A_791] {strides = array<i32>} : memref<80x128xf32, #tpu.memory_space<vmem>>, vector<1x16xf32>,
      %get3A_793 = vector.shape_cast %get3A_792 : vector<1x16xf32> to vector<16xf32>
      %mul3A_794 = arith.mulf %get3A_789, %get3A_793 : vector<16xf32>
      %get3A_795 = arith.index_cast %add3A_711 : i32 to index
      %get3A_796 = arith.constant 80 : index
      %get3A_797 = tpu.vector_load %arg11[%get3A_795, %get3A_796] {strides = array<i32>} : memref<80x128xf32, #tpu.memory_space<vmem>>, vector<1x16xf32>,
      %get3A_798 = vector.shape_cast %get3A_797 : vector<1x16xf32> to vector<16xf32>
      %mul3A_799 = arith.mulf %mul3A_794, %get3A_798 : vector<16xf32>
      %add3A_800 = arith.addf %add3A_785, %mul3A_799 : vector<16xf32>
      %get3A_801 = arith.index_cast %add3A_711 : i32 to index
      %get3A_802 = arith.constant 96 : index
      %get3A_803 = tpu.vector_load %arg10[%get3A_801, %get3A_802] {strides = array<i32>} : memref<80x128xf32, #tpu.memory_space<vmem>>, vector<1x16xf32>,
      %get3A_804 = vector.shape_cast %get3A_803 : vector<1x16xf32> to vector<16xf32>
      %get3A_805 = arith.index_cast %add3A_711 : i32 to index
      %get3A_806 = arith.constant 96 : index
      %get3A_807 = tpu.vector_load %arg12[%get3A_805, %get3A_806] {strides = array<i32>} : memref<80x128xf32, #tpu.memory_space<vmem>>, vector<1x16xf32>,
      %get3A_808 = vector.shape_cast %get3A_807 : vector<1x16xf32> to vector<16xf32>
      %mul3A_809 = arith.mulf %get3A_804, %get3A_808 : vector<16xf32>
      %get3A_810 = arith.index_cast %add3A_711 : i32 to index
      %get3A_811 = arith.constant 96 : index
      %get3A_812 = tpu.vector_load %arg11[%get3A_810, %get3A_811] {strides = array<i32>} : memref<80x128xf32, #tpu.memory_space<vmem>>, vector<1x16xf32>,
      %get3A_813 = vector.shape_cast %get3A_812 : vector<1x16xf32> to vector<16xf32>
      %mul3A_814 = arith.mulf %mul3A_809, %get3A_813 : vector<16xf32>
      %add3A_815 = arith.addf %add3A_800, %mul3A_814 : vector<16xf32>
      %get3A_816 = arith.index_cast %add3A_711 : i32 to index
      %get3A_817 = arith.constant 112 : index
      %get3A_818 = tpu.vector_load %arg10[%get3A_816, %get3A_817] {strides = array<i32>} : memref<80x128xf32, #tpu.memory_space<vmem>>, vector<1x16xf32>,
      %get3A_819 = vector.shape_cast %get3A_818 : vector<1x16xf32> to vector<16xf32>
      %get3A_820 = arith.index_cast %add3A_711 : i32 to index
      %get3A_821 = arith.constant 112 : index
      %get3A_822 = tpu.vector_load %arg12[%get3A_820, %get3A_821] {strides = array<i32>} : memref<80x128xf32, #tpu.memory_space<vmem>>, vector<1x16xf32>,
      %get3A_823 = vector.shape_cast %get3A_822 : vector<1x16xf32> to vector<16xf32>
      %mul3A_824 = arith.mulf %get3A_819, %get3A_823 : vector<16xf32>
      %get3A_825 = arith.index_cast %add3A_711 : i32 to index
      %get3A_826 = arith.constant 112 : index
      %get3A_827 = tpu.vector_load %arg11[%get3A_825, %get3A_826] {strides = array<i32>} : memref<80x128xf32, #tpu.memory_space<vmem>>, vector<1x16xf32>,
      %get3A_828 = vector.shape_cast %get3A_827 : vector<1x16xf32> to vector<16xf32>
      %mul3A_829 = arith.mulf %mul3A_824, %get3A_828 : vector<16xf32>
      %add3A_830 = arith.addf %add3A_815, %mul3A_829 : vector<16xf32>
      %swap3A_831 = arith.index_cast %add3A_711 : i32 to index
      %swap3A_832 = arith.constant 0 : index
      %swap3A_833 = tpu.vector_load %arg13[%swap3A_831, %swap3A_832] {strides = array<i32>} : memref<80x16xf32, #tpu.memory_space<vmem>>, vector<1x16xf32>,
      %swap3A_834 = vector.shape_cast %swap3A_833 : vector<1x16xf32> to vector<16xf32>
      %swap3A_835 = vector.shape_cast %add3A_830 : vector<16xf32> to vector<1x16xf32>
      tpu.vector_store %arg13[%swap3A_831, %swap3A_832], %swap3A_835 {strides = array<i32>} : memref<80x16xf32, #tpu.memory_space<vmem>>, vector<1x16xf32>,
      %add3A_836 = arith.constant 6 : i32
      %add3A_837 = arith.addi %mul3A_81, %add3A_836 : i32
      %get3A_838 = arith.index_cast %add3A_837 : i32 to index
      %get3A_839 = arith.constant 0 : index
      %get3A_840 = tpu.vector_load %arg10[%get3A_838, %get3A_839] {strides = array<i32>} : memref<80x128xf32, #tpu.memory_space<vmem>>, vector<1x16xf32>,
      %get3A_841 = vector.shape_cast %get3A_840 : vector<1x16xf32> to vector<16xf32>
      %get3A_842 = arith.index_cast %add3A_837 : i32 to index
      %get3A_843 = arith.constant 0 : index
      %get3A_844 = tpu.vector_load %arg12[%get3A_842, %get3A_843] {strides = array<i32>} : memref<80x128xf32, #tpu.memory_space<vmem>>, vector<1x16xf32>,
      %get3A_845 = vector.shape_cast %get3A_844 : vector<1x16xf32> to vector<16xf32>
      %mul3A_846 = arith.mulf %get3A_841, %get3A_845 : vector<16xf32>
      %get3A_847 = arith.index_cast %add3A_837 : i32 to index
      %get3A_848 = arith.constant 0 : index
      %get3A_849 = tpu.vector_load %arg11[%get3A_847, %get3A_848] {strides = array<i32>} : memref<80x128xf32, #tpu.memory_space<vmem>>, vector<1x16xf32>,
      %get3A_850 = vector.shape_cast %get3A_849 : vector<1x16xf32> to vector<16xf32>
      %mul3A_851 = arith.mulf %mul3A_846, %get3A_850 : vector<16xf32>
      %get3A_852 = arith.index_cast %add3A_837 : i32 to index
      %get3A_853 = arith.constant 16 : index
      %get3A_854 = tpu.vector_load %arg10[%get3A_852, %get3A_853] {strides = array<i32>} : memref<80x128xf32, #tpu.memory_space<vmem>>, vector<1x16xf32>,
      %get3A_855 = vector.shape_cast %get3A_854 : vector<1x16xf32> to vector<16xf32>
      %get3A_856 = arith.index_cast %add3A_837 : i32 to index
      %get3A_857 = arith.constant 16 : index
      %get3A_858 = tpu.vector_load %arg12[%get3A_856, %get3A_857] {strides = array<i32>} : memref<80x128xf32, #tpu.memory_space<vmem>>, vector<1x16xf32>,
      %get3A_859 = vector.shape_cast %get3A_858 : vector<1x16xf32> to vector<16xf32>
      %mul3A_860 = arith.mulf %get3A_855, %get3A_859 : vector<16xf32>
      %get3A_861 = arith.index_cast %add3A_837 : i32 to index
      %get3A_862 = arith.constant 16 : index
      %get3A_863 = tpu.vector_load %arg11[%get3A_861, %get3A_862] {strides = array<i32>} : memref<80x128xf32, #tpu.memory_space<vmem>>, vector<1x16xf32>,
      %get3A_864 = vector.shape_cast %get3A_863 : vector<1x16xf32> to vector<16xf32>
      %mul3A_865 = arith.mulf %mul3A_860, %get3A_864 : vector<16xf32>
      %add3A_866 = arith.addf %mul3A_851, %mul3A_865 : vector<16xf32>
      %get3A_867 = arith.index_cast %add3A_837 : i32 to index
      %get3A_868 = arith.constant 32 : index
      %get3A_869 = tpu.vector_load %arg10[%get3A_867, %get3A_868] {strides = array<i32>} : memref<80x128xf32, #tpu.memory_space<vmem>>, vector<1x16xf32>,
      %get3A_870 = vector.shape_cast %get3A_869 : vector<1x16xf32> to vector<16xf32>
      %get3A_871 = arith.index_cast %add3A_837 : i32 to index
      %get3A_872 = arith.constant 32 : index
      %get3A_873 = tpu.vector_load %arg12[%get3A_871, %get3A_872] {strides = array<i32>} : memref<80x128xf32, #tpu.memory_space<vmem>>, vector<1x16xf32>,
      %get3A_874 = vector.shape_cast %get3A_873 : vector<1x16xf32> to vector<16xf32>
      %mul3A_875 = arith.mulf %get3A_870, %get3A_874 : vector<16xf32>
      %get3A_876 = arith.index_cast %add3A_837 : i32 to index
      %get3A_877 = arith.constant 32 : index
      %get3A_878 = tpu.vector_load %arg11[%get3A_876, %get3A_877] {strides = array<i32>} : memref<80x128xf32, #tpu.memory_space<vmem>>, vector<1x16xf32>,
      %get3A_879 = vector.shape_cast %get3A_878 : vector<1x16xf32> to vector<16xf32>
      %mul3A_880 = arith.mulf %mul3A_875, %get3A_879 : vector<16xf32>
      %add3A_881 = arith.addf %add3A_866, %mul3A_880 : vector<16xf32>
      %get3A_882 = arith.index_cast %add3A_837 : i32 to index
      %get3A_883 = arith.constant 48 : index
      %get3A_884 = tpu.vector_load %arg10[%get3A_882, %get3A_883] {strides = array<i32>} : memref<80x128xf32, #tpu.memory_space<vmem>>, vector<1x16xf32>,
      %get3A_885 = vector.shape_cast %get3A_884 : vector<1x16xf32> to vector<16xf32>
      %get3A_886 = arith.index_cast %add3A_837 : i32 to index
      %get3A_887 = arith.constant 48 : index
      %get3A_888 = tpu.vector_load %arg12[%get3A_886, %get3A_887] {strides = array<i32>} : memref<80x128xf32, #tpu.memory_space<vmem>>, vector<1x16xf32>,
      %get3A_889 = vector.shape_cast %get3A_888 : vector<1x16xf32> to vector<16xf32>
      %mul3A_890 = arith.mulf %get3A_885, %get3A_889 : vector<16xf32>
      %get3A_891 = arith.index_cast %add3A_837 : i32 to index
      %get3A_892 = arith.constant 48 : index
      %get3A_893 = tpu.vector_load %arg11[%get3A_891, %get3A_892] {strides = array<i32>} : memref<80x128xf32, #tpu.memory_space<vmem>>, vector<1x16xf32>,
      %get3A_894 = vector.shape_cast %get3A_893 : vector<1x16xf32> to vector<16xf32>
      %mul3A_895 = arith.mulf %mul3A_890, %get3A_894 : vector<16xf32>
      %add3A_896 = arith.addf %add3A_881, %mul3A_895 : vector<16xf32>
      %get3A_897 = arith.index_cast %add3A_837 : i32 to index
      %get3A_898 = arith.constant 64 : index
      %get3A_899 = tpu.vector_load %arg10[%get3A_897, %get3A_898] {strides = array<i32>} : memref<80x128xf32, #tpu.memory_space<vmem>>, vector<1x16xf32>,
      %get3A_900 = vector.shape_cast %get3A_899 : vector<1x16xf32> to vector<16xf32>
      %get3A_901 = arith.index_cast %add3A_837 : i32 to index
      %get3A_902 = arith.constant 64 : index
      %get3A_903 = tpu.vector_load %arg12[%get3A_901, %get3A_902] {strides = array<i32>} : memref<80x128xf32, #tpu.memory_space<vmem>>, vector<1x16xf32>,
      %get3A_904 = vector.shape_cast %get3A_903 : vector<1x16xf32> to vector<16xf32>
      %mul3A_905 = arith.mulf %get3A_900, %get3A_904 : vector<16xf32>
      %get3A_906 = arith.index_cast %add3A_837 : i32 to index
      %get3A_907 = arith.constant 64 : index
      %get3A_908 = tpu.vector_load %arg11[%get3A_906, %get3A_907] {strides = array<i32>} : memref<80x128xf32, #tpu.memory_space<vmem>>, vector<1x16xf32>,
      %get3A_909 = vector.shape_cast %get3A_908 : vector<1x16xf32> to vector<16xf32>
      %mul3A_910 = arith.mulf %mul3A_905, %get3A_909 : vector<16xf32>
      %add3A_911 = arith.addf %add3A_896, %mul3A_910 : vector<16xf32>
      %get3A_912 = arith.index_cast %add3A_837 : i32 to index
      %get3A_913 = arith.constant 80 : index
      %get3A_914 = tpu.vector_load %arg10[%get3A_912, %get3A_913] {strides = array<i32>} : memref<80x128xf32, #tpu.memory_space<vmem>>, vector<1x16xf32>,
      %get3A_915 = vector.shape_cast %get3A_914 : vector<1x16xf32> to vector<16xf32>
      %get3A_916 = arith.index_cast %add3A_837 : i32 to index
      %get3A_917 = arith.constant 80 : index
      %get3A_918 = tpu.vector_load %arg12[%get3A_916, %get3A_917] {strides = array<i32>} : memref<80x128xf32, #tpu.memory_space<vmem>>, vector<1x16xf32>,
      %get3A_919 = vector.shape_cast %get3A_918 : vector<1x16xf32> to vector<16xf32>
      %mul3A_920 = arith.mulf %get3A_915, %get3A_919 : vector<16xf32>
      %get3A_921 = arith.index_cast %add3A_837 : i32 to index
      %get3A_922 = arith.constant 80 : index
      %get3A_923 = tpu.vector_load %arg11[%get3A_921, %get3A_922] {strides = array<i32>} : memref<80x128xf32, #tpu.memory_space<vmem>>, vector<1x16xf32>,
      %get3A_924 = vector.shape_cast %get3A_923 : vector<1x16xf32> to vector<16xf32>
      %mul3A_925 = arith.mulf %mul3A_920, %get3A_924 : vector<16xf32>
      %add3A_926 = arith.addf %add3A_911, %mul3A_925 : vector<16xf32>
      %get3A_927 = arith.index_cast %add3A_837 : i32 to index
      %get3A_928 = arith.constant 96 : index
      %get3A_929 = tpu.vector_load %arg10[%get3A_927, %get3A_928] {strides = array<i32>} : memref<80x128xf32, #tpu.memory_space<vmem>>, vector<1x16xf32>,
      %get3A_930 = vector.shape_cast %get3A_929 : vector<1x16xf32> to vector<16xf32>
      %get3A_931 = arith.index_cast %add3A_837 : i32 to index
      %get3A_932 = arith.constant 96 : index
      %get3A_933 = tpu.vector_load %arg12[%get3A_931, %get3A_932] {strides = array<i32>} : memref<80x128xf32, #tpu.memory_space<vmem>>, vector<1x16xf32>,
      %get3A_934 = vector.shape_cast %get3A_933 : vector<1x16xf32> to vector<16xf32>
      %mul3A_935 = arith.mulf %get3A_930, %get3A_934 : vector<16xf32>
      %get3A_936 = arith.index_cast %add3A_837 : i32 to index
      %get3A_937 = arith.constant 96 : index
      %get3A_938 = tpu.vector_load %arg11[%get3A_936, %get3A_937] {strides = array<i32>} : memref<80x128xf32, #tpu.memory_space<vmem>>, vector<1x16xf32>,
      %get3A_939 = vector.shape_cast %get3A_938 : vector<1x16xf32> to vector<16xf32>
      %mul3A_940 = arith.mulf %mul3A_935, %get3A_939 : vector<16xf32>
      %add3A_941 = arith.addf %add3A_926, %mul3A_940 : vector<16xf32>
      %get3A_942 = arith.index_cast %add3A_837 : i32 to index
      %get3A_943 = arith.constant 112 : index
      %get3A_944 = tpu.vector_load %arg10[%get3A_942, %get3A_943] {strides = array<i32>} : memref<80x128xf32, #tpu.memory_space<vmem>>, vector<1x16xf32>,
      %get3A_945 = vector.shape_cast %get3A_944 : vector<1x16xf32> to vector<16xf32>
      %get3A_946 = arith.index_cast %add3A_837 : i32 to index
      %get3A_947 = arith.constant 112 : index
      %get3A_948 = tpu.vector_load %arg12[%get3A_946, %get3A_947] {strides = array<i32>} : memref<80x128xf32, #tpu.memory_space<vmem>>, vector<1x16xf32>,
      %get3A_949 = vector.shape_cast %get3A_948 : vector<1x16xf32> to vector<16xf32>
      %mul3A_950 = arith.mulf %get3A_945, %get3A_949 : vector<16xf32>
      %get3A_951 = arith.index_cast %add3A_837 : i32 to index
      %get3A_952 = arith.constant 112 : index
      %get3A_953 = tpu.vector_load %arg11[%get3A_951, %get3A_952] {strides = array<i32>} : memref<80x128xf32, #tpu.memory_space<vmem>>, vector<1x16xf32>,
      %get3A_954 = vector.shape_cast %get3A_953 : vector<1x16xf32> to vector<16xf32>
      %mul3A_955 = arith.mulf %mul3A_950, %get3A_954 : vector<16xf32>
      %add3A_956 = arith.addf %add3A_941, %mul3A_955 : vector<16xf32>
      %swap3A_957 = arith.index_cast %add3A_837 : i32 to index
      %swap3A_958 = arith.constant 0 : index
      %swap3A_959 = tpu.vector_load %arg13[%swap3A_957, %swap3A_958] {strides = array<i32>} : memref<80x16xf32, #tpu.memory_space<vmem>>, vector<1x16xf32>,
      %swap3A_960 = vector.shape_cast %swap3A_959 : vector<1x16xf32> to vector<16xf32>
      %swap3A_961 = vector.shape_cast %add3A_956 : vector<16xf32> to vector<1x16xf32>
      tpu.vector_store %arg13[%swap3A_957, %swap3A_958], %swap3A_961 {strides = array<i32>} : memref<80x16xf32, #tpu.memory_space<vmem>>, vector<1x16xf32>,
      %add3A_962 = arith.constant 7 : i32
      %add3A_963 = arith.addi %mul3A_81, %add3A_962 : i32
      %get3A_964 = arith.index_cast %add3A_963 : i32 to index
      %get3A_965 = arith.constant 0 : index
      %get3A_966 = tpu.vector_load %arg10[%get3A_964, %get3A_965] {strides = array<i32>} : memref<80x128xf32, #tpu.memory_space<vmem>>, vector<1x16xf32>,
      %get3A_967 = vector.shape_cast %get3A_966 : vector<1x16xf32> to vector<16xf32>
      %get3A_968 = arith.index_cast %add3A_963 : i32 to index
      %get3A_969 = arith.constant 0 : index
      %get3A_970 = tpu.vector_load %arg12[%get3A_968, %get3A_969] {strides = array<i32>} : memref<80x128xf32, #tpu.memory_space<vmem>>, vector<1x16xf32>,
      %get3A_971 = vector.shape_cast %get3A_970 : vector<1x16xf32> to vector<16xf32>
      %mul3A_972 = arith.mulf %get3A_967, %get3A_971 : vector<16xf32>
      %get3A_973 = arith.index_cast %add3A_963 : i32 to index
      %get3A_974 = arith.constant 0 : index
      %get3A_975 = tpu.vector_load %arg11[%get3A_973, %get3A_974] {strides = array<i32>} : memref<80x128xf32, #tpu.memory_space<vmem>>, vector<1x16xf32>,
      %get3A_976 = vector.shape_cast %get3A_975 : vector<1x16xf32> to vector<16xf32>
      %mul3A_977 = arith.mulf %mul3A_972, %get3A_976 : vector<16xf32>
      %get3A_978 = arith.index_cast %add3A_963 : i32 to index
      %get3A_979 = arith.constant 16 : index
      %get3A_980 = tpu.vector_load %arg10[%get3A_978, %get3A_979] {strides = array<i32>} : memref<80x128xf32, #tpu.memory_space<vmem>>, vector<1x16xf32>,
      %get3A_981 = vector.shape_cast %get3A_980 : vector<1x16xf32> to vector<16xf32>
      %get3A_982 = arith.index_cast %add3A_963 : i32 to index
      %get3A_983 = arith.constant 16 : index
      %get3A_984 = tpu.vector_load %arg12[%get3A_982, %get3A_983] {strides = array<i32>} : memref<80x128xf32, #tpu.memory_space<vmem>>, vector<1x16xf32>,
      %get3A_985 = vector.shape_cast %get3A_984 : vector<1x16xf32> to vector<16xf32>
      %mul3A_986 = arith.mulf %get3A_981, %get3A_985 : vector<16xf32>
      %get3A_987 = arith.index_cast %add3A_963 : i32 to index
      %get3A_988 = arith.constant 16 : index
      %get3A_989 = tpu.vector_load %arg11[%get3A_987, %get3A_988] {strides = array<i32>} : memref<80x128xf32, #tpu.memory_space<vmem>>, vector<1x16xf32>,
      %get3A_990 = vector.shape_cast %get3A_989 : vector<1x16xf32> to vector<16xf32>
      %mul3A_991 = arith.mulf %mul3A_986, %get3A_990 : vector<16xf32>
      %add3A_992 = arith.addf %mul3A_977, %mul3A_991 : vector<16xf32>
      %get3A_993 = arith.index_cast %add3A_963 : i32 to index
      %get3A_994 = arith.constant 32 : index
      %get3A_995 = tpu.vector_load %arg10[%get3A_993, %get3A_994] {strides = array<i32>} : memref<80x128xf32, #tpu.memory_space<vmem>>, vector<1x16xf32>,
      %get3A_996 = vector.shape_cast %get3A_995 : vector<1x16xf32> to vector<16xf32>
      %get3A_997 = arith.index_cast %add3A_963 : i32 to index
      %get3A_998 = arith.constant 32 : index
      %get3A_999 = tpu.vector_load %arg12[%get3A_997, %get3A_998] {strides = array<i32>} : memref<80x128xf32, #tpu.memory_space<vmem>>, vector<1x16xf32>,
      %get3A_1000 = vector.shape_cast %get3A_999 : vector<1x16xf32> to vector<16xf32>
      %mul3A_1001 = arith.mulf %get3A_996, %get3A_1000 : vector<16xf32>
      %get3A_1002 = arith.index_cast %add3A_963 : i32 to index
      %get3A_1003 = arith.constant 32 : index
      %get3A_1004 = tpu.vector_load %arg11[%get3A_1002, %get3A_1003] {strides = array<i32>} : memref<80x128xf32, #tpu.memory_space<vmem>>, vector<1x16xf32>,
      %get3A_1005 = vector.shape_cast %get3A_1004 : vector<1x16xf32> to vector<16xf32>
      %mul3A_1006 = arith.mulf %mul3A_1001, %get3A_1005 : vector<16xf32>
      %add3A_1007 = arith.addf %add3A_992, %mul3A_1006 : vector<16xf32>
      %get3A_1008 = arith.index_cast %add3A_963 : i32 to index
      %get3A_1009 = arith.constant 48 : index
      %get3A_1010 = tpu.vector_load %arg10[%get3A_1008, %get3A_1009] {strides = array<i32>} : memref<80x128xf32, #tpu.memory_space<vmem>>, vector<1x16xf32>,
      %get3A_1011 = vector.shape_cast %get3A_1010 : vector<1x16xf32> to vector<16xf32>
      %get3A_1012 = arith.index_cast %add3A_963 : i32 to index
      %get3A_1013 = arith.constant 48 : index
      %get3A_1014 = tpu.vector_load %arg12[%get3A_1012, %get3A_1013] {strides = array<i32>} : memref<80x128xf32, #tpu.memory_space<vmem>>, vector<1x16xf32>,
      %get3A_1015 = vector.shape_cast %get3A_1014 : vector<1x16xf32> to vector<16xf32>
      %mul3A_1016 = arith.mulf %get3A_1011, %get3A_1015 : vector<16xf32>
      %get3A_1017 = arith.index_cast %add3A_963 : i32 to index
      %get3A_1018 = arith.constant 48 : index
      %get3A_1019 = tpu.vector_load %arg11[%get3A_1017, %get3A_1018] {strides = array<i32>} : memref<80x128xf32, #tpu.memory_space<vmem>>, vector<1x16xf32>,
      %get3A_1020 = vector.shape_cast %get3A_1019 : vector<1x16xf32> to vector<16xf32>
      %mul3A_1021 = arith.mulf %mul3A_1016, %get3A_1020 : vector<16xf32>
      %add3A_1022 = arith.addf %add3A_1007, %mul3A_1021 : vector<16xf32>
      %get3A_1023 = arith.index_cast %add3A_963 : i32 to index
      %get3A_1024 = arith.constant 64 : index
      %get3A_1025 = tpu.vector_load %arg10[%get3A_1023, %get3A_1024] {strides = array<i32>} : memref<80x128xf32, #tpu.memory_space<vmem>>, vector<1x16xf32>,
      %get3A_1026 = vector.shape_cast %get3A_1025 : vector<1x16xf32> to vector<16xf32>
      %get3A_1027 = arith.index_cast %add3A_963 : i32 to index
      %get3A_1028 = arith.constant 64 : index
      %get3A_1029 = tpu.vector_load %arg12[%get3A_1027, %get3A_1028] {strides = array<i32>} : memref<80x128xf32, #tpu.memory_space<vmem>>, vector<1x16xf32>,
      %get3A_1030 = vector.shape_cast %get3A_1029 : vector<1x16xf32> to vector<16xf32>
      %mul3A_1031 = arith.mulf %get3A_1026, %get3A_1030 : vector<16xf32>
      %get3A_1032 = arith.index_cast %add3A_963 : i32 to index
      %get3A_1033 = arith.constant 64 : index
      %get3A_1034 = tpu.vector_load %arg11[%get3A_1032, %get3A_1033] {strides = array<i32>} : memref<80x128xf32, #tpu.memory_space<vmem>>, vector<1x16xf32>,
      %get3A_1035 = vector.shape_cast %get3A_1034 : vector<1x16xf32> to vector<16xf32>
      %mul3A_1036 = arith.mulf %mul3A_1031, %get3A_1035 : vector<16xf32>
      %add3A_1037 = arith.addf %add3A_1022, %mul3A_1036 : vector<16xf32>
      %get3A_1038 = arith.index_cast %add3A_963 : i32 to index
      %get3A_1039 = arith.constant 80 : index
      %get3A_1040 = tpu.vector_load %arg10[%get3A_1038, %get3A_1039] {strides = array<i32>} : memref<80x128xf32, #tpu.memory_space<vmem>>, vector<1x16xf32>,
      %get3A_1041 = vector.shape_cast %get3A_1040 : vector<1x16xf32> to vector<16xf32>
      %get3A_1042 = arith.index_cast %add3A_963 : i32 to index
      %get3A_1043 = arith.constant 80 : index
      %get3A_1044 = tpu.vector_load %arg12[%get3A_1042, %get3A_1043] {strides = array<i32>} : memref<80x128xf32, #tpu.memory_space<vmem>>, vector<1x16xf32>,
      %get3A_1045 = vector.shape_cast %get3A_1044 : vector<1x16xf32> to vector<16xf32>
      %mul3A_1046 = arith.mulf %get3A_1041, %get3A_1045 : vector<16xf32>
      %get3A_1047 = arith.index_cast %add3A_963 : i32 to index
      %get3A_1048 = arith.constant 80 : index
      %get3A_1049 = tpu.vector_load %arg11[%get3A_1047, %get3A_1048] {strides = array<i32>} : memref<80x128xf32, #tpu.memory_space<vmem>>, vector<1x16xf32>,
      %get3A_1050 = vector.shape_cast %get3A_1049 : vector<1x16xf32> to vector<16xf32>
      %mul3A_1051 = arith.mulf %mul3A_1046, %get3A_1050 : vector<16xf32>
      %add3A_1052 = arith.addf %add3A_1037, %mul3A_1051 : vector<16xf32>
      %get3A_1053 = arith.index_cast %add3A_963 : i32 to index
      %get3A_1054 = arith.constant 96 : index
      %get3A_1055 = tpu.vector_load %arg10[%get3A_1053, %get3A_1054] {strides = array<i32>} : memref<80x128xf32, #tpu.memory_space<vmem>>, vector<1x16xf32>,
      %get3A_1056 = vector.shape_cast %get3A_1055 : vector<1x16xf32> to vector<16xf32>
      %get3A_1057 = arith.index_cast %add3A_963 : i32 to index
      %get3A_1058 = arith.constant 96 : index
      %get3A_1059 = tpu.vector_load %arg12[%get3A_1057, %get3A_1058] {strides = array<i32>} : memref<80x128xf32, #tpu.memory_space<vmem>>, vector<1x16xf32>,
      %get3A_1060 = vector.shape_cast %get3A_1059 : vector<1x16xf32> to vector<16xf32>
      %mul3A_1061 = arith.mulf %get3A_1056, %get3A_1060 : vector<16xf32>
      %get3A_1062 = arith.index_cast %add3A_963 : i32 to index
      %get3A_1063 = arith.constant 96 : index
      %get3A_1064 = tpu.vector_load %arg11[%get3A_1062, %get3A_1063] {strides = array<i32>} : memref<80x128xf32, #tpu.memory_space<vmem>>, vector<1x16xf32>,
      %get3A_1065 = vector.shape_cast %get3A_1064 : vector<1x16xf32> to vector<16xf32>
      %mul3A_1066 = arith.mulf %mul3A_1061, %get3A_1065 : vector<16xf32>
      %add3A_1067 = arith.addf %add3A_1052, %mul3A_1066 : vector<16xf32>
      %get3A_1068 = arith.index_cast %add3A_963 : i32 to index
      %get3A_1069 = arith.constant 112 : index
      %get3A_1070 = tpu.vector_load %arg10[%get3A_1068, %get3A_1069] {strides = array<i32>} : memref<80x128xf32, #tpu.memory_space<vmem>>, vector<1x16xf32>,
      %get3A_1071 = vector.shape_cast %get3A_1070 : vector<1x16xf32> to vector<16xf32>
      %get3A_1072 = arith.index_cast %add3A_963 : i32 to index
      %get3A_1073 = arith.constant 112 : index
      %get3A_1074 = tpu.vector_load %arg12[%get3A_1072, %get3A_1073] {strides = array<i32>} : memref<80x128xf32, #tpu.memory_space<vmem>>, vector<1x16xf32>,
      %get3A_1075 = vector.shape_cast %get3A_1074 : vector<1x16xf32> to vector<16xf32>
      %mul3A_1076 = arith.mulf %get3A_1071, %get3A_1075 : vector<16xf32>
      %get3A_1077 = arith.index_cast %add3A_963 : i32 to index
      %get3A_1078 = arith.constant 112 : index
      %get3A_1079 = tpu.vector_load %arg11[%get3A_1077, %get3A_1078] {strides = array<i32>} : memref<80x128xf32, #tpu.memory_space<vmem>>, vector<1x16xf32>,
      %get3A_1080 = vector.shape_cast %get3A_1079 : vector<1x16xf32> to vector<16xf32>
      %mul3A_1081 = arith.mulf %mul3A_1076, %get3A_1080 : vector<16xf32>
      %add3A_1082 = arith.addf %add3A_1067, %mul3A_1081 : vector<16xf32>
      %swap3A_1083 = arith.index_cast %add3A_963 : i32 to index
      %swap3A_1084 = arith.constant 0 : index
      %swap3A_1085 = tpu.vector_load %arg13[%swap3A_1083, %swap3A_1084] {strides = array<i32>} : memref<80x16xf32, #tpu.memory_space<vmem>>, vector<1x16xf32>,
      %swap3A_1086 = vector.shape_cast %swap3A_1085 : vector<1x16xf32> to vector<16xf32>
      %swap3A_1087 = vector.shape_cast %add3A_1082 : vector<16xf32> to vector<1x16xf32>
      tpu.vector_store %arg13[%swap3A_1083, %swap3A_1084], %swap3A_1087 {strides = array<i32>} : memref<80x16xf32, #tpu.memory_space<vmem>>, vector<1x16xf32>,
    }
    %scan3A_60 = arith.constant 10 : i32
    %add3A_61 = arith.constant 9920 : i32
    %add3A_62 = arith.addi %mul3A_2, %add3A_61 : i32
    %dma_start3A_63 = arith.constant 0 : i32
    %dma_start3A_64 = tpu.memref_slice %arg6[%add3A_62, %dma_start3A_63] : memref<320000x16xf32, #tpu.memory_space<hbm>> -> memref<80x16xf32, #tpu.memory_space<hbm>>
    %dma_start3A_65 = arith.constant 0 : i32
    %dma_start3A_66 = tpu.memref_slice %arg6[%add3A_62, %dma_start3A_65] : memref<320000x16xf32, #tpu.memory_space<hbm>> -> memref<80x16xf32, #tpu.memory_space<hbm>>
    tpu.enqueue_dma source(%arg13 : memref<80x16xf32, #tpu.memory_space<vmem>>) target(%dma_start3A_66 : memref<80x16xf32, #tpu.memory_space<hbm>>) target_semaphore(%arg20 : memref<!tpu.dma_semaphore, #tpu.memory_space<semaphore_mem>>)
    %add3A_67 = arith.constant 9920 : i32
    %add3A_68 = arith.addi %mul3A_2, %add3A_67 : i32
    %dma_wait3A_69 = arith.constant 0 : i32
    %dma_wait3A_70 = tpu.memref_slice %arg6[%add3A_68, %dma_wait3A_69] : memref<320000x16xf32, #tpu.memory_space<hbm>> -> memref<80x16xf32, #tpu.memory_space<hbm>>
    %dma_wait3A_71 = arith.constant 0 : i32
    %dma_wait3A_72 = tpu.memref_slice %arg6[%add3A_68, %dma_wait3A_71] : memref<320000x16xf32, #tpu.memory_space<hbm>> -> memref<80x16xf32, #tpu.memory_space<hbm>>
    tpu.wait_dma2 semaphore(%arg20 : memref<!tpu.dma_semaphore, #tpu.memory_space<semaphore_mem>>) src(%arg13 : memref<80x16xf32, #tpu.memory_space<vmem>>) dst(%dma_wait3A_72 : memref<80x16xf32, #tpu.memory_space<hbm>>)
    %add3A_73 = arith.constant 9840 : i32
    %add3A_74 = arith.addi %mul3A_2, %add3A_73 : i32
    %dma_wait3A_75 = arith.constant 0 : i32
    %dma_wait3A_76 = tpu.memref_slice %arg6[%add3A_74, %dma_wait3A_75] : memref<320000x16xf32, #tpu.memory_space<hbm>> -> memref<80x16xf32, #tpu.memory_space<hbm>>
    %dma_wait3A_77 = arith.constant 0 : i32
    %dma_wait3A_78 = tpu.memref_slice %arg6[%add3A_74, %dma_wait3A_77] : memref<320000x16xf32, #tpu.memory_space<hbm>> -> memref<80x16xf32, #tpu.memory_space<hbm>>
    tpu.wait_dma2 semaphore(%arg21 : memref<!tpu.dma_semaphore, #tpu.memory_space<semaphore_mem>>) src(%arg17 : memref<80x16xf32, #tpu.memory_space<vmem>>) dst(%dma_wait3A_78 : memref<80x16xf32, #tpu.memory_space<hbm>>)
    return
  }
}

module attributes {stable_mosaic.version = 14 : i64} {
  func.func @_tc_body(%arg0: i32, %arg1: memref<8000x128xf32, #tpu.memory_space<vmem>>, %arg2: memref<8000x8xf32, #tpu.memory_space<vmem>>) attributes {dimension_semantics = [#tpu.dimension_semantics<arbitrary>], iteration_bounds = array<i64: 5>, scalar_prefetch = 0 : i64, scratch_operands = 0 : i64, tpu.core_type = #tpu.core_type<tc>, window_params = [{transform_indices = @transform_0, window_bounds = array<i64: 8000, 128>}, {transform_indices = @transform_1, window_bounds = array<i64: 8000, 8>}]} {
    %iota3A = tpu.iota {dimensions = array<i32: 0>} : vector<128x8xi32>
    %jit3A = arith.constant 16 : i32
    %div3A = vector.broadcast %jit3A : i32 to vector<128x8xi32>
    %div3A_0 = arith.divsi %iota3A, %div3A : vector<128x8xi32>
    %sign3A = arith.constant 0 : i32
    %sign3A_1 = vector.broadcast %sign3A : i32 to vector<128x8xi32>
    %sign3A_2 = arith.cmpi sgt, %iota3A, %sign3A_1 : vector<128x8xi32>
    %sign3A_3 = arith.extui %sign3A_2 : vector<128x8xi1> to vector<128x8xi32>
    %sign3A_4 = arith.constant 0 : i32
    %sign3A_5 = vector.broadcast %sign3A_4 : i32 to vector<128x8xi32>
    %sign3A_6 = arith.cmpi slt, %iota3A, %sign3A_5 : vector<128x8xi32>
    %sign3A_7 = arith.extui %sign3A_6 : vector<128x8xi1> to vector<128x8xi32>
    %sign3A_8 = arith.subi %sign3A_3, %sign3A_7 : vector<128x8xi32>
    %sign3A_9 = arith.constant 0 : i32
    %sign3A_10 = arith.cmpi sgt, %jit3A, %sign3A_9 : i32
    %sign3A_11 = arith.extui %sign3A_10 : i1 to i32
    %sign3A_12 = arith.constant 0 : i32
    %sign3A_13 = arith.cmpi slt, %jit3A, %sign3A_12 : i32
    %sign3A_14 = arith.extui %sign3A_13 : i1 to i32
    %sign3A_15 = arith.subi %sign3A_11, %sign3A_14 : i32
    %ne3A = vector.broadcast %sign3A_15 : i32 to vector<128x8xi32>
    %ne3A_16 = arith.cmpi ne, %sign3A_8, %ne3A : vector<128x8xi32>
    %rem3A = vector.broadcast %jit3A : i32 to vector<128x8xi32>
    %rem3A_17 = arith.remsi %iota3A, %rem3A : vector<128x8xi32>
    %ne3A_18 = arith.constant 0 : i32
    %ne3A_19 = vector.broadcast %ne3A_18 : i32 to vector<128x8xi32>
    %ne3A_20 = arith.cmpi ne, %rem3A_17, %ne3A_19 : vector<128x8xi32>
    %and3A = arith.andi %ne3A_16, %ne3A_20 : vector<128x8xi1>
    %sub3A = arith.constant 1 : i32
    %sub3A_21 = vector.broadcast %sub3A : i32 to vector<128x8xi32>
    %sub3A_22 = arith.subi %div3A_0, %sub3A_21 : vector<128x8xi32>
    %select_n3A = arith.select %and3A, %sub3A_22, %div3A_0 : vector<128x8xi1>, vector<128x8xi32>
    %iota3A_23 = tpu.iota {dimensions = array<i32: 1>} : vector<128x8xi32>
    %eq3A = arith.cmpi eq, %select_n3A, %iota3A_23 : vector<128x8xi32>
    %convert_element_type3A = arith.extui %eq3A : vector<128x8xi1> to vector<128x8xi32>
    %convert_element_type3A_24 = arith.sitofp %convert_element_type3A : vector<128x8xi32> to vector<128x8xf32>
    %get3A = arith.constant 0 : index
    %get3A_25 = arith.constant 0 : index
    %get3A_26 = vector.load %arg1[%get3A, %get3A_25] : memref<8000x128xf32, #tpu.memory_space<vmem>>, vector<8000x128xf32>
    %dot_general3A = arith.constant dense<0.000000e+00> : vector<8000x8xf32>
    %dot_general3A_27 = tpu.matmul %get3A_26, %convert_element_type3A_24, %dot_general3A {dimension_numbers = #tpu.dot_dimension_numbers<[1], [0], [0], [1], [0, 0, 1, 1], [], []>, transpose_lhs_hint = false} : vector<8000x128xf32>, vector<128x8xf32>, vector<8000x8xf32> -> vector<8000x8xf32>
    %swap3A = arith.constant 0 : index
    %swap3A_28 = arith.constant 0 : index
    %swap3A_29 = vector.load %arg2[%swap3A, %swap3A_28] : memref<8000x8xf32, #tpu.memory_space<vmem>>, vector<8000x8xf32>
    tpu.vector_store %arg2[%swap3A, %swap3A_28], %dot_general3A_27 {strides = array<i32>} : memref<8000x8xf32, #tpu.memory_space<vmem>>, vector<8000x8xf32>,
    return
  }
  func.func @transform_0(%arg0: i32) -> (i32, i32) {
    %c0_i32 = arith.constant 0 : i32
    %c0_i32_0 = arith.constant 0 : i32
    return %arg0, %c0_i32 : i32, i32
  }
  func.func @transform_1(%arg0: i32) -> (i32, i32) {
    %c0_i32 = arith.constant 0 : i32
    %c0_i32_0 = arith.constant 0 : i32
    return %arg0, %c0_i32 : i32, i32
  }
}

</mosaic_0001>

<sc_bundles>
// kernel: kernel.4.cloned.1.call-start
scs
__scs_entry_jumppad:
0x0: {  	(pc) =	sbr.rel $0x88, $3  }
0x1: {  	(tag) =	ssettag $0x0;
	lr =	simm.s32 $0x1  }
0x2: {  	[smem:$0x3F9D] =	sst lr;
	_ =	strace $0xD0000000  }
0x3: {  	_ = 	snop  }
0x4: {  	_ = 	snop  }
0x5: {  	_ = 	snop  }
0x6: {  	_ = 	snop  }
0x7: {  	_ = 	snop  }
__scs_overlays_trampoline_lowered:
0x8: {  	[smem:$0x3FAC] =	sst s0  }
0x9: {  	[smem:$0x3FAD] =	sst s1  }
0xa: {  	[smem:$0x3FAE] =	sst s2  }
0xb: {  	[smem:$0x3FAF] =	sst s3  }
0xc: {  	[smem:$0x3FB0] =	sst s4  }
0xd: {  	[smem:$0x3FB1] =	sst s5  }
0xe: {  	[smem:$0x3FB2] =	sst s6  }
0xf: {  	[smem:$0x3FB3] =	sst s7  }
0x10: {  	[smem:$0x3FB4] =	sst s8  }
0x11: {  	[smem:$0x3FB5] =	sst s9;
	s0 =	simm.s32 @!p0 $0x0  }
0x12: {  	s1 =	sld [smem:$0x3F9B];
	s0 =	simm.s32 @p0 $0x1  }
0x13: {  	[smem:$0x3FB6] =	sst s0;
	s0 =	simm.s32 @!p1 $0x0  }
0x14: {  	s2 =	sld [smem:$0x3F9A];
	s0 =	simm.s32 @p1 $0x1  }
0x15: {  	[smem:$0x3FB7] =	sst s0;
	s0 =	simm.s32 @!p2 $0x0  }
0x16: {  	s3 =	sld [smem:$0x3FDB];
	s0 =	simm.s32 @p2 $0x1  }
0x17: {  	s4 =	simm.s32 $0x1BF5;
	[smem:$0x3FB9] =	sst s0  }
0x18: {  	s0 =	sld [smem:$0x3F9C];
	_ =	swait.ge [sflag:s4], $0x0  }
0x19: {  	s7 =	sld [smem:$0x3F9D]  }
0x1a: {  	s8 =	sadd.s32 $0xFFFFE003, lr  }
0x1b: {  	s9 =	sadd.s32 $0xFFFFFEF7, lr;
	s5 =	simm.s32 $0xFFFFFFFF;
	p2 =	slt.u32 s8, $0xFFFFF086  }
0x1c: {  	p1 =	slt.u32 s9, $0xF7A;
	s5 =	simm.s32 @!p2 $0x0  }
0x1d: {  	s5 =	simm.s32 @p1 $0x1;
	p0 =	seq.s32 s7, s2  }
0x1e: {  	s7 =	smul.u32 @!p0 $0xF7A, s2;
	p2 =	seq.s32 @!p0 s5, $0x0  }
0x1f: {  	s9 =	smul.u32 $0xF7A, s1;
	s8 =	simm.s32 @!p0 $0x1BF5;
	p2 =	por !p2, p0  }
0x20: {  	[sflag:s8] =	ssyncset.s32 @!p0 $0xFFFFF086;
	s6 =	sadd.s32 @!p0 s3, s7;
	s7 =	simm.s32 @!p0 $0x108  }
0x21: {  	s3 =	sadd.s32 s3, s9;
	s6 =	sadd.s32 @!p0 $0x88, s6;
	s7 =	simm.s32 @p2 $0x1082  }
0x22: {  	[simem:s7], [sflag:s8] =	dma.local @!p0 [hbm:s6], $0xF7A  }
0x23: {  	s9 =	sor.u32 $0xD0000000, s2;
	s6 =	simm.s32 $0x108;
	_ =	swait.ge @!p0 [sflag:s8], $0x0  }
0x24: {  	s3 =	sadd.s32 $0x88, s3;
	s6 =	simm.s32 @!p1 $0x1082;
	[sflag:s4] =	ssyncset.s32 $0xFFFFF086  }
0x25: {  	[simem:s6], [sflag:s4] =	dma.local [hbm:s3], $0xF7A  }
0x26: {  	[smem:$0x3F9D] =	sst s1;
	(tag) =	ssettag s2;
	_ =	strace s9  }
0x27: {  	s1 =	sld [smem:$0x3FAD]  }
0x28: {  	s2 =	sld [smem:$0x3FAE]  }
0x29: {  	s4 =	sld [smem:$0x3FB0]  }
0x2a: {  	p0 =	seq.s32 s5, $0x0;
	s5 =	sld [smem:$0x3FB1]  }
0x2b: {  	s6 =	sld [smem:$0x3FB2]  }
0x2c: {  	s7 =	sld [smem:$0x3FB3]  }
0x2d: {  	s3 =	simm.s32 $0x108;
	s8 =	sld [smem:$0x3FB4]  }
0x2e: {  	s3 =	simm.s32 @!p0 $0x1082;
	s9 =	sld [smem:$0x3FB5]  }
0x2f: {  	lr =	sadd.s32 s0, s3;
	s0 =	sld [smem:$0x3FAC]  }
0x30: {  	s3 =	sld [smem:$0x3FAF]  }
0x31: {  	[smem:$0x3FB8] =	sst s10  }
0x32: {  	s10 =	sld [smem:$0x3FB6];
	_ =	sdelay $0x3  }
0x33: {  	p0 =	seq.s32 s10, $0x1;
	s10 =	sld [smem:$0x3FB8];
	_ =	sdelay $0x3  }
0x34: {  	[smem:$0x3FB8] =	sst s10  }
0x35: {  	s10 =	sld [smem:$0x3FB7];
	_ =	sdelay $0x3  }
0x36: {  	p1 =	seq.s32 s10, $0x1;
	s10 =	sld [smem:$0x3FB8];
	_ =	sdelay $0x3  }
0x37: {  	[smem:$0x3FB8] =	sst s10  }
0x38: {  	s10 =	sld [smem:$0x3FB9]  }
0x39: {  	_ = 	snop;
	(pc) =	sbr.ind lr, $3  }
0x3a: {  	_ = 	snop  }
0x3b: {  	_ = 	snop  }
0x3c: {  	p2 =	seq.s32 s10, $0x1;
	s10 =	sld [smem:$0x3FB8]  }
0x3d: {  	_ =	shalt  }
0x3e: {  	_ =	shalt  }
0x3f: {  	_ =	shalt  }
0x40: {  	_ =	shalt  }
0x41: {  	_ =	shalt  }
0x42: {  	_ =	shalt  }
0x43: {  	_ =	shalt  }
0x44: {  	_ =	shalt  }
0x45: {  	_ =	shalt  }
0x46: {  	_ =	shalt  }
0x47: {  	_ =	shalt  }
0x48: {  	_ =	shalt  }
0x49: {  	_ =	shalt  }
0x4a: {  	_ =	shalt  }
0x4b: {  	_ =	shalt  }
0x4c: {  	_ =	shalt  }
0x4d: {  	_ =	shalt  }
0x4e: {  	_ =	shalt  }
0x4f: {  	_ =	shalt  }
0x50: {  	_ =	shalt  }
0x51: {  	_ =	shalt  }
0x52: {  	_ =	shalt  }
0x53: {  	_ =	shalt  }
0x54: {  	_ =	shalt  }
0x55: {  	_ =	shalt  }
0x56: {  	_ =	shalt  }
0x57: {  	_ =	shalt  }
0x58: {  	_ =	shalt  }
0x59: {  	_ =	shalt  }
0x5a: {  	_ =	shalt  }
0x5b: {  	_ =	shalt  }
0x5c: {  	_ =	shalt  }
0x5d: {  	_ =	shalt  }
0x5e: {  	_ =	shalt  }
0x5f: {  	_ =	shalt  }
0x60: {  	_ =	shalt  }
0x61: {  	_ =	shalt  }
0x62: {  	_ =	shalt  }
0x63: {  	_ =	shalt  }
0x64: {  	_ =	shalt  }
0x65: {  	_ =	shalt  }
0x66: {  	_ =	shalt  }
0x67: {  	_ =	shalt  }
0x68: {  	_ =	shalt  }
0x69: {  	_ =	shalt  }
0x6a: {  	_ =	shalt  }
0x6b: {  	_ =	shalt  }
0x6c: {  	_ =	shalt  }
0x6d: {  	_ =	shalt  }
0x6e: {  	_ =	shalt  }
0x6f: {  	_ =	shalt  }
0x70: {  	_ =	shalt  }
0x71: {  	_ =	shalt  }
0x72: {  	_ =	shalt  }
0x73: {  	_ =	shalt  }
0x74: {  	_ =	shalt  }
0x75: {  	_ =	shalt  }
0x76: {  	_ =	shalt  }
0x77: {  	_ =	shalt  }
0x78: {  	_ =	shalt  }
0x79: {  	_ =	shalt  }
0x7a: {  	_ =	shalt  }
0x7b: {  	_ =	shalt  }
0x7c: {  	_ =	shalt  }
0x7d: {  	_ =	shalt  }
0x7e: {  	_ =	shalt  }
0x7f: {  	_ =	shalt  }
0x80: {  	_ =	shalt  }
0x81: {  	_ =	shalt  }
0x82: {  	_ =	shalt  }
0x83: {  	_ =	shalt  }
0x84: {  	_ =	shalt  }
0x85: {  	_ =	shalt  }
0x86: {  	_ =	shalt  }
0x87: {  	_ =	shalt  }
.Lfunc_end0:
.L_simem_size_0:
called_computation_lowered:
.L_overlay_start_0:
0x88: {  	s2 =	sld [smem:$0x3FD9]  }
0x89: {  	s3 =	sld [smem:$0x3FFE];
	_ =	sdelay $0x1  }
0x8a: {  	s1 =	srdreg.scid  }
0x8b: {  	s0 =	sand.u32 $0x1, s1  }
0x8c: {  	s17 =	sshll.u32 s0, $0xA;
	s2 =	sadd.s32 s3, s2  }
0x8d: {  	s2 =	sadd.s32 s2, s17  }
0x8e: {  	[smem:$0x3FC4] =	sst s2  }
0x8f: {  	_ = 	snop  }
0x90: {  	s2 =	sld [smem:$0x3FC9]  }
0x91: {  	s18 =	sld [smem:$0x3FC7]  }
0x92: {  	s4 =	sld [smem:$0x3FC6];
	(tm) =	ssettm $0x1  }
0x93: {  	s5 =	sld [smem:$0x3FFB];
	_ =	sdelay $0x3  }
0x94: {  	_ =	strace s5  }
0x95: {  	s5 =	sld [smem:$0x3FFC];
	_ =	sdelay $0x3  }
0x96: {  	_ =	strace s5  }
0x97: {  	s5 =	sld [smem:$0x3FFD];
	_ =	sdelay $0x3  }
0x98: {  	_ =	strace s5  }
0x99: {  	_ =	strace $0x8FFFFFFF  }
0x9a: {  	s19 =	sld [smem:$0x3FDB];
	_ =	sdelay $0x1  }
0x9b: {  	s6 =	simm.s32 $_scs_section_size  }
0x9c: {  	s7 =	simm.s32 $_size__tile_overlayer_lowered;
	s8 =	simm.s32 $_tile_overlayer_lowered  }
0x9d: {  	s22 =	simm.s32 $0x1BFF;
	s21 =	sshll.u32 s8, $0x1;
	s5 =	sadd.s32 s6, s19  }
0x9e: {  	s9 =	simm.s32 $0x0;
	s20 =	sshll.u32 s7, $0x1;
	s7 =	sadd.s32 s21, s5  }
0x9f: {  	[timem:s9], [sflag:s22] =	dma.local [hbm:s7], s20  }
0xa0: {  	_ =	swait.ge [sflag:s22], s20  }
0xa1: {  	s6 =	ssub.s32 $0x0, s20;
	[sflag:s22] =	ssyncset.done $0x0  }
0xa2: {  	[sflag:s22] =	ssyncadd.s32 s6;
	_ =	sdelay $0x1  }
0xa3: {  	s23 =	simm.s32 $0x1B8B  }
0xa4: {  	_ =	swait.ge [sflag:s23], $0x1  }
0xa5: {  	[sflag:s23] =	ssyncset.done $0x0  }
0xa6: {  	s25 =	simm.s32 $0x1B8E;
	s24 =	sld [smem:$0x3FFE];
	[sflag:s23] =	ssyncadd.s32 $0xFFFFFFFF  }
0xa7: {  	s26 =	simm.s32 $execute0_lowered;
	[smem:$0x3FD2] =	sst s25  }
0xa8: {  	s7 =	sshll.u32 s26, $0x1;
	_ =	strace $0x80000046;
	[dreg:$0x1] =	wrdreg $0xFFFFFFFF  }
0xa9: {  	s28 =	simm.s32 $_size_execute0_lowered;
	s5 =	sadd.s32 s5, s7;
	[dreg:$0x0] =	wrdreg $0x0  }
0xaa: {  	s7 =	sshll.u32 s28, $0x1;
	[dreg:$0x2] =	wrdreg s5  }
0xab: {  	[dreg:$0x3] =	wrdreg s7  }
0xac: {  	[dreg:$0x4] =	wrdreg $0xC0  }
0xad: {  	_ =	task [dreg:s9], $0x5FFFF  }
0xae: {  	[dreg:$0x1] =	wrdreg $0xFFFFFFFF  }
0xaf: {  	[dreg:$0x0] =	wrdreg $0x60  }
0xb0: {  	[dreg:$0x2] =	wrdreg s2  }
0xb1: {  	[dreg:$0x3] =	wrdreg s24  }
0xb2: {  	[dreg:$0x4] =	wrdreg s18  }
0xb3: {  	[dreg:$0x5] =	wrdreg s4  }
0xb4: {  	[dreg:$0x6] =	wrdreg $0x9  }
0xb5: {  	_ =	task.clear_ibuf [dreg:s9], $0x7FFFF;
	_ =	strace $0x90000046  }
0xb6: {  	s29 =	simm.s32 $0x9;
	_ =	strace $0x80000048  }
0xb7: {  	_ =	swait.ge [sflag:s29], $0x1  }
0xb8: {  	[sflag:s29] =	ssyncadd.s32 $0xFFFFFFFF  }
0xb9: {  	_ =	strace $0x90000048  }
0xba: {  	_ =	sfence  }
0xbb: {  	s30 =	sld [smem:$0x0];
	_ =	sdelay $0x2  }
0xbc: {  	s31 =	sshll.u32 s1, $0xD;
	s1 =	sshrl.u32 s1, $0x2  }
0xbd: {  	s3 =	sand.u32 $0x4000, s31;
	s1 =	sadd.s32 s1, s30  }
0xbe: {  	s0 =	sor.u32 s3, s0;
	s1 =	sshll.u32 s1, $0x11  }
0xbf: {  	s0 =	sor.u32 s1, s0  }
0xc0: {  	s0 =	sadd.s32 $0x8F2B, s0  }
0xc1: {  	[sflag:s0] =	ssyncadd.remote.s32 $0x1  }
0xc2: {  	_ =	sfence.sel $0xFFFF  }
0xc3: {  	[dreg:$0x0] =	wrdreg $0xFFFFFFFF;
	(pc) =	sbr.abs _section_cstart, $3  }
0xc4: {  	[dreg:$0x1] =	wrdreg $0xFFFFFFFF  }
0xc5: {  	_ =	task.clear_ibuf [dreg:s9], $0x2FFFF;
	_ =	strace $0x9FFFFFFF  }
0xc6: {  	(tm) =	ssettm $0x7FFFFFFF  }
0xc7: {  	_ =	shalt  }
tec
execute0_lowered:
.L_overlay_start_1:
0x0: {  	(tag) =	ssettag $0x1  }
0x1: {  	s1 =	rddreg [dreg:$0x0]  }
0x2: {  	s0 =	rddreg [dreg:$0x1]  }
0x3: {  	s2 =	rddreg [dreg:$0x2];
	s4 =	srdreg.scid  }
0x4: {  	s5 =	stileid.u32;
	s3 =	rddreg [dreg:$0x3];
	s14 =	simm.s32 $0x5  }
0x5: {  	s17 =	simm.s32 $0x50;
	s18 =	simm.s32 $0x7530;
	s19 =	simm.s32 $0x9D30  }
0x6: {  	s20 =	simm.s32 $0xC530;
	s21 =	simm.s32 $0xED30;
	s28 =	simm.s32 $0x3  }
0x7: {  	s29 =	simm.s32 $0x2;
	s6 =	sand.u32 $0x1, s4;
	s5 =	sshll.u32 s5, $0x1  }
0x8: {  	s30 =	simm.s32 $0x4;
	s4 =	simm.s32 $0x0;
	s7 =	sor.u32 s6, s5  }
0x9: {  	s31 =	simm.s32 $0x0;
	[smem:$0x7FF] =	sst s4;
	s5 =	smul.u32 $0x2710, s7  }
0xa: {  	s8 =	ssub.s32 $0x2, s6;
	s6 =	sadd.s32 $0x13E00, s0;
	s11 =	smul.u32 $0x27100, s7  }
0xb: {  	_ =	strace $0x80000047;
	s10 =	sshrl.u32 s8, $0x1;
	s7 =	smul.u32 $0x4E20, s7  }
0xc: {  	s22 =	ssub.s32 s8, s10;
	s9 =	sshrl.u32 s5, $0x3;
	s24 =	sshrl.u32 s11, $0x3  }
0xd: {  	s7 =	sadd.s32 s6, s7;
	s13 =	smax.u32 s22, $0x1;
	s22 =	simm.s32 $0x16A30  }
0xe: {  	s12 =	sadd.s32 s9, s0;
	s2 =	sadd.s32 s2, s9;
	s26 =	sadd.s32 s6, s24  }
0xf: {  	[dreg:$0x8] =	wrdreg s7;
	s24 =	simm.s32 $0xF230;
	s23 =	sadd.s32 $0x400, s12  }
0x10: {  	s25 =	sadd.s32 $0xA040, s12;
	[dreg:$0x7] =	wrdreg s2;
	s11 =	sadd.s32 $0xA0, s26  }
0x11: {  	s12 =	sadd.s32 $0x4D80, s26;
	s26 =	simm.s32 $0x14230;
	[dreg:$0x5] =	wrdreg s23  }
0x12: {  	[dreg:$0x6] =	wrdreg s25;
	s23 =	simm.s32 $0x1;
	s25 =	simm.s32 $0x11A30  }
.LBB2_1:
0x13: {  	s0 =	rddreg [dreg:$0x5]  }
0x14: {  	[tilespmem:s4], [sflag:$0x5] =	stream.linear.gather [hbm4b:s0+s4], $0x2710, $0x38;
	[tilespmem:$0x16F30] =	vst v63  }
0x15: {  	_ =	swait.ge [sflag:s14], $0x2710  }
0x16: {  	[sflag:s14] =	ssyncset.done $0x0  }
0x17: {  	s2 =	simm.s32 $0x2710;
	s10 =	rddreg [dreg:$0x6];
	[sflag:s14] =	ssyncadd.s32 $0xFFFFD8F0  }
0x18: {  	[tilespmem:s2], [sflag:$0x5] =	stream.linear.gather [hbm4b:s10+s4], $0x2710, $0x38;
	[tilespmem:$0x16F30] =	vst v63  }
0x19: {  	_ =	swait.ge [sflag:s14], $0x2710  }
0x1a: {  	[sflag:s14] =	ssyncset.done $0x0  }
0x1b: {  	s7 =	simm.s32 $0x4E20;
	s15 =	rddreg [dreg:$0x7];
	[sflag:s14] =	ssyncadd.s32 $0xFFFFD8F0  }
0x1c: {  	[tilespmem:s7], [sflag:$0x5] =	stream.linear.gather [hbm4b:s15+s4], $0x2710, $0x38;
	[tilespmem:$0x16F30] =	vst v63  }
0x1d: {  	_ =	swait.ge [sflag:s14], $0x2710  }
0x1e: {  	[sflag:s14] =	ssyncset.done $0x0  }
0x1f: {  	[sflag:s14] =	ssyncadd.s32 $0xFFFFD8F0  }
0x20: {  	[tilespmem:s18], [sflag:$0x1] =	stream.indirect.gather [hbm4b:s1+s17], $0x80, s4, s17, $0xb8;
	[tilespmem:$0x16F30] =	vst v63  }
0x21: {  	_ = 	snop  }
0x22: {  	[tilespmem:s19], [sflag:$0x1] =	stream.indirect.gather [hbm4b:s1+s17], $0x80, s2, s17, $0xb8;
	[tilespmem:$0x16F30] =	vst v63  }
0x23: {  	_ = 	snop  }
0x24: {  	[tilespmem:s20], [sflag:$0x1] =	stream.indirect.gather [hbm4b:s3+s17], $0x80, s7, s17, $0xb8;
	[tilespmem:$0x16F30] =	vst v63  }
0x25: {  	s16 =	rddreg [dreg:$0x8]  }
0x26: {  	[hbm4b:s16+s4] =	stream.linear.scatter [tilespmem:s21], [sflag:$0x3], $0x500, $0x38;
	[tilespmem:$0x16F30] =	vst v63  }
0x27: {  	s2 =	simm.s32 $0x0  }
0x28: {  	[hbm4b:s11+s4] =	stream.linear.scatter [tilespmem:s22], [sflag:$0x4], $0x500, $0x38;
	[tilespmem:$0x16F30] =	vst v63  }
.LBB2_2:
0x29: {  	_ =	swait.ge [sflag:s23], $0x2800  }
0x2a: {  	[sflag:s23] =	ssyncset.done $0x0  }
0x2b: {  	[sflag:s23] =	ssyncadd.s32 $0xFFFFD800  }
0x2c: {  	_ =	swait.ge [sflag:s23], $0x2800  }
0x2d: {  	[sflag:s23] =	ssyncset.done $0x0  }
0x2e: {  	[sflag:s23] =	ssyncadd.s32 $0xFFFFD800  }
0x2f: {  	s0 =	smul.u32 $0xA0, s2;
	_ =	swait.ge [sflag:s23], $0x2800  }
0x30: {  	[sflag:s23] =	ssyncset.done $0x0  }
0x31: {  	s15 =	sadd.s32 $0x50, s0;
	[sflag:s23] =	ssyncadd.s32 $0xFFFFD800  }
0x32: {  	[tilespmem:s24], [sflag:$0x2] =	stream.indirect.gather [hbm4b:s1+s17], $0x80, s15, s17, $0xb8;
	[tilespmem:$0x16F30] =	vst v63  }
0x33: {  	s7 =	sadd.s32 $0x2760, s0  }
0x34: {  	[tilespmem:s25], [sflag:$0x2] =	stream.indirect.gather [hbm4b:s1+s17], $0x80, s7, s17, $0xb8;
	[tilespmem:$0x16F30] =	vst v63  }
0x35: {  	s10 =	sadd.s32 $0x4E70, s0  }
0x36: {  	[tilespmem:s26], [sflag:$0x2] =	stream.indirect.gather [hbm4b:s3+s17], $0x80, s10, s17, $0xb8;
	[tilespmem:$0x16F30] =	vst v63  }
0x37: {  	s16 =	sadd.s32 s5, s0;
	_ =	swait.ge [sflag:s28], $0x500  }
0x38: {  	s7 =	sshll.u32 s16, $0x1;
	[sflag:s28] =	ssyncset.done $0x0  }
0x39: {  	s16 =	simm.s32 $0x0;
	s7 =	sadd.s32 s6, s7;
	[sflag:s28] =	ssyncadd.s32 $0xFFFFFB00  }
.LBB2_3:
0x3a: {  	s8 =	sshll.u32 s16, $0xA  }
0x3b: {  	v0 =	vld [tilespmem:s8+$0x7530]  }
0x3c: {  	v1 =	vld [tilespmem:s8+$0xC530]  }
0x3d: {  	v2 =	vld [tilespmem:s8+$0x9D30]  }
0x3e: {  	v3 =	vld [tilespmem:s8+$0x7540]  }
0x3f: {  	v4 =	vld [tilespmem:s8+$0xC540]  }
0x40: {  	v5 =	vld [tilespmem:s8+$0x9D40]  }
0x41: {  	v6 =	vld [tilespmem:s8+$0x7550]  }
0x42: {  	v7 =	vld [tilespmem:s8+$0xC550]  }
0x43: {  	v8 =	vld [tilespmem:s8+$0x9D50]  }
0x44: {  	v9 =	vld [tilespmem:s8+$0x7560]  }
0x45: {  	v10 =	vld [tilespmem:s8+$0xC560]  }
0x46: {  	v11 =	vld [tilespmem:s8+$0x9D60]  }
0x47: {  	v12 =	vld [tilespmem:s8+$0x7570]  }
0x48: {  	v13 =	vld [tilespmem:s8+$0xC570]  }
0x49: {  	v59 =	vld [tilespmem:s8+$0x9D70]  }
0x4a: {  	v60 =	vld [tilespmem:s8+$0x7580];
	v0 =	vmul.f32 v1, v0;
	v3 =	vmul.f32 v4, v3  }
0x4b: {  	v61 =	vld [tilespmem:s8+$0xC580];
	v62 =	vmul.f32 v7, v6  }
0x4c: {  	v63 =	vld [tilespmem:s8+$0x9D80];
	v0 =	vmul.f32 v2, v0;
	v3 =	vmul.f32 v5, v3  }
0x4d: {  	v14 =	vld [tilespmem:s8+$0x7590]  }
0x4e: {  	v17 =	vld [tilespmem:s8+$0xC590];
	v16 =	vmul.f32 v10, v9;
	v15 =	vmul.f32 v8, v62;
	v0 =	vadd.f32 v3, v0  }
0x4f: {  	v18 =	vld [tilespmem:s8+$0x9D90]  }
0x50: {  	v21 =	vld [tilespmem:s8+$0x75A0];
	v20 =	vmul.f32 v13, v12;
	v19 =	vmul.f32 v11, v16;
	v0 =	vadd.f32 v15, v0  }
0x51: {  	v22 =	vld [tilespmem:s8+$0xC5A0]  }
0x52: {  	v1 =	vmul.f32 v59, v20;
	v2 =	vmul.f32 v61, v60;
	v0 =	vadd.f32 v19, v0  }
0x53: {  	v23 =	vld [tilespmem:s8+$0x9DA0]  }
0x54: {  	v25 =	vmul.f32 v17, v14;
	v24 =	vmul.f32 v63, v2;
	v0 =	vadd.f32 v1, v0;
	_ =	sdelay $0x1  }
0x55: {  	v27 =	vmul.f32 v22, v21;
	v26 =	vmul.f32 v18, v25;
	v0 =	vadd.f32 v24, v0;
	_ =	sdelay $0x1  }
0x56: {  	v28 =	vmul.f32 v23, v27;
	v0 =	vadd.f32 v26, v0;
	_ =	sdelay $0x1  }
0x57: {  	s9 =	sshll.u32 s16, $0x7;
	s8 =	sshll.u32 s16, $0x3;
	v0 =	vadd.f32 v28, v0  }
0x58: {  	s9 =	sand.u32 $0x3FFFFF80, s9;
	s10 =	sor.u32 $0x1, s8  }
0x59: {  	[tilespmem:s9+$0xED30] =	vst v0;
	s9 =	sshll.u32 s10, $0x7  }
0x5a: {  	v0 =	vld [tilespmem:s9+$0x7530]  }
0x5b: {  	v29 =	vld [tilespmem:s9+$0xC530]  }
0x5c: {  	v30 =	vld [tilespmem:s9+$0x9D30]  }
0x5d: {  	v31 =	vld [tilespmem:s9+$0x7540]  }
0x5e: {  	v32 =	vld [tilespmem:s9+$0xC540]  }
0x5f: {  	v33 =	vld [tilespmem:s9+$0x9D40]  }
0x60: {  	v34 =	vld [tilespmem:s9+$0x7550]  }
0x61: {  	v35 =	vld [tilespmem:s9+$0xC550]  }
0x62: {  	v36 =	vld [tilespmem:s9+$0x9D50]  }
0x63: {  	v37 =	vld [tilespmem:s9+$0x7560]  }
0x64: {  	v38 =	vld [tilespmem:s9+$0xC560]  }
0x65: {  	v39 =	vld [tilespmem:s9+$0x9D60]  }
0x66: {  	v40 =	vld [tilespmem:s9+$0x7570]  }
0x67: {  	v41 =	vld [tilespmem:s9+$0xC570]  }
0x68: {  	v42 =	vld [tilespmem:s9+$0x9D70]  }
0x69: {  	v43 =	vld [tilespmem:s9+$0x7580];
	v0 =	vmul.f32 v29, v0;
	v3 =	vmul.f32 v32, v31  }
0x6a: {  	v44 =	vld [tilespmem:s9+$0xC580];
	v45 =	vmul.f32 v35, v34  }
0x6b: {  	v46 =	vld [tilespmem:s9+$0x9D80];
	v0 =	vmul.f32 v30, v0;
	v3 =	vmul.f32 v33, v3  }
0x6c: {  	v47 =	vld [tilespmem:s9+$0x7590]  }
0x6d: {  	v50 =	vld [tilespmem:s9+$0xC590];
	v49 =	vmul.f32 v38, v37;
	v48 =	vmul.f32 v36, v45;
	v0 =	vadd.f32 v3, v0  }
0x6e: {  	v51 =	vld [tilespmem:s9+$0x9D90]  }
0x6f: {  	v54 =	vld [tilespmem:s9+$0x75A0];
	v53 =	vmul.f32 v41, v40;
	v52 =	vmul.f32 v39, v49;
	v0 =	vadd.f32 v48, v0  }
0x70: {  	v55 =	vld [tilespmem:s9+$0xC5A0]  }
0x71: {  	v2 =	vmul.f32 v44, v43;
	v1 =	vmul.f32 v42, v53;
	v0 =	vadd.f32 v52, v0  }
0x72: {  	v56 =	vld [tilespmem:s9+$0x9DA0]  }
0x73: {  	v58 =	vmul.f32 v50, v47;
	v57 =	vmul.f32 v46, v2;
	v0 =	vadd.f32 v1, v0;
	_ =	sdelay $0x1  }
0x74: {  	v60 =	vmul.f32 v55, v54;
	v59 =	vmul.f32 v51, v58;
	v0 =	vadd.f32 v57, v0;
	_ =	sdelay $0x1  }
0x75: {  	v61 =	vmul.f32 v56, v60;
	v0 =	vadd.f32 v59, v0;
	_ =	sdelay $0x1  }
0x76: {  	s10 =	sshll.u32 s10, $0x4;
	v0 =	vadd.f32 v61, v0  }
0x77: {  	s9 =	sand.u32 $0x3FFFFF90, s10;
	s10 =	sor.u32 $0x2, s8  }
0x78: {  	[tilespmem:s9+$0xED30] =	vst v0;
	s9 =	sshll.u32 s10, $0x7  }
0x79: {  	v0 =	vld [tilespmem:s9+$0x7530]  }
0x7a: {  	v62 =	vld [tilespmem:s9+$0xC530]  }
0x7b: {  	v63 =	vld [tilespmem:s9+$0x9D30]  }
0x7c: {  	v16 =	vld [tilespmem:s9+$0x7540]  }
0x7d: {  	v17 =	vld [tilespmem:s9+$0xC540]  }
0x7e: {  	v18 =	vld [tilespmem:s9+$0x9D40]  }
0x7f: {  	v19 =	vld [tilespmem:s9+$0x7550]  }
0x80: {  	v20 =	vld [tilespmem:s9+$0xC550]  }
0x81: {  	v21 =	vld [tilespmem:s9+$0x9D50]  }
0x82: {  	v22 =	vld [tilespmem:s9+$0x7560]  }
0x83: {  	v23 =	vld [tilespmem:s9+$0xC560]  }
0x84: {  	v24 =	vld [tilespmem:s9+$0x9D60]  }
0x85: {  	v25 =	vld [tilespmem:s9+$0x7570]  }
0x86: {  	v26 =	vld [tilespmem:s9+$0xC570]  }
0x87: {  	v27 =	vld [tilespmem:s9+$0x9D70]  }
0x88: {  	v28 =	vld [tilespmem:s9+$0x7580];
	v0 =	vmul.f32 v62, v0;
	v3 =	vmul.f32 v17, v16  }
0x89: {  	v29 =	vld [tilespmem:s9+$0xC580];
	v30 =	vmul.f32 v20, v19  }
0x8a: {  	v31 =	vld [tilespmem:s9+$0x9D80];
	v0 =	vmul.f32 v63, v0;
	v3 =	vmul.f32 v18, v3  }
0x8b: {  	v32 =	vld [tilespmem:s9+$0x7590]  }
0x8c: {  	v35 =	vld [tilespmem:s9+$0xC590];
	v34 =	vmul.f32 v23, v22;
	v33 =	vmul.f32 v21, v30;
	v0 =	vadd.f32 v3, v0  }
0x8d: {  	v36 =	vld [tilespmem:s9+$0x9D90]  }
0x8e: {  	v39 =	vld [tilespmem:s9+$0x75A0];
	v38 =	vmul.f32 v26, v25;
	v37 =	vmul.f32 v24, v34;
	v0 =	vadd.f32 v33, v0  }
0x8f: {  	v40 =	vld [tilespmem:s9+$0xC5A0]  }
0x90: {  	v2 =	vmul.f32 v29, v28;
	v1 =	vmul.f32 v27, v38;
	v0 =	vadd.f32 v37, v0  }
0x91: {  	v41 =	vld [tilespmem:s9+$0x9DA0]  }
0x92: {  	v43 =	vmul.f32 v35, v32;
	v42 =	vmul.f32 v31, v2;
	v0 =	vadd.f32 v1, v0;
	_ =	sdelay $0x1  }
0x93: {  	v45 =	vmul.f32 v40, v39;
	v44 =	vmul.f32 v36, v43;
	v0 =	vadd.f32 v42, v0;
	_ =	sdelay $0x1  }
0x94: {  	v46 =	vmul.f32 v41, v45;
	v0 =	vadd.f32 v44, v0;
	_ =	sdelay $0x1  }
0x95: {  	s10 =	sshll.u32 s10, $0x4;
	v0 =	vadd.f32 v46, v0  }
0x96: {  	s9 =	sand.u32 $0x3FFFFFA0, s10;
	s10 =	sor.u32 $0x3, s8  }
0x97: {  	[tilespmem:s9+$0xED30] =	vst v0;
	s9 =	sshll.u32 s10, $0x7  }
0x98: {  	v0 =	vld [tilespmem:s9+$0x7530]  }
0x99: {  	v47 =	vld [tilespmem:s9+$0xC530]  }
0x9a: {  	v48 =	vld [tilespmem:s9+$0x9D30]  }
0x9b: {  	v49 =	vld [tilespmem:s9+$0x7540]  }
0x9c: {  	v50 =	vld [tilespmem:s9+$0xC540]  }
0x9d: {  	v51 =	vld [tilespmem:s9+$0x9D40]  }
0x9e: {  	v52 =	vld [tilespmem:s9+$0x7550]  }
0x9f: {  	v53 =	vld [tilespmem:s9+$0xC550]  }
0xa0: {  	v54 =	vld [tilespmem:s9+$0x9D50]  }
0xa1: {  	v55 =	vld [tilespmem:s9+$0x7560]  }
0xa2: {  	v56 =	vld [tilespmem:s9+$0xC560]  }
0xa3: {  	v57 =	vld [tilespmem:s9+$0x9D60]  }
0xa4: {  	v58 =	vld [tilespmem:s9+$0x7570]  }
0xa5: {  	v59 =	vld [tilespmem:s9+$0xC570]  }
0xa6: {  	v60 =	vld [tilespmem:s9+$0x9D70]  }
0xa7: {  	v61 =	vld [tilespmem:s9+$0x7580];
	v0 =	vmul.f32 v47, v0;
	v3 =	vmul.f32 v50, v49  }
0xa8: {  	v62 =	vld [tilespmem:s9+$0xC580];
	v63 =	vmul.f32 v53, v52  }
0xa9: {  	v14 =	vld [tilespmem:s9+$0x9D80];
	v0 =	vmul.f32 v48, v0;
	v3 =	vmul.f32 v51, v3  }
0xaa: {  	v15 =	vld [tilespmem:s9+$0x7590]  }
0xab: {  	v18 =	vld [tilespmem:s9+$0xC590];
	v17 =	vmul.f32 v56, v55;
	v16 =	vmul.f32 v54, v63;
	v0 =	vadd.f32 v3, v0  }
0xac: {  	v19 =	vld [tilespmem:s9+$0x9D90]  }
0xad: {  	v22 =	vld [tilespmem:s9+$0x75A0];
	v21 =	vmul.f32 v59, v58;
	v20 =	vmul.f32 v57, v17;
	v0 =	vadd.f32 v16, v0  }
0xae: {  	v23 =	vld [tilespmem:s9+$0xC5A0]  }
0xaf: {  	v2 =	vmul.f32 v62, v61;
	v1 =	vmul.f32 v60, v21;
	v0 =	vadd.f32 v20, v0  }
0xb0: {  	v24 =	vld [tilespmem:s9+$0x9DA0]  }
0xb1: {  	v26 =	vmul.f32 v18, v15;
	v25 =	vmul.f32 v14, v2;
	v0 =	vadd.f32 v1, v0;
	_ =	sdelay $0x1  }
0xb2: {  	v28 =	vmul.f32 v23, v22;
	v27 =	vmul.f32 v19, v26;
	v0 =	vadd.f32 v25, v0;
	_ =	sdelay $0x1  }
0xb3: {  	v29 =	vmul.f32 v24, v28;
	v0 =	vadd.f32 v27, v0;
	_ =	sdelay $0x1  }
0xb4: {  	s10 =	sshll.u32 s10, $0x4;
	v0 =	vadd.f32 v29, v0  }
0xb5: {  	s9 =	sand.u32 $0x3FFFFFB0, s10;
	s10 =	sor.u32 $0x4, s8  }
0xb6: {  	[tilespmem:s9+$0xED30] =	vst v0;
	s9 =	sshll.u32 s10, $0x7  }
0xb7: {  	v0 =	vld [tilespmem:s9+$0x7530]  }
0xb8: {  	v30 =	vld [tilespmem:s9+$0xC530]  }
0xb9: {  	v31 =	vld [tilespmem:s9+$0x9D30]  }
0xba: {  	v32 =	vld [tilespmem:s9+$0x7540]  }
0xbb: {  	v33 =	vld [tilespmem:s9+$0xC540]  }
0xbc: {  	v34 =	vld [tilespmem:s9+$0x9D40]  }
0xbd: {  	v35 =	vld [tilespmem:s9+$0x7550]  }
0xbe: {  	v36 =	vld [tilespmem:s9+$0xC550]  }
0xbf: {  	v37 =	vld [tilespmem:s9+$0x9D50]  }
0xc0: {  	v38 =	vld [tilespmem:s9+$0x7560]  }
0xc1: {  	v39 =	vld [tilespmem:s9+$0xC560]  }
0xc2: {  	v40 =	vld [tilespmem:s9+$0x9D60]  }
0xc3: {  	v41 =	vld [tilespmem:s9+$0x7570]  }
0xc4: {  	v42 =	vld [tilespmem:s9+$0xC570]  }
0xc5: {  	v43 =	vld [tilespmem:s9+$0x9D70]  }
0xc6: {  	v44 =	vld [tilespmem:s9+$0x7580];
	v0 =	vmul.f32 v30, v0;
	v3 =	vmul.f32 v33, v32  }
0xc7: {  	v45 =	vld [tilespmem:s9+$0xC580];
	v46 =	vmul.f32 v36, v35  }
0xc8: {  	v47 =	vld [tilespmem:s9+$0x9D80];
	v0 =	vmul.f32 v31, v0;
	v3 =	vmul.f32 v34, v3  }
0xc9: {  	v48 =	vld [tilespmem:s9+$0x7590]  }
0xca: {  	v51 =	vld [tilespmem:s9+$0xC590];
	v50 =	vmul.f32 v39, v38;
	v49 =	vmul.f32 v37, v46;
	v0 =	vadd.f32 v3, v0  }
0xcb: {  	v52 =	vld [tilespmem:s9+$0x9D90]  }
0xcc: {  	v55 =	vld [tilespmem:s9+$0x75A0];
	v54 =	vmul.f32 v42, v41;
	v53 =	vmul.f32 v40, v50;
	v0 =	vadd.f32 v49, v0  }
0xcd: {  	v56 =	vld [tilespmem:s9+$0xC5A0]  }
0xce: {  	v2 =	vmul.f32 v45, v44;
	v1 =	vmul.f32 v43, v54;
	v0 =	vadd.f32 v53, v0  }
0xcf: {  	v57 =	vld [tilespmem:s9+$0x9DA0]  }
0xd0: {  	v59 =	vmul.f32 v51, v48;
	v58 =	vmul.f32 v47, v2;
	v0 =	vadd.f32 v1, v0;
	_ =	sdelay $0x1  }
0xd1: {  	v61 =	vmul.f32 v56, v55;
	v60 =	vmul.f32 v52, v59;
	v0 =	vadd.f32 v58, v0;
	_ =	sdelay $0x1  }
0xd2: {  	v62 =	vmul.f32 v57, v61;
	v0 =	vadd.f32 v60, v0;
	_ =	sdelay $0x1  }
0xd3: {  	s10 =	sshll.u32 s10, $0x4;
	v0 =	vadd.f32 v62, v0  }
0xd4: {  	s9 =	sand.u32 $0x3FFFFFC0, s10;
	s10 =	sor.u32 $0x5, s8  }
0xd5: {  	[tilespmem:s9+$0xED30] =	vst v0;
	s9 =	sshll.u32 s10, $0x7  }
0xd6: {  	v0 =	vld [tilespmem:s9+$0x7530]  }
0xd7: {  	v63 =	vld [tilespmem:s9+$0xC530]  }
0xd8: {  	v16 =	vld [tilespmem:s9+$0x9D30]  }
0xd9: {  	v17 =	vld [tilespmem:s9+$0x7540]  }
0xda: {  	v18 =	vld [tilespmem:s9+$0xC540]  }
0xdb: {  	v19 =	vld [tilespmem:s9+$0x9D40]  }
0xdc: {  	v20 =	vld [tilespmem:s9+$0x7550]  }
0xdd: {  	v21 =	vld [tilespmem:s9+$0xC550]  }
0xde: {  	v22 =	vld [tilespmem:s9+$0x9D50]  }
0xdf: {  	v23 =	vld [tilespmem:s9+$0x7560]  }
0xe0: {  	v24 =	vld [tilespmem:s9+$0xC560]  }
0xe1: {  	v25 =	vld [tilespmem:s9+$0x9D60]  }
0xe2: {  	v26 =	vld [tilespmem:s9+$0x7570]  }
0xe3: {  	v27 =	vld [tilespmem:s9+$0xC570]  }
0xe4: {  	v28 =	vld [tilespmem:s9+$0x9D70]  }
0xe5: {  	v29 =	vld [tilespmem:s9+$0x7580];
	v0 =	vmul.f32 v63, v0;
	v3 =	vmul.f32 v18, v17  }
0xe6: {  	v30 =	vld [tilespmem:s9+$0xC580];
	v31 =	vmul.f32 v21, v20  }
0xe7: {  	v32 =	vld [tilespmem:s9+$0x9D80];
	v0 =	vmul.f32 v16, v0;
	v3 =	vmul.f32 v19, v3  }
0xe8: {  	v33 =	vld [tilespmem:s9+$0x7590]  }
0xe9: {  	v36 =	vld [tilespmem:s9+$0xC590];
	v35 =	vmul.f32 v24, v23;
	v34 =	vmul.f32 v22, v31;
	v0 =	vadd.f32 v3, v0  }
0xea: {  	v37 =	vld [tilespmem:s9+$0x9D90]  }
0xeb: {  	v40 =	vld [tilespmem:s9+$0x75A0];
	v39 =	vmul.f32 v27, v26;
	v38 =	vmul.f32 v25, v35;
	v0 =	vadd.f32 v34, v0  }
0xec: {  	v41 =	vld [tilespmem:s9+$0xC5A0]  }
0xed: {  	v2 =	vmul.f32 v30, v29;
	v1 =	vmul.f32 v28, v39;
	v0 =	vadd.f32 v38, v0  }
0xee: {  	v42 =	vld [tilespmem:s9+$0x9DA0]  }
0xef: {  	v44 =	vmul.f32 v36, v33;
	v43 =	vmul.f32 v32, v2;
	v0 =	vadd.f32 v1, v0;
	_ =	sdelay $0x1  }
0xf0: {  	v46 =	vmul.f32 v41, v40;
	v45 =	vmul.f32 v37, v44;
	v0 =	vadd.f32 v43, v0;
	_ =	sdelay $0x1  }
0xf1: {  	v47 =	vmul.f32 v42, v46;
	v0 =	vadd.f32 v45, v0;
	_ =	sdelay $0x1  }
0xf2: {  	s10 =	sshll.u32 s10, $0x4;
	v0 =	vadd.f32 v47, v0  }
0xf3: {  	s8 =	sor.u32 $0x6, s8;
	s9 =	sand.u32 $0x3FFFFFD0, s10  }
0xf4: {  	s10 =	sshll.u32 s8, $0x7;
	[tilespmem:s9+$0xED30] =	vst v0  }
0xf5: {  	v0 =	vld [tilespmem:s10+$0x7530]  }
0xf6: {  	v48 =	vld [tilespmem:s10+$0xC530]  }
0xf7: {  	v49 =	vld [tilespmem:s10+$0x9D30]  }
0xf8: {  	v50 =	vld [tilespmem:s10+$0x7540]  }
0xf9: {  	v51 =	vld [tilespmem:s10+$0xC540]  }
0xfa: {  	v52 =	vld [tilespmem:s10+$0x9D40]  }
0xfb: {  	v53 =	vld [tilespmem:s10+$0x7550]  }
0xfc: {  	v54 =	vld [tilespmem:s10+$0xC550]  }
0xfd: {  	v55 =	vld [tilespmem:s10+$0x9D50]  }
0xfe: {  	v56 =	vld [tilespmem:s10+$0x7560]  }
0xff: {  	v57 =	vld [tilespmem:s10+$0xC560]  }
0x100: {  	v58 =	vld [tilespmem:s10+$0x9D60]  }
0x101: {  	v59 =	vld [tilespmem:s10+$0x7570]  }
0x102: {  	v60 =	vld [tilespmem:s10+$0xC570]  }
0x103: {  	v61 =	vld [tilespmem:s10+$0x9D70]  }
0x104: {  	v62 =	vld [tilespmem:s10+$0x7580];
	v0 =	vmul.f32 v48, v0;
	v3 =	vmul.f32 v51, v50  }
0x105: {  	v63 =	vld [tilespmem:s10+$0xC580];
	v14 =	vmul.f32 v54, v53  }
0x106: {  	v15 =	vld [tilespmem:s10+$0x9D80];
	v0 =	vmul.f32 v49, v0;
	v3 =	vmul.f32 v52, v3  }
0x107: {  	v16 =	vld [tilespmem:s10+$0x7590]  }
0x108: {  	v19 =	vld [tilespmem:s10+$0xC590];
	v18 =	vmul.f32 v57, v56;
	v17 =	vmul.f32 v55, v14;
	v0 =	vadd.f32 v3, v0  }
0x109: {  	v20 =	vld [tilespmem:s10+$0x9D90]  }
0x10a: {  	v23 =	vld [tilespmem:s10+$0x75A0];
	v22 =	vmul.f32 v60, v59;
	v21 =	vmul.f32 v58, v18;
	v0 =	vadd.f32 v17, v0  }
0x10b: {  	v24 =	vld [tilespmem:s10+$0xC5A0]  }
0x10c: {  	v2 =	vmul.f32 v63, v62;
	v1 =	vmul.f32 v61, v22;
	v0 =	vadd.f32 v21, v0  }
0x10d: {  	v25 =	vld [tilespmem:s10+$0x9DA0]  }
0x10e: {  	v27 =	vmul.f32 v19, v16;
	v26 =	vmul.f32 v15, v2;
	v0 =	vadd.f32 v1, v0;
	_ =	sdelay $0x1  }
0x10f: {  	v29 =	vmul.f32 v24, v23;
	v28 =	vmul.f32 v20, v27;
	v0 =	vadd.f32 v26, v0;
	_ =	sdelay $0x1  }
0x110: {  	v30 =	vmul.f32 v25, v29;
	v0 =	vadd.f32 v28, v0;
	_ =	sdelay $0x1  }
0x111: {  	s8 =	sshll.u32 s8, $0x4;
	v0 =	vadd.f32 v30, v0  }
0x112: {  	s8 =	sand.u32 $0x3FFFFFE0, s8;
	s9 =	sshllo.u32 s16, $0x3  }
0x113: {  	s10 =	sshll.u32 s9, $0x7;
	[tilespmem:s8+$0xED30] =	vst v0  }
0x114: {  	v0 =	vld [tilespmem:s10+$0x7530]  }
0x115: {  	v31 =	vld [tilespmem:s10+$0xC530]  }
0x116: {  	v32 =	vld [tilespmem:s10+$0x9D30]  }
0x117: {  	v33 =	vld [tilespmem:s10+$0x7540]  }
0x118: {  	v34 =	vld [tilespmem:s10+$0xC540]  }
0x119: {  	v35 =	vld [tilespmem:s10+$0x9D40]  }
0x11a: {  	v36 =	vld [tilespmem:s10+$0x7550]  }
0x11b: {  	v37 =	vld [tilespmem:s10+$0xC550]  }
0x11c: {  	v38 =	vld [tilespmem:s10+$0x9D50]  }
0x11d: {  	v39 =	vld [tilespmem:s10+$0x7560]  }
0x11e: {  	v40 =	vld [tilespmem:s10+$0xC560]  }
0x11f: {  	v41 =	vld [tilespmem:s10+$0x9D60]  }
0x120: {  	v42 =	vld [tilespmem:s10+$0x7570]  }
0x121: {  	v43 =	vld [tilespmem:s10+$0xC570]  }
0x122: {  	v44 =	vld [tilespmem:s10+$0x9D70]  }
0x123: {  	v45 =	vld [tilespmem:s10+$0x7580];
	v0 =	vmul.f32 v31, v0;
	v3 =	vmul.f32 v34, v33  }
0x124: {  	v46 =	vld [tilespmem:s10+$0xC580];
	v47 =	vmul.f32 v37, v36  }
0x125: {  	v48 =	vld [tilespmem:s10+$0x9D80];
	v0 =	vmul.f32 v32, v0;
	v3 =	vmul.f32 v35, v3  }
0x126: {  	v49 =	vld [tilespmem:s10+$0x7590]  }
0x127: {  	v52 =	vld [tilespmem:s10+$0xC590];
	v51 =	vmul.f32 v40, v39;
	v50 =	vmul.f32 v38, v47;
	v0 =	vadd.f32 v3, v0  }
0x128: {  	v53 =	vld [tilespmem:s10+$0x9D90]  }
0x129: {  	v56 =	vld [tilespmem:s10+$0x75A0];
	v55 =	vmul.f32 v43, v42;
	v54 =	vmul.f32 v41, v51;
	v0 =	vadd.f32 v50, v0  }
0x12a: {  	v57 =	vld [tilespmem:s10+$0xC5A0]  }
0x12b: {  	v2 =	vmul.f32 v46, v45;
	v1 =	vmul.f32 v44, v55;
	v0 =	vadd.f32 v54, v0  }
0x12c: {  	v58 =	vld [tilespmem:s10+$0x9DA0]  }
0x12d: {  	v60 =	vmul.f32 v52, v49;
	v59 =	vmul.f32 v48, v2;
	v0 =	vadd.f32 v1, v0;
	_ =	sdelay $0x1  }
0x12e: {  	v62 =	vmul.f32 v57, v56;
	v61 =	vmul.f32 v53, v60;
	v0 =	vadd.f32 v59, v0  }
0x12f: {  	p0 =	sne.s32 s16, $0x9  }
.Ltmp0:
0x130: {  	v63 =	vmul.f32 v58, v62;
	v0 =	vadd.f32 v61, v0;
	(pc) =	sbr.rel @p0 .LBB2_3-.Ltmp0, $4  }
0x131: {  	_ = 	snop  }
0x132: {  	s10 =	sshll.u32 s9, $0x4;
	v0 =	vadd.f32 v63, v0  }
0x133: {  	s8 =	sand.u32 $0x3FFFFFF0, s10  }
0x134: {  	s16 =	sadd.s32 $0x1, s16;
	[tilespmem:s8+$0xED30] =	vst v0  }
0x135: {  	s16 =	simm.s32 $0x0  }
0x136: {  	[hbm4b:s7+s16] =	stream.linear.scatter [tilespmem:s21], [sflag:$0x3], $0x500, $0x38;
	[tilespmem:$0x16F30] =	vst v63  }
0x137: {  	_ =	swait.ge [sflag:s29], $0x2800  }
0x138: {  	[sflag:s29] =	ssyncset.done $0x0  }
0x139: {  	[sflag:s29] =	ssyncadd.s32 $0xFFFFD800  }
0x13a: {  	_ =	swait.ge [sflag:s29], $0x2800  }
0x13b: {  	[sflag:s29] =	ssyncset.done $0x0  }
0x13c: {  	[sflag:s29] =	ssyncadd.s32 $0xFFFFD800  }
0x13d: {  	_ =	swait.ge [sflag:s29], $0x2800  }
0x13e: {  	[sflag:s29] =	ssyncset.done $0x0  }
0x13f: {  	s8 =	sadd.s32 $0xA0, s0;
	[sflag:s29] =	ssyncadd.s32 $0xFFFFD800  }
0x140: {  	[tilespmem:s18], [sflag:$0x1] =	stream.indirect.gather [hbm4b:s1+s17], $0x80, s8, s17, $0xb8;
	[tilespmem:$0x16F30] =	vst v63  }
0x141: {  	s9 =	sadd.s32 $0x27B0, s0  }
0x142: {  	[tilespmem:s19], [sflag:$0x1] =	stream.indirect.gather [hbm4b:s1+s17], $0x80, s9, s17, $0xb8;
	[tilespmem:$0x16F30] =	vst v63  }
0x143: {  	s10 =	sadd.s32 $0x4EC0, s0;
	s15 =	sadd.s32 s5, s15  }
0x144: {  	[tilespmem:s20], [sflag:$0x1] =	stream.indirect.gather [hbm4b:s3+s17], $0x80, s10, s17, $0xb8;
	[tilespmem:$0x16F30] =	vst v63  }
0x145: {  	s0 =	sshll.u32 s15, $0x1;
	_ =	swait.ge [sflag:s30], $0x500  }
0x146: {  	s0 =	sand.u32 $0x1FFFFFE0, s0;
	[sflag:s30] =	ssyncset.done $0x0  }
0x147: {  	s0 =	sadd.s32 s6, s0;
	[sflag:s30] =	ssyncadd.s32 $0xFFFFFB00  }
.LBB2_5:
0x148: {  	s7 =	sshll.u32 s16, $0xA  }
0x149: {  	v0 =	vld [tilespmem:s7+$0xF230]  }
0x14a: {  	v1 =	vld [tilespmem:s7+$0x14230]  }
0x14b: {  	v2 =	vld [tilespmem:s7+$0x11A30]  }
0x14c: {  	v3 =	vld [tilespmem:s7+$0xF240]  }
0x14d: {  	v4 =	vld [tilespmem:s7+$0x14240]  }
0x14e: {  	v5 =	vld [tilespmem:s7+$0x11A40]  }
0x14f: {  	v6 =	vld [tilespmem:s7+$0xF250]  }
0x150: {  	v7 =	vld [tilespmem:s7+$0x14250]  }
0x151: {  	v8 =	vld [tilespmem:s7+$0x11A50]  }
0x152: {  	v9 =	vld [tilespmem:s7+$0xF260]  }
0x153: {  	v10 =	vld [tilespmem:s7+$0x14260]  }
0x154: {  	v11 =	vld [tilespmem:s7+$0x11A60]  }
0x155: {  	v12 =	vld [tilespmem:s7+$0xF270]  }
0x156: {  	v13 =	vld [tilespmem:s7+$0x14270]  }
0x157: {  	v59 =	vld [tilespmem:s7+$0x11A70]  }
0x158: {  	v60 =	vld [tilespmem:s7+$0xF280];
	v0 =	vmul.f32 v1, v0;
	v3 =	vmul.f32 v4, v3  }
0x159: {  	v61 =	vld [tilespmem:s7+$0x14280];
	v62 =	vmul.f32 v7, v6  }
0x15a: {  	v63 =	vld [tilespmem:s7+$0x11A80];
	v0 =	vmul.f32 v2, v0;
	v3 =	vmul.f32 v5, v3  }
0x15b: {  	v14 =	vld [tilespmem:s7+$0xF290]  }
0x15c: {  	v17 =	vld [tilespmem:s7+$0x14290];
	v16 =	vmul.f32 v10, v9;
	v15 =	vmul.f32 v8, v62;
	v0 =	vadd.f32 v3, v0  }
0x15d: {  	v18 =	vld [tilespmem:s7+$0x11A90]  }
0x15e: {  	v21 =	vld [tilespmem:s7+$0xF2A0];
	v20 =	vmul.f32 v13, v12;
	v19 =	vmul.f32 v11, v16;
	v0 =	vadd.f32 v15, v0  }
0x15f: {  	v22 =	vld [tilespmem:s7+$0x142A0]  }
0x160: {  	v1 =	vmul.f32 v59, v20;
	v2 =	vmul.f32 v61, v60;
	v0 =	vadd.f32 v19, v0  }
0x161: {  	v23 =	vld [tilespmem:s7+$0x11AA0]  }
0x162: {  	v25 =	vmul.f32 v17, v14;
	v24 =	vmul.f32 v63, v2;
	v0 =	vadd.f32 v1, v0;
	_ =	sdelay $0x1  }
0x163: {  	v27 =	vmul.f32 v22, v21;
	v26 =	vmul.f32 v18, v25;
	v0 =	vadd.f32 v24, v0;
	_ =	sdelay $0x1  }
0x164: {  	v28 =	vmul.f32 v23, v27;
	v0 =	vadd.f32 v26, v0;
	_ =	sdelay $0x1  }
0x165: {  	s8 =	sshll.u32 s16, $0x7;
	s7 =	sshll.u32 s16, $0x3;
	v0 =	vadd.f32 v28, v0  }
0x166: {  	s8 =	sand.u32 $0x3FFFFF80, s8;
	s9 =	sor.u32 $0x1, s7  }
0x167: {  	s15 =	sshll.u32 s9, $0x7;
	[tilespmem:s8+$0x16A30] =	vst v0  }
0x168: {  	v0 =	vld [tilespmem:s15+$0xF230]  }
0x169: {  	v29 =	vld [tilespmem:s15+$0x14230]  }
0x16a: {  	v30 =	vld [tilespmem:s15+$0x11A30]  }
0x16b: {  	v31 =	vld [tilespmem:s15+$0xF240]  }
0x16c: {  	v32 =	vld [tilespmem:s15+$0x14240]  }
0x16d: {  	v33 =	vld [tilespmem:s15+$0x11A40]  }
0x16e: {  	v34 =	vld [tilespmem:s15+$0xF250]  }
0x16f: {  	v35 =	vld [tilespmem:s15+$0x14250]  }
0x170: {  	v36 =	vld [tilespmem:s15+$0x11A50]  }
0x171: {  	v37 =	vld [tilespmem:s15+$0xF260]  }
0x172: {  	v38 =	vld [tilespmem:s15+$0x14260]  }
0x173: {  	v39 =	vld [tilespmem:s15+$0x11A60]  }
0x174: {  	v40 =	vld [tilespmem:s15+$0xF270]  }
0x175: {  	v41 =	vld [tilespmem:s15+$0x14270]  }
0x176: {  	v42 =	vld [tilespmem:s15+$0x11A70]  }
0x177: {  	v43 =	vld [tilespmem:s15+$0xF280];
	v0 =	vmul.f32 v29, v0;
	v3 =	vmul.f32 v32, v31  }
0x178: {  	v44 =	vld [tilespmem:s15+$0x14280];
	v45 =	vmul.f32 v35, v34  }
0x179: {  	v46 =	vld [tilespmem:s15+$0x11A80];
	v0 =	vmul.f32 v30, v0;
	v3 =	vmul.f32 v33, v3  }
0x17a: {  	v47 =	vld [tilespmem:s15+$0xF290]  }
0x17b: {  	v50 =	vld [tilespmem:s15+$0x14290];
	v49 =	vmul.f32 v38, v37;
	v48 =	vmul.f32 v36, v45;
	v0 =	vadd.f32 v3, v0  }
0x17c: {  	v51 =	vld [tilespmem:s15+$0x11A90]  }
0x17d: {  	v54 =	vld [tilespmem:s15+$0xF2A0];
	v53 =	vmul.f32 v41, v40;
	v52 =	vmul.f32 v39, v49;
	v0 =	vadd.f32 v48, v0  }
0x17e: {  	v55 =	vld [tilespmem:s15+$0x142A0]  }
0x17f: {  	v2 =	vmul.f32 v44, v43;
	v1 =	vmul.f32 v42, v53;
	v0 =	vadd.f32 v52, v0  }
0x180: {  	v56 =	vld [tilespmem:s15+$0x11AA0]  }
0x181: {  	v58 =	vmul.f32 v50, v47;
	v57 =	vmul.f32 v46, v2;
	v0 =	vadd.f32 v1, v0;
	_ =	sdelay $0x1  }
0x182: {  	v60 =	vmul.f32 v55, v54;
	v59 =	vmul.f32 v51, v58;
	v0 =	vadd.f32 v57, v0;
	_ =	sdelay $0x1  }
0x183: {  	v61 =	vmul.f32 v56, v60;
	v0 =	vadd.f32 v59, v0;
	_ =	sdelay $0x1  }
0x184: {  	s9 =	sshll.u32 s9, $0x4;
	v0 =	vadd.f32 v61, v0  }
0x185: {  	s10 =	sor.u32 $0x2, s7;
	s8 =	sand.u32 $0x3FFFFF90, s9  }
0x186: {  	s15 =	sshll.u32 s10, $0x7;
	[tilespmem:s8+$0x16A30] =	vst v0  }
0x187: {  	v0 =	vld [tilespmem:s15+$0xF230]  }
0x188: {  	v62 =	vld [tilespmem:s15+$0x14230]  }
0x189: {  	v63 =	vld [tilespmem:s15+$0x11A30]  }
0x18a: {  	v16 =	vld [tilespmem:s15+$0xF240]  }
0x18b: {  	v17 =	vld [tilespmem:s15+$0x14240]  }
0x18c: {  	v18 =	vld [tilespmem:s15+$0x11A40]  }
0x18d: {  	v19 =	vld [tilespmem:s15+$0xF250]  }
0x18e: {  	v20 =	vld [tilespmem:s15+$0x14250]  }
0x18f: {  	v21 =	vld [tilespmem:s15+$0x11A50]  }
0x190: {  	v22 =	vld [tilespmem:s15+$0xF260]  }
0x191: {  	v23 =	vld [tilespmem:s15+$0x14260]  }
0x192: {  	v24 =	vld [tilespmem:s15+$0x11A60]  }
0x193: {  	v25 =	vld [tilespmem:s15+$0xF270]  }
0x194: {  	v26 =	vld [tilespmem:s15+$0x14270]  }
0x195: {  	v27 =	vld [tilespmem:s15+$0x11A70]  }
0x196: {  	v28 =	vld [tilespmem:s15+$0xF280];
	v0 =	vmul.f32 v62, v0;
	v3 =	vmul.f32 v17, v16  }
0x197: {  	v29 =	vld [tilespmem:s15+$0x14280];
	v30 =	vmul.f32 v20, v19  }
0x198: {  	v31 =	vld [tilespmem:s15+$0x11A80];
	v0 =	vmul.f32 v63, v0;
	v3 =	vmul.f32 v18, v3  }
0x199: {  	v32 =	vld [tilespmem:s15+$0xF290]  }
0x19a: {  	v35 =	vld [tilespmem:s15+$0x14290];
	v34 =	vmul.f32 v23, v22;
	v33 =	vmul.f32 v21, v30;
	v0 =	vadd.f32 v3, v0  }
0x19b: {  	v36 =	vld [tilespmem:s15+$0x11A90]  }
0x19c: {  	v39 =	vld [tilespmem:s15+$0xF2A0];
	v38 =	vmul.f32 v26, v25;
	v37 =	vmul.f32 v24, v34;
	v0 =	vadd.f32 v33, v0  }
0x19d: {  	v40 =	vld [tilespmem:s15+$0x142A0]  }
0x19e: {  	v2 =	vmul.f32 v29, v28;
	v1 =	vmul.f32 v27, v38;
	v0 =	vadd.f32 v37, v0  }
0x19f: {  	v41 =	vld [tilespmem:s15+$0x11AA0]  }
0x1a0: {  	v43 =	vmul.f32 v35, v32;
	v42 =	vmul.f32 v31, v2;
	v0 =	vadd.f32 v1, v0;
	_ =	sdelay $0x1  }
0x1a1: {  	v45 =	vmul.f32 v40, v39;
	v44 =	vmul.f32 v36, v43;
	v0 =	vadd.f32 v42, v0;
	_ =	sdelay $0x1  }
0x1a2: {  	v46 =	vmul.f32 v41, v45;
	v0 =	vadd.f32 v44, v0;
	_ =	sdelay $0x1  }
0x1a3: {  	s9 =	sshll.u32 s10, $0x4;
	v0 =	vadd.f32 v46, v0  }
0x1a4: {  	s10 =	sor.u32 $0x3, s7;
	s8 =	sand.u32 $0x3FFFFFA0, s9  }
0x1a5: {  	s15 =	sshll.u32 s10, $0x7;
	[tilespmem:s8+$0x16A30] =	vst v0  }
0x1a6: {  	v0 =	vld [tilespmem:s15+$0xF230]  }
0x1a7: {  	v47 =	vld [tilespmem:s15+$0x14230]  }
0x1a8: {  	v48 =	vld [tilespmem:s15+$0x11A30]  }
0x1a9: {  	v49 =	vld [tilespmem:s15+$0xF240]  }
0x1aa: {  	v50 =	vld [tilespmem:s15+$0x14240]  }
0x1ab: {  	v51 =	vld [tilespmem:s15+$0x11A40]  }
0x1ac: {  	v52 =	vld [tilespmem:s15+$0xF250]  }
0x1ad: {  	v53 =	vld [tilespmem:s15+$0x14250]  }
0x1ae: {  	v54 =	vld [tilespmem:s15+$0x11A50]  }
0x1af: {  	v55 =	vld [tilespmem:s15+$0xF260]  }
0x1b0: {  	v56 =	vld [tilespmem:s15+$0x14260]  }
0x1b1: {  	v57 =	vld [tilespmem:s15+$0x11A60]  }
0x1b2: {  	v58 =	vld [tilespmem:s15+$0xF270]  }
0x1b3: {  	v59 =	vld [tilespmem:s15+$0x14270]  }
0x1b4: {  	v60 =	vld [tilespmem:s15+$0x11A70]  }
0x1b5: {  	v61 =	vld [tilespmem:s15+$0xF280];
	v0 =	vmul.f32 v47, v0;
	v3 =	vmul.f32 v50, v49  }
0x1b6: {  	v62 =	vld [tilespmem:s15+$0x14280];
	v63 =	vmul.f32 v53, v52  }
0x1b7: {  	v14 =	vld [tilespmem:s15+$0x11A80];
	v0 =	vmul.f32 v48, v0;
	v3 =	vmul.f32 v51, v3  }
0x1b8: {  	v15 =	vld [tilespmem:s15+$0xF290]  }
0x1b9: {  	v18 =	vld [tilespmem:s15+$0x14290];
	v17 =	vmul.f32 v56, v55;
	v16 =	vmul.f32 v54, v63;
	v0 =	vadd.f32 v3, v0  }
0x1ba: {  	v19 =	vld [tilespmem:s15+$0x11A90]  }
0x1bb: {  	v22 =	vld [tilespmem:s15+$0xF2A0];
	v21 =	vmul.f32 v59, v58;
	v20 =	vmul.f32 v57, v17;
	v0 =	vadd.f32 v16, v0  }
0x1bc: {  	v23 =	vld [tilespmem:s15+$0x142A0]  }
0x1bd: {  	v2 =	vmul.f32 v62, v61;
	v1 =	vmul.f32 v60, v21;
	v0 =	vadd.f32 v20, v0  }
0x1be: {  	v24 =	vld [tilespmem:s15+$0x11AA0]  }
0x1bf: {  	v26 =	vmul.f32 v18, v15;
	v25 =	vmul.f32 v14, v2;
	v0 =	vadd.f32 v1, v0;
	_ =	sdelay $0x1  }
0x1c0: {  	v28 =	vmul.f32 v23, v22;
	v27 =	vmul.f32 v19, v26;
	v0 =	vadd.f32 v25, v0;
	_ =	sdelay $0x1  }
0x1c1: {  	v29 =	vmul.f32 v24, v28;
	v0 =	vadd.f32 v27, v0;
	_ =	sdelay $0x1  }
0x1c2: {  	s9 =	sshll.u32 s10, $0x4;
	v0 =	vadd.f32 v29, v0  }
0x1c3: {  	s10 =	sor.u32 $0x4, s7;
	s8 =	sand.u32 $0x3FFFFFB0, s9  }
0x1c4: {  	s15 =	sshll.u32 s10, $0x7;
	[tilespmem:s8+$0x16A30] =	vst v0  }
0x1c5: {  	v0 =	vld [tilespmem:s15+$0xF230]  }
0x1c6: {  	v30 =	vld [tilespmem:s15+$0x14230]  }
0x1c7: {  	v31 =	vld [tilespmem:s15+$0x11A30]  }
0x1c8: {  	v32 =	vld [tilespmem:s15+$0xF240]  }
0x1c9: {  	v33 =	vld [tilespmem:s15+$0x14240]  }
0x1ca: {  	v34 =	vld [tilespmem:s15+$0x11A40]  }
0x1cb: {  	v35 =	vld [tilespmem:s15+$0xF250]  }
0x1cc: {  	v36 =	vld [tilespmem:s15+$0x14250]  }
0x1cd: {  	v37 =	vld [tilespmem:s15+$0x11A50]  }
0x1ce: {  	v38 =	vld [tilespmem:s15+$0xF260]  }
0x1cf: {  	v39 =	vld [tilespmem:s15+$0x14260]  }
0x1d0: {  	v40 =	vld [tilespmem:s15+$0x11A60]  }
0x1d1: {  	v41 =	vld [tilespmem:s15+$0xF270]  }
0x1d2: {  	v42 =	vld [tilespmem:s15+$0x14270]  }
0x1d3: {  	v43 =	vld [tilespmem:s15+$0x11A70]  }
0x1d4: {  	v44 =	vld [tilespmem:s15+$0xF280];
	v0 =	vmul.f32 v30, v0;
	v3 =	vmul.f32 v33, v32  }
0x1d5: {  	v45 =	vld [tilespmem:s15+$0x14280];
	v46 =	vmul.f32 v36, v35  }
0x1d6: {  	v47 =	vld [tilespmem:s15+$0x11A80];
	v0 =	vmul.f32 v31, v0;
	v3 =	vmul.f32 v34, v3  }
0x1d7: {  	v48 =	vld [tilespmem:s15+$0xF290]  }
0x1d8: {  	v51 =	vld [tilespmem:s15+$0x14290];
	v50 =	vmul.f32 v39, v38;
	v49 =	vmul.f32 v37, v46;
	v0 =	vadd.f32 v3, v0  }
0x1d9: {  	v52 =	vld [tilespmem:s15+$0x11A90]  }
0x1da: {  	v55 =	vld [tilespmem:s15+$0xF2A0];
	v54 =	vmul.f32 v42, v41;
	v53 =	vmul.f32 v40, v50;
	v0 =	vadd.f32 v49, v0  }
0x1db: {  	v56 =	vld [tilespmem:s15+$0x142A0]  }
0x1dc: {  	v2 =	vmul.f32 v45, v44;
	v1 =	vmul.f32 v43, v54;
	v0 =	vadd.f32 v53, v0  }
0x1dd: {  	v57 =	vld [tilespmem:s15+$0x11AA0]  }
0x1de: {  	v59 =	vmul.f32 v51, v48;
	v58 =	vmul.f32 v47, v2;
	v0 =	vadd.f32 v1, v0;
	_ =	sdelay $0x1  }
0x1df: {  	v61 =	vmul.f32 v56, v55;
	v60 =	vmul.f32 v52, v59;
	v0 =	vadd.f32 v58, v0;
	_ =	sdelay $0x1  }
0x1e0: {  	v62 =	vmul.f32 v57, v61;
	v0 =	vadd.f32 v60, v0;
	_ =	sdelay $0x1  }
0x1e1: {  	s9 =	sshll.u32 s10, $0x4;
	v0 =	vadd.f32 v62, v0  }
0x1e2: {  	s10 =	sor.u32 $0x5, s7;
	s8 =	sand.u32 $0x3FFFFFC0, s9  }
0x1e3: {  	s15 =	sshll.u32 s10, $0x7;
	[tilespmem:s8+$0x16A30] =	vst v0  }
0x1e4: {  	v0 =	vld [tilespmem:s15+$0xF230]  }
0x1e5: {  	v63 =	vld [tilespmem:s15+$0x14230]  }
0x1e6: {  	v16 =	vld [tilespmem:s15+$0x11A30]  }
0x1e7: {  	v17 =	vld [tilespmem:s15+$0xF240]  }
0x1e8: {  	v18 =	vld [tilespmem:s15+$0x14240]  }
0x1e9: {  	v19 =	vld [tilespmem:s15+$0x11A40]  }
0x1ea: {  	v20 =	vld [tilespmem:s15+$0xF250]  }
0x1eb: {  	v21 =	vld [tilespmem:s15+$0x14250]  }
0x1ec: {  	v22 =	vld [tilespmem:s15+$0x11A50]  }
0x1ed: {  	v23 =	vld [tilespmem:s15+$0xF260]  }
0x1ee: {  	v24 =	vld [tilespmem:s15+$0x14260]  }
0x1ef: {  	v25 =	vld [tilespmem:s15+$0x11A60]  }
0x1f0: {  	v26 =	vld [tilespmem:s15+$0xF270]  }
0x1f1: {  	v27 =	vld [tilespmem:s15+$0x14270]  }
0x1f2: {  	v28 =	vld [tilespmem:s15+$0x11A70]  }
0x1f3: {  	v29 =	vld [tilespmem:s15+$0xF280];
	v0 =	vmul.f32 v63, v0;
	v3 =	vmul.f32 v18, v17  }
0x1f4: {  	v30 =	vld [tilespmem:s15+$0x14280];
	v31 =	vmul.f32 v21, v20  }
0x1f5: {  	v32 =	vld [tilespmem:s15+$0x11A80];
	v0 =	vmul.f32 v16, v0;
	v3 =	vmul.f32 v19, v3  }
0x1f6: {  	v33 =	vld [tilespmem:s15+$0xF290]  }
0x1f7: {  	v36 =	vld [tilespmem:s15+$0x14290];
	v35 =	vmul.f32 v24, v23;
	v34 =	vmul.f32 v22, v31;
	v0 =	vadd.f32 v3, v0  }
0x1f8: {  	v37 =	vld [tilespmem:s15+$0x11A90]  }
0x1f9: {  	v40 =	vld [tilespmem:s15+$0xF2A0];
	v39 =	vmul.f32 v27, v26;
	v38 =	vmul.f32 v25, v35;
	v0 =	vadd.f32 v34, v0  }
0x1fa: {  	v41 =	vld [tilespmem:s15+$0x142A0]  }
0x1fb: {  	v2 =	vmul.f32 v30, v29;
	v1 =	vmul.f32 v28, v39;
	v0 =	vadd.f32 v38, v0  }
0x1fc: {  	v42 =	vld [tilespmem:s15+$0x11AA0]  }
0x1fd: {  	v44 =	vmul.f32 v36, v33;
	v43 =	vmul.f32 v32, v2;
	v0 =	vadd.f32 v1, v0;
	_ =	sdelay $0x1  }
0x1fe: {  	v46 =	vmul.f32 v41, v40;
	v45 =	vmul.f32 v37, v44;
	v0 =	vadd.f32 v43, v0;
	_ =	sdelay $0x1  }
0x1ff: {  	v47 =	vmul.f32 v42, v46;
	v0 =	vadd.f32 v45, v0;
	_ =	sdelay $0x1  }
0x200: {  	s10 =	sshll.u32 s10, $0x4;
	v0 =	vadd.f32 v47, v0  }
0x201: {  	s7 =	sor.u32 $0x6, s7;
	s8 =	sand.u32 $0x3FFFFFD0, s10  }
0x202: {  	s15 =	sshll.u32 s7, $0x7;
	[tilespmem:s8+$0x16A30] =	vst v0  }
0x203: {  	v0 =	vld [tilespmem:s15+$0xF230]  }
0x204: {  	v48 =	vld [tilespmem:s15+$0x14230]  }
0x205: {  	v49 =	vld [tilespmem:s15+$0x11A30]  }
0x206: {  	v50 =	vld [tilespmem:s15+$0xF240]  }
0x207: {  	v51 =	vld [tilespmem:s15+$0x14240]  }
0x208: {  	v52 =	vld [tilespmem:s15+$0x11A40]  }
0x209: {  	v53 =	vld [tilespmem:s15+$0xF250]  }
0x20a: {  	v54 =	vld [tilespmem:s15+$0x14250]  }
0x20b: {  	v55 =	vld [tilespmem:s15+$0x11A50]  }
0x20c: {  	v56 =	vld [tilespmem:s15+$0xF260]  }
0x20d: {  	v57 =	vld [tilespmem:s15+$0x14260]  }
0x20e: {  	v58 =	vld [tilespmem:s15+$0x11A60]  }
0x20f: {  	v59 =	vld [tilespmem:s15+$0xF270]  }
0x210: {  	v60 =	vld [tilespmem:s15+$0x14270]  }
0x211: {  	v61 =	vld [tilespmem:s15+$0x11A70]  }
0x212: {  	v62 =	vld [tilespmem:s15+$0xF280];
	v0 =	vmul.f32 v48, v0;
	v3 =	vmul.f32 v51, v50  }
0x213: {  	v63 =	vld [tilespmem:s15+$0x14280];
	v14 =	vmul.f32 v54, v53  }
0x214: {  	v15 =	vld [tilespmem:s15+$0x11A80];
	v0 =	vmul.f32 v49, v0;
	v3 =	vmul.f32 v52, v3  }
0x215: {  	v16 =	vld [tilespmem:s15+$0xF290]  }
0x216: {  	v19 =	vld [tilespmem:s15+$0x14290];
	v18 =	vmul.f32 v57, v56;
	v17 =	vmul.f32 v55, v14;
	v0 =	vadd.f32 v3, v0  }
0x217: {  	v20 =	vld [tilespmem:s15+$0x11A90]  }
0x218: {  	v23 =	vld [tilespmem:s15+$0xF2A0];
	v22 =	vmul.f32 v60, v59;
	v21 =	vmul.f32 v58, v18;
	v0 =	vadd.f32 v17, v0  }
0x219: {  	v24 =	vld [tilespmem:s15+$0x142A0]  }
0x21a: {  	v2 =	vmul.f32 v63, v62;
	v1 =	vmul.f32 v61, v22;
	v0 =	vadd.f32 v21, v0  }
0x21b: {  	v25 =	vld [tilespmem:s15+$0x11AA0]  }
0x21c: {  	v27 =	vmul.f32 v19, v16;
	v26 =	vmul.f32 v15, v2;
	v0 =	vadd.f32 v1, v0;
	_ =	sdelay $0x1  }
0x21d: {  	v29 =	vmul.f32 v24, v23;
	v28 =	vmul.f32 v20, v27;
	v0 =	vadd.f32 v26, v0;
	_ =	sdelay $0x1  }
0x21e: {  	v30 =	vmul.f32 v25, v29;
	v0 =	vadd.f32 v28, v0;
	_ =	sdelay $0x1  }
0x21f: {  	s7 =	sshll.u32 s7, $0x4;
	v0 =	vadd.f32 v30, v0  }
0x220: {  	s9 =	sshllo.u32 s16, $0x3;
	s7 =	sand.u32 $0x3FFFFFE0, s7  }
0x221: {  	s10 =	sshll.u32 s9, $0x7;
	[tilespmem:s7+$0x16A30] =	vst v0  }
0x222: {  	v0 =	vld [tilespmem:s10+$0xF230]  }
0x223: {  	v31 =	vld [tilespmem:s10+$0x14230]  }
0x224: {  	v32 =	vld [tilespmem:s10+$0x11A30]  }
0x225: {  	v33 =	vld [tilespmem:s10+$0xF240]  }
0x226: {  	v34 =	vld [tilespmem:s10+$0x14240]  }
0x227: {  	v35 =	vld [tilespmem:s10+$0x11A40]  }
0x228: {  	v36 =	vld [tilespmem:s10+$0xF250]  }
0x229: {  	v37 =	vld [tilespmem:s10+$0x14250]  }
0x22a: {  	v38 =	vld [tilespmem:s10+$0x11A50]  }
0x22b: {  	v39 =	vld [tilespmem:s10+$0xF260]  }
0x22c: {  	v40 =	vld [tilespmem:s10+$0x14260]  }
0x22d: {  	v41 =	vld [tilespmem:s10+$0x11A60]  }
0x22e: {  	v42 =	vld [tilespmem:s10+$0xF270]  }
0x22f: {  	v43 =	vld [tilespmem:s10+$0x14270]  }
0x230: {  	v44 =	vld [tilespmem:s10+$0x11A70]  }
0x231: {  	v45 =	vld [tilespmem:s10+$0xF280];
	v0 =	vmul.f32 v31, v0;
	v3 =	vmul.f32 v34, v33  }
0x232: {  	v46 =	vld [tilespmem:s10+$0x14280];
	v47 =	vmul.f32 v37, v36  }
0x233: {  	v48 =	vld [tilespmem:s10+$0x11A80];
	v0 =	vmul.f32 v32, v0;
	v3 =	vmul.f32 v35, v3  }
0x234: {  	v49 =	vld [tilespmem:s10+$0xF290]  }
0x235: {  	v52 =	vld [tilespmem:s10+$0x14290];
	v51 =	vmul.f32 v40, v39;
	v50 =	vmul.f32 v38, v47;
	v0 =	vadd.f32 v3, v0  }
0x236: {  	v53 =	vld [tilespmem:s10+$0x11A90]  }
0x237: {  	v56 =	vld [tilespmem:s10+$0xF2A0];
	v55 =	vmul.f32 v43, v42;
	v54 =	vmul.f32 v41, v51;
	v0 =	vadd.f32 v50, v0  }
0x238: {  	v57 =	vld [tilespmem:s10+$0x142A0]  }
0x239: {  	v2 =	vmul.f32 v46, v45;
	v1 =	vmul.f32 v44, v55;
	v0 =	vadd.f32 v54, v0  }
0x23a: {  	v58 =	vld [tilespmem:s10+$0x11AA0]  }
0x23b: {  	v60 =	vmul.f32 v52, v49;
	v59 =	vmul.f32 v48, v2;
	v0 =	vadd.f32 v1, v0;
	_ =	sdelay $0x1  }
0x23c: {  	v62 =	vmul.f32 v57, v56;
	v61 =	vmul.f32 v53, v60;
	v0 =	vadd.f32 v59, v0  }
0x23d: {  	p0 =	sne.s32 s16, $0x9  }
.Ltmp1:
0x23e: {  	v63 =	vmul.f32 v58, v62;
	v0 =	vadd.f32 v61, v0;
	(pc) =	sbr.rel @p0 .LBB2_5-.Ltmp1, $4  }
0x23f: {  	_ = 	snop  }
0x240: {  	s15 =	sshll.u32 s9, $0x4;
	v0 =	vadd.f32 v63, v0  }
0x241: {  	s7 =	sand.u32 $0x3FFFFFF0, s15  }
0x242: {  	s16 =	sadd.s32 $0x1, s16;
	[tilespmem:s7+$0x16A30] =	vst v0  }
0x243: {  	s2 =	sadd.s32 $0x1, s2  }
0x244: {  	p0 =	sne.s32 s2, $0x3E  }
.Ltmp2:
0x245: {  	_ = 	snop;
	(pc) =	sbr.rel @p0 .LBB2_2-.Ltmp2, $2  }
0x246: {  	_ =	sdelay $0x2  }
0x247: {  	[hbm4b:s0+s4] =	stream.linear.scatter [tilespmem:s22], [sflag:$0x4], $0x500, $0x38;
	[tilespmem:$0x16F30] =	vst v63  }
0x248: {  	_ =	swait.ge [sflag:s23], $0x2800  }
0x249: {  	[sflag:s23] =	ssyncset.done $0x0  }
0x24a: {  	[sflag:s23] =	ssyncadd.s32 $0xFFFFD800  }
0x24b: {  	_ =	swait.ge [sflag:s23], $0x2800  }
0x24c: {  	[sflag:s23] =	ssyncset.done $0x0  }
0x24d: {  	[sflag:s23] =	ssyncadd.s32 $0xFFFFD800  }
0x24e: {  	_ =	swait.ge [sflag:s23], $0x2800  }
0x24f: {  	[sflag:s23] =	ssyncset.done $0x0  }
0x250: {  	[sflag:s23] =	ssyncadd.s32 $0xFFFFD800  }
0x251: {  	_ =	swait.ge [sflag:s28], $0x500  }
0x252: {  	[sflag:s28] =	ssyncset.done $0x0  }
0x253: {  	s0 =	simm.s32 $0x0;
	[sflag:s28] =	ssyncadd.s32 $0xFFFFFB00  }
.LBB2_8:
0x254: {  	s2 =	sshll.u32 s0, $0xA  }
0x255: {  	v0 =	vld [tilespmem:s2+$0x7530]  }
0x256: {  	v1 =	vld [tilespmem:s2+$0xC530]  }
0x257: {  	v2 =	vld [tilespmem:s2+$0x9D30]  }
0x258: {  	v3 =	vld [tilespmem:s2+$0x7540]  }
0x259: {  	v4 =	vld [tilespmem:s2+$0xC540]  }
0x25a: {  	v5 =	vld [tilespmem:s2+$0x9D40]  }
0x25b: {  	v6 =	vld [tilespmem:s2+$0x7550]  }
0x25c: {  	v7 =	vld [tilespmem:s2+$0xC550]  }
0x25d: {  	v8 =	vld [tilespmem:s2+$0x9D50]  }
0x25e: {  	v9 =	vld [tilespmem:s2+$0x7560]  }
0x25f: {  	v10 =	vld [tilespmem:s2+$0xC560]  }
0x260: {  	v11 =	vld [tilespmem:s2+$0x9D60]  }
0x261: {  	v12 =	vld [tilespmem:s2+$0x7570]  }
0x262: {  	v13 =	vld [tilespmem:s2+$0xC570]  }
0x263: {  	v59 =	vld [tilespmem:s2+$0x9D70]  }
0x264: {  	v60 =	vld [tilespmem:s2+$0x7580];
	v0 =	vmul.f32 v1, v0;
	v3 =	vmul.f32 v4, v3  }
0x265: {  	v61 =	vld [tilespmem:s2+$0xC580];
	v62 =	vmul.f32 v7, v6  }
0x266: {  	v63 =	vld [tilespmem:s2+$0x9D80];
	v0 =	vmul.f32 v2, v0;
	v3 =	vmul.f32 v5, v3  }
0x267: {  	v14 =	vld [tilespmem:s2+$0x7590]  }
0x268: {  	v17 =	vld [tilespmem:s2+$0xC590];
	v16 =	vmul.f32 v10, v9;
	v15 =	vmul.f32 v8, v62;
	v0 =	vadd.f32 v3, v0  }
0x269: {  	v18 =	vld [tilespmem:s2+$0x9D90]  }
0x26a: {  	v21 =	vld [tilespmem:s2+$0x75A0];
	v20 =	vmul.f32 v13, v12;
	v19 =	vmul.f32 v11, v16;
	v0 =	vadd.f32 v15, v0  }
0x26b: {  	v22 =	vld [tilespmem:s2+$0xC5A0]  }
0x26c: {  	v1 =	vmul.f32 v59, v20;
	v2 =	vmul.f32 v61, v60;
	v0 =	vadd.f32 v19, v0  }
0x26d: {  	v23 =	vld [tilespmem:s2+$0x9DA0]  }
0x26e: {  	v25 =	vmul.f32 v17, v14;
	v24 =	vmul.f32 v63, v2;
	v0 =	vadd.f32 v1, v0;
	_ =	sdelay $0x1  }
0x26f: {  	v27 =	vmul.f32 v22, v21;
	v26 =	vmul.f32 v18, v25;
	v0 =	vadd.f32 v24, v0;
	_ =	sdelay $0x1  }
0x270: {  	v28 =	vmul.f32 v23, v27;
	v0 =	vadd.f32 v26, v0;
	_ =	sdelay $0x1  }
0x271: {  	s7 =	sshll.u32 s0, $0x7;
	s2 =	sshll.u32 s0, $0x3;
	v0 =	vadd.f32 v28, v0  }
0x272: {  	s7 =	sand.u32 $0x3FFFFF80, s7;
	s8 =	sor.u32 $0x1, s2  }
0x273: {  	s9 =	sshll.u32 s8, $0x7;
	[tilespmem:s7+$0xED30] =	vst v0  }
0x274: {  	v0 =	vld [tilespmem:s9+$0x7530]  }
0x275: {  	v29 =	vld [tilespmem:s9+$0xC530]  }
0x276: {  	v30 =	vld [tilespmem:s9+$0x9D30]  }
0x277: {  	v31 =	vld [tilespmem:s9+$0x7540]  }
0x278: {  	v32 =	vld [tilespmem:s9+$0xC540]  }
0x279: {  	v33 =	vld [tilespmem:s9+$0x9D40]  }
0x27a: {  	v34 =	vld [tilespmem:s9+$0x7550]  }
0x27b: {  	v35 =	vld [tilespmem:s9+$0xC550]  }
0x27c: {  	v36 =	vld [tilespmem:s9+$0x9D50]  }
0x27d: {  	v37 =	vld [tilespmem:s9+$0x7560]  }
0x27e: {  	v38 =	vld [tilespmem:s9+$0xC560]  }
0x27f: {  	v39 =	vld [tilespmem:s9+$0x9D60]  }
0x280: {  	v40 =	vld [tilespmem:s9+$0x7570]  }
0x281: {  	v41 =	vld [tilespmem:s9+$0xC570]  }
0x282: {  	v42 =	vld [tilespmem:s9+$0x9D70]  }
0x283: {  	v43 =	vld [tilespmem:s9+$0x7580];
	v0 =	vmul.f32 v29, v0;
	v3 =	vmul.f32 v32, v31  }
0x284: {  	v44 =	vld [tilespmem:s9+$0xC580];
	v45 =	vmul.f32 v35, v34  }
0x285: {  	v46 =	vld [tilespmem:s9+$0x9D80];
	v0 =	vmul.f32 v30, v0;
	v3 =	vmul.f32 v33, v3  }
0x286: {  	v47 =	vld [tilespmem:s9+$0x7590]  }
0x287: {  	v50 =	vld [tilespmem:s9+$0xC590];
	v49 =	vmul.f32 v38, v37;
	v48 =	vmul.f32 v36, v45;
	v0 =	vadd.f32 v3, v0  }
0x288: {  	v51 =	vld [tilespmem:s9+$0x9D90]  }
0x289: {  	v54 =	vld [tilespmem:s9+$0x75A0];
	v53 =	vmul.f32 v41, v40;
	v52 =	vmul.f32 v39, v49;
	v0 =	vadd.f32 v48, v0  }
0x28a: {  	v55 =	vld [tilespmem:s9+$0xC5A0]  }
0x28b: {  	v2 =	vmul.f32 v44, v43;
	v1 =	vmul.f32 v42, v53;
	v0 =	vadd.f32 v52, v0  }
0x28c: {  	v56 =	vld [tilespmem:s9+$0x9DA0]  }
0x28d: {  	v58 =	vmul.f32 v50, v47;
	v57 =	vmul.f32 v46, v2;
	v0 =	vadd.f32 v1, v0;
	_ =	sdelay $0x1  }
0x28e: {  	v60 =	vmul.f32 v55, v54;
	v59 =	vmul.f32 v51, v58;
	v0 =	vadd.f32 v57, v0;
	_ =	sdelay $0x1  }
0x28f: {  	v61 =	vmul.f32 v56, v60;
	v0 =	vadd.f32 v59, v0;
	_ =	sdelay $0x1  }
0x290: {  	s10 =	sshll.u32 s8, $0x4;
	v0 =	vadd.f32 v61, v0  }
0x291: {  	s15 =	sor.u32 $0x2, s2;
	s7 =	sand.u32 $0x3FFFFF90, s10  }
0x292: {  	s16 =	sshll.u32 s15, $0x7;
	[tilespmem:s7+$0xED30] =	vst v0  }
0x293: {  	v0 =	vld [tilespmem:s16+$0x7530]  }
0x294: {  	v62 =	vld [tilespmem:s16+$0xC530]  }
0x295: {  	v63 =	vld [tilespmem:s16+$0x9D30]  }
0x296: {  	v16 =	vld [tilespmem:s16+$0x7540]  }
0x297: {  	v17 =	vld [tilespmem:s16+$0xC540]  }
0x298: {  	v18 =	vld [tilespmem:s16+$0x9D40]  }
0x299: {  	v19 =	vld [tilespmem:s16+$0x7550]  }
0x29a: {  	v20 =	vld [tilespmem:s16+$0xC550]  }
0x29b: {  	v21 =	vld [tilespmem:s16+$0x9D50]  }
0x29c: {  	v22 =	vld [tilespmem:s16+$0x7560]  }
0x29d: {  	v23 =	vld [tilespmem:s16+$0xC560]  }
0x29e: {  	v24 =	vld [tilespmem:s16+$0x9D60]  }
0x29f: {  	v25 =	vld [tilespmem:s16+$0x7570]  }
0x2a0: {  	v26 =	vld [tilespmem:s16+$0xC570]  }
0x2a1: {  	v27 =	vld [tilespmem:s16+$0x9D70]  }
0x2a2: {  	v28 =	vld [tilespmem:s16+$0x7580];
	v0 =	vmul.f32 v62, v0;
	v3 =	vmul.f32 v17, v16  }
0x2a3: {  	v29 =	vld [tilespmem:s16+$0xC580];
	v30 =	vmul.f32 v20, v19  }
0x2a4: {  	v31 =	vld [tilespmem:s16+$0x9D80];
	v0 =	vmul.f32 v63, v0;
	v3 =	vmul.f32 v18, v3  }
0x2a5: {  	v32 =	vld [tilespmem:s16+$0x7590]  }
0x2a6: {  	v35 =	vld [tilespmem:s16+$0xC590];
	v34 =	vmul.f32 v23, v22;
	v33 =	vmul.f32 v21, v30;
	v0 =	vadd.f32 v3, v0  }
0x2a7: {  	v36 =	vld [tilespmem:s16+$0x9D90]  }
0x2a8: {  	v39 =	vld [tilespmem:s16+$0x75A0];
	v38 =	vmul.f32 v26, v25;
	v37 =	vmul.f32 v24, v34;
	v0 =	vadd.f32 v33, v0  }
0x2a9: {  	v40 =	vld [tilespmem:s16+$0xC5A0]  }
0x2aa: {  	v2 =	vmul.f32 v29, v28;
	v1 =	vmul.f32 v27, v38;
	v0 =	vadd.f32 v37, v0  }
0x2ab: {  	v41 =	vld [tilespmem:s16+$0x9DA0]  }
0x2ac: {  	v43 =	vmul.f32 v35, v32;
	v42 =	vmul.f32 v31, v2;
	v0 =	vadd.f32 v1, v0;
	_ =	sdelay $0x1  }
0x2ad: {  	v45 =	vmul.f32 v40, v39;
	v44 =	vmul.f32 v36, v43;
	v0 =	vadd.f32 v42, v0;
	_ =	sdelay $0x1  }
0x2ae: {  	v46 =	vmul.f32 v41, v45;
	v0 =	vadd.f32 v44, v0;
	_ =	sdelay $0x1  }
0x2af: {  	s8 =	sshll.u32 s15, $0x4;
	v0 =	vadd.f32 v46, v0  }
0x2b0: {  	s9 =	sor.u32 $0x3, s2;
	s7 =	sand.u32 $0x3FFFFFA0, s8  }
0x2b1: {  	s10 =	sshll.u32 s9, $0x7;
	[tilespmem:s7+$0xED30] =	vst v0  }
0x2b2: {  	v0 =	vld [tilespmem:s10+$0x7530]  }
0x2b3: {  	v47 =	vld [tilespmem:s10+$0xC530]  }
0x2b4: {  	v48 =	vld [tilespmem:s10+$0x9D30]  }
0x2b5: {  	v49 =	vld [tilespmem:s10+$0x7540]  }
0x2b6: {  	v50 =	vld [tilespmem:s10+$0xC540]  }
0x2b7: {  	v51 =	vld [tilespmem:s10+$0x9D40]  }
0x2b8: {  	v52 =	vld [tilespmem:s10+$0x7550]  }
0x2b9: {  	v53 =	vld [tilespmem:s10+$0xC550]  }
0x2ba: {  	v54 =	vld [tilespmem:s10+$0x9D50]  }
0x2bb: {  	v55 =	vld [tilespmem:s10+$0x7560]  }
0x2bc: {  	v56 =	vld [tilespmem:s10+$0xC560]  }
0x2bd: {  	v57 =	vld [tilespmem:s10+$0x9D60]  }
0x2be: {  	v58 =	vld [tilespmem:s10+$0x7570]  }
0x2bf: {  	v59 =	vld [tilespmem:s10+$0xC570]  }
0x2c0: {  	v60 =	vld [tilespmem:s10+$0x9D70]  }
0x2c1: {  	v61 =	vld [tilespmem:s10+$0x7580];
	v0 =	vmul.f32 v47, v0;
	v3 =	vmul.f32 v50, v49  }
0x2c2: {  	v62 =	vld [tilespmem:s10+$0xC580];
	v63 =	vmul.f32 v53, v52  }
0x2c3: {  	v14 =	vld [tilespmem:s10+$0x9D80];
	v0 =	vmul.f32 v48, v0;
	v3 =	vmul.f32 v51, v3  }
0x2c4: {  	v15 =	vld [tilespmem:s10+$0x7590]  }
0x2c5: {  	v18 =	vld [tilespmem:s10+$0xC590];
	v17 =	vmul.f32 v56, v55;
	v16 =	vmul.f32 v54, v63;
	v0 =	vadd.f32 v3, v0  }
0x2c6: {  	v19 =	vld [tilespmem:s10+$0x9D90]  }
0x2c7: {  	v22 =	vld [tilespmem:s10+$0x75A0];
	v21 =	vmul.f32 v59, v58;
	v20 =	vmul.f32 v57, v17;
	v0 =	vadd.f32 v16, v0  }
0x2c8: {  	v23 =	vld [tilespmem:s10+$0xC5A0]  }
0x2c9: {  	v2 =	vmul.f32 v62, v61;
	v1 =	vmul.f32 v60, v21;
	v0 =	vadd.f32 v20, v0  }
0x2ca: {  	v24 =	vld [tilespmem:s10+$0x9DA0]  }
0x2cb: {  	v26 =	vmul.f32 v18, v15;
	v25 =	vmul.f32 v14, v2;
	v0 =	vadd.f32 v1, v0;
	_ =	sdelay $0x1  }
0x2cc: {  	v28 =	vmul.f32 v23, v22;
	v27 =	vmul.f32 v19, v26;
	v0 =	vadd.f32 v25, v0;
	_ =	sdelay $0x1  }
0x2cd: {  	v29 =	vmul.f32 v24, v28;
	v0 =	vadd.f32 v27, v0;
	_ =	sdelay $0x1  }
0x2ce: {  	s15 =	sshll.u32 s9, $0x4;
	v0 =	vadd.f32 v29, v0  }
0x2cf: {  	s16 =	sor.u32 $0x4, s2;
	s7 =	sand.u32 $0x3FFFFFB0, s15  }
0x2d0: {  	s9 =	sshll.u32 s16, $0x7;
	[tilespmem:s7+$0xED30] =	vst v0  }
0x2d1: {  	v0 =	vld [tilespmem:s9+$0x7530]  }
0x2d2: {  	v30 =	vld [tilespmem:s9+$0xC530]  }
0x2d3: {  	v31 =	vld [tilespmem:s9+$0x9D30]  }
0x2d4: {  	v32 =	vld [tilespmem:s9+$0x7540]  }
0x2d5: {  	v33 =	vld [tilespmem:s9+$0xC540]  }
0x2d6: {  	v34 =	vld [tilespmem:s9+$0x9D40]  }
0x2d7: {  	v35 =	vld [tilespmem:s9+$0x7550]  }
0x2d8: {  	v36 =	vld [tilespmem:s9+$0xC550]  }
0x2d9: {  	v37 =	vld [tilespmem:s9+$0x9D50]  }
0x2da: {  	v38 =	vld [tilespmem:s9+$0x7560]  }
0x2db: {  	v39 =	vld [tilespmem:s9+$0xC560]  }
0x2dc: {  	v40 =	vld [tilespmem:s9+$0x9D60]  }
0x2dd: {  	v41 =	vld [tilespmem:s9+$0x7570]  }
0x2de: {  	v42 =	vld [tilespmem:s9+$0xC570]  }
0x2df: {  	v43 =	vld [tilespmem:s9+$0x9D70]  }
0x2e0: {  	v44 =	vld [tilespmem:s9+$0x7580];
	v0 =	vmul.f32 v30, v0;
	v3 =	vmul.f32 v33, v32  }
0x2e1: {  	v45 =	vld [tilespmem:s9+$0xC580];
	v46 =	vmul.f32 v36, v35  }
0x2e2: {  	v47 =	vld [tilespmem:s9+$0x9D80];
	v0 =	vmul.f32 v31, v0;
	v3 =	vmul.f32 v34, v3  }
0x2e3: {  	v48 =	vld [tilespmem:s9+$0x7590]  }
0x2e4: {  	v51 =	vld [tilespmem:s9+$0xC590];
	v50 =	vmul.f32 v39, v38;
	v49 =	vmul.f32 v37, v46;
	v0 =	vadd.f32 v3, v0  }
0x2e5: {  	v52 =	vld [tilespmem:s9+$0x9D90]  }
0x2e6: {  	v55 =	vld [tilespmem:s9+$0x75A0];
	v54 =	vmul.f32 v42, v41;
	v53 =	vmul.f32 v40, v50;
	v0 =	vadd.f32 v49, v0  }
0x2e7: {  	v56 =	vld [tilespmem:s9+$0xC5A0]  }
0x2e8: {  	v2 =	vmul.f32 v45, v44;
	v1 =	vmul.f32 v43, v54;
	v0 =	vadd.f32 v53, v0  }
0x2e9: {  	v57 =	vld [tilespmem:s9+$0x9DA0]  }
0x2ea: {  	v59 =	vmul.f32 v51, v48;
	v58 =	vmul.f32 v47, v2;
	v0 =	vadd.f32 v1, v0;
	_ =	sdelay $0x1  }
0x2eb: {  	v61 =	vmul.f32 v56, v55;
	v60 =	vmul.f32 v52, v59;
	v0 =	vadd.f32 v58, v0;
	_ =	sdelay $0x1  }
0x2ec: {  	v62 =	vmul.f32 v57, v61;
	v0 =	vadd.f32 v60, v0;
	_ =	sdelay $0x1  }
0x2ed: {  	s10 =	sshll.u32 s16, $0x4;
	v0 =	vadd.f32 v62, v0  }
0x2ee: {  	s15 =	sor.u32 $0x5, s2;
	s7 =	sand.u32 $0x3FFFFFC0, s10  }
0x2ef: {  	s16 =	sshll.u32 s15, $0x7;
	[tilespmem:s7+$0xED30] =	vst v0  }
0x2f0: {  	v0 =	vld [tilespmem:s16+$0x7530]  }
0x2f1: {  	v63 =	vld [tilespmem:s16+$0xC530]  }
0x2f2: {  	v16 =	vld [tilespmem:s16+$0x9D30]  }
0x2f3: {  	v17 =	vld [tilespmem:s16+$0x7540]  }
0x2f4: {  	v18 =	vld [tilespmem:s16+$0xC540]  }
0x2f5: {  	v19 =	vld [tilespmem:s16+$0x9D40]  }
0x2f6: {  	v20 =	vld [tilespmem:s16+$0x7550]  }
0x2f7: {  	v21 =	vld [tilespmem:s16+$0xC550]  }
0x2f8: {  	v22 =	vld [tilespmem:s16+$0x9D50]  }
0x2f9: {  	v23 =	vld [tilespmem:s16+$0x7560]  }
0x2fa: {  	v24 =	vld [tilespmem:s16+$0xC560]  }
0x2fb: {  	v25 =	vld [tilespmem:s16+$0x9D60]  }
0x2fc: {  	v26 =	vld [tilespmem:s16+$0x7570]  }
0x2fd: {  	v27 =	vld [tilespmem:s16+$0xC570]  }
0x2fe: {  	v28 =	vld [tilespmem:s16+$0x9D70]  }
0x2ff: {  	v29 =	vld [tilespmem:s16+$0x7580];
	v0 =	vmul.f32 v63, v0;
	v3 =	vmul.f32 v18, v17  }
0x300: {  	v30 =	vld [tilespmem:s16+$0xC580];
	v31 =	vmul.f32 v21, v20  }
0x301: {  	v32 =	vld [tilespmem:s16+$0x9D80];
	v0 =	vmul.f32 v16, v0;
	v3 =	vmul.f32 v19, v3  }
0x302: {  	v33 =	vld [tilespmem:s16+$0x7590]  }
0x303: {  	v36 =	vld [tilespmem:s16+$0xC590];
	v35 =	vmul.f32 v24, v23;
	v34 =	vmul.f32 v22, v31;
	v0 =	vadd.f32 v3, v0  }
0x304: {  	v37 =	vld [tilespmem:s16+$0x9D90]  }
0x305: {  	v40 =	vld [tilespmem:s16+$0x75A0];
	v39 =	vmul.f32 v27, v26;
	v38 =	vmul.f32 v25, v35;
	v0 =	vadd.f32 v34, v0  }
0x306: {  	v41 =	vld [tilespmem:s16+$0xC5A0]  }
0x307: {  	v2 =	vmul.f32 v30, v29;
	v1 =	vmul.f32 v28, v39;
	v0 =	vadd.f32 v38, v0  }
0x308: {  	v42 =	vld [tilespmem:s16+$0x9DA0]  }
0x309: {  	v44 =	vmul.f32 v36, v33;
	v43 =	vmul.f32 v32, v2;
	v0 =	vadd.f32 v1, v0;
	_ =	sdelay $0x1  }
0x30a: {  	v46 =	vmul.f32 v41, v40;
	v45 =	vmul.f32 v37, v44;
	v0 =	vadd.f32 v43, v0;
	_ =	sdelay $0x1  }
0x30b: {  	v47 =	vmul.f32 v42, v46;
	v0 =	vadd.f32 v45, v0;
	_ =	sdelay $0x1  }
0x30c: {  	s8 =	sshll.u32 s15, $0x4;
	v0 =	vadd.f32 v47, v0  }
0x30d: {  	s2 =	sor.u32 $0x6, s2;
	s7 =	sand.u32 $0x3FFFFFD0, s8  }
0x30e: {  	s9 =	sshll.u32 s2, $0x7;
	[tilespmem:s7+$0xED30] =	vst v0  }
0x30f: {  	v0 =	vld [tilespmem:s9+$0x7530]  }
0x310: {  	v48 =	vld [tilespmem:s9+$0xC530]  }
0x311: {  	v49 =	vld [tilespmem:s9+$0x9D30]  }
0x312: {  	v50 =	vld [tilespmem:s9+$0x7540]  }
0x313: {  	v51 =	vld [tilespmem:s9+$0xC540]  }
0x314: {  	v52 =	vld [tilespmem:s9+$0x9D40]  }
0x315: {  	v53 =	vld [tilespmem:s9+$0x7550]  }
0x316: {  	v54 =	vld [tilespmem:s9+$0xC550]  }
0x317: {  	v55 =	vld [tilespmem:s9+$0x9D50]  }
0x318: {  	v56 =	vld [tilespmem:s9+$0x7560]  }
0x319: {  	v57 =	vld [tilespmem:s9+$0xC560]  }
0x31a: {  	v58 =	vld [tilespmem:s9+$0x9D60]  }
0x31b: {  	v59 =	vld [tilespmem:s9+$0x7570]  }
0x31c: {  	v60 =	vld [tilespmem:s9+$0xC570]  }
0x31d: {  	v61 =	vld [tilespmem:s9+$0x9D70]  }
0x31e: {  	v62 =	vld [tilespmem:s9+$0x7580];
	v0 =	vmul.f32 v48, v0;
	v3 =	vmul.f32 v51, v50  }
0x31f: {  	v63 =	vld [tilespmem:s9+$0xC580];
	v14 =	vmul.f32 v54, v53  }
0x320: {  	v15 =	vld [tilespmem:s9+$0x9D80];
	v0 =	vmul.f32 v49, v0;
	v3 =	vmul.f32 v52, v3  }
0x321: {  	v16 =	vld [tilespmem:s9+$0x7590]  }
0x322: {  	v19 =	vld [tilespmem:s9+$0xC590];
	v18 =	vmul.f32 v57, v56;
	v17 =	vmul.f32 v55, v14;
	v0 =	vadd.f32 v3, v0  }
0x323: {  	v20 =	vld [tilespmem:s9+$0x9D90]  }
0x324: {  	v23 =	vld [tilespmem:s9+$0x75A0];
	v22 =	vmul.f32 v60, v59;
	v21 =	vmul.f32 v58, v18;
	v0 =	vadd.f32 v17, v0  }
0x325: {  	v24 =	vld [tilespmem:s9+$0xC5A0]  }
0x326: {  	v2 =	vmul.f32 v63, v62;
	v1 =	vmul.f32 v61, v22;
	v0 =	vadd.f32 v21, v0  }
0x327: {  	v25 =	vld [tilespmem:s9+$0x9DA0]  }
0x328: {  	v27 =	vmul.f32 v19, v16;
	v26 =	vmul.f32 v15, v2;
	v0 =	vadd.f32 v1, v0;
	_ =	sdelay $0x1  }
0x329: {  	v29 =	vmul.f32 v24, v23;
	v28 =	vmul.f32 v20, v27;
	v0 =	vadd.f32 v26, v0;
	_ =	sdelay $0x1  }
0x32a: {  	v30 =	vmul.f32 v25, v29;
	v0 =	vadd.f32 v28, v0;
	_ =	sdelay $0x1  }
0x32b: {  	s2 =	sshll.u32 s2, $0x4;
	v0 =	vadd.f32 v30, v0  }
0x32c: {  	s10 =	sshllo.u32 s0, $0x3;
	s2 =	sand.u32 $0x3FFFFFE0, s2  }
0x32d: {  	s15 =	sshll.u32 s10, $0x7;
	[tilespmem:s2+$0xED30] =	vst v0  }
0x32e: {  	v0 =	vld [tilespmem:s15+$0x7530]  }
0x32f: {  	v31 =	vld [tilespmem:s15+$0xC530]  }
0x330: {  	v32 =	vld [tilespmem:s15+$0x9D30]  }
0x331: {  	v33 =	vld [tilespmem:s15+$0x7540]  }
0x332: {  	v34 =	vld [tilespmem:s15+$0xC540]  }
0x333: {  	v35 =	vld [tilespmem:s15+$0x9D40]  }
0x334: {  	v36 =	vld [tilespmem:s15+$0x7550]  }
0x335: {  	v37 =	vld [tilespmem:s15+$0xC550]  }
0x336: {  	v38 =	vld [tilespmem:s15+$0x9D50]  }
0x337: {  	v39 =	vld [tilespmem:s15+$0x7560]  }
0x338: {  	v40 =	vld [tilespmem:s15+$0xC560]  }
0x339: {  	v41 =	vld [tilespmem:s15+$0x9D60]  }
0x33a: {  	v42 =	vld [tilespmem:s15+$0x7570]  }
0x33b: {  	v43 =	vld [tilespmem:s15+$0xC570]  }
0x33c: {  	v44 =	vld [tilespmem:s15+$0x9D70]  }
0x33d: {  	v45 =	vld [tilespmem:s15+$0x7580];
	v0 =	vmul.f32 v31, v0;
	v3 =	vmul.f32 v34, v33  }
0x33e: {  	v46 =	vld [tilespmem:s15+$0xC580];
	v47 =	vmul.f32 v37, v36  }
0x33f: {  	v48 =	vld [tilespmem:s15+$0x9D80];
	v0 =	vmul.f32 v32, v0;
	v3 =	vmul.f32 v35, v3  }
0x340: {  	v49 =	vld [tilespmem:s15+$0x7590]  }
0x341: {  	v52 =	vld [tilespmem:s15+$0xC590];
	v51 =	vmul.f32 v40, v39;
	v50 =	vmul.f32 v38, v47;
	v0 =	vadd.f32 v3, v0  }
0x342: {  	v53 =	vld [tilespmem:s15+$0x9D90]  }
0x343: {  	v56 =	vld [tilespmem:s15+$0x75A0];
	v55 =	vmul.f32 v43, v42;
	v54 =	vmul.f32 v41, v51;
	v0 =	vadd.f32 v50, v0  }
0x344: {  	v57 =	vld [tilespmem:s15+$0xC5A0]  }
0x345: {  	v2 =	vmul.f32 v46, v45;
	v1 =	vmul.f32 v44, v55;
	v0 =	vadd.f32 v54, v0  }
0x346: {  	v58 =	vld [tilespmem:s15+$0x9DA0]  }
0x347: {  	v60 =	vmul.f32 v52, v49;
	v59 =	vmul.f32 v48, v2;
	v0 =	vadd.f32 v1, v0;
	_ =	sdelay $0x1  }
0x348: {  	v62 =	vmul.f32 v57, v56;
	v61 =	vmul.f32 v53, v60;
	v0 =	vadd.f32 v59, v0  }
0x349: {  	p0 =	sne.s32 s0, $0x9  }
.Ltmp3:
0x34a: {  	v63 =	vmul.f32 v58, v62;
	v0 =	vadd.f32 v61, v0;
	(pc) =	sbr.rel @p0 .LBB2_8-.Ltmp3, $4  }
0x34b: {  	_ = 	snop  }
0x34c: {  	s16 =	sshll.u32 s10, $0x4;
	v0 =	vadd.f32 v63, v0  }
0x34d: {  	s2 =	sand.u32 $0x3FFFFFF0, s16  }
0x34e: {  	s0 =	sadd.s32 $0x1, s0;
	[tilespmem:s2+$0xED30] =	vst v0  }
0x34f: {  	[hbm4b:s12+s4] =	stream.linear.scatter [tilespmem:s21], [sflag:$0x3], $0x500, $0x38;
	[tilespmem:$0x16F30] =	vst v63  }
0x350: {  	s31 =	sadd.s32 $0x1, s31  }
0x351: {  	_ =	swait.ge [sflag:s28], $0x500;
	p0 =	sne.s32 s31, s13  }
.Ltmp4:
0x352: {  	[sflag:s28] =	ssyncset.done $0x0;
	(pc) =	sbr.rel @p0 .LBB2_1-.Ltmp4, $4  }
0x353: {  	[sflag:s28] =	ssyncadd.s32 $0xFFFFFB00  }
0x354: {  	_ =	swait.ge [sflag:s30], $0x500  }
0x355: {  	[sflag:s30] =	ssyncset.done $0x0  }
0x356: {  	[sflag:s30] =	ssyncadd.s32 $0xFFFFFB00  }
0x357: {  	_ =	sfence.sel $0x180000  }
0x358: {  	[bflag:$0x0] =	sbarrier.arrive $0xFFFF  }
0x359: {  	_ =	strace $0x90000047  }
0x35a: {  	s0 =	stileid.u32;
	[bflag:$0x2] =	sbarrier.arrive $0xFFFF  }
0x35b: {  	p0 =	sne.s32 s0, $0x0;
	s0 =	rddreg [dreg:$0x4]  }
0x35c: {  	s0 =	sadd.s32 @!p0 $0x100000, s0  }
0x35d: {  	[sflag:s0] =	ssyncadd.tile.s32 @!p0 $0x1;
	_ =	shalt  }
.Lfunc_end2:
_tile_overlayer_lowered:
.L_overlay_start_2:
0x35e: {  	(tag) =	ssettag $0x2  }
0x35f: {  	s0 =	rddreg [dreg:$0x0];
	s2 =	stileid.u32  }
0x360: {  	s1 =	rddreg [dreg:$0x1];
	p0 =	sne.s32 s2, $0x0  }
0x361: {  	s3 =	rddreg [dreg:$0x2];
	[bflag:$0x3] =	sbarrier.arrive $0xFFFF;
	s2 =	simm.s32 @!p0 $0x1C05  }
0x362: {  	[timem:s3], [sflag:s2] =	dma.local @!p0 [hbm:s0], s1  }
0x363: {  	s0 =	simm.s32 @!p0 $0x5  }
0x364: {  	_ =	swait.ge @!p0 [sflag:s0], s1  }
0x365: {  	s1 =	ssub.s32 @!p0 $0x0, s1;
	[sflag:s0] =	ssyncset.done @!p0 $0x0  }
0x366: {  	[sflag:s0] =	ssyncadd.s32 @!p0 s1  }
0x367: {  	[bflag:$0x3] =	sbarrier.arrive $0xFFFF  }
0x368: {  	_ =	shalt  }

</sc_bundles>
